<compile_context>
chip_gen: v7x
topology: tpu7x:2x2x1
jax: 0.10.2.dev20260603
libtpu: 0.0.44.dev20260713+nightly
codegen_flags: <defaults>
</compile_context>

<pallas_src>
import functools

import jax
import jax.numpy as jnp
from jax import lax
from jax.experimental import pallas as pl
from jax.experimental.pallas import tpu as pltpu
from jax.experimental.pallas import tpu_sc as plsc

IN_DIM = 128
HID = 128
HEADS = 8
DH = HID // HEADS
LAYERS = 3
G = 64

NCORE = 2
NSUB = 16
NW = NCORE * NSUB
CHUNK = 128


def _layer_norm(x, g, b, eps=1e-5):
    m = jnp.mean(x, axis=-1, keepdims=True)
    v = jnp.mean((x - m) ** 2, axis=-1, keepdims=True)
    return (x - m) * lax.rsqrt(v + eps) * g + b



def _sc_deg_body(n_pad, rpt, e_chunks, b_chunks,
                 dst_hbm, batch_hbm, ones_hbm, zrow_hbm, zcnt_hbm,
                 deg_out, cnt_out,
                 idx_v, idxb_v, ones_v, shared_deg, shared_cnt):
    c = lax.axis_index("c")
    s = lax.axis_index("s")
    pltpu.sync_copy(zrow_hbm.at[pl.ds(s * rpt, rpt)],
                    shared_deg.at[pl.ds(s * rpt, rpt)])

    @pl.when(s == 0)
    def _():
        pltpu.sync_copy(zcnt_hbm, shared_cnt)

    pltpu.sync_copy(ones_hbm, ones_v)
    plsc.subcore_barrier()

    ebase = (c * NSUB + s) * e_chunks * CHUNK

    def echunk(j, carry):
        pltpu.sync_copy(dst_hbm.at[pl.ds(ebase + j * CHUNK, CHUNK)], idx_v)
        pltpu.sync_copy(ones_v, shared_deg.at[idx_v], add=True)
        return carry

    lax.fori_loop(0, e_chunks, echunk, 0)

    nbase = (c * NSUB + s) * b_chunks * 64

    def bchunk(j, carry):
        pltpu.sync_copy(batch_hbm.at[pl.ds(nbase + j * 64, 64)], idxb_v)
        pltpu.sync_copy(ones_v.at[pl.ds(0, 64)], shared_cnt.at[idxb_v],
                        add=True)
        return carry

    lax.fori_loop(0, b_chunks, bchunk, 0)
    plsc.subcore_barrier()

    pltpu.sync_copy(shared_deg.at[pl.ds(s * rpt, rpt)],
                    deg_out.at[c, pl.ds(s * rpt, rpt)])

    @pl.when(s == 0)
    def _():
        pltpu.sync_copy(shared_cnt, cnt_out.at[c])


def _sc_degrees(dst_pad, batch_pad, n_pad, rpt, e_chunks, b_chunks):
    mesh = plsc.VectorSubcoreMesh(core_axis_name="c", subcore_axis_name="s")
    ones = jnp.ones((CHUNK, 16), jnp.float32)
    zrow = jnp.zeros((n_pad, 16), jnp.float32)
    zcnt = jnp.zeros((G + 16, 16), jnp.float32)
    body = functools.partial(_sc_deg_body, n_pad, rpt, e_chunks, b_chunks)
    return pl.kernel(
        body,
        out_type=[
            jax.ShapeDtypeStruct((NCORE, n_pad, 16), jnp.float32),
            jax.ShapeDtypeStruct((NCORE, G + 16, 16), jnp.float32),
        ],
        mesh=mesh,
        scratch_types=[
            pltpu.VMEM((CHUNK,), jnp.int32),
            pltpu.VMEM((64,), jnp.int32),
            pltpu.VMEM((CHUNK, 16), jnp.float32),
            pltpu.VMEM_SHARED((n_pad, 16), jnp.float32),
            pltpu.VMEM_SHARED((G + 16, 16), jnp.float32),
        ],
    )(dst_pad, batch_pad, ones, zrow, zcnt)



GRP = 8


def _sc_agg_body(n_pad, rpt, e_chunks,
                 mp_hbm, src_hbm, dst_hbm, zeros_hbm, agg_out,
                 idx_s, idx_d, rows_v, semg, shared_acc):
    c = lax.axis_index("c")
    s = lax.axis_index("s")
    wid = c * NSUB + s
    pltpu.sync_copy(zeros_hbm.at[pl.ds(s * rpt, rpt)],
                    shared_acc.at[pl.ds(s * rpt, rpt)])
    plsc.subcore_barrier()
    ebase = wid * e_chunks * CHUNK

    def chunk(j, carry):
        b = ebase + j * CHUNK
        pltpu.sync_copy(src_hbm.at[pl.ds(b, CHUNK)], idx_s)
        pltpu.sync_copy(dst_hbm.at[pl.ds(b, CHUNK)], idx_d)
        pltpu.async_copy(mp_hbm.at[c].at[idx_s], rows_v, semg).wait()
        pltpu.sync_copy(rows_v, shared_acc.at[idx_d], add=True)
        return carry

    lax.fori_loop(0, e_chunks, chunk, 0)
    plsc.subcore_barrier()
    pltpu.sync_copy(shared_acc.at[pl.ds(s * rpt, rpt)],
                    agg_out.at[c, pl.ds(s * rpt, rpt)])


def _sc_aggregate(mp2, src_pad, dst_pad, zeros_hbm, n_pad, rpt, e_chunks):
    mesh = plsc.VectorSubcoreMesh(core_axis_name="c", subcore_axis_name="s")
    body = functools.partial(_sc_agg_body, n_pad, rpt, e_chunks)
    return pl.kernel(
        body,
        out_type=jax.ShapeDtypeStruct((NCORE, n_pad, HID), jnp.float32),
        mesh=mesh,
        scratch_types=[
            pltpu.VMEM((CHUNK,), jnp.int32),
            pltpu.VMEM((CHUNK,), jnp.int32),
            pltpu.VMEM((CHUNK, HID), jnp.float32),
            pltpu.SemaphoreType.DMA,
            pltpu.VMEM_SHARED((n_pad, HID), jnp.float32),
        ],
    )(mp2, src_pad, dst_pad, zeros_hbm)



ROWS = 1000


def _tc_input_body(x_r, w_r, b_r, g_r, be_r, deg_r, w0_r, h0_r, mp_r):
    h = jnp.dot(x_r[...], w_r[...].T, preferred_element_type=jnp.float32)
    h = _layer_norm(h + b_r[...], g_r[...], be_r[...])
    h = jnp.maximum(h, 0.0)
    h0_r[...] = h
    deg = deg_r[0, :, 0:1] + deg_r[1, :, 0:1] + 1.0
    dinv = lax.rsqrt(deg)
    mp = jnp.dot(h, w0_r[...].T,
                 preferred_element_type=jnp.float32) * dinv
    mp_r[0] = mp
    mp_r[1] = mp


def _tc_input(x, p, deg, n):
    grid = (n // ROWS,)
    return pl.pallas_call(
        _tc_input_body,
        grid=grid,
        in_specs=[
            pl.BlockSpec((ROWS, IN_DIM), lambda i: (i, 0)),
            pl.BlockSpec((HID, IN_DIM), lambda i: (0, 0)),
            pl.BlockSpec((1, HID), lambda i: (0, 0)),
            pl.BlockSpec((1, HID), lambda i: (0, 0)),
            pl.BlockSpec((1, HID), lambda i: (0, 0)),
            pl.BlockSpec((NCORE, ROWS, 16), lambda i: (0, i, 0)),
            pl.BlockSpec((HID, HID), lambda i: (0, 0)),
        ],
        out_specs=[
            pl.BlockSpec((ROWS, HID), lambda i: (i, 0)),
            pl.BlockSpec((NCORE, ROWS, HID), lambda i: (0, i, 0)),
        ],
        out_shape=[
            jax.ShapeDtypeStruct((n, HID), jnp.float32),
            jax.ShapeDtypeStruct((NCORE, n, HID), jnp.float32),
        ],
    )(x, p['in_w'], p['in_b'].reshape(1, -1), p['in_ln_g'].reshape(1, -1),
      p['in_ln_b'].reshape(1, -1), deg, p['conv_w'][0])


def _tc_layer_body(residual, qkv_mode,
                   agg_r, mp_r, deg_r, hres_r, b_r, g_r, be_r, wn_r, bn_r,
                   hout_r, mout_r):
    deg = deg_r[0, :, 0:1] + deg_r[1, :, 0:1] + 1.0
    dinv = lax.rsqrt(deg)
    pre = (agg_r[0] + agg_r[1] + mp_r[0]) * dinv + b_r[...]
    hh = jnp.maximum(_layer_norm(pre, g_r[...], be_r[...]), 0.0)
    if residual:
        hh = hh + hres_r[...]
    hout_r[...] = hh
    z = jnp.dot(hh, wn_r[...].T, preferred_element_type=jnp.float32)
    if qkv_mode:
        mout_r[...] = z + bn_r[...]
    else:
        mout_r[0] = z * dinv
        mout_r[1] = z * dinv


def _tc_layer(agg, mp, deg, hres, b, g, be, wn, bn, n, residual, qkv_mode):
    grid = (n // ROWS,)
    wdim = wn.shape[0]
    body = functools.partial(_tc_layer_body, residual, qkv_mode)
    return pl.pallas_call(
        body,
        grid=grid,
        in_specs=[
            pl.BlockSpec((NCORE, ROWS, HID), lambda i: (0, i, 0)),
            pl.BlockSpec((NCORE, ROWS, HID), lambda i: (0, i, 0)),
            pl.BlockSpec((NCORE, ROWS, 16), lambda i: (0, i, 0)),
            pl.BlockSpec((ROWS, HID), lambda i: (i, 0)),
            pl.BlockSpec((1, HID), lambda i: (0, 0)),
            pl.BlockSpec((1, HID), lambda i: (0, 0)),
            pl.BlockSpec((1, HID), lambda i: (0, 0)),
            pl.BlockSpec((wdim, HID), lambda i: (0, 0)),
            pl.BlockSpec((1, wdim), lambda i: (0, 0)),
        ],
        out_specs=[
            pl.BlockSpec((ROWS, HID), lambda i: (i, 0)),
            (pl.BlockSpec((ROWS, wdim), lambda i: (i, 0)) if qkv_mode else
             pl.BlockSpec((NCORE, ROWS, wdim), lambda i: (0, i, 0))),
        ],
        out_shape=[
            jax.ShapeDtypeStruct((n, HID), jnp.float32),
            (jax.ShapeDtypeStruct((n, wdim), jnp.float32) if qkv_mode else
             jax.ShapeDtypeStruct((NCORE, n, wdim), jnp.float32)),
        ],
    )(agg, mp, deg, hres, b.reshape(1, -1), g.reshape(1, -1),
      be.reshape(1, -1), wn, bn.reshape(1, -1))


def _tc_attn_body(offs_r, cnt_r, qkv_r, h_r, wo_r, bo_r, g_r, be_r, out_r):
    gi = pl.program_id(0)
    off = offs_r[gi]
    n = cnt_r[gi]
    off_al = (off // 8) * 8
    d = off - off_al
    nt = (n + d + 127) // 128
    NEG = jnp.float32(-1e30)
    scale = jnp.float32(1.0 / (DH ** 0.5))

    def row_step(rt, row_carry):
        sum_acc, max_acc = row_carry
        r0 = off_al + rt * 128
        q = qkv_r[pl.ds(r0, 128), 0:HID] * scale

        def col_step(ct, cc):
            m_c, l_c, o_c = cc
            c0 = off_al + ct * 128
            k = qkv_r[pl.ds(c0, 128), HID:2 * HID]
            v = qkv_r[pl.ds(c0, 128), 2 * HID:3 * HID]
            colid = ct * 128 + lax.broadcasted_iota(jnp.int32, (1, 128), 1)
            cmask = (colid >= d) & (colid < n + d)
            m_cols, l_cols, o_cols = [], [], []
            for h in range(HEADS):
                sl = slice(h * DH, (h + 1) * DH)
                sc = lax.dot_general(q[:, sl], k[:, sl],
                                     (((1,), (1,)), ((), ())),
                                     preferred_element_type=jnp.float32)
                sc = jnp.where(cmask, sc, NEG)
                m_old = m_c[:, h:h + 1]
                m_new = jnp.maximum(m_old, jnp.max(sc, axis=1, keepdims=True))
                pexp = jnp.exp(sc - m_new)
                alpha = jnp.exp(m_old - m_new)
                l_cols.append(l_c[:, h:h + 1] * alpha
                              + jnp.sum(pexp, axis=1, keepdims=True))
                o_cols.append(o_c[:, sl] * alpha
                              + jnp.dot(pexp, v[:, sl],
                                        preferred_element_type=jnp.float32))
                m_cols.append(m_new)
            return (jnp.concatenate(m_cols, axis=1),
                    jnp.concatenate(l_cols, axis=1),
                    jnp.concatenate(o_cols, axis=1))

        m0 = jnp.full((128, HEADS), NEG, jnp.float32)
        l0 = jnp.zeros((128, HEADS), jnp.float32)
        o0 = jnp.zeros((128, HID), jnp.float32)
        m_c, l_c, o_c = lax.fori_loop(0, nt, col_step, (m0, l0, o0))
        o = jnp.concatenate(
            [o_c[:, h * DH:(h + 1) * DH]
             / jnp.maximum(l_c[:, h:h + 1], jnp.float32(1e-30))
             for h in range(HEADS)], axis=1)
        a = jnp.dot(o, wo_r[...].T,
                    preferred_element_type=jnp.float32) + bo_r[...]
        y = _layer_norm(a + h_r[pl.ds(r0, 128), :], g_r[...], be_r[...])
        rowid = rt * 128 + lax.broadcasted_iota(jnp.int32, (128, 1), 0)
        rmask = (rowid >= d) & (rowid < n + d)
        sum_acc = sum_acc + jnp.sum(jnp.where(rmask, y, 0.0), axis=0,
                                    keepdims=True)
        max_acc = jnp.maximum(
            max_acc,
            jnp.max(jnp.where(rmask, y, -jnp.inf), axis=0, keepdims=True))
        return (sum_acc, max_acc)

    s0 = jnp.zeros((1, HID), jnp.float32)
    mx0 = jnp.full((1, HID), -jnp.inf, jnp.float32)
    sum_acc, max_acc = lax.fori_loop(0, nt, row_step, (s0, mx0))
    mean = sum_acc / jnp.maximum(n.astype(jnp.float32), 1.0)
    out_r[...] = jnp.concatenate([mean, max_acc, sum_acc],
                                 axis=1).reshape(1, 1, 3 * HID)


def _tc_attn(offs, cnt, qkv_pad, h_pad, p):
    npad = qkv_pad.shape[0]
    return pl.pallas_call(
        _tc_attn_body,
        grid=(G,),
        in_specs=[
            pl.BlockSpec(memory_space=pltpu.SMEM),
            pl.BlockSpec(memory_space=pltpu.SMEM),
            pl.BlockSpec((npad, 3 * HID), lambda i: (0, 0)),
            pl.BlockSpec((npad, HID), lambda i: (0, 0)),
            pl.BlockSpec((HID, HID), lambda i: (0, 0)),
            pl.BlockSpec((1, HID), lambda i: (0, 0)),
            pl.BlockSpec((1, HID), lambda i: (0, 0)),
            pl.BlockSpec((1, HID), lambda i: (0, 0)),
        ],
        out_specs=pl.BlockSpec((1, 1, 3 * HID), lambda i: (i, 0, 0)),
        out_shape=jax.ShapeDtypeStruct((G, 1, 3 * HID), jnp.float32),
    )(offs, cnt, qkv_pad, h_pad, p['attn_out_w'],
      p['attn_out_b'].reshape(1, -1), p['attn_ln_g'].reshape(1, -1),
      p['attn_ln_b'].reshape(1, -1))


def _tc_cls_body(x_r, w1_r, b1_r, g_r, be_r, w2_r, b2_r, w3_r, b3_r, out_r):
    z = jnp.dot(x_r[...], w1_r[...].T,
                preferred_element_type=jnp.float32) + b1_r[...]
    z = jnp.maximum(_layer_norm(z, g_r[...], be_r[...]), 0.0)
    z = jnp.maximum(jnp.dot(z, w2_r[...].T,
                            preferred_element_type=jnp.float32) + b2_r[...],
                    0.0)
    out_r[...] = jnp.dot(z, w3_r[...].T,
                         preferred_element_type=jnp.float32) + b3_r[...]


def _tc_cls(pooled, p):
    w2 = jnp.zeros((HID, HID), jnp.float32).at[:HID // 2, :].set(p['cls_w2'])
    b2 = jnp.zeros((HID,), jnp.float32).at[:HID // 2].set(p['cls_b2'])
    w3 = jnp.zeros((HID, HID), jnp.float32).at[:2, :HID // 2].set(p['cls_w3'])
    b3 = jnp.zeros((HID,), jnp.float32).at[:2].set(p['cls_b3'])
    full = lambda i: (0, 0)
    out = pl.pallas_call(
        _tc_cls_body,
        grid=(1,),
        in_specs=[
            pl.BlockSpec((G, 3 * HID), full),
            pl.BlockSpec((HID, 3 * HID), full),
            pl.BlockSpec((1, HID), full),
            pl.BlockSpec((1, HID), full),
            pl.BlockSpec((1, HID), full),
            pl.BlockSpec((HID, HID), full),
            pl.BlockSpec((1, HID), full),
            pl.BlockSpec((HID, HID), full),
            pl.BlockSpec((1, HID), full),
        ],
        out_specs=pl.BlockSpec((G, HID), full),
        out_shape=jax.ShapeDtypeStruct((G, HID), jnp.float32),
    )(pooled, p['cls_w1'], p['cls_b1'].reshape(1, -1),
      p['cls_ln_g'].reshape(1, -1), p['cls_ln_b'].reshape(1, -1),
      w2, b2.reshape(1, -1), w3, b3.reshape(1, -1))
    return out[:, :2]



def kernel(x, params, edge_index, batch):
    p = params
    n = x.shape[0]
    e = edge_index.shape[1]

    e_chunks = 2 * GRP * -(-e // (NW * CHUNK * 2 * GRP))
    n_groups = e_chunks // GRP
    e_pad = e_chunks * NW * CHUNK
    rpt = (-(-(n + 1) // NSUB) + 7) // 8 * 8
    n_pad = rpt * NSUB
    b_chunks = -(-n // (NW * 64))
    nb_pad = b_chunks * NW * 64

    src = jnp.concatenate(
        [edge_index[0], jnp.zeros((e_pad - e,), jnp.int32)])
    dst = jnp.concatenate(
        [edge_index[1], jnp.full((e_pad - e,), n, jnp.int32)])
    batch_pad = jnp.concatenate(
        [batch, jnp.full((nb_pad - n,), G, jnp.int32)])
    zeros_acc = jnp.zeros((n_pad, HID), jnp.float32)

    deg, cnt = _sc_degrees(dst, batch_pad, n_pad, rpt, e_chunks, b_chunks)
    counts = (cnt[0, :G, 0] + cnt[1, :G, 0]).astype(jnp.int32)
    offs = jnp.concatenate(
        [jnp.zeros((1,), jnp.int32), jnp.cumsum(counts)[:-1]])

    h, mp = _tc_input(x, p, deg, n)
    for i in range(LAYERS):
        agg = _sc_aggregate(mp, src, dst, zeros_acc, n_pad, rpt, e_chunks)
        last = i == LAYERS - 1
        wn = p['attn_in_w'] if last else p['conv_w'][i + 1]
        bn = p['attn_in_b'] if last else jnp.zeros((HID,), jnp.float32)
        h, mp = _tc_layer(agg, mp, deg, h, p['conv_b'][i],
                          p['conv_ln_g'][i], p['conv_ln_b'][i], wn, bn, n,
                          residual=(i > 0), qkv_mode=last)

    qkv_pad = jnp.concatenate([mp, jnp.zeros((128, 3 * HID), jnp.float32)])
    h_pad = jnp.concatenate([h, jnp.zeros((128, HID), jnp.float32)])
    pooled = _tc_attn(offs, counts, qkv_pad, h_pad, p).reshape(G, 3 * HID)
    return _tc_cls(pooled, p)

# --- scband reference (transcript-rebuilt; emitter-appended) ---
"""Pipeline reference for scband-graph-causal-model-42769284334003 (READ-ONLY COPY).

The authoritative reference and input builder live on the scoring server;
editing this copy changes nothing except your own understanding.
"""

import jax, jax.numpy as jnp
import numpy as np

IN_DIM = 128
HID = 128
OUT_DIM = 2
LAYERS = 3
HEADS = 8
DH = HID // HEADS

def layer_norm(x, g, b, eps=1e-5):
    m = jnp.mean(x, axis=-1, keepdims=True)
    v = jnp.var(x, axis=-1, keepdims=True)
    return (x - m) / jnp.sqrt(v + eps) * g + b

def mha(xg, p, mask):
    n = xg.shape[0]
    qkv = xg @ p['attn_in_w'].T + p['attn_in_b']
    q, k, v = jnp.split(qkv, 3, axis=-1)
    q = q.reshape(n, HEADS, DH).transpose(1, 0, 2)
    k = k.reshape(n, HEADS, DH).transpose(1, 0, 2)
    v = v.reshape(n, HEADS, DH).transpose(1, 0, 2)
    scores = (q @ k.transpose(0, 2, 1)) * (1.0 / np.sqrt(DH))
    scores = jnp.where(mask[None, :, :], scores, -jnp.inf)
    att = jax.nn.softmax(scores, axis=-1)
    o = (att @ v).transpose(1, 0, 2).reshape(n, HID)
    return o @ p['attn_out_w'].T + p['attn_out_b']

def forward(x, params, edge_index, batch):
    p = params
    N = x.shape[0]
    # input_proj (dropout = identity in eval mode)
    h = x @ p['in_w'].T + p['in_b']
    h = layer_norm(h, p['in_ln_g'], p['in_ln_b'])
    h = jax.nn.relu(h)
    # GCN normalization with self-loops (PyG GCNConv, symmetric norm)
    src = jnp.concatenate([edge_index[0], jnp.arange(N, dtype=edge_index.dtype)])
    dst = jnp.concatenate([edge_index[1], jnp.arange(N, dtype=edge_index.dtype)])
    deg = jnp.zeros((N,), h.dtype).at[dst].add(1.0)
    dinv = jnp.where(deg > 0, jax.lax.rsqrt(jnp.maximum(deg, 1e-12)), 0.0)
    norm = dinv[src] * dinv[dst]
    for i in range(LAYERS):
        h_res = h
        m = h @ p['conv_w'][i].T
        agg = jnp.zeros_like(m).at[dst].add(m[src] * norm[:, None])
        hh = agg + p['conv_b'][i]
        hh = layer_norm(hh, p['conv_ln_g'][i], p['conv_ln_b'][i])
        hh = jax.nn.relu(hh)
        h = hh + h_res if i > 0 else hh
    # per-graph causal self-attention (batch ids are sorted so concat preserves node order)
    G = 64
    same_graph = batch[:, None] == batch[None, :]
    a = mha(h, p, same_graph)
    h = layer_norm(a + h, p['attn_ln_g'], p['attn_ln_b'])
    # global mean/max/sum pooling
    s = jax.ops.segment_sum(h, batch, num_segments=G)
    cnt = jax.ops.segment_sum(jnp.ones((N, 1), h.dtype), batch, num_segments=G)
    mean = s / jnp.maximum(cnt, 1.0)
    mx = jax.ops.segment_max(h, batch, num_segments=G)
    pooled = jnp.concatenate([mean, mx, s], axis=1)
    # classifier
    z = pooled @ p['cls_w1'].T + p['cls_b1']
    z = layer_norm(z, p['cls_ln_g'], p['cls_ln_b'])
    z = jax.nn.relu(z)
    z = z @ p['cls_w2'].T + p['cls_b2']
    z = jax.nn.relu(z)
    z = z @ p['cls_w3'].T + p['cls_b3']
    return z

def setup_inputs(seed: int = 0):
    key = jax.random.key(seed)
    ks = jax.random.split(key, 24)
    N, E, G = 10000, 320000, 64
    x = jax.random.normal(ks[0], (N, IN_DIM), jnp.float32)
    edge_index = jax.random.randint(ks[1], (2, E), 0, N, dtype=jnp.int32)
    batch = jnp.sort(jax.random.randint(ks[2], (N,), 0, G, dtype=jnp.int32))
    def w(k, shape):
        return jax.random.normal(k, shape, jnp.float32) * 0.02
    params = {
        'in_w': w(ks[3], (HID, IN_DIM)), 'in_b': jnp.zeros((HID,), jnp.float32),
        'in_ln_g': jnp.ones((HID,), jnp.float32), 'in_ln_b': jnp.zeros((HID,), jnp.float32),
        'conv_w': w(ks[4], (LAYERS, HID, HID)), 'conv_b': jnp.zeros((LAYERS, HID), jnp.float32),
        'conv_ln_g': jnp.ones((LAYERS, HID), jnp.float32), 'conv_ln_b': jnp.zeros((LAYERS, HID), jnp.float32),
        'attn_in_w': w(ks[5], (3 * HID, HID)), 'attn_in_b': jnp.zeros((3 * HID,), jnp.float32),
        'attn_out_w': w(ks[6], (HID, HID)), 'attn_out_b': jnp.zeros((HID,), jnp.float32),
        'attn_ln_g': jnp.ones((HID,), jnp.float32), 'attn_ln_b': jnp.zeros((HID,), jnp.float32),
        'cls_w1': w(ks[7], (HID, 3 * HID)), 'cls_b1': jnp.zeros((HID,), jnp.float32),
        'cls_ln_g': jnp.ones((HID,), jnp.float32), 'cls_ln_b': jnp.zeros((HID,), jnp.float32),
        'cls_w2': w(ks[8], (HID // 2, HID)), 'cls_b2': jnp.zeros((HID // 2,), jnp.float32),
        'cls_w3': w(ks[9], (OUT_DIM, HID // 2)), 'cls_b3': jnp.zeros((OUT_DIM,), jnp.float32),
    }
    return {'x': x, 'params': params, 'edge_index': edge_index, 'batch': batch}

def reference(x, params, edge_index, batch):
    return forward(x, params, edge_index, batch)

if __name__ == "__main__":
    import jax
    _d = setup_inputs()
    print(jax.jit(kernel)(*tuple(_d.values())))

</pallas_src>

<mosaic_0001>
#map = affine_map<(d0, d1) -> (0, 0, 0)>
#map1 = affine_map<(d0, d1) -> (0)>
#map2 = affine_map<(d0, d1) -> (0, 0)>
module attributes {stable_mosaic.version = 14 : i64} {
  func.func @_sc_agg_body(%arg0: i32, %arg1: i32, %arg2: memref<2x10000x128xf32, #tpu.memory_space<hbm>>, %arg3: memref<327680xi32, #tpu.memory_space<hbm>>, %arg4: memref<327680xi32, #tpu.memory_space<hbm>>, %arg5: memref<10112x128xf32, #tpu.memory_space<hbm>>, %arg6: memref<2x10112x128xf32, #tpu.memory_space<hbm>>, %arg7: memref<128xi32, #tpu.memory_space<vmem>>, %arg8: memref<128xi32, #tpu.memory_space<vmem>>, %arg9: memref<128x128xf32, #tpu.memory_space<vmem>>, %arg10: memref<!tpu.dma_semaphore, #tpu.memory_space<semaphore_mem>>, %arg11: memref<10112x128xf32, #tpu.memory_space<vmem_shared>>) attributes {dimension_semantics = [#tpu.dimension_semantics<core_parallel>, #tpu.dimension_semantics<subcore_parallel>], iteration_bounds = array<i64: 2, 16>, scalar_prefetch = 0 : i64, scratch_operands = 5 : i64, tpu.core_type = #tpu.core_type<sc_vector_subcore>, window_params = [{transform_indices = #map}, {transform_indices = #map1}, {transform_indices = #map1}, {transform_indices = #map2}, {transform_indices = #map}]} {
    %mul3A = arith.constant 16 : i32
    %mul3A_0 = arith.muli %arg0, %mul3A : i32
    %add3A = arith.addi %mul3A_0, %arg1 : i32
    %mul3A_1 = arith.constant 632 : i32
    %mul3A_2 = arith.muli %arg1, %mul3A_1 : i32
    %mul3A_3 = arith.constant 632 : i32
    %mul3A_4 = arith.muli %arg1, %mul3A_3 : i32
    "tpu.region"() ({
      %run_scoped3A = tpu.sem_alloc : memref<!tpu.dma_semaphore, #tpu.memory_space<semaphore_mem>>
      %dma_start3A = arith.constant 0 : i32
      %dma_start3A_19 = tpu.memref_slice %arg11[%mul3A_4, %dma_start3A] : memref<10112x128xf32, #tpu.memory_space<vmem_shared>> -> memref<632x128xf32, #tpu.memory_space<vmem_shared>>
      %dma_start3A_20 = arith.constant 0 : i32
      %dma_start3A_21 = tpu.memref_slice %arg5[%mul3A_2, %dma_start3A_20] : memref<10112x128xf32, #tpu.memory_space<hbm>> -> memref<632x128xf32, #tpu.memory_space<hbm>>
      tpu.enqueue_dma source(%dma_start3A_21 : memref<632x128xf32, #tpu.memory_space<hbm>>) target(%dma_start3A_19 : memref<632x128xf32, #tpu.memory_space<vmem_shared>>) target_semaphore(%run_scoped3A : memref<!tpu.dma_semaphore, #tpu.memory_space<semaphore_mem>>)
      %dma_wait3A = arith.constant 0 : i32
      %dma_wait3A_22 = tpu.memref_slice %arg11[%mul3A_4, %dma_wait3A] : memref<10112x128xf32, #tpu.memory_space<vmem_shared>> -> memref<632x128xf32, #tpu.memory_space<vmem_shared>>
      %dma_wait3A_23 = arith.constant 0 : i32
      %dma_wait3A_24 = tpu.memref_slice %arg5[%mul3A_2, %dma_wait3A_23] : memref<10112x128xf32, #tpu.memory_space<hbm>> -> memref<632x128xf32, #tpu.memory_space<hbm>>
      tpu.wait_dma2 semaphore(%run_scoped3A : memref<!tpu.dma_semaphore, #tpu.memory_space<semaphore_mem>>) src(%dma_wait3A_24 : memref<632x128xf32, #tpu.memory_space<hbm>>) dst(%dma_wait3A_22 : memref<632x128xf32, #tpu.memory_space<vmem_shared>>)
      tpu.yield
    }) : () -> ()
    %barrier3A = arith.constant 0 : index
    tpu.barrier barrier_id(%barrier3A)
    %mul3A_5 = arith.constant 80 : i32
    %mul3A_6 = arith.muli %add3A, %mul3A_5 : i32
    %mul3A_7 = arith.constant 128 : i32
    %mul3A_8 = arith.muli %mul3A_6, %mul3A_7 : i32
    %scan3A = arith.constant 0 : i32
    %scan3A_9 = arith.constant 0 : i32
    %scan3A_10 = arith.constant 80 : i32
    %scan3A_11 = arith.addi %scan3A_9, %scan3A_10 : i32
    %scan3A_12 = arith.constant 1 : i32
    scf.for %scan3A_19 = %scan3A_9 to %scan3A_11 step %scan3A_12  : i32 {
      %mul3A_20 = arith.constant 128 : i32
      %mul3A_21 = arith.muli %scan3A_19, %mul3A_20 : i32
      %add3A_22 = arith.addi %mul3A_8, %mul3A_21 : i32
      "tpu.region"() ({
        %run_scoped3A = tpu.sem_alloc : memref<!tpu.dma_semaphore, #tpu.memory_space<semaphore_mem>>
        %dma_start3A_35 = tpu.memref_slice %arg3[%add3A_22] : memref<327680xi32, #tpu.memory_space<hbm>> -> memref<128xi32, #tpu.memory_space<hbm>>
        %dma_start3A_36 = tpu.memref_slice %arg3[%add3A_22] : memref<327680xi32, #tpu.memory_space<hbm>> -> memref<128xi32, #tpu.memory_space<hbm>>
        tpu.enqueue_dma source(%dma_start3A_36 : memref<128xi32, #tpu.memory_space<hbm>>) target(%arg7 : memref<128xi32, #tpu.memory_space<vmem>>) target_semaphore(%run_scoped3A : memref<!tpu.dma_semaphore, #tpu.memory_space<semaphore_mem>>)
        %dma_wait3A_37 = tpu.memref_slice %arg3[%add3A_22] : memref<327680xi32, #tpu.memory_space<hbm>> -> memref<128xi32, #tpu.memory_space<hbm>>
        %dma_wait3A_38 = tpu.memref_slice %arg3[%add3A_22] : memref<327680xi32, #tpu.memory_space<hbm>> -> memref<128xi32, #tpu.memory_space<hbm>>
        tpu.wait_dma2 semaphore(%run_scoped3A : memref<!tpu.dma_semaphore, #tpu.memory_space<semaphore_mem>>) src(%dma_wait3A_38 : memref<128xi32, #tpu.memory_space<hbm>>) dst(%arg7 : memref<128xi32, #tpu.memory_space<vmem>>)
        tpu.yield
      }) : () -> ()
      "tpu.region"() ({
        %run_scoped3A = tpu.sem_alloc : memref<!tpu.dma_semaphore, #tpu.memory_space<semaphore_mem>>
        %dma_start3A_35 = tpu.memref_slice %arg4[%add3A_22] : memref<327680xi32, #tpu.memory_space<hbm>> -> memref<128xi32, #tpu.memory_space<hbm>>
        %dma_start3A_36 = tpu.memref_slice %arg4[%add3A_22] : memref<327680xi32, #tpu.memory_space<hbm>> -> memref<128xi32, #tpu.memory_space<hbm>>
        tpu.enqueue_dma source(%dma_start3A_36 : memref<128xi32, #tpu.memory_space<hbm>>) target(%arg8 : memref<128xi32, #tpu.memory_space<vmem>>) target_semaphore(%run_scoped3A : memref<!tpu.dma_semaphore, #tpu.memory_space<semaphore_mem>>)
        %dma_wait3A_37 = tpu.memref_slice %arg4[%add3A_22] : memref<327680xi32, #tpu.memory_space<hbm>> -> memref<128xi32, #tpu.memory_space<hbm>>
        %dma_wait3A_38 = tpu.memref_slice %arg4[%add3A_22] : memref<327680xi32, #tpu.memory_space<hbm>> -> memref<128xi32, #tpu.memory_space<hbm>>
        tpu.wait_dma2 semaphore(%run_scoped3A : memref<!tpu.dma_semaphore, #tpu.memory_space<semaphore_mem>>) src(%dma_wait3A_38 : memref<128xi32, #tpu.memory_space<hbm>>) dst(%arg8 : memref<128xi32, #tpu.memory_space<vmem>>)
        tpu.yield
      }) : () -> ()
      %dma_start3A = arith.constant 0 : i32
      %dma_start3A_23 = arith.constant 0 : i32
      %dma_start3A_24 = tpu.memref_slice %arg2[%arg0, %dma_start3A, %dma_start3A_23] : memref<2x10000x128xf32, #tpu.memory_space<hbm>> -> memref<1x10000x128xf32, #tpu.memory_space<hbm>>
      %dma_start3A_25 = tpu.memref_squeeze %dma_start3A_24 : memref<1x10000x128xf32, #tpu.memory_space<hbm>> -> memref<10000x128xf32, #tpu.memory_space<hbm>>
      %dma_start3A_26 = arith.constant 0 : i32
      %dma_start3A_27 = arith.constant 0 : i32
      %dma_start3A_28 = tpu.memref_slice %dma_start3A_25[%dma_start3A_26, %dma_start3A_27] : memref<10000x128xf32, #tpu.memory_space<hbm>> -> memref<10000x128xf32, #tpu.memory_space<hbm>>
      tpu.enqueue_indirect_dma source(%dma_start3A_28 : memref<10000x128xf32, #tpu.memory_space<hbm>>) target(%arg9 : memref<128x128xf32, #tpu.memory_space<vmem>>) offsets(%arg7 : memref<128xi32, #tpu.memory_space<vmem>>) semaphore(%arg10 : memref<!tpu.dma_semaphore, #tpu.memory_space<semaphore_mem>>)
      %dma_wait3A = arith.constant 0 : i32
      %dma_wait3A_29 = arith.constant 0 : i32
      %dma_wait3A_30 = tpu.memref_slice %arg2[%arg0, %dma_wait3A, %dma_wait3A_29] : memref<2x10000x128xf32, #tpu.memory_space<hbm>> -> memref<1x10000x128xf32, #tpu.memory_space<hbm>>
      %dma_wait3A_31 = tpu.memref_squeeze %dma_wait3A_30 : memref<1x10000x128xf32, #tpu.memory_space<hbm>> -> memref<10000x128xf32, #tpu.memory_space<hbm>>
      %dma_wait3A_32 = arith.constant 0 : i32
      %dma_wait3A_33 = arith.constant 0 : i32
      %dma_wait3A_34 = tpu.memref_slice %dma_wait3A_31[%dma_wait3A_32, %dma_wait3A_33] : memref<10000x128xf32, #tpu.memory_space<hbm>> -> memref<10000x128xf32, #tpu.memory_space<hbm>>
      tpu.wait_indirect_dma semaphore(%arg10 : memref<!tpu.dma_semaphore, #tpu.memory_space<semaphore_mem>>) src(%dma_wait3A_34 : memref<10000x128xf32, #tpu.memory_space<hbm>>) dst(%arg9 : memref<128x128xf32, #tpu.memory_space<vmem>>)
      "tpu.region"() ({
        %run_scoped3A = tpu.sem_alloc : memref<!tpu.dma_semaphore, #tpu.memory_space<semaphore_mem>>
        %dma_start3A_35 = arith.constant 0 : i32
        %dma_start3A_36 = arith.constant 0 : i32
        %dma_start3A_37 = tpu.memref_slice %arg11[%dma_start3A_35, %dma_start3A_36] : memref<10112x128xf32, #tpu.memory_space<vmem_shared>> -> memref<10112x128xf32, #tpu.memory_space<vmem_shared>>
        tpu.enqueue_indirect_dma source(%arg9 : memref<128x128xf32, #tpu.memory_space<vmem>>) target(%dma_start3A_37 : memref<10112x128xf32, #tpu.memory_space<vmem_shared>>) offsets(%arg8 : memref<128xi32, #tpu.memory_space<vmem>>) semaphore(%run_scoped3A : memref<!tpu.dma_semaphore, #tpu.memory_space<semaphore_mem>>) {add = true}
        %dma_wait3A_38 = arith.constant 0 : i32
        %dma_wait3A_39 = arith.constant 0 : i32
        %dma_wait3A_40 = tpu.memref_slice %arg11[%dma_wait3A_38, %dma_wait3A_39] : memref<10112x128xf32, #tpu.memory_space<vmem_shared>> -> memref<10112x128xf32, #tpu.memory_space<vmem_shared>>
        tpu.wait_indirect_dma semaphore(%run_scoped3A : memref<!tpu.dma_semaphore, #tpu.memory_space<semaphore_mem>>) src(%arg9 : memref<128x128xf32, #tpu.memory_space<vmem>>) dst(%dma_wait3A_40 : memref<10112x128xf32, #tpu.memory_space<vmem_shared>>)
        tpu.yield
      }) : () -> ()
    }
    %scan3A_13 = arith.constant 80 : i32
    %barrier3A_14 = arith.constant 0 : index
    tpu.barrier barrier_id(%barrier3A_14)
    %mul3A_15 = arith.constant 632 : i32
    %mul3A_16 = arith.muli %arg1, %mul3A_15 : i32
    %mul3A_17 = arith.constant 632 : i32
    %mul3A_18 = arith.muli %arg1, %mul3A_17 : i32
    "tpu.region"() ({
      %run_scoped3A = tpu.sem_alloc : memref<!tpu.dma_semaphore, #tpu.memory_space<semaphore_mem>>
      %dma_start3A = arith.constant 0 : i32
      %dma_start3A_19 = tpu.memref_slice %arg6[%arg0, %mul3A_18, %dma_start3A] : memref<2x10112x128xf32, #tpu.memory_space<hbm>> -> memref<1x632x128xf32, #tpu.memory_space<hbm>>
      %dma_start3A_20 = tpu.memref_squeeze %dma_start3A_19 : memref<1x632x128xf32, #tpu.memory_space<hbm>> -> memref<632x128xf32, #tpu.memory_space<hbm>>
      %dma_start3A_21 = arith.constant 0 : i32
      %dma_start3A_22 = tpu.memref_slice %arg11[%mul3A_16, %dma_start3A_21] : memref<10112x128xf32, #tpu.memory_space<vmem_shared>> -> memref<632x128xf32, #tpu.memory_space<vmem_shared>>
      tpu.enqueue_dma source(%dma_start3A_22 : memref<632x128xf32, #tpu.memory_space<vmem_shared>>) target(%dma_start3A_20 : memref<632x128xf32, #tpu.memory_space<hbm>>) target_semaphore(%run_scoped3A : memref<!tpu.dma_semaphore, #tpu.memory_space<semaphore_mem>>)
      %dma_wait3A = arith.constant 0 : i32
      %dma_wait3A_23 = tpu.memref_slice %arg6[%arg0, %mul3A_18, %dma_wait3A] : memref<2x10112x128xf32, #tpu.memory_space<hbm>> -> memref<1x632x128xf32, #tpu.memory_space<hbm>>
      %dma_wait3A_24 = tpu.memref_squeeze %dma_wait3A_23 : memref<1x632x128xf32, #tpu.memory_space<hbm>> -> memref<632x128xf32, #tpu.memory_space<hbm>>
      %dma_wait3A_25 = arith.constant 0 : i32
      %dma_wait3A_26 = tpu.memref_slice %arg11[%mul3A_16, %dma_wait3A_25] : memref<10112x128xf32, #tpu.memory_space<vmem_shared>> -> memref<632x128xf32, #tpu.memory_space<vmem_shared>>
      tpu.wait_dma2 semaphore(%run_scoped3A : memref<!tpu.dma_semaphore, #tpu.memory_space<semaphore_mem>>) src(%dma_wait3A_26 : memref<632x128xf32, #tpu.memory_space<vmem_shared>>) dst(%dma_wait3A_24 : memref<632x128xf32, #tpu.memory_space<hbm>>)
      tpu.yield
    }) : () -> ()
    return
  }
}

#map = affine_map<(d0, d1) -> (0, 0, 0)>
#map1 = affine_map<(d0, d1) -> (0)>
#map2 = affine_map<(d0, d1) -> (0, 0)>
module attributes {stable_mosaic.version = 14 : i64} {
  func.func @_sc_agg_body(%arg0: i32, %arg1: i32, %arg2: memref<2x10000x128xf32, #tpu.memory_space<hbm>>, %arg3: memref<327680xi32, #tpu.memory_space<hbm>>, %arg4: memref<327680xi32, #tpu.memory_space<hbm>>, %arg5: memref<10112x128xf32, #tpu.memory_space<hbm>>, %arg6: memref<2x10112x128xf32, #tpu.memory_space<hbm>>, %arg7: memref<128xi32, #tpu.memory_space<vmem>>, %arg8: memref<128xi32, #tpu.memory_space<vmem>>, %arg9: memref<128x128xf32, #tpu.memory_space<vmem>>, %arg10: memref<!tpu.dma_semaphore, #tpu.memory_space<semaphore_mem>>, %arg11: memref<10112x128xf32, #tpu.memory_space<vmem_shared>>) attributes {dimension_semantics = [#tpu.dimension_semantics<core_parallel>, #tpu.dimension_semantics<subcore_parallel>], iteration_bounds = array<i64: 2, 16>, scalar_prefetch = 0 : i64, scratch_operands = 5 : i64, tpu.core_type = #tpu.core_type<sc_vector_subcore>, window_params = [{transform_indices = #map}, {transform_indices = #map1}, {transform_indices = #map1}, {transform_indices = #map2}, {transform_indices = #map}]} {
    %mul3A = arith.constant 16 : i32
    %mul3A_0 = arith.muli %arg0, %mul3A : i32
    %add3A = arith.addi %mul3A_0, %arg1 : i32
    %mul3A_1 = arith.constant 632 : i32
    %mul3A_2 = arith.muli %arg1, %mul3A_1 : i32
    %mul3A_3 = arith.constant 632 : i32
    %mul3A_4 = arith.muli %arg1, %mul3A_3 : i32
    "tpu.region"() ({
      %run_scoped3A = tpu.sem_alloc : memref<!tpu.dma_semaphore, #tpu.memory_space<semaphore_mem>>
      %dma_start3A = arith.constant 0 : i32
      %dma_start3A_19 = tpu.memref_slice %arg11[%mul3A_4, %dma_start3A] : memref<10112x128xf32, #tpu.memory_space<vmem_shared>> -> memref<632x128xf32, #tpu.memory_space<vmem_shared>>
      %dma_start3A_20 = arith.constant 0 : i32
      %dma_start3A_21 = tpu.memref_slice %arg5[%mul3A_2, %dma_start3A_20] : memref<10112x128xf32, #tpu.memory_space<hbm>> -> memref<632x128xf32, #tpu.memory_space<hbm>>
      tpu.enqueue_dma source(%dma_start3A_21 : memref<632x128xf32, #tpu.memory_space<hbm>>) target(%dma_start3A_19 : memref<632x128xf32, #tpu.memory_space<vmem_shared>>) target_semaphore(%run_scoped3A : memref<!tpu.dma_semaphore, #tpu.memory_space<semaphore_mem>>)
      %dma_wait3A = arith.constant 0 : i32
      %dma_wait3A_22 = tpu.memref_slice %arg11[%mul3A_4, %dma_wait3A] : memref<10112x128xf32, #tpu.memory_space<vmem_shared>> -> memref<632x128xf32, #tpu.memory_space<vmem_shared>>
      %dma_wait3A_23 = arith.constant 0 : i32
      %dma_wait3A_24 = tpu.memref_slice %arg5[%mul3A_2, %dma_wait3A_23] : memref<10112x128xf32, #tpu.memory_space<hbm>> -> memref<632x128xf32, #tpu.memory_space<hbm>>
      tpu.wait_dma2 semaphore(%run_scoped3A : memref<!tpu.dma_semaphore, #tpu.memory_space<semaphore_mem>>) src(%dma_wait3A_24 : memref<632x128xf32, #tpu.memory_space<hbm>>) dst(%dma_wait3A_22 : memref<632x128xf32, #tpu.memory_space<vmem_shared>>)
      tpu.yield
    }) : () -> ()
    %barrier3A = arith.constant 0 : index
    tpu.barrier barrier_id(%barrier3A)
    %mul3A_5 = arith.constant 80 : i32
    %mul3A_6 = arith.muli %add3A, %mul3A_5 : i32
    %mul3A_7 = arith.constant 128 : i32
    %mul3A_8 = arith.muli %mul3A_6, %mul3A_7 : i32
    %scan3A = arith.constant 0 : i32
    %scan3A_9 = arith.constant 0 : i32
    %scan3A_10 = arith.constant 80 : i32
    %scan3A_11 = arith.addi %scan3A_9, %scan3A_10 : i32
    %scan3A_12 = arith.constant 1 : i32
    scf.for %scan3A_19 = %scan3A_9 to %scan3A_11 step %scan3A_12  : i32 {
      %mul3A_20 = arith.constant 128 : i32
      %mul3A_21 = arith.muli %scan3A_19, %mul3A_20 : i32
      %add3A_22 = arith.addi %mul3A_8, %mul3A_21 : i32
      "tpu.region"() ({
        %run_scoped3A = tpu.sem_alloc : memref<!tpu.dma_semaphore, #tpu.memory_space<semaphore_mem>>
        %dma_start3A_35 = tpu.memref_slice %arg3[%add3A_22] : memref<327680xi32, #tpu.memory_space<hbm>> -> memref<128xi32, #tpu.memory_space<hbm>>
        %dma_start3A_36 = tpu.memref_slice %arg3[%add3A_22] : memref<327680xi32, #tpu.memory_space<hbm>> -> memref<128xi32, #tpu.memory_space<hbm>>
        tpu.enqueue_dma source(%dma_start3A_36 : memref<128xi32, #tpu.memory_space<hbm>>) target(%arg7 : memref<128xi32, #tpu.memory_space<vmem>>) target_semaphore(%run_scoped3A : memref<!tpu.dma_semaphore, #tpu.memory_space<semaphore_mem>>)
        %dma_wait3A_37 = tpu.memref_slice %arg3[%add3A_22] : memref<327680xi32, #tpu.memory_space<hbm>> -> memref<128xi32, #tpu.memory_space<hbm>>
        %dma_wait3A_38 = tpu.memref_slice %arg3[%add3A_22] : memref<327680xi32, #tpu.memory_space<hbm>> -> memref<128xi32, #tpu.memory_space<hbm>>
        tpu.wait_dma2 semaphore(%run_scoped3A : memref<!tpu.dma_semaphore, #tpu.memory_space<semaphore_mem>>) src(%dma_wait3A_38 : memref<128xi32, #tpu.memory_space<hbm>>) dst(%arg7 : memref<128xi32, #tpu.memory_space<vmem>>)
        tpu.yield
      }) : () -> ()
      "tpu.region"() ({
        %run_scoped3A = tpu.sem_alloc : memref<!tpu.dma_semaphore, #tpu.memory_space<semaphore_mem>>
        %dma_start3A_35 = tpu.memref_slice %arg4[%add3A_22] : memref<327680xi32, #tpu.memory_space<hbm>> -> memref<128xi32, #tpu.memory_space<hbm>>
        %dma_start3A_36 = tpu.memref_slice %arg4[%add3A_22] : memref<327680xi32, #tpu.memory_space<hbm>> -> memref<128xi32, #tpu.memory_space<hbm>>
        tpu.enqueue_dma source(%dma_start3A_36 : memref<128xi32, #tpu.memory_space<hbm>>) target(%arg8 : memref<128xi32, #tpu.memory_space<vmem>>) target_semaphore(%run_scoped3A : memref<!tpu.dma_semaphore, #tpu.memory_space<semaphore_mem>>)
        %dma_wait3A_37 = tpu.memref_slice %arg4[%add3A_22] : memref<327680xi32, #tpu.memory_space<hbm>> -> memref<128xi32, #tpu.memory_space<hbm>>
        %dma_wait3A_38 = tpu.memref_slice %arg4[%add3A_22] : memref<327680xi32, #tpu.memory_space<hbm>> -> memref<128xi32, #tpu.memory_space<hbm>>
        tpu.wait_dma2 semaphore(%run_scoped3A : memref<!tpu.dma_semaphore, #tpu.memory_space<semaphore_mem>>) src(%dma_wait3A_38 : memref<128xi32, #tpu.memory_space<hbm>>) dst(%arg8 : memref<128xi32, #tpu.memory_space<vmem>>)
        tpu.yield
      }) : () -> ()
      %dma_start3A = arith.constant 0 : i32
      %dma_start3A_23 = arith.constant 0 : i32
      %dma_start3A_24 = tpu.memref_slice %arg2[%arg0, %dma_start3A, %dma_start3A_23] : memref<2x10000x128xf32, #tpu.memory_space<hbm>> -> memref<1x10000x128xf32, #tpu.memory_space<hbm>>
      %dma_start3A_25 = tpu.memref_squeeze %dma_start3A_24 : memref<1x10000x128xf32, #tpu.memory_space<hbm>> -> memref<10000x128xf32, #tpu.memory_space<hbm>>
      %dma_start3A_26 = arith.constant 0 : i32
      %dma_start3A_27 = arith.constant 0 : i32
      %dma_start3A_28 = tpu.memref_slice %dma_start3A_25[%dma_start3A_26, %dma_start3A_27] : memref<10000x128xf32, #tpu.memory_space<hbm>> -> memref<10000x128xf32, #tpu.memory_space<hbm>>
      tpu.enqueue_indirect_dma source(%dma_start3A_28 : memref<10000x128xf32, #tpu.memory_space<hbm>>) target(%arg9 : memref<128x128xf32, #tpu.memory_space<vmem>>) offsets(%arg7 : memref<128xi32, #tpu.memory_space<vmem>>) semaphore(%arg10 : memref<!tpu.dma_semaphore, #tpu.memory_space<semaphore_mem>>)
      %dma_wait3A = arith.constant 0 : i32
      %dma_wait3A_29 = arith.constant 0 : i32
      %dma_wait3A_30 = tpu.memref_slice %arg2[%arg0, %dma_wait3A, %dma_wait3A_29] : memref<2x10000x128xf32, #tpu.memory_space<hbm>> -> memref<1x10000x128xf32, #tpu.memory_space<hbm>>
      %dma_wait3A_31 = tpu.memref_squeeze %dma_wait3A_30 : memref<1x10000x128xf32, #tpu.memory_space<hbm>> -> memref<10000x128xf32, #tpu.memory_space<hbm>>
      %dma_wait3A_32 = arith.constant 0 : i32
      %dma_wait3A_33 = arith.constant 0 : i32
      %dma_wait3A_34 = tpu.memref_slice %dma_wait3A_31[%dma_wait3A_32, %dma_wait3A_33] : memref<10000x128xf32, #tpu.memory_space<hbm>> -> memref<10000x128xf32, #tpu.memory_space<hbm>>
      tpu.wait_indirect_dma semaphore(%arg10 : memref<!tpu.dma_semaphore, #tpu.memory_space<semaphore_mem>>) src(%dma_wait3A_34 : memref<10000x128xf32, #tpu.memory_space<hbm>>) dst(%arg9 : memref<128x128xf32, #tpu.memory_space<vmem>>)
      "tpu.region"() ({
        %run_scoped3A = tpu.sem_alloc : memref<!tpu.dma_semaphore, #tpu.memory_space<semaphore_mem>>
        %dma_start3A_35 = arith.constant 0 : i32
        %dma_start3A_36 = arith.constant 0 : i32
        %dma_start3A_37 = tpu.memref_slice %arg11[%dma_start3A_35, %dma_start3A_36] : memref<10112x128xf32, #tpu.memory_space<vmem_shared>> -> memref<10112x128xf32, #tpu.memory_space<vmem_shared>>
        tpu.enqueue_indirect_dma source(%arg9 : memref<128x128xf32, #tpu.memory_space<vmem>>) target(%dma_start3A_37 : memref<10112x128xf32, #tpu.memory_space<vmem_shared>>) offsets(%arg8 : memref<128xi32, #tpu.memory_space<vmem>>) semaphore(%run_scoped3A : memref<!tpu.dma_semaphore, #tpu.memory_space<semaphore_mem>>) {add = true}
        %dma_wait3A_38 = arith.constant 0 : i32
        %dma_wait3A_39 = arith.constant 0 : i32
        %dma_wait3A_40 = tpu.memref_slice %arg11[%dma_wait3A_38, %dma_wait3A_39] : memref<10112x128xf32, #tpu.memory_space<vmem_shared>> -> memref<10112x128xf32, #tpu.memory_space<vmem_shared>>
        tpu.wait_indirect_dma semaphore(%run_scoped3A : memref<!tpu.dma_semaphore, #tpu.memory_space<semaphore_mem>>) src(%arg9 : memref<128x128xf32, #tpu.memory_space<vmem>>) dst(%dma_wait3A_40 : memref<10112x128xf32, #tpu.memory_space<vmem_shared>>)
        tpu.yield
      }) : () -> ()
    }
    %scan3A_13 = arith.constant 80 : i32
    %barrier3A_14 = arith.constant 0 : index
    tpu.barrier barrier_id(%barrier3A_14)
    %mul3A_15 = arith.constant 632 : i32
    %mul3A_16 = arith.muli %arg1, %mul3A_15 : i32
    %mul3A_17 = arith.constant 632 : i32
    %mul3A_18 = arith.muli %arg1, %mul3A_17 : i32
    "tpu.region"() ({
      %run_scoped3A = tpu.sem_alloc : memref<!tpu.dma_semaphore, #tpu.memory_space<semaphore_mem>>
      %dma_start3A = arith.constant 0 : i32
      %dma_start3A_19 = tpu.memref_slice %arg6[%arg0, %mul3A_18, %dma_start3A] : memref<2x10112x128xf32, #tpu.memory_space<hbm>> -> memref<1x632x128xf32, #tpu.memory_space<hbm>>
      %dma_start3A_20 = tpu.memref_squeeze %dma_start3A_19 : memref<1x632x128xf32, #tpu.memory_space<hbm>> -> memref<632x128xf32, #tpu.memory_space<hbm>>
      %dma_start3A_21 = arith.constant 0 : i32
      %dma_start3A_22 = tpu.memref_slice %arg11[%mul3A_16, %dma_start3A_21] : memref<10112x128xf32, #tpu.memory_space<vmem_shared>> -> memref<632x128xf32, #tpu.memory_space<vmem_shared>>
      tpu.enqueue_dma source(%dma_start3A_22 : memref<632x128xf32, #tpu.memory_space<vmem_shared>>) target(%dma_start3A_20 : memref<632x128xf32, #tpu.memory_space<hbm>>) target_semaphore(%run_scoped3A : memref<!tpu.dma_semaphore, #tpu.memory_space<semaphore_mem>>)
      %dma_wait3A = arith.constant 0 : i32
      %dma_wait3A_23 = tpu.memref_slice %arg6[%arg0, %mul3A_18, %dma_wait3A] : memref<2x10112x128xf32, #tpu.memory_space<hbm>> -> memref<1x632x128xf32, #tpu.memory_space<hbm>>
      %dma_wait3A_24 = tpu.memref_squeeze %dma_wait3A_23 : memref<1x632x128xf32, #tpu.memory_space<hbm>> -> memref<632x128xf32, #tpu.memory_space<hbm>>
      %dma_wait3A_25 = arith.constant 0 : i32
      %dma_wait3A_26 = tpu.memref_slice %arg11[%mul3A_16, %dma_wait3A_25] : memref<10112x128xf32, #tpu.memory_space<vmem_shared>> -> memref<632x128xf32, #tpu.memory_space<vmem_shared>>
      tpu.wait_dma2 semaphore(%run_scoped3A : memref<!tpu.dma_semaphore, #tpu.memory_space<semaphore_mem>>) src(%dma_wait3A_26 : memref<632x128xf32, #tpu.memory_space<vmem_shared>>) dst(%dma_wait3A_24 : memref<632x128xf32, #tpu.memory_space<hbm>>)
      tpu.yield
    }) : () -> ()
    return
  }
}

#map = affine_map<(d0, d1) -> (0)>
#map1 = affine_map<(d0, d1) -> (0, 0)>
#map2 = affine_map<(d0, d1) -> (0, 0, 0)>
module attributes {stable_mosaic.version = 14 : i64} {
  func.func @_sc_deg_body(%arg0: i32, %arg1: i32, %arg2: memref<327680xi32, #tpu.memory_space<hbm>>, %arg3: memref<10240xi32, #tpu.memory_space<hbm>>, %arg4: memref<128x16xf32, #tpu.memory_space<hbm>>, %arg5: memref<10112x16xf32, #tpu.memory_space<hbm>>, %arg6: memref<80x16xf32, #tpu.memory_space<hbm>>, %arg7: memref<2x10112x16xf32, #tpu.memory_space<hbm>>, %arg8: memref<2x80x16xf32, #tpu.memory_space<hbm>>, %arg9: memref<128xi32, #tpu.memory_space<vmem>>, %arg10: memref<64xi32, #tpu.memory_space<vmem>>, %arg11: memref<128x16xf32, #tpu.memory_space<vmem>>, %arg12: memref<10112x16xf32, #tpu.memory_space<vmem_shared>>, %arg13: memref<80x16xf32, #tpu.memory_space<vmem_shared>>) attributes {dimension_semantics = [#tpu.dimension_semantics<core_parallel>, #tpu.dimension_semantics<subcore_parallel>], iteration_bounds = array<i64: 2, 16>, scalar_prefetch = 0 : i64, scratch_operands = 5 : i64, tpu.core_type = #tpu.core_type<sc_vector_subcore>, window_params = [{transform_indices = #map}, {transform_indices = #map}, {transform_indices = #map1}, {transform_indices = #map1}, {transform_indices = #map1}, {transform_indices = #map2}, {transform_indices = #map2}]} {
    %mul3A = arith.constant 632 : i32
    %mul3A_0 = arith.muli %arg1, %mul3A : i32
    %mul3A_1 = arith.constant 632 : i32
    %mul3A_2 = arith.muli %arg1, %mul3A_1 : i32
    "tpu.region"() ({
      %run_scoped3A = tpu.sem_alloc : memref<!tpu.dma_semaphore, #tpu.memory_space<semaphore_mem>>
      %dma_start3A = arith.constant 0 : i32
      %dma_start3A_39 = tpu.memref_slice %arg12[%mul3A_2, %dma_start3A] : memref<10112x16xf32, #tpu.memory_space<vmem_shared>> -> memref<632x16xf32, #tpu.memory_space<vmem_shared>>
      %dma_start3A_40 = arith.constant 0 : i32
      %dma_start3A_41 = tpu.memref_slice %arg5[%mul3A_0, %dma_start3A_40] : memref<10112x16xf32, #tpu.memory_space<hbm>> -> memref<632x16xf32, #tpu.memory_space<hbm>>
      tpu.enqueue_dma source(%dma_start3A_41 : memref<632x16xf32, #tpu.memory_space<hbm>>) target(%dma_start3A_39 : memref<632x16xf32, #tpu.memory_space<vmem_shared>>) target_semaphore(%run_scoped3A : memref<!tpu.dma_semaphore, #tpu.memory_space<semaphore_mem>>)
      %dma_wait3A = arith.constant 0 : i32
      %dma_wait3A_42 = tpu.memref_slice %arg12[%mul3A_2, %dma_wait3A] : memref<10112x16xf32, #tpu.memory_space<vmem_shared>> -> memref<632x16xf32, #tpu.memory_space<vmem_shared>>
      %dma_wait3A_43 = arith.constant 0 : i32
      %dma_wait3A_44 = tpu.memref_slice %arg5[%mul3A_0, %dma_wait3A_43] : memref<10112x16xf32, #tpu.memory_space<hbm>> -> memref<632x16xf32, #tpu.memory_space<hbm>>
      tpu.wait_dma2 semaphore(%run_scoped3A : memref<!tpu.dma_semaphore, #tpu.memory_space<semaphore_mem>>) src(%dma_wait3A_44 : memref<632x16xf32, #tpu.memory_space<hbm>>) dst(%dma_wait3A_42 : memref<632x16xf32, #tpu.memory_space<vmem_shared>>)
      tpu.yield
    }) : () -> ()
    %eq3A = arith.constant 0 : i32
    %eq3A_3 = arith.cmpi eq, %arg1, %eq3A : i32
    %convert_element_type3A = arith.extui %eq3A_3 : i1 to i32
    %cond3A = arith.constant 0 : i32
    %cond3A_4 = arith.cmpi ne, %convert_element_type3A, %cond3A : i32
    scf.if %cond3A_4 {
      "tpu.region"() ({
        %run_scoped3A = tpu.sem_alloc : memref<!tpu.dma_semaphore, #tpu.memory_space<semaphore_mem>>
        tpu.enqueue_dma source(%arg6 : memref<80x16xf32, #tpu.memory_space<hbm>>) target(%arg13 : memref<80x16xf32, #tpu.memory_space<vmem_shared>>) target_semaphore(%run_scoped3A : memref<!tpu.dma_semaphore, #tpu.memory_space<semaphore_mem>>)
        tpu.wait_dma2 semaphore(%run_scoped3A : memref<!tpu.dma_semaphore, #tpu.memory_space<semaphore_mem>>) src(%arg6 : memref<80x16xf32, #tpu.memory_space<hbm>>) dst(%arg13 : memref<80x16xf32, #tpu.memory_space<vmem_shared>>)
        tpu.yield
      }) : () -> ()
    } else {
    }
    "tpu.region"() ({
      %run_scoped3A = tpu.sem_alloc : memref<!tpu.dma_semaphore, #tpu.memory_space<semaphore_mem>>
      tpu.enqueue_dma source(%arg4 : memref<128x16xf32, #tpu.memory_space<hbm>>) target(%arg11 : memref<128x16xf32, #tpu.memory_space<vmem>>) target_semaphore(%run_scoped3A : memref<!tpu.dma_semaphore, #tpu.memory_space<semaphore_mem>>)
      tpu.wait_dma2 semaphore(%run_scoped3A : memref<!tpu.dma_semaphore, #tpu.memory_space<semaphore_mem>>) src(%arg4 : memref<128x16xf32, #tpu.memory_space<hbm>>) dst(%arg11 : memref<128x16xf32, #tpu.memory_space<vmem>>)
      tpu.yield
    }) : () -> ()
    %barrier3A = arith.constant 0 : index
    tpu.barrier barrier_id(%barrier3A)
    %mul3A_5 = arith.constant 16 : i32
    %mul3A_6 = arith.muli %arg0, %mul3A_5 : i32
    %add3A = arith.addi %mul3A_6, %arg1 : i32
    %mul3A_7 = arith.constant 80 : i32
    %mul3A_8 = arith.muli %add3A, %mul3A_7 : i32
    %mul3A_9 = arith.constant 128 : i32
    %mul3A_10 = arith.muli %mul3A_8, %mul3A_9 : i32
    %scan3A = arith.constant 0 : i32
    %scan3A_11 = arith.constant 0 : i32
    %scan3A_12 = arith.constant 80 : i32
    %scan3A_13 = arith.addi %scan3A_11, %scan3A_12 : i32
    %scan3A_14 = arith.constant 1 : i32
    scf.for %scan3A_39 = %scan3A_11 to %scan3A_13 step %scan3A_14  : i32 {
      %mul3A_40 = arith.constant 128 : i32
      %mul3A_41 = arith.muli %scan3A_39, %mul3A_40 : i32
      %add3A_42 = arith.addi %mul3A_10, %mul3A_41 : i32
      "tpu.region"() ({
        %run_scoped3A = tpu.sem_alloc : memref<!tpu.dma_semaphore, #tpu.memory_space<semaphore_mem>>
        %dma_start3A = tpu.memref_slice %arg2[%add3A_42] : memref<327680xi32, #tpu.memory_space<hbm>> -> memref<128xi32, #tpu.memory_space<hbm>>
        %dma_start3A_43 = tpu.memref_slice %arg2[%add3A_42] : memref<327680xi32, #tpu.memory_space<hbm>> -> memref<128xi32, #tpu.memory_space<hbm>>
        tpu.enqueue_dma source(%dma_start3A_43 : memref<128xi32, #tpu.memory_space<hbm>>) target(%arg9 : memref<128xi32, #tpu.memory_space<vmem>>) target_semaphore(%run_scoped3A : memref<!tpu.dma_semaphore, #tpu.memory_space<semaphore_mem>>)
        %dma_wait3A = tpu.memref_slice %arg2[%add3A_42] : memref<327680xi32, #tpu.memory_space<hbm>> -> memref<128xi32, #tpu.memory_space<hbm>>
        %dma_wait3A_44 = tpu.memref_slice %arg2[%add3A_42] : memref<327680xi32, #tpu.memory_space<hbm>> -> memref<128xi32, #tpu.memory_space<hbm>>
        tpu.wait_dma2 semaphore(%run_scoped3A : memref<!tpu.dma_semaphore, #tpu.memory_space<semaphore_mem>>) src(%dma_wait3A_44 : memref<128xi32, #tpu.memory_space<hbm>>) dst(%arg9 : memref<128xi32, #tpu.memory_space<vmem>>)
        tpu.yield
      }) : () -> ()
      "tpu.region"() ({
        %run_scoped3A = tpu.sem_alloc : memref<!tpu.dma_semaphore, #tpu.memory_space<semaphore_mem>>
        %dma_start3A = arith.constant 0 : i32
        %dma_start3A_43 = arith.constant 0 : i32
        %dma_start3A_44 = tpu.memref_slice %arg12[%dma_start3A, %dma_start3A_43] : memref<10112x16xf32, #tpu.memory_space<vmem_shared>> -> memref<10112x16xf32, #tpu.memory_space<vmem_shared>>
        tpu.enqueue_indirect_dma source(%arg11 : memref<128x16xf32, #tpu.memory_space<vmem>>) target(%dma_start3A_44 : memref<10112x16xf32, #tpu.memory_space<vmem_shared>>) offsets(%arg9 : memref<128xi32, #tpu.memory_space<vmem>>) semaphore(%run_scoped3A : memref<!tpu.dma_semaphore, #tpu.memory_space<semaphore_mem>>) {add = true}
        %dma_wait3A = arith.constant 0 : i32
        %dma_wait3A_45 = arith.constant 0 : i32
        %dma_wait3A_46 = tpu.memref_slice %arg12[%dma_wait3A, %dma_wait3A_45] : memref<10112x16xf32, #tpu.memory_space<vmem_shared>> -> memref<10112x16xf32, #tpu.memory_space<vmem_shared>>
        tpu.wait_indirect_dma semaphore(%run_scoped3A : memref<!tpu.dma_semaphore, #tpu.memory_space<semaphore_mem>>) src(%arg11 : memref<128x16xf32, #tpu.memory_space<vmem>>) dst(%dma_wait3A_46 : memref<10112x16xf32, #tpu.memory_space<vmem_shared>>)
        tpu.yield
      }) : () -> ()
    }
    %scan3A_15 = arith.constant 80 : i32
    %mul3A_16 = arith.constant 16 : i32
    %mul3A_17 = arith.muli %arg0, %mul3A_16 : i32
    %add3A_18 = arith.addi %mul3A_17, %arg1 : i32
    %mul3A_19 = arith.constant 5 : i32
    %mul3A_20 = arith.muli %add3A_18, %mul3A_19 : i32
    %mul3A_21 = arith.constant 64 : i32
    %mul3A_22 = arith.muli %mul3A_20, %mul3A_21 : i32
    %scan3A_23 = arith.constant 0 : i32
    %scan3A_24 = arith.constant 0 : i32
    %scan3A_25 = arith.constant 5 : i32
    %scan3A_26 = arith.addi %scan3A_24, %scan3A_25 : i32
    %scan3A_27 = arith.constant 1 : i32
    scf.for %scan3A_39 = %scan3A_24 to %scan3A_26 step %scan3A_27  : i32 {
      %mul3A_40 = arith.constant 64 : i32
      %mul3A_41 = arith.muli %scan3A_39, %mul3A_40 : i32
      %add3A_42 = arith.addi %mul3A_22, %mul3A_41 : i32
      "tpu.region"() ({
        %run_scoped3A = tpu.sem_alloc : memref<!tpu.dma_semaphore, #tpu.memory_space<semaphore_mem>>
        %dma_start3A = tpu.memref_slice %arg3[%add3A_42] : memref<10240xi32, #tpu.memory_space<hbm>> -> memref<64xi32, #tpu.memory_space<hbm>>
        %dma_start3A_43 = tpu.memref_slice %arg3[%add3A_42] : memref<10240xi32, #tpu.memory_space<hbm>> -> memref<64xi32, #tpu.memory_space<hbm>>
        tpu.enqueue_dma source(%dma_start3A_43 : memref<64xi32, #tpu.memory_space<hbm>>) target(%arg10 : memref<64xi32, #tpu.memory_space<vmem>>) target_semaphore(%run_scoped3A : memref<!tpu.dma_semaphore, #tpu.memory_space<semaphore_mem>>)
        %dma_wait3A = tpu.memref_slice %arg3[%add3A_42] : memref<10240xi32, #tpu.memory_space<hbm>> -> memref<64xi32, #tpu.memory_space<hbm>>
        %dma_wait3A_44 = tpu.memref_slice %arg3[%add3A_42] : memref<10240xi32, #tpu.memory_space<hbm>> -> memref<64xi32, #tpu.memory_space<hbm>>
        tpu.wait_dma2 semaphore(%run_scoped3A : memref<!tpu.dma_semaphore, #tpu.memory_space<semaphore_mem>>) src(%dma_wait3A_44 : memref<64xi32, #tpu.memory_space<hbm>>) dst(%arg10 : memref<64xi32, #tpu.memory_space<vmem>>)
        tpu.yield
      }) : () -> ()
      "tpu.region"() ({
        %run_scoped3A = tpu.sem_alloc : memref<!tpu.dma_semaphore, #tpu.memory_space<semaphore_mem>>
        %dma_start3A = arith.constant 0 : i32
        %dma_start3A_43 = arith.constant 0 : i32
        %dma_start3A_44 = tpu.memref_slice %arg11[%dma_start3A, %dma_start3A_43] : memref<128x16xf32, #tpu.memory_space<vmem>> -> memref<64x16xf32, #tpu.memory_space<vmem>>
        %dma_start3A_45 = arith.constant 0 : i32
        %dma_start3A_46 = arith.constant 0 : i32
        %dma_start3A_47 = tpu.memref_slice %arg13[%dma_start3A_45, %dma_start3A_46] : memref<80x16xf32, #tpu.memory_space<vmem_shared>> -> memref<80x16xf32, #tpu.memory_space<vmem_shared>>
        tpu.enqueue_indirect_dma source(%dma_start3A_44 : memref<64x16xf32, #tpu.memory_space<vmem>>) target(%dma_start3A_47 : memref<80x16xf32, #tpu.memory_space<vmem_shared>>) offsets(%arg10 : memref<64xi32, #tpu.memory_space<vmem>>) semaphore(%run_scoped3A : memref<!tpu.dma_semaphore, #tpu.memory_space<semaphore_mem>>) {add = true}
        %dma_wait3A = arith.constant 0 : i32
        %dma_wait3A_48 = arith.constant 0 : i32
        %dma_wait3A_49 = tpu.memref_slice %arg11[%dma_wait3A, %dma_wait3A_48] : memref<128x16xf32, #tpu.memory_space<vmem>> -> memref<64x16xf32, #tpu.memory_space<vmem>>
        %dma_wait3A_50 = arith.constant 0 : i32
        %dma_wait3A_51 = arith.constant 0 : i32
        %dma_wait3A_52 = tpu.memref_slice %arg13[%dma_wait3A_50, %dma_wait3A_51] : memref<80x16xf32, #tpu.memory_space<vmem_shared>> -> memref<80x16xf32, #tpu.memory_space<vmem_shared>>
        tpu.wait_indirect_dma semaphore(%run_scoped3A : memref<!tpu.dma_semaphore, #tpu.memory_space<semaphore_mem>>) src(%dma_wait3A_49 : memref<64x16xf32, #tpu.memory_space<vmem>>) dst(%dma_wait3A_52 : memref<80x16xf32, #tpu.memory_space<vmem_shared>>)
        tpu.yield
      }) : () -> ()
    }
    %scan3A_28 = arith.constant 5 : i32
    %barrier3A_29 = arith.constant 0 : index
    tpu.barrier barrier_id(%barrier3A_29)
    %mul3A_30 = arith.constant 632 : i32
    %mul3A_31 = arith.muli %arg1, %mul3A_30 : i32
    %mul3A_32 = arith.constant 632 : i32
    %mul3A_33 = arith.muli %arg1, %mul3A_32 : i32
    "tpu.region"() ({
      %run_scoped3A = tpu.sem_alloc : memref<!tpu.dma_semaphore, #tpu.memory_space<semaphore_mem>>
      %dma_start3A = arith.constant 0 : i32
      %dma_start3A_39 = tpu.memref_slice %arg7[%arg0, %mul3A_33, %dma_start3A] : memref<2x10112x16xf32, #tpu.memory_space<hbm>> -> memref<1x632x16xf32, #tpu.memory_space<hbm>>
      %dma_start3A_40 = tpu.memref_squeeze %dma_start3A_39 : memref<1x632x16xf32, #tpu.memory_space<hbm>> -> memref<632x16xf32, #tpu.memory_space<hbm>>
      %dma_start3A_41 = arith.constant 0 : i32
      %dma_start3A_42 = tpu.memref_slice %arg12[%mul3A_31, %dma_start3A_41] : memref<10112x16xf32, #tpu.memory_space<vmem_shared>> -> memref<632x16xf32, #tpu.memory_space<vmem_shared>>
      tpu.enqueue_dma source(%dma_start3A_42 : memref<632x16xf32, #tpu.memory_space<vmem_shared>>) target(%dma_start3A_40 : memref<632x16xf32, #tpu.memory_space<hbm>>) target_semaphore(%run_scoped3A : memref<!tpu.dma_semaphore, #tpu.memory_space<semaphore_mem>>)
      %dma_wait3A = arith.constant 0 : i32
      %dma_wait3A_43 = tpu.memref_slice %arg7[%arg0, %mul3A_33, %dma_wait3A] : memref<2x10112x16xf32, #tpu.memory_space<hbm>> -> memref<1x632x16xf32, #tpu.memory_space<hbm>>
      %dma_wait3A_44 = tpu.memref_squeeze %dma_wait3A_43 : memref<1x632x16xf32, #tpu.memory_space<hbm>> -> memref<632x16xf32, #tpu.memory_space<hbm>>
      %dma_wait3A_45 = arith.constant 0 : i32
      %dma_wait3A_46 = tpu.memref_slice %arg12[%mul3A_31, %dma_wait3A_45] : memref<10112x16xf32, #tpu.memory_space<vmem_shared>> -> memref<632x16xf32, #tpu.memory_space<vmem_shared>>
      tpu.wait_dma2 semaphore(%run_scoped3A : memref<!tpu.dma_semaphore, #tpu.memory_space<semaphore_mem>>) src(%dma_wait3A_46 : memref<632x16xf32, #tpu.memory_space<vmem_shared>>) dst(%dma_wait3A_44 : memref<632x16xf32, #tpu.memory_space<hbm>>)
      tpu.yield
    }) : () -> ()
    %eq3A_34 = arith.constant 0 : i32
    %eq3A_35 = arith.cmpi eq, %arg1, %eq3A_34 : i32
    %convert_element_type3A_36 = arith.extui %eq3A_35 : i1 to i32
    %cond3A_37 = arith.constant 0 : i32
    %cond3A_38 = arith.cmpi ne, %convert_element_type3A_36, %cond3A_37 : i32
    scf.if %cond3A_38 {
      "tpu.region"() ({
        %run_scoped3A = tpu.sem_alloc : memref<!tpu.dma_semaphore, #tpu.memory_space<semaphore_mem>>
        %dma_start3A = arith.constant 0 : i32
        %dma_start3A_39 = arith.constant 0 : i32
        %dma_start3A_40 = tpu.memref_slice %arg8[%arg0, %dma_start3A, %dma_start3A_39] : memref<2x80x16xf32, #tpu.memory_space<hbm>> -> memref<1x80x16xf32, #tpu.memory_space<hbm>>
        %dma_start3A_41 = tpu.memref_squeeze %dma_start3A_40 : memref<1x80x16xf32, #tpu.memory_space<hbm>> -> memref<80x16xf32, #tpu.memory_space<hbm>>
        tpu.enqueue_dma source(%arg13 : memref<80x16xf32, #tpu.memory_space<vmem_shared>>) target(%dma_start3A_41 : memref<80x16xf32, #tpu.memory_space<hbm>>) target_semaphore(%run_scoped3A : memref<!tpu.dma_semaphore, #tpu.memory_space<semaphore_mem>>)
        %dma_wait3A = arith.constant 0 : i32
        %dma_wait3A_42 = arith.constant 0 : i32
        %dma_wait3A_43 = tpu.memref_slice %arg8[%arg0, %dma_wait3A, %dma_wait3A_42] : memref<2x80x16xf32, #tpu.memory_space<hbm>> -> memref<1x80x16xf32, #tpu.memory_space<hbm>>
        %dma_wait3A_44 = tpu.memref_squeeze %dma_wait3A_43 : memref<1x80x16xf32, #tpu.memory_space<hbm>> -> memref<80x16xf32, #tpu.memory_space<hbm>>
        tpu.wait_dma2 semaphore(%run_scoped3A : memref<!tpu.dma_semaphore, #tpu.memory_space<semaphore_mem>>) src(%arg13 : memref<80x16xf32, #tpu.memory_space<vmem_shared>>) dst(%dma_wait3A_44 : memref<80x16xf32, #tpu.memory_space<hbm>>)
        tpu.yield
      }) : () -> ()
    } else {
    }
    return
  }
}

#map = affine_map<(d0, d1) -> (0, 0, 0)>
#map1 = affine_map<(d0, d1) -> (0)>
#map2 = affine_map<(d0, d1) -> (0, 0)>
module attributes {stable_mosaic.version = 14 : i64} {
  func.func @_sc_agg_body(%arg0: i32, %arg1: i32, %arg2: memref<2x10000x128xf32, #tpu.memory_space<hbm>>, %arg3: memref<327680xi32, #tpu.memory_space<hbm>>, %arg4: memref<327680xi32, #tpu.memory_space<hbm>>, %arg5: memref<10112x128xf32, #tpu.memory_space<hbm>>, %arg6: memref<2x10112x128xf32, #tpu.memory_space<hbm>>, %arg7: memref<128xi32, #tpu.memory_space<vmem>>, %arg8: memref<128xi32, #tpu.memory_space<vmem>>, %arg9: memref<128x128xf32, #tpu.memory_space<vmem>>, %arg10: memref<!tpu.dma_semaphore, #tpu.memory_space<semaphore_mem>>, %arg11: memref<10112x128xf32, #tpu.memory_space<vmem_shared>>) attributes {dimension_semantics = [#tpu.dimension_semantics<core_parallel>, #tpu.dimension_semantics<subcore_parallel>], iteration_bounds = array<i64: 2, 16>, scalar_prefetch = 0 : i64, scratch_operands = 5 : i64, tpu.core_type = #tpu.core_type<sc_vector_subcore>, window_params = [{transform_indices = #map}, {transform_indices = #map1}, {transform_indices = #map1}, {transform_indices = #map2}, {transform_indices = #map}]} {
    %mul3A = arith.constant 16 : i32
    %mul3A_0 = arith.muli %arg0, %mul3A : i32
    %add3A = arith.addi %mul3A_0, %arg1 : i32
    %mul3A_1 = arith.constant 632 : i32
    %mul3A_2 = arith.muli %arg1, %mul3A_1 : i32
    %mul3A_3 = arith.constant 632 : i32
    %mul3A_4 = arith.muli %arg1, %mul3A_3 : i32
    "tpu.region"() ({
      %run_scoped3A = tpu.sem_alloc : memref<!tpu.dma_semaphore, #tpu.memory_space<semaphore_mem>>
      %dma_start3A = arith.constant 0 : i32
      %dma_start3A_19 = tpu.memref_slice %arg11[%mul3A_4, %dma_start3A] : memref<10112x128xf32, #tpu.memory_space<vmem_shared>> -> memref<632x128xf32, #tpu.memory_space<vmem_shared>>
      %dma_start3A_20 = arith.constant 0 : i32
      %dma_start3A_21 = tpu.memref_slice %arg5[%mul3A_2, %dma_start3A_20] : memref<10112x128xf32, #tpu.memory_space<hbm>> -> memref<632x128xf32, #tpu.memory_space<hbm>>
      tpu.enqueue_dma source(%dma_start3A_21 : memref<632x128xf32, #tpu.memory_space<hbm>>) target(%dma_start3A_19 : memref<632x128xf32, #tpu.memory_space<vmem_shared>>) target_semaphore(%run_scoped3A : memref<!tpu.dma_semaphore, #tpu.memory_space<semaphore_mem>>)
      %dma_wait3A = arith.constant 0 : i32
      %dma_wait3A_22 = tpu.memref_slice %arg11[%mul3A_4, %dma_wait3A] : memref<10112x128xf32, #tpu.memory_space<vmem_shared>> -> memref<632x128xf32, #tpu.memory_space<vmem_shared>>
      %dma_wait3A_23 = arith.constant 0 : i32
      %dma_wait3A_24 = tpu.memref_slice %arg5[%mul3A_2, %dma_wait3A_23] : memref<10112x128xf32, #tpu.memory_space<hbm>> -> memref<632x128xf32, #tpu.memory_space<hbm>>
      tpu.wait_dma2 semaphore(%run_scoped3A : memref<!tpu.dma_semaphore, #tpu.memory_space<semaphore_mem>>) src(%dma_wait3A_24 : memref<632x128xf32, #tpu.memory_space<hbm>>) dst(%dma_wait3A_22 : memref<632x128xf32, #tpu.memory_space<vmem_shared>>)
      tpu.yield
    }) : () -> ()
    %barrier3A = arith.constant 0 : index
    tpu.barrier barrier_id(%barrier3A)
    %mul3A_5 = arith.constant 80 : i32
    %mul3A_6 = arith.muli %add3A, %mul3A_5 : i32
    %mul3A_7 = arith.constant 128 : i32
    %mul3A_8 = arith.muli %mul3A_6, %mul3A_7 : i32
    %scan3A = arith.constant 0 : i32
    %scan3A_9 = arith.constant 0 : i32
    %scan3A_10 = arith.constant 80 : i32
    %scan3A_11 = arith.addi %scan3A_9, %scan3A_10 : i32
    %scan3A_12 = arith.constant 1 : i32
    scf.for %scan3A_19 = %scan3A_9 to %scan3A_11 step %scan3A_12  : i32 {
      %mul3A_20 = arith.constant 128 : i32
      %mul3A_21 = arith.muli %scan3A_19, %mul3A_20 : i32
      %add3A_22 = arith.addi %mul3A_8, %mul3A_21 : i32
      "tpu.region"() ({
        %run_scoped3A = tpu.sem_alloc : memref<!tpu.dma_semaphore, #tpu.memory_space<semaphore_mem>>
        %dma_start3A_35 = tpu.memref_slice %arg3[%add3A_22] : memref<327680xi32, #tpu.memory_space<hbm>> -> memref<128xi32, #tpu.memory_space<hbm>>
        %dma_start3A_36 = tpu.memref_slice %arg3[%add3A_22] : memref<327680xi32, #tpu.memory_space<hbm>> -> memref<128xi32, #tpu.memory_space<hbm>>
        tpu.enqueue_dma source(%dma_start3A_36 : memref<128xi32, #tpu.memory_space<hbm>>) target(%arg7 : memref<128xi32, #tpu.memory_space<vmem>>) target_semaphore(%run_scoped3A : memref<!tpu.dma_semaphore, #tpu.memory_space<semaphore_mem>>)
        %dma_wait3A_37 = tpu.memref_slice %arg3[%add3A_22] : memref<327680xi32, #tpu.memory_space<hbm>> -> memref<128xi32, #tpu.memory_space<hbm>>
        %dma_wait3A_38 = tpu.memref_slice %arg3[%add3A_22] : memref<327680xi32, #tpu.memory_space<hbm>> -> memref<128xi32, #tpu.memory_space<hbm>>
        tpu.wait_dma2 semaphore(%run_scoped3A : memref<!tpu.dma_semaphore, #tpu.memory_space<semaphore_mem>>) src(%dma_wait3A_38 : memref<128xi32, #tpu.memory_space<hbm>>) dst(%arg7 : memref<128xi32, #tpu.memory_space<vmem>>)
        tpu.yield
      }) : () -> ()
      "tpu.region"() ({
        %run_scoped3A = tpu.sem_alloc : memref<!tpu.dma_semaphore, #tpu.memory_space<semaphore_mem>>
        %dma_start3A_35 = tpu.memref_slice %arg4[%add3A_22] : memref<327680xi32, #tpu.memory_space<hbm>> -> memref<128xi32, #tpu.memory_space<hbm>>
        %dma_start3A_36 = tpu.memref_slice %arg4[%add3A_22] : memref<327680xi32, #tpu.memory_space<hbm>> -> memref<128xi32, #tpu.memory_space<hbm>>
        tpu.enqueue_dma source(%dma_start3A_36 : memref<128xi32, #tpu.memory_space<hbm>>) target(%arg8 : memref<128xi32, #tpu.memory_space<vmem>>) target_semaphore(%run_scoped3A : memref<!tpu.dma_semaphore, #tpu.memory_space<semaphore_mem>>)
        %dma_wait3A_37 = tpu.memref_slice %arg4[%add3A_22] : memref<327680xi32, #tpu.memory_space<hbm>> -> memref<128xi32, #tpu.memory_space<hbm>>
        %dma_wait3A_38 = tpu.memref_slice %arg4[%add3A_22] : memref<327680xi32, #tpu.memory_space<hbm>> -> memref<128xi32, #tpu.memory_space<hbm>>
        tpu.wait_dma2 semaphore(%run_scoped3A : memref<!tpu.dma_semaphore, #tpu.memory_space<semaphore_mem>>) src(%dma_wait3A_38 : memref<128xi32, #tpu.memory_space<hbm>>) dst(%arg8 : memref<128xi32, #tpu.memory_space<vmem>>)
        tpu.yield
      }) : () -> ()
      %dma_start3A = arith.constant 0 : i32
      %dma_start3A_23 = arith.constant 0 : i32
      %dma_start3A_24 = tpu.memref_slice %arg2[%arg0, %dma_start3A, %dma_start3A_23] : memref<2x10000x128xf32, #tpu.memory_space<hbm>> -> memref<1x10000x128xf32, #tpu.memory_space<hbm>>
      %dma_start3A_25 = tpu.memref_squeeze %dma_start3A_24 : memref<1x10000x128xf32, #tpu.memory_space<hbm>> -> memref<10000x128xf32, #tpu.memory_space<hbm>>
      %dma_start3A_26 = arith.constant 0 : i32
      %dma_start3A_27 = arith.constant 0 : i32
      %dma_start3A_28 = tpu.memref_slice %dma_start3A_25[%dma_start3A_26, %dma_start3A_27] : memref<10000x128xf32, #tpu.memory_space<hbm>> -> memref<10000x128xf32, #tpu.memory_space<hbm>>
      tpu.enqueue_indirect_dma source(%dma_start3A_28 : memref<10000x128xf32, #tpu.memory_space<hbm>>) target(%arg9 : memref<128x128xf32, #tpu.memory_space<vmem>>) offsets(%arg7 : memref<128xi32, #tpu.memory_space<vmem>>) semaphore(%arg10 : memref<!tpu.dma_semaphore, #tpu.memory_space<semaphore_mem>>)
      %dma_wait3A = arith.constant 0 : i32
      %dma_wait3A_29 = arith.constant 0 : i32
      %dma_wait3A_30 = tpu.memref_slice %arg2[%arg0, %dma_wait3A, %dma_wait3A_29] : memref<2x10000x128xf32, #tpu.memory_space<hbm>> -> memref<1x10000x128xf32, #tpu.memory_space<hbm>>
      %dma_wait3A_31 = tpu.memref_squeeze %dma_wait3A_30 : memref<1x10000x128xf32, #tpu.memory_space<hbm>> -> memref<10000x128xf32, #tpu.memory_space<hbm>>
      %dma_wait3A_32 = arith.constant 0 : i32
      %dma_wait3A_33 = arith.constant 0 : i32
      %dma_wait3A_34 = tpu.memref_slice %dma_wait3A_31[%dma_wait3A_32, %dma_wait3A_33] : memref<10000x128xf32, #tpu.memory_space<hbm>> -> memref<10000x128xf32, #tpu.memory_space<hbm>>
      tpu.wait_indirect_dma semaphore(%arg10 : memref<!tpu.dma_semaphore, #tpu.memory_space<semaphore_mem>>) src(%dma_wait3A_34 : memref<10000x128xf32, #tpu.memory_space<hbm>>) dst(%arg9 : memref<128x128xf32, #tpu.memory_space<vmem>>)
      "tpu.region"() ({
        %run_scoped3A = tpu.sem_alloc : memref<!tpu.dma_semaphore, #tpu.memory_space<semaphore_mem>>
        %dma_start3A_35 = arith.constant 0 : i32
        %dma_start3A_36 = arith.constant 0 : i32
        %dma_start3A_37 = tpu.memref_slice %arg11[%dma_start3A_35, %dma_start3A_36] : memref<10112x128xf32, #tpu.memory_space<vmem_shared>> -> memref<10112x128xf32, #tpu.memory_space<vmem_shared>>
        tpu.enqueue_indirect_dma source(%arg9 : memref<128x128xf32, #tpu.memory_space<vmem>>) target(%dma_start3A_37 : memref<10112x128xf32, #tpu.memory_space<vmem_shared>>) offsets(%arg8 : memref<128xi32, #tpu.memory_space<vmem>>) semaphore(%run_scoped3A : memref<!tpu.dma_semaphore, #tpu.memory_space<semaphore_mem>>) {add = true}
        %dma_wait3A_38 = arith.constant 0 : i32
        %dma_wait3A_39 = arith.constant 0 : i32
        %dma_wait3A_40 = tpu.memref_slice %arg11[%dma_wait3A_38, %dma_wait3A_39] : memref<10112x128xf32, #tpu.memory_space<vmem_shared>> -> memref<10112x128xf32, #tpu.memory_space<vmem_shared>>
        tpu.wait_indirect_dma semaphore(%run_scoped3A : memref<!tpu.dma_semaphore, #tpu.memory_space<semaphore_mem>>) src(%arg9 : memref<128x128xf32, #tpu.memory_space<vmem>>) dst(%dma_wait3A_40 : memref<10112x128xf32, #tpu.memory_space<vmem_shared>>)
        tpu.yield
      }) : () -> ()
    }
    %scan3A_13 = arith.constant 80 : i32
    %barrier3A_14 = arith.constant 0 : index
    tpu.barrier barrier_id(%barrier3A_14)
    %mul3A_15 = arith.constant 632 : i32
    %mul3A_16 = arith.muli %arg1, %mul3A_15 : i32
    %mul3A_17 = arith.constant 632 : i32
    %mul3A_18 = arith.muli %arg1, %mul3A_17 : i32
    "tpu.region"() ({
      %run_scoped3A = tpu.sem_alloc : memref<!tpu.dma_semaphore, #tpu.memory_space<semaphore_mem>>
      %dma_start3A = arith.constant 0 : i32
      %dma_start3A_19 = tpu.memref_slice %arg6[%arg0, %mul3A_18, %dma_start3A] : memref<2x10112x128xf32, #tpu.memory_space<hbm>> -> memref<1x632x128xf32, #tpu.memory_space<hbm>>
      %dma_start3A_20 = tpu.memref_squeeze %dma_start3A_19 : memref<1x632x128xf32, #tpu.memory_space<hbm>> -> memref<632x128xf32, #tpu.memory_space<hbm>>
      %dma_start3A_21 = arith.constant 0 : i32
      %dma_start3A_22 = tpu.memref_slice %arg11[%mul3A_16, %dma_start3A_21] : memref<10112x128xf32, #tpu.memory_space<vmem_shared>> -> memref<632x128xf32, #tpu.memory_space<vmem_shared>>
      tpu.enqueue_dma source(%dma_start3A_22 : memref<632x128xf32, #tpu.memory_space<vmem_shared>>) target(%dma_start3A_20 : memref<632x128xf32, #tpu.memory_space<hbm>>) target_semaphore(%run_scoped3A : memref<!tpu.dma_semaphore, #tpu.memory_space<semaphore_mem>>)
      %dma_wait3A = arith.constant 0 : i32
      %dma_wait3A_23 = tpu.memref_slice %arg6[%arg0, %mul3A_18, %dma_wait3A] : memref<2x10112x128xf32, #tpu.memory_space<hbm>> -> memref<1x632x128xf32, #tpu.memory_space<hbm>>
      %dma_wait3A_24 = tpu.memref_squeeze %dma_wait3A_23 : memref<1x632x128xf32, #tpu.memory_space<hbm>> -> memref<632x128xf32, #tpu.memory_space<hbm>>
      %dma_wait3A_25 = arith.constant 0 : i32
      %dma_wait3A_26 = tpu.memref_slice %arg11[%mul3A_16, %dma_wait3A_25] : memref<10112x128xf32, #tpu.memory_space<vmem_shared>> -> memref<632x128xf32, #tpu.memory_space<vmem_shared>>
      tpu.wait_dma2 semaphore(%run_scoped3A : memref<!tpu.dma_semaphore, #tpu.memory_space<semaphore_mem>>) src(%dma_wait3A_26 : memref<632x128xf32, #tpu.memory_space<vmem_shared>>) dst(%dma_wait3A_24 : memref<632x128xf32, #tpu.memory_space<hbm>>)
      tpu.yield
    }) : () -> ()
    return
  }
}

module attributes {stable_mosaic.version = 14 : i64} {
  func.func @_tc_input_body(%arg0: i32, %arg1: memref<1000x128xf32, #tpu.memory_space<vmem>>, %arg2: memref<128x128xf32, #tpu.memory_space<vmem>>, %arg3: memref<1x128xf32, #tpu.memory_space<vmem>>, %arg4: memref<1x128xf32, #tpu.memory_space<vmem>>, %arg5: memref<1x128xf32, #tpu.memory_space<vmem>>, %arg6: memref<2x1000x16xf32, #tpu.memory_space<vmem>>, %arg7: memref<128x128xf32, #tpu.memory_space<vmem>>, %arg8: memref<1000x128xf32, #tpu.memory_space<vmem>>, %arg9: memref<2x1000x128xf32, #tpu.memory_space<vmem>>) attributes {dimension_semantics = [#tpu.dimension_semantics<arbitrary>], iteration_bounds = array<i64: 10>, scalar_prefetch = 0 : i64, scratch_operands = 0 : i64, tpu.core_type = #tpu.core_type<tc>, window_params = [{transform_indices = @transform_0, window_bounds = array<i64: 1000, 128>}, {pipeline_mode = #tpu.pipeline_mode<synchronous>, transform_indices = @transform_1, window_bounds = array<i64: 128, 128>}, {pipeline_mode = #tpu.pipeline_mode<synchronous>, transform_indices = @transform_2, window_bounds = array<i64: 1, 128>}, {pipeline_mode = #tpu.pipeline_mode<synchronous>, transform_indices = @transform_3, window_bounds = array<i64: 1, 128>}, {pipeline_mode = #tpu.pipeline_mode<synchronous>, transform_indices = @transform_4, window_bounds = array<i64: 1, 128>}, {transform_indices = @transform_5, window_bounds = array<i64: 2, 1000, 16>}, {pipeline_mode = #tpu.pipeline_mode<synchronous>, transform_indices = @transform_6, window_bounds = array<i64: 128, 128>}, {transform_indices = @transform_7, window_bounds = array<i64: 1000, 128>}, {transform_indices = @transform_8, window_bounds = array<i64: 2, 1000, 128>}]} {
    %get3A = arith.constant 0 : index
    %get3A_0 = arith.constant 0 : index
    %get3A_1 = vector.load %arg1[%get3A, %get3A_0] : memref<1000x128xf32, #tpu.memory_space<vmem>>, vector<1000x128xf32>
    %get3A_2 = arith.constant 0 : index
    %get3A_3 = arith.constant 0 : index
    %get3A_4 = vector.load %arg2[%get3A_2, %get3A_3] : memref<128x128xf32, #tpu.memory_space<vmem>>, vector<128x128xf32>
    %transpose3A = tpu.transpose %get3A_4, [1, 0] : vector<128x128xf32> -> vector<128x128xf32>
    %dot_general3A = arith.constant dense<0.000000e+00> : vector<1000x128xf32>
    %dot_general3A_5 = tpu.matmul %get3A_1, %transpose3A, %dot_general3A {dimension_numbers = #tpu.dot_dimension_numbers<[1], [0], [0], [1], [0, 0, 1, 1], [], []>, transpose_lhs_hint = false} : vector<1000x128xf32>, vector<128x128xf32>, vector<1000x128xf32> -> vector<1000x128xf32>
    %get3A_6 = arith.constant 0 : index
    %get3A_7 = arith.constant 0 : index
    %get3A_8 = vector.load %arg3[%get3A_6, %get3A_7] : memref<1x128xf32, #tpu.memory_space<vmem>>, vector<1x128xf32>
    %add3A = vector.broadcast %get3A_8 : vector<1x128xf32> to vector<1000x128xf32>
    %add3A_9 = arith.addf %dot_general3A_5, %add3A : vector<1000x128xf32>
    %get3A_10 = arith.constant 0 : index
    %get3A_11 = arith.constant 0 : index
    %get3A_12 = vector.load %arg4[%get3A_10, %get3A_11] : memref<1x128xf32, #tpu.memory_space<vmem>>, vector<1x128xf32>
    %get3A_13 = arith.constant 0 : index
    %get3A_14 = arith.constant 0 : index
    %get3A_15 = vector.load %arg5[%get3A_13, %get3A_14] : memref<1x128xf32, #tpu.memory_space<vmem>>, vector<1x128xf32>
    %reduce_sum3A = arith.constant dense<0.000000e+00> : vector<1000xf32>
    %reduce_sum3A_16 = vector.multi_reduction <add>, %add3A_9, %reduce_sum3A [1] : vector<1000x128xf32> to vector<1000xf32>
    %broadcast_in_dim3A = vector.shape_cast %reduce_sum3A_16 : vector<1000xf32> to vector<1000x1xf32>
    %div3A = arith.constant 1.280000e+02 : f32
    %div3A_17 = vector.broadcast %div3A : f32 to vector<1000x1xf32>
    %div3A_18 = arith.divf %broadcast_in_dim3A, %div3A_17 : vector<1000x1xf32>
    %sub3A = vector.broadcast %div3A_18 : vector<1000x1xf32> to vector<1000x128xf32>
    %sub3A_19 = arith.subf %add3A_9, %sub3A : vector<1000x128xf32>
    %integer_pow3A = arith.mulf %sub3A_19, %sub3A_19 : vector<1000x128xf32>
    %reduce_sum3A_20 = arith.constant dense<0.000000e+00> : vector<1000xf32>
    %reduce_sum3A_21 = vector.multi_reduction <add>, %integer_pow3A, %reduce_sum3A_20 [1] : vector<1000x128xf32> to vector<1000xf32>
    %broadcast_in_dim3A_22 = vector.shape_cast %reduce_sum3A_21 : vector<1000xf32> to vector<1000x1xf32>
    %div3A_23 = arith.constant 1.280000e+02 : f32
    %div3A_24 = vector.broadcast %div3A_23 : f32 to vector<1000x1xf32>
    %div3A_25 = arith.divf %broadcast_in_dim3A_22, %div3A_24 : vector<1000x1xf32>
    %sub3A_26 = vector.broadcast %div3A_18 : vector<1000x1xf32> to vector<1000x128xf32>
    %sub3A_27 = arith.subf %add3A_9, %sub3A_26 : vector<1000x128xf32>
    %add3A_28 = arith.constant 9.99999974E-6 : f32
    %add3A_29 = vector.broadcast %add3A_28 : f32 to vector<1000x1xf32>
    %add3A_30 = arith.addf %div3A_25, %add3A_29 : vector<1000x1xf32>
    %rsqrt3A = math.rsqrt %add3A_30 : vector<1000x1xf32>
    %mul3A = vector.broadcast %rsqrt3A : vector<1000x1xf32> to vector<1000x128xf32>
    %mul3A_31 = arith.mulf %sub3A_27, %mul3A : vector<1000x128xf32>
    %mul3A_32 = vector.broadcast %get3A_12 : vector<1x128xf32> to vector<1000x128xf32>
    %mul3A_33 = arith.mulf %mul3A_31, %mul3A_32 : vector<1000x128xf32>
    %add3A_34 = vector.broadcast %get3A_15 : vector<1x128xf32> to vector<1000x128xf32>
    %add3A_35 = arith.addf %mul3A_33, %add3A_34 : vector<1000x128xf32>
    %max3A = arith.constant 0.000000e+00 : f32
    %max3A_36 = vector.broadcast %max3A : f32 to vector<1000x128xf32>
    %max3A_37 = arith.maximumf %add3A_35, %max3A_36 : vector<1000x128xf32>
    %swap3A = arith.constant 0 : index
    %swap3A_38 = arith.constant 0 : index
    %swap3A_39 = vector.load %arg8[%swap3A, %swap3A_38] : memref<1000x128xf32, #tpu.memory_space<vmem>>, vector<1000x128xf32>
    tpu.vector_store %arg8[%swap3A, %swap3A_38], %max3A_37 {strides = array<i32>} : memref<1000x128xf32, #tpu.memory_space<vmem>>, vector<1000x128xf32>,
    %get3A_40 = arith.constant 0 : index
    %get3A_41 = arith.constant 0 : index
    %get3A_42 = arith.constant 0 : index
    %get3A_43 = vector.load %arg6[%get3A_40, %get3A_41, %get3A_42] : memref<2x1000x16xf32, #tpu.memory_space<vmem>>, vector<1x1000x1xf32>
    %get3A_44 = vector.shape_cast %get3A_43 : vector<1x1000x1xf32> to vector<1000x1xf32>
    %get3A_45 = arith.constant 1 : index
    %get3A_46 = arith.constant 0 : index
    %get3A_47 = arith.constant 0 : index
    %get3A_48 = vector.load %arg6[%get3A_45, %get3A_46, %get3A_47] : memref<2x1000x16xf32, #tpu.memory_space<vmem>>, vector<1x1000x1xf32>
    %get3A_49 = vector.shape_cast %get3A_48 : vector<1x1000x1xf32> to vector<1000x1xf32>
    %add3A_50 = arith.addf %get3A_44, %get3A_49 : vector<1000x1xf32>
    %add3A_51 = arith.constant 1.000000e+00 : f32
    %add3A_52 = vector.broadcast %add3A_51 : f32 to vector<1000x1xf32>
    %add3A_53 = arith.addf %add3A_50, %add3A_52 : vector<1000x1xf32>
    %rsqrt3A_54 = math.rsqrt %add3A_53 : vector<1000x1xf32>
    %get3A_55 = arith.constant 0 : index
    %get3A_56 = arith.constant 0 : index
    %get3A_57 = vector.load %arg7[%get3A_55, %get3A_56] : memref<128x128xf32, #tpu.memory_space<vmem>>, vector<128x128xf32>
    %transpose3A_58 = tpu.transpose %get3A_57, [1, 0] : vector<128x128xf32> -> vector<128x128xf32>
    %dot_general3A_59 = arith.constant dense<0.000000e+00> : vector<1000x128xf32>
    %dot_general3A_60 = tpu.matmul %max3A_37, %transpose3A_58, %dot_general3A_59 {dimension_numbers = #tpu.dot_dimension_numbers<[1], [0], [0], [1], [0, 0, 1, 1], [], []>, transpose_lhs_hint = false} : vector<1000x128xf32>, vector<128x128xf32>, vector<1000x128xf32> -> vector<1000x128xf32>
    %mul3A_61 = vector.broadcast %rsqrt3A_54 : vector<1000x1xf32> to vector<1000x128xf32>
    %mul3A_62 = arith.mulf %dot_general3A_60, %mul3A_61 : vector<1000x128xf32>
    %swap3A_63 = arith.constant 0 : index
    %swap3A_64 = arith.constant 0 : index
    %swap3A_65 = arith.constant 0 : index
    %swap3A_66 = vector.load %arg9[%swap3A_63, %swap3A_64, %swap3A_65] : memref<2x1000x128xf32, #tpu.memory_space<vmem>>, vector<1x1000x128xf32>
    %swap3A_67 = vector.shape_cast %swap3A_66 : vector<1x1000x128xf32> to vector<1000x128xf32>
    %swap3A_68 = vector.shape_cast %mul3A_62 : vector<1000x128xf32> to vector<1x1000x128xf32>
    tpu.vector_store %arg9[%swap3A_63, %swap3A_64, %swap3A_65], %swap3A_68 {strides = array<i32>} : memref<2x1000x128xf32, #tpu.memory_space<vmem>>, vector<1x1000x128xf32>,
    %swap3A_69 = arith.constant 1 : index
    %swap3A_70 = arith.constant 0 : index
    %swap3A_71 = arith.constant 0 : index
    %swap3A_72 = vector.load %arg9[%swap3A_69, %swap3A_70, %swap3A_71] : memref<2x1000x128xf32, #tpu.memory_space<vmem>>, vector<1x1000x128xf32>
    %swap3A_73 = vector.shape_cast %swap3A_72 : vector<1x1000x128xf32> to vector<1000x128xf32>
    %swap3A_74 = vector.shape_cast %mul3A_62 : vector<1000x128xf32> to vector<1x1000x128xf32>
    tpu.vector_store %arg9[%swap3A_69, %swap3A_70, %swap3A_71], %swap3A_74 {strides = array<i32>} : memref<2x1000x128xf32, #tpu.memory_space<vmem>>, vector<1x1000x128xf32>,
    return
  }
  func.func @transform_0(%arg0: i32) -> (i32, i32) {
    %c0_i32 = arith.constant 0 : i32
    %c0_i32_0 = arith.constant 0 : i32
    return %arg0, %c0_i32 : i32, i32
  }
  func.func @transform_1(%arg0: i32) -> (i32, i32) {
    %c0_i32 = arith.constant 0 : i32
    %c0_i32_0 = arith.constant 0 : i32
    %c0_i32_1 = arith.constant 0 : i32
    return %c0_i32, %c0_i32_0 : i32, i32
  }
  func.func @transform_2(%arg0: i32) -> (i32, i32) {
    %c0_i32 = arith.constant 0 : i32
    %c0_i32_0 = arith.constant 0 : i32
    %c0_i32_1 = arith.constant 0 : i32
    return %c0_i32, %c0_i32_0 : i32, i32
  }
  func.func @transform_3(%arg0: i32) -> (i32, i32) {
    %c0_i32 = arith.constant 0 : i32
    %c0_i32_0 = arith.constant 0 : i32
    %c0_i32_1 = arith.constant 0 : i32
    return %c0_i32, %c0_i32_0 : i32, i32
  }
  func.func @transform_4(%arg0: i32) -> (i32, i32) {
    %c0_i32 = arith.constant 0 : i32
    %c0_i32_0 = arith.constant 0 : i32
    %c0_i32_1 = arith.constant 0 : i32
    return %c0_i32, %c0_i32_0 : i32, i32
  }
  func.func @transform_5(%arg0: i32) -> (i32, i32, i32) {
    %c0_i32 = arith.constant 0 : i32
    %c0_i32_0 = arith.constant 0 : i32
    %c0_i32_1 = arith.constant 0 : i32
    return %c0_i32, %arg0, %c0_i32_0 : i32, i32, i32
  }
  func.func @transform_6(%arg0: i32) -> (i32, i32) {
    %c0_i32 = arith.constant 0 : i32
    %c0_i32_0 = arith.constant 0 : i32
    %c0_i32_1 = arith.constant 0 : i32
    return %c0_i32, %c0_i32_0 : i32, i32
  }
  func.func @transform_7(%arg0: i32) -> (i32, i32) {
    %c0_i32 = arith.constant 0 : i32
    %c0_i32_0 = arith.constant 0 : i32
    return %arg0, %c0_i32 : i32, i32
  }
  func.func @transform_8(%arg0: i32) -> (i32, i32, i32) {
    %c0_i32 = arith.constant 0 : i32
    %c0_i32_0 = arith.constant 0 : i32
    %c0_i32_1 = arith.constant 0 : i32
    return %c0_i32, %arg0, %c0_i32_0 : i32, i32, i32
  }
}

module attributes {stable_mosaic.version = 14 : i64} {
  func.func @_tc_layer_body(%arg0: i32, %arg1: memref<2x1000x128xf32, #tpu.memory_space<vmem>>, %arg2: memref<2x1000x128xf32, #tpu.memory_space<vmem>>, %arg3: memref<2x1000x16xf32, #tpu.memory_space<vmem>>, %arg4: memref<1000x128xf32, #tpu.memory_space<vmem>>, %arg5: memref<1x128xf32, #tpu.memory_space<vmem>>, %arg6: memref<1x128xf32, #tpu.memory_space<vmem>>, %arg7: memref<1x128xf32, #tpu.memory_space<vmem>>, %arg8: memref<128x128xf32, #tpu.memory_space<vmem>>, %arg9: memref<1x128xf32, #tpu.memory_space<vmem>>, %arg10: memref<1000x128xf32, #tpu.memory_space<vmem>>, %arg11: memref<2x1000x128xf32, #tpu.memory_space<vmem>>) attributes {dimension_semantics = [#tpu.dimension_semantics<arbitrary>], iteration_bounds = array<i64: 10>, scalar_prefetch = 0 : i64, scratch_operands = 0 : i64, tpu.core_type = #tpu.core_type<tc>, window_params = [{transform_indices = @transform_0, window_bounds = array<i64: 2, 1000, 128>}, {transform_indices = @transform_1, window_bounds = array<i64: 2, 1000, 128>}, {transform_indices = @transform_2, window_bounds = array<i64: 2, 1000, 16>}, {transform_indices = @transform_3, window_bounds = array<i64: 1000, 128>}, {pipeline_mode = #tpu.pipeline_mode<synchronous>, transform_indices = @transform_4, window_bounds = array<i64: 1, 128>}, {pipeline_mode = #tpu.pipeline_mode<synchronous>, transform_indices = @transform_5, window_bounds = array<i64: 1, 128>}, {pipeline_mode = #tpu.pipeline_mode<synchronous>, transform_indices = @transform_6, window_bounds = array<i64: 1, 128>}, {pipeline_mode = #tpu.pipeline_mode<synchronous>, transform_indices = @transform_7, window_bounds = array<i64: 128, 128>}, {pipeline_mode = #tpu.pipeline_mode<synchronous>, transform_indices = @transform_8, window_bounds = array<i64: 1, 128>}, {transform_indices = @transform_9, window_bounds = array<i64: 1000, 128>}, {transform_indices = @transform_10, window_bounds = array<i64: 2, 1000, 128>}]} {
    %get3A = arith.constant 0 : index
    %get3A_0 = arith.constant 0 : index
    %get3A_1 = arith.constant 0 : index
    %get3A_2 = vector.load %arg3[%get3A, %get3A_0, %get3A_1] : memref<2x1000x16xf32, #tpu.memory_space<vmem>>, vector<1x1000x1xf32>
    %get3A_3 = vector.shape_cast %get3A_2 : vector<1x1000x1xf32> to vector<1000x1xf32>
    %get3A_4 = arith.constant 1 : index
    %get3A_5 = arith.constant 0 : index
    %get3A_6 = arith.constant 0 : index
    %get3A_7 = vector.load %arg3[%get3A_4, %get3A_5, %get3A_6] : memref<2x1000x16xf32, #tpu.memory_space<vmem>>, vector<1x1000x1xf32>
    %get3A_8 = vector.shape_cast %get3A_7 : vector<1x1000x1xf32> to vector<1000x1xf32>
    %add3A = arith.addf %get3A_3, %get3A_8 : vector<1000x1xf32>
    %add3A_9 = arith.constant 1.000000e+00 : f32
    %add3A_10 = vector.broadcast %add3A_9 : f32 to vector<1000x1xf32>
    %add3A_11 = arith.addf %add3A, %add3A_10 : vector<1000x1xf32>
    %rsqrt3A = math.rsqrt %add3A_11 : vector<1000x1xf32>
    %get3A_12 = arith.constant 0 : index
    %get3A_13 = arith.constant 0 : index
    %get3A_14 = arith.constant 0 : index
    %get3A_15 = vector.load %arg1[%get3A_12, %get3A_13, %get3A_14] : memref<2x1000x128xf32, #tpu.memory_space<vmem>>, vector<1x1000x128xf32>
    %get3A_16 = vector.shape_cast %get3A_15 : vector<1x1000x128xf32> to vector<1000x128xf32>
    %get3A_17 = arith.constant 1 : index
    %get3A_18 = arith.constant 0 : index
    %get3A_19 = arith.constant 0 : index
    %get3A_20 = vector.load %arg1[%get3A_17, %get3A_18, %get3A_19] : memref<2x1000x128xf32, #tpu.memory_space<vmem>>, vector<1x1000x128xf32>
    %get3A_21 = vector.shape_cast %get3A_20 : vector<1x1000x128xf32> to vector<1000x128xf32>
    %add3A_22 = arith.addf %get3A_16, %get3A_21 : vector<1000x128xf32>
    %get3A_23 = arith.constant 0 : index
    %get3A_24 = arith.constant 0 : index
    %get3A_25 = arith.constant 0 : index
    %get3A_26 = vector.load %arg2[%get3A_23, %get3A_24, %get3A_25] : memref<2x1000x128xf32, #tpu.memory_space<vmem>>, vector<1x1000x128xf32>
    %get3A_27 = vector.shape_cast %get3A_26 : vector<1x1000x128xf32> to vector<1000x128xf32>
    %add3A_28 = arith.addf %add3A_22, %get3A_27 : vector<1000x128xf32>
    %mul3A = vector.broadcast %rsqrt3A : vector<1000x1xf32> to vector<1000x128xf32>
    %mul3A_29 = arith.mulf %add3A_28, %mul3A : vector<1000x128xf32>
    %get3A_30 = arith.constant 0 : index
    %get3A_31 = arith.constant 0 : index
    %get3A_32 = vector.load %arg5[%get3A_30, %get3A_31] : memref<1x128xf32, #tpu.memory_space<vmem>>, vector<1x128xf32>
    %add3A_33 = vector.broadcast %get3A_32 : vector<1x128xf32> to vector<1000x128xf32>
    %add3A_34 = arith.addf %mul3A_29, %add3A_33 : vector<1000x128xf32>
    %get3A_35 = arith.constant 0 : index
    %get3A_36 = arith.constant 0 : index
    %get3A_37 = vector.load %arg6[%get3A_35, %get3A_36] : memref<1x128xf32, #tpu.memory_space<vmem>>, vector<1x128xf32>
    %get3A_38 = arith.constant 0 : index
    %get3A_39 = arith.constant 0 : index
    %get3A_40 = vector.load %arg7[%get3A_38, %get3A_39] : memref<1x128xf32, #tpu.memory_space<vmem>>, vector<1x128xf32>
    %reduce_sum3A = arith.constant dense<0.000000e+00> : vector<1000xf32>
    %reduce_sum3A_41 = vector.multi_reduction <add>, %add3A_34, %reduce_sum3A [1] : vector<1000x128xf32> to vector<1000xf32>
    %broadcast_in_dim3A = vector.shape_cast %reduce_sum3A_41 : vector<1000xf32> to vector<1000x1xf32>
    %div3A = arith.constant 1.280000e+02 : f32
    %div3A_42 = vector.broadcast %div3A : f32 to vector<1000x1xf32>
    %div3A_43 = arith.divf %broadcast_in_dim3A, %div3A_42 : vector<1000x1xf32>
    %sub3A = vector.broadcast %div3A_43 : vector<1000x1xf32> to vector<1000x128xf32>
    %sub3A_44 = arith.subf %add3A_34, %sub3A : vector<1000x128xf32>
    %integer_pow3A = arith.mulf %sub3A_44, %sub3A_44 : vector<1000x128xf32>
    %reduce_sum3A_45 = arith.constant dense<0.000000e+00> : vector<1000xf32>
    %reduce_sum3A_46 = vector.multi_reduction <add>, %integer_pow3A, %reduce_sum3A_45 [1] : vector<1000x128xf32> to vector<1000xf32>
    %broadcast_in_dim3A_47 = vector.shape_cast %reduce_sum3A_46 : vector<1000xf32> to vector<1000x1xf32>
    %div3A_48 = arith.constant 1.280000e+02 : f32
    %div3A_49 = vector.broadcast %div3A_48 : f32 to vector<1000x1xf32>
    %div3A_50 = arith.divf %broadcast_in_dim3A_47, %div3A_49 : vector<1000x1xf32>
    %sub3A_51 = vector.broadcast %div3A_43 : vector<1000x1xf32> to vector<1000x128xf32>
    %sub3A_52 = arith.subf %add3A_34, %sub3A_51 : vector<1000x128xf32>
    %add3A_53 = arith.constant 9.99999974E-6 : f32
    %add3A_54 = vector.broadcast %add3A_53 : f32 to vector<1000x1xf32>
    %add3A_55 = arith.addf %div3A_50, %add3A_54 : vector<1000x1xf32>
    %rsqrt3A_56 = math.rsqrt %add3A_55 : vector<1000x1xf32>
    %mul3A_57 = vector.broadcast %rsqrt3A_56 : vector<1000x1xf32> to vector<1000x128xf32>
    %mul3A_58 = arith.mulf %sub3A_52, %mul3A_57 : vector<1000x128xf32>
    %mul3A_59 = vector.broadcast %get3A_37 : vector<1x128xf32> to vector<1000x128xf32>
    %mul3A_60 = arith.mulf %mul3A_58, %mul3A_59 : vector<1000x128xf32>
    %add3A_61 = vector.broadcast %get3A_40 : vector<1x128xf32> to vector<1000x128xf32>
    %add3A_62 = arith.addf %mul3A_60, %add3A_61 : vector<1000x128xf32>
    %max3A = arith.constant 0.000000e+00 : f32
    %max3A_63 = vector.broadcast %max3A : f32 to vector<1000x128xf32>
    %max3A_64 = arith.maximumf %add3A_62, %max3A_63 : vector<1000x128xf32>
    %get3A_65 = arith.constant 0 : index
    %get3A_66 = arith.constant 0 : index
    %get3A_67 = vector.load %arg4[%get3A_65, %get3A_66] : memref<1000x128xf32, #tpu.memory_space<vmem>>, vector<1000x128xf32>
    %add3A_68 = arith.addf %max3A_64, %get3A_67 : vector<1000x128xf32>
    %swap3A = arith.constant 0 : index
    %swap3A_69 = arith.constant 0 : index
    %swap3A_70 = vector.load %arg10[%swap3A, %swap3A_69] : memref<1000x128xf32, #tpu.memory_space<vmem>>, vector<1000x128xf32>
    tpu.vector_store %arg10[%swap3A, %swap3A_69], %add3A_68 {strides = array<i32>} : memref<1000x128xf32, #tpu.memory_space<vmem>>, vector<1000x128xf32>,
    %get3A_71 = arith.constant 0 : index
    %get3A_72 = arith.constant 0 : index
    %get3A_73 = vector.load %arg8[%get3A_71, %get3A_72] : memref<128x128xf32, #tpu.memory_space<vmem>>, vector<128x128xf32>
    %transpose3A = tpu.transpose %get3A_73, [1, 0] : vector<128x128xf32> -> vector<128x128xf32>
    %dot_general3A = arith.constant dense<0.000000e+00> : vector<1000x128xf32>
    %dot_general3A_74 = tpu.matmul %add3A_68, %transpose3A, %dot_general3A {dimension_numbers = #tpu.dot_dimension_numbers<[1], [0], [0], [1], [0, 0, 1, 1], [], []>, transpose_lhs_hint = false} : vector<1000x128xf32>, vector<128x128xf32>, vector<1000x128xf32> -> vector<1000x128xf32>
    %mul3A_75 = vector.broadcast %rsqrt3A : vector<1000x1xf32> to vector<1000x128xf32>
    %mul3A_76 = arith.mulf %dot_general3A_74, %mul3A_75 : vector<1000x128xf32>
    %swap3A_77 = arith.constant 0 : index
    %swap3A_78 = arith.constant 0 : index
    %swap3A_79 = arith.constant 0 : index
    %swap3A_80 = vector.load %arg11[%swap3A_77, %swap3A_78, %swap3A_79] : memref<2x1000x128xf32, #tpu.memory_space<vmem>>, vector<1x1000x128xf32>
    %swap3A_81 = vector.shape_cast %swap3A_80 : vector<1x1000x128xf32> to vector<1000x128xf32>
    %swap3A_82 = vector.shape_cast %mul3A_76 : vector<1000x128xf32> to vector<1x1000x128xf32>
    tpu.vector_store %arg11[%swap3A_77, %swap3A_78, %swap3A_79], %swap3A_82 {strides = array<i32>} : memref<2x1000x128xf32, #tpu.memory_space<vmem>>, vector<1x1000x128xf32>,
    %mul3A_83 = vector.broadcast %rsqrt3A : vector<1000x1xf32> to vector<1000x128xf32>
    %mul3A_84 = arith.mulf %dot_general3A_74, %mul3A_83 : vector<1000x128xf32>
    %swap3A_85 = arith.constant 1 : index
    %swap3A_86 = arith.constant 0 : index
    %swap3A_87 = arith.constant 0 : index
    %swap3A_88 = vector.load %arg11[%swap3A_85, %swap3A_86, %swap3A_87] : memref<2x1000x128xf32, #tpu.memory_space<vmem>>, vector<1x1000x128xf32>
    %swap3A_89 = vector.shape_cast %swap3A_88 : vector<1x1000x128xf32> to vector<1000x128xf32>
    %swap3A_90 = vector.shape_cast %mul3A_84 : vector<1000x128xf32> to vector<1x1000x128xf32>
    tpu.vector_store %arg11[%swap3A_85, %swap3A_86, %swap3A_87], %swap3A_90 {strides = array<i32>} : memref<2x1000x128xf32, #tpu.memory_space<vmem>>, vector<1x1000x128xf32>,
    return
  }
  func.func @transform_0(%arg0: i32) -> (i32, i32, i32) {
    %c0_i32 = arith.constant 0 : i32
    %c0_i32_0 = arith.constant 0 : i32
    %c0_i32_1 = arith.constant 0 : i32
    return %c0_i32, %arg0, %c0_i32_0 : i32, i32, i32
  }
  func.func @transform_1(%arg0: i32) -> (i32, i32, i32) {
    %c0_i32 = arith.constant 0 : i32
    %c0_i32_0 = arith.constant 0 : i32
    %c0_i32_1 = arith.constant 0 : i32
    return %c0_i32, %arg0, %c0_i32_0 : i32, i32, i32
  }
  func.func @transform_2(%arg0: i32) -> (i32, i32, i32) {
    %c0_i32 = arith.constant 0 : i32
    %c0_i32_0 = arith.constant 0 : i32
    %c0_i32_1 = arith.constant 0 : i32
    return %c0_i32, %arg0, %c0_i32_0 : i32, i32, i32
  }
  func.func @transform_3(%arg0: i32) -> (i32, i32) {
    %c0_i32 = arith.constant 0 : i32
    %c0_i32_0 = arith.constant 0 : i32
    return %arg0, %c0_i32 : i32, i32
  }
  func.func @transform_4(%arg0: i32) -> (i32, i32) {
    %c0_i32 = arith.constant 0 : i32
    %c0_i32_0 = arith.constant 0 : i32
    %c0_i32_1 = arith.constant 0 : i32
    return %c0_i32, %c0_i32_0 : i32, i32
  }
  func.func @transform_5(%arg0: i32) -> (i32, i32) {
    %c0_i32 = arith.constant 0 : i32
    %c0_i32_0 = arith.constant 0 : i32
    %c0_i32_1 = arith.constant 0 : i32
    return %c0_i32, %c0_i32_0 : i32, i32
  }
  func.func @transform_6(%arg0: i32) -> (i32, i32) {
    %c0_i32 = arith.constant 0 : i32
    %c0_i32_0 = arith.constant 0 : i32
    %c0_i32_1 = arith.constant 0 : i32
    return %c0_i32, %c0_i32_0 : i32, i32
  }
  func.func @transform_7(%arg0: i32) -> (i32, i32) {
    %c0_i32 = arith.constant 0 : i32
    %c0_i32_0 = arith.constant 0 : i32
    %c0_i32_1 = arith.constant 0 : i32
    return %c0_i32, %c0_i32_0 : i32, i32
  }
  func.func @transform_8(%arg0: i32) -> (i32, i32) {
    %c0_i32 = arith.constant 0 : i32
    %c0_i32_0 = arith.constant 0 : i32
    %c0_i32_1 = arith.constant 0 : i32
    return %c0_i32, %c0_i32_0 : i32, i32
  }
  func.func @transform_9(%arg0: i32) -> (i32, i32) {
    %c0_i32 = arith.constant 0 : i32
    %c0_i32_0 = arith.constant 0 : i32
    return %arg0, %c0_i32 : i32, i32
  }
  func.func @transform_10(%arg0: i32) -> (i32, i32, i32) {
    %c0_i32 = arith.constant 0 : i32
    %c0_i32_0 = arith.constant 0 : i32
    %c0_i32_1 = arith.constant 0 : i32
    return %c0_i32, %arg0, %c0_i32_0 : i32, i32, i32
  }
}

module attributes {stable_mosaic.version = 14 : i64} {
  func.func @_tc_layer_body(%arg0: i32, %arg1: memref<2x1000x128xf32, #tpu.memory_space<vmem>>, %arg2: memref<2x1000x128xf32, #tpu.memory_space<vmem>>, %arg3: memref<2x1000x16xf32, #tpu.memory_space<vmem>>, %arg4: memref<1000x128xf32, #tpu.memory_space<vmem>>, %arg5: memref<1x128xf32, #tpu.memory_space<vmem>>, %arg6: memref<1x128xf32, #tpu.memory_space<vmem>>, %arg7: memref<1x128xf32, #tpu.memory_space<vmem>>, %arg8: memref<128x128xf32, #tpu.memory_space<vmem>>, %arg9: memref<1x128xf32, #tpu.memory_space<vmem>>, %arg10: memref<1000x128xf32, #tpu.memory_space<vmem>>, %arg11: memref<2x1000x128xf32, #tpu.memory_space<vmem>>) attributes {dimension_semantics = [#tpu.dimension_semantics<arbitrary>], iteration_bounds = array<i64: 10>, scalar_prefetch = 0 : i64, scratch_operands = 0 : i64, tpu.core_type = #tpu.core_type<tc>, window_params = [{transform_indices = @transform_0, window_bounds = array<i64: 2, 1000, 128>}, {transform_indices = @transform_1, window_bounds = array<i64: 2, 1000, 128>}, {transform_indices = @transform_2, window_bounds = array<i64: 2, 1000, 16>}, {transform_indices = @transform_3, window_bounds = array<i64: 1000, 128>}, {pipeline_mode = #tpu.pipeline_mode<synchronous>, transform_indices = @transform_4, window_bounds = array<i64: 1, 128>}, {pipeline_mode = #tpu.pipeline_mode<synchronous>, transform_indices = @transform_5, window_bounds = array<i64: 1, 128>}, {pipeline_mode = #tpu.pipeline_mode<synchronous>, transform_indices = @transform_6, window_bounds = array<i64: 1, 128>}, {pipeline_mode = #tpu.pipeline_mode<synchronous>, transform_indices = @transform_7, window_bounds = array<i64: 128, 128>}, {pipeline_mode = #tpu.pipeline_mode<synchronous>, transform_indices = @transform_8, window_bounds = array<i64: 1, 128>}, {transform_indices = @transform_9, window_bounds = array<i64: 1000, 128>}, {transform_indices = @transform_10, window_bounds = array<i64: 2, 1000, 128>}]} {
    %get3A = arith.constant 0 : index
    %get3A_0 = arith.constant 0 : index
    %get3A_1 = arith.constant 0 : index
    %get3A_2 = vector.load %arg3[%get3A, %get3A_0, %get3A_1] : memref<2x1000x16xf32, #tpu.memory_space<vmem>>, vector<1x1000x1xf32>
    %get3A_3 = vector.shape_cast %get3A_2 : vector<1x1000x1xf32> to vector<1000x1xf32>
    %get3A_4 = arith.constant 1 : index
    %get3A_5 = arith.constant 0 : index
    %get3A_6 = arith.constant 0 : index
    %get3A_7 = vector.load %arg3[%get3A_4, %get3A_5, %get3A_6] : memref<2x1000x16xf32, #tpu.memory_space<vmem>>, vector<1x1000x1xf32>
    %get3A_8 = vector.shape_cast %get3A_7 : vector<1x1000x1xf32> to vector<1000x1xf32>
    %add3A = arith.addf %get3A_3, %get3A_8 : vector<1000x1xf32>
    %add3A_9 = arith.constant 1.000000e+00 : f32
    %add3A_10 = vector.broadcast %add3A_9 : f32 to vector<1000x1xf32>
    %add3A_11 = arith.addf %add3A, %add3A_10 : vector<1000x1xf32>
    %rsqrt3A = math.rsqrt %add3A_11 : vector<1000x1xf32>
    %get3A_12 = arith.constant 0 : index
    %get3A_13 = arith.constant 0 : index
    %get3A_14 = arith.constant 0 : index
    %get3A_15 = vector.load %arg1[%get3A_12, %get3A_13, %get3A_14] : memref<2x1000x128xf32, #tpu.memory_space<vmem>>, vector<1x1000x128xf32>
    %get3A_16 = vector.shape_cast %get3A_15 : vector<1x1000x128xf32> to vector<1000x128xf32>
    %get3A_17 = arith.constant 1 : index
    %get3A_18 = arith.constant 0 : index
    %get3A_19 = arith.constant 0 : index
    %get3A_20 = vector.load %arg1[%get3A_17, %get3A_18, %get3A_19] : memref<2x1000x128xf32, #tpu.memory_space<vmem>>, vector<1x1000x128xf32>
    %get3A_21 = vector.shape_cast %get3A_20 : vector<1x1000x128xf32> to vector<1000x128xf32>
    %add3A_22 = arith.addf %get3A_16, %get3A_21 : vector<1000x128xf32>
    %get3A_23 = arith.constant 0 : index
    %get3A_24 = arith.constant 0 : index
    %get3A_25 = arith.constant 0 : index
    %get3A_26 = vector.load %arg2[%get3A_23, %get3A_24, %get3A_25] : memref<2x1000x128xf32, #tpu.memory_space<vmem>>, vector<1x1000x128xf32>
    %get3A_27 = vector.shape_cast %get3A_26 : vector<1x1000x128xf32> to vector<1000x128xf32>
    %add3A_28 = arith.addf %add3A_22, %get3A_27 : vector<1000x128xf32>
    %mul3A = vector.broadcast %rsqrt3A : vector<1000x1xf32> to vector<1000x128xf32>
    %mul3A_29 = arith.mulf %add3A_28, %mul3A : vector<1000x128xf32>
    %get3A_30 = arith.constant 0 : index
    %get3A_31 = arith.constant 0 : index
    %get3A_32 = vector.load %arg5[%get3A_30, %get3A_31] : memref<1x128xf32, #tpu.memory_space<vmem>>, vector<1x128xf32>
    %add3A_33 = vector.broadcast %get3A_32 : vector<1x128xf32> to vector<1000x128xf32>
    %add3A_34 = arith.addf %mul3A_29, %add3A_33 : vector<1000x128xf32>
    %get3A_35 = arith.constant 0 : index
    %get3A_36 = arith.constant 0 : index
    %get3A_37 = vector.load %arg6[%get3A_35, %get3A_36] : memref<1x128xf32, #tpu.memory_space<vmem>>, vector<1x128xf32>
    %get3A_38 = arith.constant 0 : index
    %get3A_39 = arith.constant 0 : index
    %get3A_40 = vector.load %arg7[%get3A_38, %get3A_39] : memref<1x128xf32, #tpu.memory_space<vmem>>, vector<1x128xf32>
    %reduce_sum3A = arith.constant dense<0.000000e+00> : vector<1000xf32>
    %reduce_sum3A_41 = vector.multi_reduction <add>, %add3A_34, %reduce_sum3A [1] : vector<1000x128xf32> to vector<1000xf32>
    %broadcast_in_dim3A = vector.shape_cast %reduce_sum3A_41 : vector<1000xf32> to vector<1000x1xf32>
    %div3A = arith.constant 1.280000e+02 : f32
    %div3A_42 = vector.broadcast %div3A : f32 to vector<1000x1xf32>
    %div3A_43 = arith.divf %broadcast_in_dim3A, %div3A_42 : vector<1000x1xf32>
    %sub3A = vector.broadcast %div3A_43 : vector<1000x1xf32> to vector<1000x128xf32>
    %sub3A_44 = arith.subf %add3A_34, %sub3A : vector<1000x128xf32>
    %integer_pow3A = arith.mulf %sub3A_44, %sub3A_44 : vector<1000x128xf32>
    %reduce_sum3A_45 = arith.constant dense<0.000000e+00> : vector<1000xf32>
    %reduce_sum3A_46 = vector.multi_reduction <add>, %integer_pow3A, %reduce_sum3A_45 [1] : vector<1000x128xf32> to vector<1000xf32>
    %broadcast_in_dim3A_47 = vector.shape_cast %reduce_sum3A_46 : vector<1000xf32> to vector<1000x1xf32>
    %div3A_48 = arith.constant 1.280000e+02 : f32
    %div3A_49 = vector.broadcast %div3A_48 : f32 to vector<1000x1xf32>
    %div3A_50 = arith.divf %broadcast_in_dim3A_47, %div3A_49 : vector<1000x1xf32>
    %sub3A_51 = vector.broadcast %div3A_43 : vector<1000x1xf32> to vector<1000x128xf32>
    %sub3A_52 = arith.subf %add3A_34, %sub3A_51 : vector<1000x128xf32>
    %add3A_53 = arith.constant 9.99999974E-6 : f32
    %add3A_54 = vector.broadcast %add3A_53 : f32 to vector<1000x1xf32>
    %add3A_55 = arith.addf %div3A_50, %add3A_54 : vector<1000x1xf32>
    %rsqrt3A_56 = math.rsqrt %add3A_55 : vector<1000x1xf32>
    %mul3A_57 = vector.broadcast %rsqrt3A_56 : vector<1000x1xf32> to vector<1000x128xf32>
    %mul3A_58 = arith.mulf %sub3A_52, %mul3A_57 : vector<1000x128xf32>
    %mul3A_59 = vector.broadcast %get3A_37 : vector<1x128xf32> to vector<1000x128xf32>
    %mul3A_60 = arith.mulf %mul3A_58, %mul3A_59 : vector<1000x128xf32>
    %add3A_61 = vector.broadcast %get3A_40 : vector<1x128xf32> to vector<1000x128xf32>
    %add3A_62 = arith.addf %mul3A_60, %add3A_61 : vector<1000x128xf32>
    %max3A = arith.constant 0.000000e+00 : f32
    %max3A_63 = vector.broadcast %max3A : f32 to vector<1000x128xf32>
    %max3A_64 = arith.maximumf %add3A_62, %max3A_63 : vector<1000x128xf32>
    %swap3A = arith.constant 0 : index
    %swap3A_65 = arith.constant 0 : index
    %swap3A_66 = vector.load %arg10[%swap3A, %swap3A_65] : memref<1000x128xf32, #tpu.memory_space<vmem>>, vector<1000x128xf32>
    tpu.vector_store %arg10[%swap3A, %swap3A_65], %max3A_64 {strides = array<i32>} : memref<1000x128xf32, #tpu.memory_space<vmem>>, vector<1000x128xf32>,
    %get3A_67 = arith.constant 0 : index
    %get3A_68 = arith.constant 0 : index
    %get3A_69 = vector.load %arg8[%get3A_67, %get3A_68] : memref<128x128xf32, #tpu.memory_space<vmem>>, vector<128x128xf32>
    %transpose3A = tpu.transpose %get3A_69, [1, 0] : vector<128x128xf32> -> vector<128x128xf32>
    %dot_general3A = arith.constant dense<0.000000e+00> : vector<1000x128xf32>
    %dot_general3A_70 = tpu.matmul %max3A_64, %transpose3A, %dot_general3A {dimension_numbers = #tpu.dot_dimension_numbers<[1], [0], [0], [1], [0, 0, 1, 1], [], []>, transpose_lhs_hint = false} : vector<1000x128xf32>, vector<128x128xf32>, vector<1000x128xf32> -> vector<1000x128xf32>
    %mul3A_71 = vector.broadcast %rsqrt3A : vector<1000x1xf32> to vector<1000x128xf32>
    %mul3A_72 = arith.mulf %dot_general3A_70, %mul3A_71 : vector<1000x128xf32>
    %swap3A_73 = arith.constant 0 : index
    %swap3A_74 = arith.constant 0 : index
    %swap3A_75 = arith.constant 0 : index
    %swap3A_76 = vector.load %arg11[%swap3A_73, %swap3A_74, %swap3A_75] : memref<2x1000x128xf32, #tpu.memory_space<vmem>>, vector<1x1000x128xf32>
    %swap3A_77 = vector.shape_cast %swap3A_76 : vector<1x1000x128xf32> to vector<1000x128xf32>
    %swap3A_78 = vector.shape_cast %mul3A_72 : vector<1000x128xf32> to vector<1x1000x128xf32>
    tpu.vector_store %arg11[%swap3A_73, %swap3A_74, %swap3A_75], %swap3A_78 {strides = array<i32>} : memref<2x1000x128xf32, #tpu.memory_space<vmem>>, vector<1x1000x128xf32>,
    %mul3A_79 = vector.broadcast %rsqrt3A : vector<1000x1xf32> to vector<1000x128xf32>
    %mul3A_80 = arith.mulf %dot_general3A_70, %mul3A_79 : vector<1000x128xf32>
    %swap3A_81 = arith.constant 1 : index
    %swap3A_82 = arith.constant 0 : index
    %swap3A_83 = arith.constant 0 : index
    %swap3A_84 = vector.load %arg11[%swap3A_81, %swap3A_82, %swap3A_83] : memref<2x1000x128xf32, #tpu.memory_space<vmem>>, vector<1x1000x128xf32>
    %swap3A_85 = vector.shape_cast %swap3A_84 : vector<1x1000x128xf32> to vector<1000x128xf32>
    %swap3A_86 = vector.shape_cast %mul3A_80 : vector<1000x128xf32> to vector<1x1000x128xf32>
    tpu.vector_store %arg11[%swap3A_81, %swap3A_82, %swap3A_83], %swap3A_86 {strides = array<i32>} : memref<2x1000x128xf32, #tpu.memory_space<vmem>>, vector<1x1000x128xf32>,
    return
  }
  func.func @transform_0(%arg0: i32) -> (i32, i32, i32) {
    %c0_i32 = arith.constant 0 : i32
    %c0_i32_0 = arith.constant 0 : i32
    %c0_i32_1 = arith.constant 0 : i32
    return %c0_i32, %arg0, %c0_i32_0 : i32, i32, i32
  }
  func.func @transform_1(%arg0: i32) -> (i32, i32, i32) {
    %c0_i32 = arith.constant 0 : i32
    %c0_i32_0 = arith.constant 0 : i32
    %c0_i32_1 = arith.constant 0 : i32
    return %c0_i32, %arg0, %c0_i32_0 : i32, i32, i32
  }
  func.func @transform_2(%arg0: i32) -> (i32, i32, i32) {
    %c0_i32 = arith.constant 0 : i32
    %c0_i32_0 = arith.constant 0 : i32
    %c0_i32_1 = arith.constant 0 : i32
    return %c0_i32, %arg0, %c0_i32_0 : i32, i32, i32
  }
  func.func @transform_3(%arg0: i32) -> (i32, i32) {
    %c0_i32 = arith.constant 0 : i32
    %c0_i32_0 = arith.constant 0 : i32
    return %arg0, %c0_i32 : i32, i32
  }
  func.func @transform_4(%arg0: i32) -> (i32, i32) {
    %c0_i32 = arith.constant 0 : i32
    %c0_i32_0 = arith.constant 0 : i32
    %c0_i32_1 = arith.constant 0 : i32
    return %c0_i32, %c0_i32_0 : i32, i32
  }
  func.func @transform_5(%arg0: i32) -> (i32, i32) {
    %c0_i32 = arith.constant 0 : i32
    %c0_i32_0 = arith.constant 0 : i32
    %c0_i32_1 = arith.constant 0 : i32
    return %c0_i32, %c0_i32_0 : i32, i32
  }
  func.func @transform_6(%arg0: i32) -> (i32, i32) {
    %c0_i32 = arith.constant 0 : i32
    %c0_i32_0 = arith.constant 0 : i32
    %c0_i32_1 = arith.constant 0 : i32
    return %c0_i32, %c0_i32_0 : i32, i32
  }
  func.func @transform_7(%arg0: i32) -> (i32, i32) {
    %c0_i32 = arith.constant 0 : i32
    %c0_i32_0 = arith.constant 0 : i32
    %c0_i32_1 = arith.constant 0 : i32
    return %c0_i32, %c0_i32_0 : i32, i32
  }
  func.func @transform_8(%arg0: i32) -> (i32, i32) {
    %c0_i32 = arith.constant 0 : i32
    %c0_i32_0 = arith.constant 0 : i32
    %c0_i32_1 = arith.constant 0 : i32
    return %c0_i32, %c0_i32_0 : i32, i32
  }
  func.func @transform_9(%arg0: i32) -> (i32, i32) {
    %c0_i32 = arith.constant 0 : i32
    %c0_i32_0 = arith.constant 0 : i32
    return %arg0, %c0_i32 : i32, i32
  }
  func.func @transform_10(%arg0: i32) -> (i32, i32, i32) {
    %c0_i32 = arith.constant 0 : i32
    %c0_i32_0 = arith.constant 0 : i32
    %c0_i32_1 = arith.constant 0 : i32
    return %c0_i32, %arg0, %c0_i32_0 : i32, i32, i32
  }
}

module attributes {stable_mosaic.version = 14 : i64} {
  func.func @_tc_layer_body(%arg0: i32, %arg1: memref<2x1000x128xf32, #tpu.memory_space<vmem>>, %arg2: memref<2x1000x128xf32, #tpu.memory_space<vmem>>, %arg3: memref<2x1000x16xf32, #tpu.memory_space<vmem>>, %arg4: memref<1000x128xf32, #tpu.memory_space<vmem>>, %arg5: memref<1x128xf32, #tpu.memory_space<vmem>>, %arg6: memref<1x128xf32, #tpu.memory_space<vmem>>, %arg7: memref<1x128xf32, #tpu.memory_space<vmem>>, %arg8: memref<384x128xf32, #tpu.memory_space<vmem>>, %arg9: memref<1x384xf32, #tpu.memory_space<vmem>>, %arg10: memref<1000x128xf32, #tpu.memory_space<vmem>>, %arg11: memref<1000x384xf32, #tpu.memory_space<vmem>>) attributes {dimension_semantics = [#tpu.dimension_semantics<arbitrary>], iteration_bounds = array<i64: 10>, scalar_prefetch = 0 : i64, scratch_operands = 0 : i64, tpu.core_type = #tpu.core_type<tc>, window_params = [{transform_indices = @transform_0, window_bounds = array<i64: 2, 1000, 128>}, {transform_indices = @transform_1, window_bounds = array<i64: 2, 1000, 128>}, {transform_indices = @transform_2, window_bounds = array<i64: 2, 1000, 16>}, {transform_indices = @transform_3, window_bounds = array<i64: 1000, 128>}, {pipeline_mode = #tpu.pipeline_mode<synchronous>, transform_indices = @transform_4, window_bounds = array<i64: 1, 128>}, {pipeline_mode = #tpu.pipeline_mode<synchronous>, transform_indices = @transform_5, window_bounds = array<i64: 1, 128>}, {pipeline_mode = #tpu.pipeline_mode<synchronous>, transform_indices = @transform_6, window_bounds = array<i64: 1, 128>}, {pipeline_mode = #tpu.pipeline_mode<synchronous>, transform_indices = @transform_7, window_bounds = array<i64: 384, 128>}, {pipeline_mode = #tpu.pipeline_mode<synchronous>, transform_indices = @transform_8, window_bounds = array<i64: 1, 384>}, {transform_indices = @transform_9, window_bounds = array<i64: 1000, 128>}, {transform_indices = @transform_10, window_bounds = array<i64: 1000, 384>}]} {
    %get3A = arith.constant 0 : index
    %get3A_0 = arith.constant 0 : index
    %get3A_1 = arith.constant 0 : index
    %get3A_2 = vector.load %arg3[%get3A, %get3A_0, %get3A_1] : memref<2x1000x16xf32, #tpu.memory_space<vmem>>, vector<1x1000x1xf32>
    %get3A_3 = vector.shape_cast %get3A_2 : vector<1x1000x1xf32> to vector<1000x1xf32>
    %get3A_4 = arith.constant 1 : index
    %get3A_5 = arith.constant 0 : index
    %get3A_6 = arith.constant 0 : index
    %get3A_7 = vector.load %arg3[%get3A_4, %get3A_5, %get3A_6] : memref<2x1000x16xf32, #tpu.memory_space<vmem>>, vector<1x1000x1xf32>
    %get3A_8 = vector.shape_cast %get3A_7 : vector<1x1000x1xf32> to vector<1000x1xf32>
    %add3A = arith.addf %get3A_3, %get3A_8 : vector<1000x1xf32>
    %add3A_9 = arith.constant 1.000000e+00 : f32
    %add3A_10 = vector.broadcast %add3A_9 : f32 to vector<1000x1xf32>
    %add3A_11 = arith.addf %add3A, %add3A_10 : vector<1000x1xf32>
    %rsqrt3A = math.rsqrt %add3A_11 : vector<1000x1xf32>
    %get3A_12 = arith.constant 0 : index
    %get3A_13 = arith.constant 0 : index
    %get3A_14 = arith.constant 0 : index
    %get3A_15 = vector.load %arg1[%get3A_12, %get3A_13, %get3A_14] : memref<2x1000x128xf32, #tpu.memory_space<vmem>>, vector<1x1000x128xf32>
    %get3A_16 = vector.shape_cast %get3A_15 : vector<1x1000x128xf32> to vector<1000x128xf32>
    %get3A_17 = arith.constant 1 : index
    %get3A_18 = arith.constant 0 : index
    %get3A_19 = arith.constant 0 : index
    %get3A_20 = vector.load %arg1[%get3A_17, %get3A_18, %get3A_19] : memref<2x1000x128xf32, #tpu.memory_space<vmem>>, vector<1x1000x128xf32>
    %get3A_21 = vector.shape_cast %get3A_20 : vector<1x1000x128xf32> to vector<1000x128xf32>
    %add3A_22 = arith.addf %get3A_16, %get3A_21 : vector<1000x128xf32>
    %get3A_23 = arith.constant 0 : index
    %get3A_24 = arith.constant 0 : index
    %get3A_25 = arith.constant 0 : index
    %get3A_26 = vector.load %arg2[%get3A_23, %get3A_24, %get3A_25] : memref<2x1000x128xf32, #tpu.memory_space<vmem>>, vector<1x1000x128xf32>
    %get3A_27 = vector.shape_cast %get3A_26 : vector<1x1000x128xf32> to vector<1000x128xf32>
    %add3A_28 = arith.addf %add3A_22, %get3A_27 : vector<1000x128xf32>
    %mul3A = vector.broadcast %rsqrt3A : vector<1000x1xf32> to vector<1000x128xf32>
    %mul3A_29 = arith.mulf %add3A_28, %mul3A : vector<1000x128xf32>
    %get3A_30 = arith.constant 0 : index
    %get3A_31 = arith.constant 0 : index
    %get3A_32 = vector.load %arg5[%get3A_30, %get3A_31] : memref<1x128xf32, #tpu.memory_space<vmem>>, vector<1x128xf32>
    %add3A_33 = vector.broadcast %get3A_32 : vector<1x128xf32> to vector<1000x128xf32>
    %add3A_34 = arith.addf %mul3A_29, %add3A_33 : vector<1000x128xf32>
    %get3A_35 = arith.constant 0 : index
    %get3A_36 = arith.constant 0 : index
    %get3A_37 = vector.load %arg6[%get3A_35, %get3A_36] : memref<1x128xf32, #tpu.memory_space<vmem>>, vector<1x128xf32>
    %get3A_38 = arith.constant 0 : index
    %get3A_39 = arith.constant 0 : index
    %get3A_40 = vector.load %arg7[%get3A_38, %get3A_39] : memref<1x128xf32, #tpu.memory_space<vmem>>, vector<1x128xf32>
    %reduce_sum3A = arith.constant dense<0.000000e+00> : vector<1000xf32>
    %reduce_sum3A_41 = vector.multi_reduction <add>, %add3A_34, %reduce_sum3A [1] : vector<1000x128xf32> to vector<1000xf32>
    %broadcast_in_dim3A = vector.shape_cast %reduce_sum3A_41 : vector<1000xf32> to vector<1000x1xf32>
    %div3A = arith.constant 1.280000e+02 : f32
    %div3A_42 = vector.broadcast %div3A : f32 to vector<1000x1xf32>
    %div3A_43 = arith.divf %broadcast_in_dim3A, %div3A_42 : vector<1000x1xf32>
    %sub3A = vector.broadcast %div3A_43 : vector<1000x1xf32> to vector<1000x128xf32>
    %sub3A_44 = arith.subf %add3A_34, %sub3A : vector<1000x128xf32>
    %integer_pow3A = arith.mulf %sub3A_44, %sub3A_44 : vector<1000x128xf32>
    %reduce_sum3A_45 = arith.constant dense<0.000000e+00> : vector<1000xf32>
    %reduce_sum3A_46 = vector.multi_reduction <add>, %integer_pow3A, %reduce_sum3A_45 [1] : vector<1000x128xf32> to vector<1000xf32>
    %broadcast_in_dim3A_47 = vector.shape_cast %reduce_sum3A_46 : vector<1000xf32> to vector<1000x1xf32>
    %div3A_48 = arith.constant 1.280000e+02 : f32
    %div3A_49 = vector.broadcast %div3A_48 : f32 to vector<1000x1xf32>
    %div3A_50 = arith.divf %broadcast_in_dim3A_47, %div3A_49 : vector<1000x1xf32>
    %sub3A_51 = vector.broadcast %div3A_43 : vector<1000x1xf32> to vector<1000x128xf32>
    %sub3A_52 = arith.subf %add3A_34, %sub3A_51 : vector<1000x128xf32>
    %add3A_53 = arith.constant 9.99999974E-6 : f32
    %add3A_54 = vector.broadcast %add3A_53 : f32 to vector<1000x1xf32>
    %add3A_55 = arith.addf %div3A_50, %add3A_54 : vector<1000x1xf32>
    %rsqrt3A_56 = math.rsqrt %add3A_55 : vector<1000x1xf32>
    %mul3A_57 = vector.broadcast %rsqrt3A_56 : vector<1000x1xf32> to vector<1000x128xf32>
    %mul3A_58 = arith.mulf %sub3A_52, %mul3A_57 : vector<1000x128xf32>
    %mul3A_59 = vector.broadcast %get3A_37 : vector<1x128xf32> to vector<1000x128xf32>
    %mul3A_60 = arith.mulf %mul3A_58, %mul3A_59 : vector<1000x128xf32>
    %add3A_61 = vector.broadcast %get3A_40 : vector<1x128xf32> to vector<1000x128xf32>
    %add3A_62 = arith.addf %mul3A_60, %add3A_61 : vector<1000x128xf32>
    %max3A = arith.constant 0.000000e+00 : f32
    %max3A_63 = vector.broadcast %max3A : f32 to vector<1000x128xf32>
    %max3A_64 = arith.maximumf %add3A_62, %max3A_63 : vector<1000x128xf32>
    %get3A_65 = arith.constant 0 : index
    %get3A_66 = arith.constant 0 : index
    %get3A_67 = vector.load %arg4[%get3A_65, %get3A_66] : memref<1000x128xf32, #tpu.memory_space<vmem>>, vector<1000x128xf32>
    %add3A_68 = arith.addf %max3A_64, %get3A_67 : vector<1000x128xf32>
    %swap3A = arith.constant 0 : index
    %swap3A_69 = arith.constant 0 : index
    %swap3A_70 = vector.load %arg10[%swap3A, %swap3A_69] : memref<1000x128xf32, #tpu.memory_space<vmem>>, vector<1000x128xf32>
    tpu.vector_store %arg10[%swap3A, %swap3A_69], %add3A_68 {strides = array<i32>} : memref<1000x128xf32, #tpu.memory_space<vmem>>, vector<1000x128xf32>,
    %get3A_71 = arith.constant 0 : index
    %get3A_72 = arith.constant 0 : index
    %get3A_73 = vector.load %arg8[%get3A_71, %get3A_72] : memref<384x128xf32, #tpu.memory_space<vmem>>, vector<384x128xf32>
    %transpose3A = tpu.transpose %get3A_73, [1, 0] : vector<384x128xf32> -> vector<128x384xf32>
    %dot_general3A = arith.constant dense<0.000000e+00> : vector<1000x384xf32>
    %dot_general3A_74 = tpu.matmul %add3A_68, %transpose3A, %dot_general3A {dimension_numbers = #tpu.dot_dimension_numbers<[1], [0], [0], [1], [0, 0, 1, 1], [], []>, transpose_lhs_hint = false} : vector<1000x128xf32>, vector<128x384xf32>, vector<1000x384xf32> -> vector<1000x384xf32>
    %get3A_75 = arith.constant 0 : index
    %get3A_76 = arith.constant 0 : index
    %get3A_77 = vector.load %arg9[%get3A_75, %get3A_76] : memref<1x384xf32, #tpu.memory_space<vmem>>, vector<1x384xf32>
    %add3A_78 = vector.broadcast %get3A_77 : vector<1x384xf32> to vector<1000x384xf32>
    %add3A_79 = arith.addf %dot_general3A_74, %add3A_78 : vector<1000x384xf32>
    %swap3A_80 = arith.constant 0 : index
    %swap3A_81 = arith.constant 0 : index
    %swap3A_82 = vector.load %arg11[%swap3A_80, %swap3A_81] : memref<1000x384xf32, #tpu.memory_space<vmem>>, vector<1000x384xf32>
    tpu.vector_store %arg11[%swap3A_80, %swap3A_81], %add3A_79 {strides = array<i32>} : memref<1000x384xf32, #tpu.memory_space<vmem>>, vector<1000x384xf32>,
    return
  }
  func.func @transform_0(%arg0: i32) -> (i32, i32, i32) {
    %c0_i32 = arith.constant 0 : i32
    %c0_i32_0 = arith.constant 0 : i32
    %c0_i32_1 = arith.constant 0 : i32
    return %c0_i32, %arg0, %c0_i32_0 : i32, i32, i32
  }
  func.func @transform_1(%arg0: i32) -> (i32, i32, i32) {
    %c0_i32 = arith.constant 0 : i32
    %c0_i32_0 = arith.constant 0 : i32
    %c0_i32_1 = arith.constant 0 : i32
    return %c0_i32, %arg0, %c0_i32_0 : i32, i32, i32
  }
  func.func @transform_2(%arg0: i32) -> (i32, i32, i32) {
    %c0_i32 = arith.constant 0 : i32
    %c0_i32_0 = arith.constant 0 : i32
    %c0_i32_1 = arith.constant 0 : i32
    return %c0_i32, %arg0, %c0_i32_0 : i32, i32, i32
  }
  func.func @transform_3(%arg0: i32) -> (i32, i32) {
    %c0_i32 = arith.constant 0 : i32
    %c0_i32_0 = arith.constant 0 : i32
    return %arg0, %c0_i32 : i32, i32
  }
  func.func @transform_4(%arg0: i32) -> (i32, i32) {
    %c0_i32 = arith.constant 0 : i32
    %c0_i32_0 = arith.constant 0 : i32
    %c0_i32_1 = arith.constant 0 : i32
    return %c0_i32, %c0_i32_0 : i32, i32
  }
  func.func @transform_5(%arg0: i32) -> (i32, i32) {
    %c0_i32 = arith.constant 0 : i32
    %c0_i32_0 = arith.constant 0 : i32
    %c0_i32_1 = arith.constant 0 : i32
    return %c0_i32, %c0_i32_0 : i32, i32
  }
  func.func @transform_6(%arg0: i32) -> (i32, i32) {
    %c0_i32 = arith.constant 0 : i32
    %c0_i32_0 = arith.constant 0 : i32
    %c0_i32_1 = arith.constant 0 : i32
    return %c0_i32, %c0_i32_0 : i32, i32
  }
  func.func @transform_7(%arg0: i32) -> (i32, i32) {
    %c0_i32 = arith.constant 0 : i32
    %c0_i32_0 = arith.constant 0 : i32
    %c0_i32_1 = arith.constant 0 : i32
    return %c0_i32, %c0_i32_0 : i32, i32
  }
  func.func @transform_8(%arg0: i32) -> (i32, i32) {
    %c0_i32 = arith.constant 0 : i32
    %c0_i32_0 = arith.constant 0 : i32
    %c0_i32_1 = arith.constant 0 : i32
    return %c0_i32, %c0_i32_0 : i32, i32
  }
  func.func @transform_9(%arg0: i32) -> (i32, i32) {
    %c0_i32 = arith.constant 0 : i32
    %c0_i32_0 = arith.constant 0 : i32
    return %arg0, %c0_i32 : i32, i32
  }
  func.func @transform_10(%arg0: i32) -> (i32, i32) {
    %c0_i32 = arith.constant 0 : i32
    %c0_i32_0 = arith.constant 0 : i32
    return %arg0, %c0_i32 : i32, i32
  }
}

module attributes {stable_mosaic.version = 14 : i64} {
  func.func @_tc_cls_body(%arg0: i32, %arg1: memref<64x384xf32, #tpu.memory_space<vmem>>, %arg2: memref<128x384xf32, #tpu.memory_space<vmem>>, %arg3: memref<1x128xf32, #tpu.memory_space<vmem>>, %arg4: memref<1x128xf32, #tpu.memory_space<vmem>>, %arg5: memref<1x128xf32, #tpu.memory_space<vmem>>, %arg6: memref<128x128xf32, #tpu.memory_space<vmem>>, %arg7: memref<1x128xf32, #tpu.memory_space<vmem>>, %arg8: memref<128x128xf32, #tpu.memory_space<vmem>>, %arg9: memref<1x128xf32, #tpu.memory_space<vmem>>, %arg10: memref<64x128xf32, #tpu.memory_space<vmem>>) attributes {dimension_semantics = [#tpu.dimension_semantics<arbitrary>], iteration_bounds = array<i64: 1>, scalar_prefetch = 0 : i64, scratch_operands = 0 : i64, tpu.core_type = #tpu.core_type<tc>, window_params = [{pipeline_mode = #tpu.pipeline_mode<synchronous>, transform_indices = @transform_0, window_bounds = array<i64: 64, 384>}, {pipeline_mode = #tpu.pipeline_mode<synchronous>, transform_indices = @transform_1, window_bounds = array<i64: 128, 384>}, {pipeline_mode = #tpu.pipeline_mode<synchronous>, transform_indices = @transform_2, window_bounds = array<i64: 1, 128>}, {pipeline_mode = #tpu.pipeline_mode<synchronous>, transform_indices = @transform_3, window_bounds = array<i64: 1, 128>}, {pipeline_mode = #tpu.pipeline_mode<synchronous>, transform_indices = @transform_4, window_bounds = array<i64: 1, 128>}, {pipeline_mode = #tpu.pipeline_mode<synchronous>, transform_indices = @transform_5, window_bounds = array<i64: 128, 128>}, {pipeline_mode = #tpu.pipeline_mode<synchronous>, transform_indices = @transform_6, window_bounds = array<i64: 1, 128>}, {pipeline_mode = #tpu.pipeline_mode<synchronous>, transform_indices = @transform_7, window_bounds = array<i64: 128, 128>}, {pipeline_mode = #tpu.pipeline_mode<synchronous>, transform_indices = @transform_8, window_bounds = array<i64: 1, 128>}, {pipeline_mode = #tpu.pipeline_mode<synchronous>, transform_indices = @transform_9, window_bounds = array<i64: 64, 128>}]} {
    %get3A = arith.constant 0 : index
    %get3A_0 = arith.constant 0 : index
    %get3A_1 = vector.load %arg1[%get3A, %get3A_0] : memref<64x384xf32, #tpu.memory_space<vmem>>, vector<64x384xf32>
    %get3A_2 = arith.constant 0 : index
    %get3A_3 = arith.constant 0 : index
    %get3A_4 = vector.load %arg2[%get3A_2, %get3A_3] : memref<128x384xf32, #tpu.memory_space<vmem>>, vector<128x384xf32>
    %transpose3A = tpu.transpose %get3A_4, [1, 0] : vector<128x384xf32> -> vector<384x128xf32>
    %dot_general3A = arith.constant dense<0.000000e+00> : vector<64x128xf32>
    %dot_general3A_5 = tpu.matmul %get3A_1, %transpose3A, %dot_general3A {dimension_numbers = #tpu.dot_dimension_numbers<[1], [0], [0], [1], [0, 0, 1, 1], [], []>, transpose_lhs_hint = false} : vector<64x384xf32>, vector<384x128xf32>, vector<64x128xf32> -> vector<64x128xf32>
    %get3A_6 = arith.constant 0 : index
    %get3A_7 = arith.constant 0 : index
    %get3A_8 = vector.load %arg3[%get3A_6, %get3A_7] : memref<1x128xf32, #tpu.memory_space<vmem>>, vector<1x128xf32>
    %add3A = vector.broadcast %get3A_8 : vector<1x128xf32> to vector<64x128xf32>
    %add3A_9 = arith.addf %dot_general3A_5, %add3A : vector<64x128xf32>
    %get3A_10 = arith.constant 0 : index
    %get3A_11 = arith.constant 0 : index
    %get3A_12 = vector.load %arg4[%get3A_10, %get3A_11] : memref<1x128xf32, #tpu.memory_space<vmem>>, vector<1x128xf32>
    %get3A_13 = arith.constant 0 : index
    %get3A_14 = arith.constant 0 : index
    %get3A_15 = vector.load %arg5[%get3A_13, %get3A_14] : memref<1x128xf32, #tpu.memory_space<vmem>>, vector<1x128xf32>
    %reduce_sum3A = arith.constant dense<0.000000e+00> : vector<64xf32>
    %reduce_sum3A_16 = vector.multi_reduction <add>, %add3A_9, %reduce_sum3A [1] : vector<64x128xf32> to vector<64xf32>
    %broadcast_in_dim3A = vector.shape_cast %reduce_sum3A_16 : vector<64xf32> to vector<64x1xf32>
    %div3A = arith.constant 1.280000e+02 : f32
    %div3A_17 = vector.broadcast %div3A : f32 to vector<64x1xf32>
    %div3A_18 = arith.divf %broadcast_in_dim3A, %div3A_17 : vector<64x1xf32>
    %sub3A = vector.broadcast %div3A_18 : vector<64x1xf32> to vector<64x128xf32>
    %sub3A_19 = arith.subf %add3A_9, %sub3A : vector<64x128xf32>
    %integer_pow3A = arith.mulf %sub3A_19, %sub3A_19 : vector<64x128xf32>
    %reduce_sum3A_20 = arith.constant dense<0.000000e+00> : vector<64xf32>
    %reduce_sum3A_21 = vector.multi_reduction <add>, %integer_pow3A, %reduce_sum3A_20 [1] : vector<64x128xf32> to vector<64xf32>
    %broadcast_in_dim3A_22 = vector.shape_cast %reduce_sum3A_21 : vector<64xf32> to vector<64x1xf32>
    %div3A_23 = arith.constant 1.280000e+02 : f32
    %div3A_24 = vector.broadcast %div3A_23 : f32 to vector<64x1xf32>
    %div3A_25 = arith.divf %broadcast_in_dim3A_22, %div3A_24 : vector<64x1xf32>
    %sub3A_26 = vector.broadcast %div3A_18 : vector<64x1xf32> to vector<64x128xf32>
    %sub3A_27 = arith.subf %add3A_9, %sub3A_26 : vector<64x128xf32>
    %add3A_28 = arith.constant 9.99999974E-6 : f32
    %add3A_29 = vector.broadcast %add3A_28 : f32 to vector<64x1xf32>
    %add3A_30 = arith.addf %div3A_25, %add3A_29 : vector<64x1xf32>
    %rsqrt3A = math.rsqrt %add3A_30 : vector<64x1xf32>
    %mul3A = vector.broadcast %rsqrt3A : vector<64x1xf32> to vector<64x128xf32>
    %mul3A_31 = arith.mulf %sub3A_27, %mul3A : vector<64x128xf32>
    %mul3A_32 = vector.broadcast %get3A_12 : vector<1x128xf32> to vector<64x128xf32>
    %mul3A_33 = arith.mulf %mul3A_31, %mul3A_32 : vector<64x128xf32>
    %add3A_34 = vector.broadcast %get3A_15 : vector<1x128xf32> to vector<64x128xf32>
    %add3A_35 = arith.addf %mul3A_33, %add3A_34 : vector<64x128xf32>
    %max3A = arith.constant 0.000000e+00 : f32
    %max3A_36 = vector.broadcast %max3A : f32 to vector<64x128xf32>
    %max3A_37 = arith.maximumf %add3A_35, %max3A_36 : vector<64x128xf32>
    %get3A_38 = arith.constant 0 : index
    %get3A_39 = arith.constant 0 : index
    %get3A_40 = vector.load %arg6[%get3A_38, %get3A_39] : memref<128x128xf32, #tpu.memory_space<vmem>>, vector<128x128xf32>
    %transpose3A_41 = tpu.transpose %get3A_40, [1, 0] : vector<128x128xf32> -> vector<128x128xf32>
    %dot_general3A_42 = arith.constant dense<0.000000e+00> : vector<64x128xf32>
    %dot_general3A_43 = tpu.matmul %max3A_37, %transpose3A_41, %dot_general3A_42 {dimension_numbers = #tpu.dot_dimension_numbers<[1], [0], [0], [1], [0, 0, 1, 1], [], []>, transpose_lhs_hint = false} : vector<64x128xf32>, vector<128x128xf32>, vector<64x128xf32> -> vector<64x128xf32>
    %get3A_44 = arith.constant 0 : index
    %get3A_45 = arith.constant 0 : index
    %get3A_46 = vector.load %arg7[%get3A_44, %get3A_45] : memref<1x128xf32, #tpu.memory_space<vmem>>, vector<1x128xf32>
    %add3A_47 = vector.broadcast %get3A_46 : vector<1x128xf32> to vector<64x128xf32>
    %add3A_48 = arith.addf %dot_general3A_43, %add3A_47 : vector<64x128xf32>
    %max3A_49 = arith.constant 0.000000e+00 : f32
    %max3A_50 = vector.broadcast %max3A_49 : f32 to vector<64x128xf32>
    %max3A_51 = arith.maximumf %add3A_48, %max3A_50 : vector<64x128xf32>
    %get3A_52 = arith.constant 0 : index
    %get3A_53 = arith.constant 0 : index
    %get3A_54 = vector.load %arg8[%get3A_52, %get3A_53] : memref<128x128xf32, #tpu.memory_space<vmem>>, vector<128x128xf32>
    %transpose3A_55 = tpu.transpose %get3A_54, [1, 0] : vector<128x128xf32> -> vector<128x128xf32>
    %dot_general3A_56 = arith.constant dense<0.000000e+00> : vector<64x128xf32>
    %dot_general3A_57 = tpu.matmul %max3A_51, %transpose3A_55, %dot_general3A_56 {dimension_numbers = #tpu.dot_dimension_numbers<[1], [0], [0], [1], [0, 0, 1, 1], [], []>, transpose_lhs_hint = false} : vector<64x128xf32>, vector<128x128xf32>, vector<64x128xf32> -> vector<64x128xf32>
    %get3A_58 = arith.constant 0 : index
    %get3A_59 = arith.constant 0 : index
    %get3A_60 = vector.load %arg9[%get3A_58, %get3A_59] : memref<1x128xf32, #tpu.memory_space<vmem>>, vector<1x128xf32>
    %add3A_61 = vector.broadcast %get3A_60 : vector<1x128xf32> to vector<64x128xf32>
    %add3A_62 = arith.addf %dot_general3A_57, %add3A_61 : vector<64x128xf32>
    %swap3A = arith.constant 0 : index
    %swap3A_63 = arith.constant 0 : index
    %swap3A_64 = vector.load %arg10[%swap3A, %swap3A_63] : memref<64x128xf32, #tpu.memory_space<vmem>>, vector<64x128xf32>
    tpu.vector_store %arg10[%swap3A, %swap3A_63], %add3A_62 {strides = array<i32>} : memref<64x128xf32, #tpu.memory_space<vmem>>, vector<64x128xf32>,
    return
  }
  func.func @transform_0(%arg0: i32) -> (i32, i32) {
    %c0_i32 = arith.constant 0 : i32
    %c0_i32_0 = arith.constant 0 : i32
    %c0_i32_1 = arith.constant 0 : i32
    return %c0_i32, %c0_i32_0 : i32, i32
  }
  func.func @transform_1(%arg0: i32) -> (i32, i32) {
    %c0_i32 = arith.constant 0 : i32
    %c0_i32_0 = arith.constant 0 : i32
    %c0_i32_1 = arith.constant 0 : i32
    return %c0_i32, %c0_i32_0 : i32, i32
  }
  func.func @transform_2(%arg0: i32) -> (i32, i32) {
    %c0_i32 = arith.constant 0 : i32
    %c0_i32_0 = arith.constant 0 : i32
    %c0_i32_1 = arith.constant 0 : i32
    return %c0_i32, %c0_i32_0 : i32, i32
  }
  func.func @transform_3(%arg0: i32) -> (i32, i32) {
    %c0_i32 = arith.constant 0 : i32
    %c0_i32_0 = arith.constant 0 : i32
    %c0_i32_1 = arith.constant 0 : i32
    return %c0_i32, %c0_i32_0 : i32, i32
  }
  func.func @transform_4(%arg0: i32) -> (i32, i32) {
    %c0_i32 = arith.constant 0 : i32
    %c0_i32_0 = arith.constant 0 : i32
    %c0_i32_1 = arith.constant 0 : i32
    return %c0_i32, %c0_i32_0 : i32, i32
  }
  func.func @transform_5(%arg0: i32) -> (i32, i32) {
    %c0_i32 = arith.constant 0 : i32
    %c0_i32_0 = arith.constant 0 : i32
    %c0_i32_1 = arith.constant 0 : i32
    return %c0_i32, %c0_i32_0 : i32, i32
  }
  func.func @transform_6(%arg0: i32) -> (i32, i32) {
    %c0_i32 = arith.constant 0 : i32
    %c0_i32_0 = arith.constant 0 : i32
    %c0_i32_1 = arith.constant 0 : i32
    return %c0_i32, %c0_i32_0 : i32, i32
  }
  func.func @transform_7(%arg0: i32) -> (i32, i32) {
    %c0_i32 = arith.constant 0 : i32
    %c0_i32_0 = arith.constant 0 : i32
    %c0_i32_1 = arith.constant 0 : i32
    return %c0_i32, %c0_i32_0 : i32, i32
  }
  func.func @transform_8(%arg0: i32) -> (i32, i32) {
    %c0_i32 = arith.constant 0 : i32
    %c0_i32_0 = arith.constant 0 : i32
    %c0_i32_1 = arith.constant 0 : i32
    return %c0_i32, %c0_i32_0 : i32, i32
  }
  func.func @transform_9(%arg0: i32) -> (i32, i32) {
    %c0_i32 = arith.constant 0 : i32
    %c0_i32_0 = arith.constant 0 : i32
    %c0_i32_1 = arith.constant 0 : i32
    return %c0_i32, %c0_i32_0 : i32, i32
  }
}

module attributes {stable_mosaic.version = 14 : i64} {
  func.func @_tc_attn_body(%arg0: i32, %arg1: memref<64xi32, #tpu.memory_space<smem>>, %arg2: memref<64xi32, #tpu.memory_space<smem>>, %arg3: memref<10128x384xf32, #tpu.memory_space<vmem>>, %arg4: memref<10128x128xf32, #tpu.memory_space<vmem>>, %arg5: memref<128x128xf32, #tpu.memory_space<vmem>>, %arg6: memref<1x128xf32, #tpu.memory_space<vmem>>, %arg7: memref<1x128xf32, #tpu.memory_space<vmem>>, %arg8: memref<1x128xf32, #tpu.memory_space<vmem>>, %arg9: memref<1x1x384xf32, #tpu.memory_space<vmem>>) attributes {dimension_semantics = [#tpu.dimension_semantics<arbitrary>], iteration_bounds = array<i64: 64>, scalar_prefetch = 0 : i64, scratch_operands = 0 : i64, tpu.core_type = #tpu.core_type<tc>, window_params = [{transform_indices = @transform_0, window_bounds = array<i64: 64>}, {transform_indices = @transform_1, window_bounds = array<i64: 64>}, {pipeline_mode = #tpu.pipeline_mode<synchronous>, transform_indices = @transform_2, window_bounds = array<i64: 10128, 384>}, {pipeline_mode = #tpu.pipeline_mode<synchronous>, transform_indices = @transform_3, window_bounds = array<i64: 10128, 128>}, {pipeline_mode = #tpu.pipeline_mode<synchronous>, transform_indices = @transform_4, window_bounds = array<i64: 128, 128>}, {pipeline_mode = #tpu.pipeline_mode<synchronous>, transform_indices = @transform_5, window_bounds = array<i64: 1, 128>}, {pipeline_mode = #tpu.pipeline_mode<synchronous>, transform_indices = @transform_6, window_bounds = array<i64: 1, 128>}, {pipeline_mode = #tpu.pipeline_mode<synchronous>, transform_indices = @transform_7, window_bounds = array<i64: 1, 128>}, {transform_indices = @transform_8, window_bounds = array<i64: 1, 1, 384>}]} {
    %get3A = arith.index_cast %arg0 : i32 to index
    %get3A_0 = memref.load %arg1[%get3A] : memref<64xi32, #tpu.memory_space<smem>>
    %get3A_1 = arith.index_cast %arg0 : i32 to index
    %get3A_2 = memref.load %arg2[%get3A_1] : memref<64xi32, #tpu.memory_space<smem>>
    %jit3A = arith.constant 8 : i32
    %div3A = arith.divsi %get3A_0, %jit3A : i32
    %sign3A = arith.constant 0 : i32
    %sign3A_3 = arith.cmpi sgt, %get3A_0, %sign3A : i32
    %sign3A_4 = arith.extui %sign3A_3 : i1 to i32
    %sign3A_5 = arith.constant 0 : i32
    %sign3A_6 = arith.cmpi slt, %get3A_0, %sign3A_5 : i32
    %sign3A_7 = arith.extui %sign3A_6 : i1 to i32
    %sign3A_8 = arith.subi %sign3A_4, %sign3A_7 : i32
    %sign3A_9 = arith.constant 0 : i32
    %sign3A_10 = arith.cmpi sgt, %jit3A, %sign3A_9 : i32
    %sign3A_11 = arith.extui %sign3A_10 : i1 to i32
    %sign3A_12 = arith.constant 0 : i32
    %sign3A_13 = arith.cmpi slt, %jit3A, %sign3A_12 : i32
    %sign3A_14 = arith.extui %sign3A_13 : i1 to i32
    %sign3A_15 = arith.subi %sign3A_11, %sign3A_14 : i32
    %ne3A = arith.cmpi ne, %sign3A_8, %sign3A_15 : i32
    %rem3A = arith.remsi %get3A_0, %jit3A : i32
    %ne3A_16 = arith.constant 0 : i32
    %ne3A_17 = arith.cmpi ne, %rem3A, %ne3A_16 : i32
    %and3A = arith.andi %ne3A, %ne3A_17 : i1
    %sub3A = arith.constant 1 : i32
    %sub3A_18 = arith.subi %div3A, %sub3A : i32
    %select_n3A = arith.select %and3A, %sub3A_18, %div3A : i32
    %mul3A = arith.constant 8 : i32
    %mul3A_19 = arith.muli %select_n3A, %mul3A : i32
    %sub3A_20 = arith.subi %get3A_0, %mul3A_19 : i32
    %add3A = arith.addi %get3A_2, %sub3A_20 : i32
    %add3A_21 = arith.constant 127 : i32
    %add3A_22 = arith.addi %add3A, %add3A_21 : i32
    %jit3A_23 = arith.constant 128 : i32
    %div3A_24 = arith.divsi %add3A_22, %jit3A_23 : i32
    %sign3A_25 = arith.constant 0 : i32
    %sign3A_26 = arith.cmpi sgt, %add3A_22, %sign3A_25 : i32
    %sign3A_27 = arith.extui %sign3A_26 : i1 to i32
    %sign3A_28 = arith.constant 0 : i32
    %sign3A_29 = arith.cmpi slt, %add3A_22, %sign3A_28 : i32
    %sign3A_30 = arith.extui %sign3A_29 : i1 to i32
    %sign3A_31 = arith.subi %sign3A_27, %sign3A_30 : i32
    %sign3A_32 = arith.constant 0 : i32
    %sign3A_33 = arith.cmpi sgt, %jit3A_23, %sign3A_32 : i32
    %sign3A_34 = arith.extui %sign3A_33 : i1 to i32
    %sign3A_35 = arith.constant 0 : i32
    %sign3A_36 = arith.cmpi slt, %jit3A_23, %sign3A_35 : i32
    %sign3A_37 = arith.extui %sign3A_36 : i1 to i32
    %sign3A_38 = arith.subi %sign3A_34, %sign3A_37 : i32
    %ne3A_39 = arith.cmpi ne, %sign3A_31, %sign3A_38 : i32
    %rem3A_40 = arith.remsi %add3A_22, %jit3A_23 : i32
    %ne3A_41 = arith.constant 0 : i32
    %ne3A_42 = arith.cmpi ne, %rem3A_40, %ne3A_41 : i32
    %and3A_43 = arith.andi %ne3A_39, %ne3A_42 : i1
    %sub3A_44 = arith.constant 1 : i32
    %sub3A_45 = arith.subi %div3A_24, %sub3A_44 : i32
    %select_n3A_46 = arith.select %and3A_43, %sub3A_45, %div3A_24 : i32
    %broadcast_in_dim3A = arith.constant 0.000000e+00 : f32
    %broadcast_in_dim3A_47 = vector.broadcast %broadcast_in_dim3A : f32 to vector<1x128xf32>
    %broadcast_in_dim3A_48 = arith.constant 0xFF800000 : f32
    %broadcast_in_dim3A_49 = vector.broadcast %broadcast_in_dim3A_48 : f32 to vector<1x128xf32>
    %while3A = arith.constant 2.500000e-01 : f32
    %while3A_50 = arith.constant -1.000000e+30 : f32
    %while3A_51 = arith.constant 0 : i32
    %while3A_52 = arith.subi %select_n3A_46, %while3A_51 : i32
    %while3A_53 = arith.addi %while3A_51, %while3A_52 : i32
    %while3A_54 = arith.constant 1 : i32
    %while3A_55 = arith.divsi %while3A_52, %while3A_54 : i32
    %while3A_56 = arith.muli %while3A_55, %while3A_54 : i32
    %while3A_57 = arith.addi %while3A_51, %while3A_56 : i32
    %while3A_58 = arith.constant 1 : i32
    %while3A_59:2 = scf.for %while3A_68 = %while3A_51 to %while3A_57 step %while3A_58 iter_args(%while3A_69 = %broadcast_in_dim3A_47, %while3A_70 = %broadcast_in_dim3A_49) -> (vector<1x128xf32>, vector<1x128xf32>)  : i32 {
      %mul3A_71 = arith.constant 128 : i32
      %mul3A_72 = arith.muli %while3A_68, %mul3A_71 : i32
      %add3A_73 = arith.addi %mul3A_19, %mul3A_72 : i32
      %get3A_74 = arith.index_cast %add3A_73 : i32 to index
      %get3A_75 = arith.constant 0 : index
      %get3A_76 = vector.load %arg3[%get3A_74, %get3A_75] : memref<10128x384xf32, #tpu.memory_space<vmem>>, vector<128x128xf32>
      %mul3A_77 = vector.broadcast %while3A : f32 to vector<128x128xf32>
      %mul3A_78 = arith.mulf %get3A_76, %mul3A_77 : vector<128x128xf32>
      %broadcast_in_dim3A_79 = vector.broadcast %while3A_50 : f32 to vector<128x8xf32>
      %broadcast_in_dim3A_80 = arith.constant 0.000000e+00 : f32
      %broadcast_in_dim3A_81 = vector.broadcast %broadcast_in_dim3A_80 : f32 to vector<128x8xf32>
      %broadcast_in_dim3A_82 = arith.constant 0.000000e+00 : f32
      %broadcast_in_dim3A_83 = vector.broadcast %broadcast_in_dim3A_82 : f32 to vector<128x128xf32>
      %while3A_84 = arith.constant 0 : i32
      %while3A_85 = arith.subi %select_n3A_46, %while3A_84 : i32
      %while3A_86 = arith.addi %while3A_84, %while3A_85 : i32
      %while3A_87 = arith.constant 1 : i32
      %while3A_88 = arith.divsi %while3A_85, %while3A_87 : i32
      %while3A_89 = arith.muli %while3A_88, %while3A_87 : i32
      %while3A_90 = arith.addi %while3A_84, %while3A_89 : i32
      %while3A_91 = arith.constant 1 : i32
      %while3A_92:3 = scf.for %while3A_219 = %while3A_84 to %while3A_90 step %while3A_91 iter_args(%while3A_220 = %broadcast_in_dim3A_79, %while3A_221 = %broadcast_in_dim3A_81, %while3A_222 = %broadcast_in_dim3A_83) -> (vector<128x8xf32>, vector<128x8xf32>, vector<128x128xf32>)  : i32 {
        %mul3A_223 = arith.constant 128 : i32
        %mul3A_224 = arith.muli %while3A_219, %mul3A_223 : i32
        %add3A_225 = arith.addi %mul3A_19, %mul3A_224 : i32
        %get3A_226 = arith.index_cast %add3A_225 : i32 to index
        %get3A_227 = arith.constant 128 : index
        %get3A_228 = vector.load %arg3[%get3A_226, %get3A_227] : memref<10128x384xf32, #tpu.memory_space<vmem>>, vector<128x128xf32>
        %get3A_229 = arith.index_cast %add3A_225 : i32 to index
        %get3A_230 = arith.constant 256 : index
        %get3A_231 = vector.load %arg3[%get3A_229, %get3A_230] : memref<10128x384xf32, #tpu.memory_space<vmem>>, vector<128x128xf32>
        %mul3A_232 = arith.constant 128 : i32
        %mul3A_233 = arith.muli %while3A_219, %mul3A_232 : i32
        %iota3A_234 = tpu.iota {dimensions = array<i32: 1>} : vector<1x128xi32>
        %add3A_235 = vector.broadcast %mul3A_233 : i32 to vector<1x128xi32>
        %add3A_236 = arith.addi %add3A_235, %iota3A_234 : vector<1x128xi32>
        %ge3A_237 = vector.broadcast %sub3A_20 : i32 to vector<1x128xi32>
        %ge3A_238 = arith.cmpi sge, %add3A_236, %ge3A_237 : vector<1x128xi32>
        %add3A_239 = arith.addi %get3A_2, %sub3A_20 : i32
        %lt3A_240 = vector.broadcast %add3A_239 : i32 to vector<1x128xi32>
        %lt3A_241 = arith.cmpi slt, %add3A_236, %lt3A_240 : vector<1x128xi32>
        %and3A_242 = arith.andi %ge3A_238, %lt3A_241 : vector<1x128xi1>
        %slice3A_243 = vector.extract_strided_slice %mul3A_78 {offsets = [0, 0], sizes = [128, 16], strides = [1, 1]} : vector<128x128xf32> to vector<128x16xf32>
        %slice3A_244 = vector.extract_strided_slice %get3A_228 {offsets = [0, 0], sizes = [128, 16], strides = [1, 1]} : vector<128x128xf32> to vector<128x16xf32>
        %dot_general3A_245 = arith.constant dense<0.000000e+00> : vector<128x128xf32>
        %dot_general3A_246 = tpu.matmul %slice3A_243, %slice3A_244, %dot_general3A_245 {dimension_numbers = #tpu.dot_dimension_numbers<[1], [1], [0], [0], [0, 0, 1, 0], [], []>, transpose_lhs_hint = false} : vector<128x16xf32>, vector<128x16xf32>, vector<128x128xf32> -> vector<128x128xf32>
        %broadcast_in_dim3A_247 = vector.shape_cast %and3A_242 : vector<1x128xi1> to vector<1x128xi1>
        %broadcast_in_dim3A_248 = vector.broadcast %broadcast_in_dim3A_247 : vector<1x128xi1> to vector<128x128xi1>
        %broadcast_in_dim3A_249 = vector.broadcast %while3A_50 : f32 to vector<128x128xf32>
        %select_n3A_250 = arith.select %broadcast_in_dim3A_248, %dot_general3A_246, %broadcast_in_dim3A_249 : vector<128x128xi1>, vector<128x128xf32>
        %slice3A_251 = vector.extract_strided_slice %while3A_220 {offsets = [0, 0], sizes = [128, 1], strides = [1, 1]} : vector<128x8xf32> to vector<128x1xf32>
        %reduce_max3A_252 = arith.constant dense<0xFF800000> : vector<128xf32>
        %reduce_max3A_253 = vector.multi_reduction <maximumf>, %select_n3A_250, %reduce_max3A_252 [1] : vector<128x128xf32> to vector<128xf32>
        %broadcast_in_dim3A_254 = vector.shape_cast %reduce_max3A_253 : vector<128xf32> to vector<128x1xf32>
        %max3A_255 = arith.maximumf %slice3A_251, %broadcast_in_dim3A_254 : vector<128x1xf32>
        %sub3A_256 = vector.broadcast %max3A_255 : vector<128x1xf32> to vector<128x128xf32>
        %sub3A_257 = arith.subf %select_n3A_250, %sub3A_256 : vector<128x128xf32>
        %exp3A = math.exp %sub3A_257 : vector<128x128xf32>
        %sub3A_258 = arith.subf %slice3A_251, %max3A_255 : vector<128x1xf32>
        %exp3A_259 = math.exp %sub3A_258 : vector<128x1xf32>
        %slice3A_260 = vector.extract_strided_slice %while3A_221 {offsets = [0, 0], sizes = [128, 1], strides = [1, 1]} : vector<128x8xf32> to vector<128x1xf32>
        %mul3A_261 = arith.mulf %slice3A_260, %exp3A_259 : vector<128x1xf32>
        %reduce_sum3A_262 = arith.constant dense<0.000000e+00> : vector<128xf32>
        %reduce_sum3A_263 = vector.multi_reduction <add>, %exp3A, %reduce_sum3A_262 [1] : vector<128x128xf32> to vector<128xf32>
        %broadcast_in_dim3A_264 = vector.shape_cast %reduce_sum3A_263 : vector<128xf32> to vector<128x1xf32>
        %add3A_265 = arith.addf %mul3A_261, %broadcast_in_dim3A_264 : vector<128x1xf32>
        %slice3A_266 = vector.extract_strided_slice %while3A_222 {offsets = [0, 0], sizes = [128, 16], strides = [1, 1]} : vector<128x128xf32> to vector<128x16xf32>
        %mul3A_267 = vector.broadcast %exp3A_259 : vector<128x1xf32> to vector<128x16xf32>
        %mul3A_268 = arith.mulf %slice3A_266, %mul3A_267 : vector<128x16xf32>
        %slice3A_269 = vector.extract_strided_slice %get3A_231 {offsets = [0, 0], sizes = [128, 16], strides = [1, 1]} : vector<128x128xf32> to vector<128x16xf32>
        %dot_general3A_270 = arith.constant dense<0.000000e+00> : vector<128x16xf32>
        %dot_general3A_271 = tpu.matmul %exp3A, %slice3A_269, %dot_general3A_270 {dimension_numbers = #tpu.dot_dimension_numbers<[1], [0], [0], [1], [0, 0, 1, 1], [], []>, transpose_lhs_hint = false} : vector<128x128xf32>, vector<128x16xf32>, vector<128x16xf32> -> vector<128x16xf32>
        %add3A_272 = arith.addf %mul3A_268, %dot_general3A_271 : vector<128x16xf32>
        %slice3A_273 = vector.extract_strided_slice %mul3A_78 {offsets = [0, 16], sizes = [128, 16], strides = [1, 1]} : vector<128x128xf32> to vector<128x16xf32>
        %slice3A_274 = vector.extract_strided_slice %get3A_228 {offsets = [0, 16], sizes = [128, 16], strides = [1, 1]} : vector<128x128xf32> to vector<128x16xf32>
        %dot_general3A_275 = arith.constant dense<0.000000e+00> : vector<128x128xf32>
        %dot_general3A_276 = tpu.matmul %slice3A_273, %slice3A_274, %dot_general3A_275 {dimension_numbers = #tpu.dot_dimension_numbers<[1], [1], [0], [0], [0, 0, 1, 0], [], []>, transpose_lhs_hint = false} : vector<128x16xf32>, vector<128x16xf32>, vector<128x128xf32> -> vector<128x128xf32>
        %broadcast_in_dim3A_277 = vector.shape_cast %and3A_242 : vector<1x128xi1> to vector<1x128xi1>
        %broadcast_in_dim3A_278 = vector.broadcast %broadcast_in_dim3A_277 : vector<1x128xi1> to vector<128x128xi1>
        %broadcast_in_dim3A_279 = vector.broadcast %while3A_50 : f32 to vector<128x128xf32>
        %select_n3A_280 = arith.select %broadcast_in_dim3A_278, %dot_general3A_276, %broadcast_in_dim3A_279 : vector<128x128xi1>, vector<128x128xf32>
        %slice3A_281 = vector.extract_strided_slice %while3A_220 {offsets = [0, 1], sizes = [128, 1], strides = [1, 1]} : vector<128x8xf32> to vector<128x1xf32>
        %reduce_max3A_282 = arith.constant dense<0xFF800000> : vector<128xf32>
        %reduce_max3A_283 = vector.multi_reduction <maximumf>, %select_n3A_280, %reduce_max3A_282 [1] : vector<128x128xf32> to vector<128xf32>
        %broadcast_in_dim3A_284 = vector.shape_cast %reduce_max3A_283 : vector<128xf32> to vector<128x1xf32>
        %max3A_285 = arith.maximumf %slice3A_281, %broadcast_in_dim3A_284 : vector<128x1xf32>
        %sub3A_286 = vector.broadcast %max3A_285 : vector<128x1xf32> to vector<128x128xf32>
        %sub3A_287 = arith.subf %select_n3A_280, %sub3A_286 : vector<128x128xf32>
        %exp3A_288 = math.exp %sub3A_287 : vector<128x128xf32>
        %sub3A_289 = arith.subf %slice3A_281, %max3A_285 : vector<128x1xf32>
        %exp3A_290 = math.exp %sub3A_289 : vector<128x1xf32>
        %slice3A_291 = vector.extract_strided_slice %while3A_221 {offsets = [0, 1], sizes = [128, 1], strides = [1, 1]} : vector<128x8xf32> to vector<128x1xf32>
        %mul3A_292 = arith.mulf %slice3A_291, %exp3A_290 : vector<128x1xf32>
        %reduce_sum3A_293 = arith.constant dense<0.000000e+00> : vector<128xf32>
        %reduce_sum3A_294 = vector.multi_reduction <add>, %exp3A_288, %reduce_sum3A_293 [1] : vector<128x128xf32> to vector<128xf32>
        %broadcast_in_dim3A_295 = vector.shape_cast %reduce_sum3A_294 : vector<128xf32> to vector<128x1xf32>
        %add3A_296 = arith.addf %mul3A_292, %broadcast_in_dim3A_295 : vector<128x1xf32>
        %slice3A_297 = vector.extract_strided_slice %while3A_222 {offsets = [0, 16], sizes = [128, 16], strides = [1, 1]} : vector<128x128xf32> to vector<128x16xf32>
        %mul3A_298 = vector.broadcast %exp3A_290 : vector<128x1xf32> to vector<128x16xf32>
        %mul3A_299 = arith.mulf %slice3A_297, %mul3A_298 : vector<128x16xf32>
        %slice3A_300 = vector.extract_strided_slice %get3A_231 {offsets = [0, 16], sizes = [128, 16], strides = [1, 1]} : vector<128x128xf32> to vector<128x16xf32>
        %dot_general3A_301 = arith.constant dense<0.000000e+00> : vector<128x16xf32>
        %dot_general3A_302 = tpu.matmul %exp3A_288, %slice3A_300, %dot_general3A_301 {dimension_numbers = #tpu.dot_dimension_numbers<[1], [0], [0], [1], [0, 0, 1, 1], [], []>, transpose_lhs_hint = false} : vector<128x128xf32>, vector<128x16xf32>, vector<128x16xf32> -> vector<128x16xf32>
        %add3A_303 = arith.addf %mul3A_299, %dot_general3A_302 : vector<128x16xf32>
        %slice3A_304 = vector.extract_strided_slice %mul3A_78 {offsets = [0, 32], sizes = [128, 16], strides = [1, 1]} : vector<128x128xf32> to vector<128x16xf32>
        %slice3A_305 = vector.extract_strided_slice %get3A_228 {offsets = [0, 32], sizes = [128, 16], strides = [1, 1]} : vector<128x128xf32> to vector<128x16xf32>
        %dot_general3A_306 = arith.constant dense<0.000000e+00> : vector<128x128xf32>
        %dot_general3A_307 = tpu.matmul %slice3A_304, %slice3A_305, %dot_general3A_306 {dimension_numbers = #tpu.dot_dimension_numbers<[1], [1], [0], [0], [0, 0, 1, 0], [], []>, transpose_lhs_hint = false} : vector<128x16xf32>, vector<128x16xf32>, vector<128x128xf32> -> vector<128x128xf32>
        %broadcast_in_dim3A_308 = vector.shape_cast %and3A_242 : vector<1x128xi1> to vector<1x128xi1>
        %broadcast_in_dim3A_309 = vector.broadcast %broadcast_in_dim3A_308 : vector<1x128xi1> to vector<128x128xi1>
        %broadcast_in_dim3A_310 = vector.broadcast %while3A_50 : f32 to vector<128x128xf32>
        %select_n3A_311 = arith.select %broadcast_in_dim3A_309, %dot_general3A_307, %broadcast_in_dim3A_310 : vector<128x128xi1>, vector<128x128xf32>
        %slice3A_312 = vector.extract_strided_slice %while3A_220 {offsets = [0, 2], sizes = [128, 1], strides = [1, 1]} : vector<128x8xf32> to vector<128x1xf32>
        %reduce_max3A_313 = arith.constant dense<0xFF800000> : vector<128xf32>
        %reduce_max3A_314 = vector.multi_reduction <maximumf>, %select_n3A_311, %reduce_max3A_313 [1] : vector<128x128xf32> to vector<128xf32>
        %broadcast_in_dim3A_315 = vector.shape_cast %reduce_max3A_314 : vector<128xf32> to vector<128x1xf32>
        %max3A_316 = arith.maximumf %slice3A_312, %broadcast_in_dim3A_315 : vector<128x1xf32>
        %sub3A_317 = vector.broadcast %max3A_316 : vector<128x1xf32> to vector<128x128xf32>
        %sub3A_318 = arith.subf %select_n3A_311, %sub3A_317 : vector<128x128xf32>
        %exp3A_319 = math.exp %sub3A_318 : vector<128x128xf32>
        %sub3A_320 = arith.subf %slice3A_312, %max3A_316 : vector<128x1xf32>
        %exp3A_321 = math.exp %sub3A_320 : vector<128x1xf32>
        %slice3A_322 = vector.extract_strided_slice %while3A_221 {offsets = [0, 2], sizes = [128, 1], strides = [1, 1]} : vector<128x8xf32> to vector<128x1xf32>
        %mul3A_323 = arith.mulf %slice3A_322, %exp3A_321 : vector<128x1xf32>
        %reduce_sum3A_324 = arith.constant dense<0.000000e+00> : vector<128xf32>
        %reduce_sum3A_325 = vector.multi_reduction <add>, %exp3A_319, %reduce_sum3A_324 [1] : vector<128x128xf32> to vector<128xf32>
        %broadcast_in_dim3A_326 = vector.shape_cast %reduce_sum3A_325 : vector<128xf32> to vector<128x1xf32>
        %add3A_327 = arith.addf %mul3A_323, %broadcast_in_dim3A_326 : vector<128x1xf32>
        %slice3A_328 = vector.extract_strided_slice %while3A_222 {offsets = [0, 32], sizes = [128, 16], strides = [1, 1]} : vector<128x128xf32> to vector<128x16xf32>
        %mul3A_329 = vector.broadcast %exp3A_321 : vector<128x1xf32> to vector<128x16xf32>
        %mul3A_330 = arith.mulf %slice3A_328, %mul3A_329 : vector<128x16xf32>
        %slice3A_331 = vector.extract_strided_slice %get3A_231 {offsets = [0, 32], sizes = [128, 16], strides = [1, 1]} : vector<128x128xf32> to vector<128x16xf32>
        %dot_general3A_332 = arith.constant dense<0.000000e+00> : vector<128x16xf32>
        %dot_general3A_333 = tpu.matmul %exp3A_319, %slice3A_331, %dot_general3A_332 {dimension_numbers = #tpu.dot_dimension_numbers<[1], [0], [0], [1], [0, 0, 1, 1], [], []>, transpose_lhs_hint = false} : vector<128x128xf32>, vector<128x16xf32>, vector<128x16xf32> -> vector<128x16xf32>
        %add3A_334 = arith.addf %mul3A_330, %dot_general3A_333 : vector<128x16xf32>
        %slice3A_335 = vector.extract_strided_slice %mul3A_78 {offsets = [0, 48], sizes = [128, 16], strides = [1, 1]} : vector<128x128xf32> to vector<128x16xf32>
        %slice3A_336 = vector.extract_strided_slice %get3A_228 {offsets = [0, 48], sizes = [128, 16], strides = [1, 1]} : vector<128x128xf32> to vector<128x16xf32>
        %dot_general3A_337 = arith.constant dense<0.000000e+00> : vector<128x128xf32>
        %dot_general3A_338 = tpu.matmul %slice3A_335, %slice3A_336, %dot_general3A_337 {dimension_numbers = #tpu.dot_dimension_numbers<[1], [1], [0], [0], [0, 0, 1, 0], [], []>, transpose_lhs_hint = false} : vector<128x16xf32>, vector<128x16xf32>, vector<128x128xf32> -> vector<128x128xf32>
        %broadcast_in_dim3A_339 = vector.shape_cast %and3A_242 : vector<1x128xi1> to vector<1x128xi1>
        %broadcast_in_dim3A_340 = vector.broadcast %broadcast_in_dim3A_339 : vector<1x128xi1> to vector<128x128xi1>
        %broadcast_in_dim3A_341 = vector.broadcast %while3A_50 : f32 to vector<128x128xf32>
        %select_n3A_342 = arith.select %broadcast_in_dim3A_340, %dot_general3A_338, %broadcast_in_dim3A_341 : vector<128x128xi1>, vector<128x128xf32>
        %slice3A_343 = vector.extract_strided_slice %while3A_220 {offsets = [0, 3], sizes = [128, 1], strides = [1, 1]} : vector<128x8xf32> to vector<128x1xf32>
        %reduce_max3A_344 = arith.constant dense<0xFF800000> : vector<128xf32>
        %reduce_max3A_345 = vector.multi_reduction <maximumf>, %select_n3A_342, %reduce_max3A_344 [1] : vector<128x128xf32> to vector<128xf32>
        %broadcast_in_dim3A_346 = vector.shape_cast %reduce_max3A_345 : vector<128xf32> to vector<128x1xf32>
        %max3A_347 = arith.maximumf %slice3A_343, %broadcast_in_dim3A_346 : vector<128x1xf32>
        %sub3A_348 = vector.broadcast %max3A_347 : vector<128x1xf32> to vector<128x128xf32>
        %sub3A_349 = arith.subf %select_n3A_342, %sub3A_348 : vector<128x128xf32>
        %exp3A_350 = math.exp %sub3A_349 : vector<128x128xf32>
        %sub3A_351 = arith.subf %slice3A_343, %max3A_347 : vector<128x1xf32>
        %exp3A_352 = math.exp %sub3A_351 : vector<128x1xf32>
        %slice3A_353 = vector.extract_strided_slice %while3A_221 {offsets = [0, 3], sizes = [128, 1], strides = [1, 1]} : vector<128x8xf32> to vector<128x1xf32>
        %mul3A_354 = arith.mulf %slice3A_353, %exp3A_352 : vector<128x1xf32>
        %reduce_sum3A_355 = arith.constant dense<0.000000e+00> : vector<128xf32>
        %reduce_sum3A_356 = vector.multi_reduction <add>, %exp3A_350, %reduce_sum3A_355 [1] : vector<128x128xf32> to vector<128xf32>
        %broadcast_in_dim3A_357 = vector.shape_cast %reduce_sum3A_356 : vector<128xf32> to vector<128x1xf32>
        %add3A_358 = arith.addf %mul3A_354, %broadcast_in_dim3A_357 : vector<128x1xf32>
        %slice3A_359 = vector.extract_strided_slice %while3A_222 {offsets = [0, 48], sizes = [128, 16], strides = [1, 1]} : vector<128x128xf32> to vector<128x16xf32>
        %mul3A_360 = vector.broadcast %exp3A_352 : vector<128x1xf32> to vector<128x16xf32>
        %mul3A_361 = arith.mulf %slice3A_359, %mul3A_360 : vector<128x16xf32>
        %slice3A_362 = vector.extract_strided_slice %get3A_231 {offsets = [0, 48], sizes = [128, 16], strides = [1, 1]} : vector<128x128xf32> to vector<128x16xf32>
        %dot_general3A_363 = arith.constant dense<0.000000e+00> : vector<128x16xf32>
        %dot_general3A_364 = tpu.matmul %exp3A_350, %slice3A_362, %dot_general3A_363 {dimension_numbers = #tpu.dot_dimension_numbers<[1], [0], [0], [1], [0, 0, 1, 1], [], []>, transpose_lhs_hint = false} : vector<128x128xf32>, vector<128x16xf32>, vector<128x16xf32> -> vector<128x16xf32>
        %add3A_365 = arith.addf %mul3A_361, %dot_general3A_364 : vector<128x16xf32>
        %slice3A_366 = vector.extract_strided_slice %mul3A_78 {offsets = [0, 64], sizes = [128, 16], strides = [1, 1]} : vector<128x128xf32> to vector<128x16xf32>
        %slice3A_367 = vector.extract_strided_slice %get3A_228 {offsets = [0, 64], sizes = [128, 16], strides = [1, 1]} : vector<128x128xf32> to vector<128x16xf32>
        %dot_general3A_368 = arith.constant dense<0.000000e+00> : vector<128x128xf32>
        %dot_general3A_369 = tpu.matmul %slice3A_366, %slice3A_367, %dot_general3A_368 {dimension_numbers = #tpu.dot_dimension_numbers<[1], [1], [0], [0], [0, 0, 1, 0], [], []>, transpose_lhs_hint = false} : vector<128x16xf32>, vector<128x16xf32>, vector<128x128xf32> -> vector<128x128xf32>
        %broadcast_in_dim3A_370 = vector.shape_cast %and3A_242 : vector<1x128xi1> to vector<1x128xi1>
        %broadcast_in_dim3A_371 = vector.broadcast %broadcast_in_dim3A_370 : vector<1x128xi1> to vector<128x128xi1>
        %broadcast_in_dim3A_372 = vector.broadcast %while3A_50 : f32 to vector<128x128xf32>
        %select_n3A_373 = arith.select %broadcast_in_dim3A_371, %dot_general3A_369, %broadcast_in_dim3A_372 : vector<128x128xi1>, vector<128x128xf32>
        %slice3A_374 = vector.extract_strided_slice %while3A_220 {offsets = [0, 4], sizes = [128, 1], strides = [1, 1]} : vector<128x8xf32> to vector<128x1xf32>
        %reduce_max3A_375 = arith.constant dense<0xFF800000> : vector<128xf32>
        %reduce_max3A_376 = vector.multi_reduction <maximumf>, %select_n3A_373, %reduce_max3A_375 [1] : vector<128x128xf32> to vector<128xf32>
        %broadcast_in_dim3A_377 = vector.shape_cast %reduce_max3A_376 : vector<128xf32> to vector<128x1xf32>
        %max3A_378 = arith.maximumf %slice3A_374, %broadcast_in_dim3A_377 : vector<128x1xf32>
        %sub3A_379 = vector.broadcast %max3A_378 : vector<128x1xf32> to vector<128x128xf32>
        %sub3A_380 = arith.subf %select_n3A_373, %sub3A_379 : vector<128x128xf32>
        %exp3A_381 = math.exp %sub3A_380 : vector<128x128xf32>
        %sub3A_382 = arith.subf %slice3A_374, %max3A_378 : vector<128x1xf32>
        %exp3A_383 = math.exp %sub3A_382 : vector<128x1xf32>
        %slice3A_384 = vector.extract_strided_slice %while3A_221 {offsets = [0, 4], sizes = [128, 1], strides = [1, 1]} : vector<128x8xf32> to vector<128x1xf32>
        %mul3A_385 = arith.mulf %slice3A_384, %exp3A_383 : vector<128x1xf32>
        %reduce_sum3A_386 = arith.constant dense<0.000000e+00> : vector<128xf32>
        %reduce_sum3A_387 = vector.multi_reduction <add>, %exp3A_381, %reduce_sum3A_386 [1] : vector<128x128xf32> to vector<128xf32>
        %broadcast_in_dim3A_388 = vector.shape_cast %reduce_sum3A_387 : vector<128xf32> to vector<128x1xf32>
        %add3A_389 = arith.addf %mul3A_385, %broadcast_in_dim3A_388 : vector<128x1xf32>
        %slice3A_390 = vector.extract_strided_slice %while3A_222 {offsets = [0, 64], sizes = [128, 16], strides = [1, 1]} : vector<128x128xf32> to vector<128x16xf32>
        %mul3A_391 = vector.broadcast %exp3A_383 : vector<128x1xf32> to vector<128x16xf32>
        %mul3A_392 = arith.mulf %slice3A_390, %mul3A_391 : vector<128x16xf32>
        %slice3A_393 = vector.extract_strided_slice %get3A_231 {offsets = [0, 64], sizes = [128, 16], strides = [1, 1]} : vector<128x128xf32> to vector<128x16xf32>
        %dot_general3A_394 = arith.constant dense<0.000000e+00> : vector<128x16xf32>
        %dot_general3A_395 = tpu.matmul %exp3A_381, %slice3A_393, %dot_general3A_394 {dimension_numbers = #tpu.dot_dimension_numbers<[1], [0], [0], [1], [0, 0, 1, 1], [], []>, transpose_lhs_hint = false} : vector<128x128xf32>, vector<128x16xf32>, vector<128x16xf32> -> vector<128x16xf32>
        %add3A_396 = arith.addf %mul3A_392, %dot_general3A_395 : vector<128x16xf32>
        %slice3A_397 = vector.extract_strided_slice %mul3A_78 {offsets = [0, 80], sizes = [128, 16], strides = [1, 1]} : vector<128x128xf32> to vector<128x16xf32>
        %slice3A_398 = vector.extract_strided_slice %get3A_228 {offsets = [0, 80], sizes = [128, 16], strides = [1, 1]} : vector<128x128xf32> to vector<128x16xf32>
        %dot_general3A_399 = arith.constant dense<0.000000e+00> : vector<128x128xf32>
        %dot_general3A_400 = tpu.matmul %slice3A_397, %slice3A_398, %dot_general3A_399 {dimension_numbers = #tpu.dot_dimension_numbers<[1], [1], [0], [0], [0, 0, 1, 0], [], []>, transpose_lhs_hint = false} : vector<128x16xf32>, vector<128x16xf32>, vector<128x128xf32> -> vector<128x128xf32>
        %broadcast_in_dim3A_401 = vector.shape_cast %and3A_242 : vector<1x128xi1> to vector<1x128xi1>
        %broadcast_in_dim3A_402 = vector.broadcast %broadcast_in_dim3A_401 : vector<1x128xi1> to vector<128x128xi1>
        %broadcast_in_dim3A_403 = vector.broadcast %while3A_50 : f32 to vector<128x128xf32>
        %select_n3A_404 = arith.select %broadcast_in_dim3A_402, %dot_general3A_400, %broadcast_in_dim3A_403 : vector<128x128xi1>, vector<128x128xf32>
        %slice3A_405 = vector.extract_strided_slice %while3A_220 {offsets = [0, 5], sizes = [128, 1], strides = [1, 1]} : vector<128x8xf32> to vector<128x1xf32>
        %reduce_max3A_406 = arith.constant dense<0xFF800000> : vector<128xf32>
        %reduce_max3A_407 = vector.multi_reduction <maximumf>, %select_n3A_404, %reduce_max3A_406 [1] : vector<128x128xf32> to vector<128xf32>
        %broadcast_in_dim3A_408 = vector.shape_cast %reduce_max3A_407 : vector<128xf32> to vector<128x1xf32>
        %max3A_409 = arith.maximumf %slice3A_405, %broadcast_in_dim3A_408 : vector<128x1xf32>
        %sub3A_410 = vector.broadcast %max3A_409 : vector<128x1xf32> to vector<128x128xf32>
        %sub3A_411 = arith.subf %select_n3A_404, %sub3A_410 : vector<128x128xf32>
        %exp3A_412 = math.exp %sub3A_411 : vector<128x128xf32>
        %sub3A_413 = arith.subf %slice3A_405, %max3A_409 : vector<128x1xf32>
        %exp3A_414 = math.exp %sub3A_413 : vector<128x1xf32>
        %slice3A_415 = vector.extract_strided_slice %while3A_221 {offsets = [0, 5], sizes = [128, 1], strides = [1, 1]} : vector<128x8xf32> to vector<128x1xf32>
        %mul3A_416 = arith.mulf %slice3A_415, %exp3A_414 : vector<128x1xf32>
        %reduce_sum3A_417 = arith.constant dense<0.000000e+00> : vector<128xf32>
        %reduce_sum3A_418 = vector.multi_reduction <add>, %exp3A_412, %reduce_sum3A_417 [1] : vector<128x128xf32> to vector<128xf32>
        %broadcast_in_dim3A_419 = vector.shape_cast %reduce_sum3A_418 : vector<128xf32> to vector<128x1xf32>
        %add3A_420 = arith.addf %mul3A_416, %broadcast_in_dim3A_419 : vector<128x1xf32>
        %slice3A_421 = vector.extract_strided_slice %while3A_222 {offsets = [0, 80], sizes = [128, 16], strides = [1, 1]} : vector<128x128xf32> to vector<128x16xf32>
        %mul3A_422 = vector.broadcast %exp3A_414 : vector<128x1xf32> to vector<128x16xf32>
        %mul3A_423 = arith.mulf %slice3A_421, %mul3A_422 : vector<128x16xf32>
        %slice3A_424 = vector.extract_strided_slice %get3A_231 {offsets = [0, 80], sizes = [128, 16], strides = [1, 1]} : vector<128x128xf32> to vector<128x16xf32>
        %dot_general3A_425 = arith.constant dense<0.000000e+00> : vector<128x16xf32>
        %dot_general3A_426 = tpu.matmul %exp3A_412, %slice3A_424, %dot_general3A_425 {dimension_numbers = #tpu.dot_dimension_numbers<[1], [0], [0], [1], [0, 0, 1, 1], [], []>, transpose_lhs_hint = false} : vector<128x128xf32>, vector<128x16xf32>, vector<128x16xf32> -> vector<128x16xf32>
        %add3A_427 = arith.addf %mul3A_423, %dot_general3A_426 : vector<128x16xf32>
        %slice3A_428 = vector.extract_strided_slice %mul3A_78 {offsets = [0, 96], sizes = [128, 16], strides = [1, 1]} : vector<128x128xf32> to vector<128x16xf32>
        %slice3A_429 = vector.extract_strided_slice %get3A_228 {offsets = [0, 96], sizes = [128, 16], strides = [1, 1]} : vector<128x128xf32> to vector<128x16xf32>
        %dot_general3A_430 = arith.constant dense<0.000000e+00> : vector<128x128xf32>
        %dot_general3A_431 = tpu.matmul %slice3A_428, %slice3A_429, %dot_general3A_430 {dimension_numbers = #tpu.dot_dimension_numbers<[1], [1], [0], [0], [0, 0, 1, 0], [], []>, transpose_lhs_hint = false} : vector<128x16xf32>, vector<128x16xf32>, vector<128x128xf32> -> vector<128x128xf32>
        %broadcast_in_dim3A_432 = vector.shape_cast %and3A_242 : vector<1x128xi1> to vector<1x128xi1>
        %broadcast_in_dim3A_433 = vector.broadcast %broadcast_in_dim3A_432 : vector<1x128xi1> to vector<128x128xi1>
        %broadcast_in_dim3A_434 = vector.broadcast %while3A_50 : f32 to vector<128x128xf32>
        %select_n3A_435 = arith.select %broadcast_in_dim3A_433, %dot_general3A_431, %broadcast_in_dim3A_434 : vector<128x128xi1>, vector<128x128xf32>
        %slice3A_436 = vector.extract_strided_slice %while3A_220 {offsets = [0, 6], sizes = [128, 1], strides = [1, 1]} : vector<128x8xf32> to vector<128x1xf32>
        %reduce_max3A_437 = arith.constant dense<0xFF800000> : vector<128xf32>
        %reduce_max3A_438 = vector.multi_reduction <maximumf>, %select_n3A_435, %reduce_max3A_437 [1] : vector<128x128xf32> to vector<128xf32>
        %broadcast_in_dim3A_439 = vector.shape_cast %reduce_max3A_438 : vector<128xf32> to vector<128x1xf32>
        %max3A_440 = arith.maximumf %slice3A_436, %broadcast_in_dim3A_439 : vector<128x1xf32>
        %sub3A_441 = vector.broadcast %max3A_440 : vector<128x1xf32> to vector<128x128xf32>
        %sub3A_442 = arith.subf %select_n3A_435, %sub3A_441 : vector<128x128xf32>
        %exp3A_443 = math.exp %sub3A_442 : vector<128x128xf32>
        %sub3A_444 = arith.subf %slice3A_436, %max3A_440 : vector<128x1xf32>
        %exp3A_445 = math.exp %sub3A_444 : vector<128x1xf32>
        %slice3A_446 = vector.extract_strided_slice %while3A_221 {offsets = [0, 6], sizes = [128, 1], strides = [1, 1]} : vector<128x8xf32> to vector<128x1xf32>
        %mul3A_447 = arith.mulf %slice3A_446, %exp3A_445 : vector<128x1xf32>
        %reduce_sum3A_448 = arith.constant dense<0.000000e+00> : vector<128xf32>
        %reduce_sum3A_449 = vector.multi_reduction <add>, %exp3A_443, %reduce_sum3A_448 [1] : vector<128x128xf32> to vector<128xf32>
        %broadcast_in_dim3A_450 = vector.shape_cast %reduce_sum3A_449 : vector<128xf32> to vector<128x1xf32>
        %add3A_451 = arith.addf %mul3A_447, %broadcast_in_dim3A_450 : vector<128x1xf32>
        %slice3A_452 = vector.extract_strided_slice %while3A_222 {offsets = [0, 96], sizes = [128, 16], strides = [1, 1]} : vector<128x128xf32> to vector<128x16xf32>
        %mul3A_453 = vector.broadcast %exp3A_445 : vector<128x1xf32> to vector<128x16xf32>
        %mul3A_454 = arith.mulf %slice3A_452, %mul3A_453 : vector<128x16xf32>
        %slice3A_455 = vector.extract_strided_slice %get3A_231 {offsets = [0, 96], sizes = [128, 16], strides = [1, 1]} : vector<128x128xf32> to vector<128x16xf32>
        %dot_general3A_456 = arith.constant dense<0.000000e+00> : vector<128x16xf32>
        %dot_general3A_457 = tpu.matmul %exp3A_443, %slice3A_455, %dot_general3A_456 {dimension_numbers = #tpu.dot_dimension_numbers<[1], [0], [0], [1], [0, 0, 1, 1], [], []>, transpose_lhs_hint = false} : vector<128x128xf32>, vector<128x16xf32>, vector<128x16xf32> -> vector<128x16xf32>
        %add3A_458 = arith.addf %mul3A_454, %dot_general3A_457 : vector<128x16xf32>
        %slice3A_459 = vector.extract_strided_slice %mul3A_78 {offsets = [0, 112], sizes = [128, 16], strides = [1, 1]} : vector<128x128xf32> to vector<128x16xf32>
        %slice3A_460 = vector.extract_strided_slice %get3A_228 {offsets = [0, 112], sizes = [128, 16], strides = [1, 1]} : vector<128x128xf32> to vector<128x16xf32>
        %dot_general3A_461 = arith.constant dense<0.000000e+00> : vector<128x128xf32>
        %dot_general3A_462 = tpu.matmul %slice3A_459, %slice3A_460, %dot_general3A_461 {dimension_numbers = #tpu.dot_dimension_numbers<[1], [1], [0], [0], [0, 0, 1, 0], [], []>, transpose_lhs_hint = false} : vector<128x16xf32>, vector<128x16xf32>, vector<128x128xf32> -> vector<128x128xf32>
        %broadcast_in_dim3A_463 = vector.shape_cast %and3A_242 : vector<1x128xi1> to vector<1x128xi1>
        %broadcast_in_dim3A_464 = vector.broadcast %broadcast_in_dim3A_463 : vector<1x128xi1> to vector<128x128xi1>
        %broadcast_in_dim3A_465 = vector.broadcast %while3A_50 : f32 to vector<128x128xf32>
        %select_n3A_466 = arith.select %broadcast_in_dim3A_464, %dot_general3A_462, %broadcast_in_dim3A_465 : vector<128x128xi1>, vector<128x128xf32>
        %slice3A_467 = vector.extract_strided_slice %while3A_220 {offsets = [0, 7], sizes = [128, 1], strides = [1, 1]} : vector<128x8xf32> to vector<128x1xf32>
        %reduce_max3A_468 = arith.constant dense<0xFF800000> : vector<128xf32>
        %reduce_max3A_469 = vector.multi_reduction <maximumf>, %select_n3A_466, %reduce_max3A_468 [1] : vector<128x128xf32> to vector<128xf32>
        %broadcast_in_dim3A_470 = vector.shape_cast %reduce_max3A_469 : vector<128xf32> to vector<128x1xf32>
        %max3A_471 = arith.maximumf %slice3A_467, %broadcast_in_dim3A_470 : vector<128x1xf32>
        %sub3A_472 = vector.broadcast %max3A_471 : vector<128x1xf32> to vector<128x128xf32>
        %sub3A_473 = arith.subf %select_n3A_466, %sub3A_472 : vector<128x128xf32>
        %exp3A_474 = math.exp %sub3A_473 : vector<128x128xf32>
        %sub3A_475 = arith.subf %slice3A_467, %max3A_471 : vector<128x1xf32>
        %exp3A_476 = math.exp %sub3A_475 : vector<128x1xf32>
        %slice3A_477 = vector.extract_strided_slice %while3A_221 {offsets = [0, 7], sizes = [128, 1], strides = [1, 1]} : vector<128x8xf32> to vector<128x1xf32>
        %mul3A_478 = arith.mulf %slice3A_477, %exp3A_476 : vector<128x1xf32>
        %reduce_sum3A_479 = arith.constant dense<0.000000e+00> : vector<128xf32>
        %reduce_sum3A_480 = vector.multi_reduction <add>, %exp3A_474, %reduce_sum3A_479 [1] : vector<128x128xf32> to vector<128xf32>
        %broadcast_in_dim3A_481 = vector.shape_cast %reduce_sum3A_480 : vector<128xf32> to vector<128x1xf32>
        %add3A_482 = arith.addf %mul3A_478, %broadcast_in_dim3A_481 : vector<128x1xf32>
        %slice3A_483 = vector.extract_strided_slice %while3A_222 {offsets = [0, 112], sizes = [128, 16], strides = [1, 1]} : vector<128x128xf32> to vector<128x16xf32>
        %mul3A_484 = vector.broadcast %exp3A_476 : vector<128x1xf32> to vector<128x16xf32>
        %mul3A_485 = arith.mulf %slice3A_483, %mul3A_484 : vector<128x16xf32>
        %slice3A_486 = vector.extract_strided_slice %get3A_231 {offsets = [0, 112], sizes = [128, 16], strides = [1, 1]} : vector<128x128xf32> to vector<128x16xf32>
        %dot_general3A_487 = arith.constant dense<0.000000e+00> : vector<128x16xf32>
        %dot_general3A_488 = tpu.matmul %exp3A_474, %slice3A_486, %dot_general3A_487 {dimension_numbers = #tpu.dot_dimension_numbers<[1], [0], [0], [1], [0, 0, 1, 1], [], []>, transpose_lhs_hint = false} : vector<128x128xf32>, vector<128x16xf32>, vector<128x16xf32> -> vector<128x16xf32>
        %add3A_489 = arith.addf %mul3A_485, %dot_general3A_488 : vector<128x16xf32>
        %concatenate3A_490 = tpu.concatenate %max3A_255, %max3A_285, %max3A_316, %max3A_347, %max3A_378, %max3A_409, %max3A_440, %max3A_471 in 1 : vector<128x1xf32>, vector<128x1xf32>, vector<128x1xf32>, vector<128x1xf32>, vector<128x1xf32>, vector<128x1xf32>, vector<128x1xf32>, vector<128x1xf32> -> vector<128x8xf32>
        %concatenate3A_491 = tpu.concatenate %add3A_265, %add3A_296, %add3A_327, %add3A_358, %add3A_389, %add3A_420, %add3A_451, %add3A_482 in 1 : vector<128x1xf32>, vector<128x1xf32>, vector<128x1xf32>, vector<128x1xf32>, vector<128x1xf32>, vector<128x1xf32>, vector<128x1xf32>, vector<128x1xf32> -> vector<128x8xf32>
        %concatenate3A_492 = tpu.concatenate %add3A_272, %add3A_303, %add3A_334, %add3A_365, %add3A_396, %add3A_427, %add3A_458, %add3A_489 in 1 : vector<128x16xf32>, vector<128x16xf32>, vector<128x16xf32>, vector<128x16xf32>, vector<128x16xf32>, vector<128x16xf32>, vector<128x16xf32>, vector<128x16xf32> -> vector<128x128xf32>
        scf.yield %concatenate3A_490, %concatenate3A_491, %concatenate3A_492 : vector<128x8xf32>, vector<128x8xf32>, vector<128x128xf32>
      }
      %while3A_93 = arith.constant 1 : i32
      %while3A_94:3 = scf.for %while3A_219 = %while3A_90 to %while3A_86 step %while3A_93 iter_args(%while3A_220 = %while3A_92#0, %while3A_221 = %while3A_92#1, %while3A_222 = %while3A_92#2) -> (vector<128x8xf32>, vector<128x8xf32>, vector<128x128xf32>)  : i32 {
        %mul3A_223 = arith.constant 128 : i32
        %mul3A_224 = arith.muli %while3A_219, %mul3A_223 : i32
        %add3A_225 = arith.addi %mul3A_19, %mul3A_224 : i32
        %get3A_226 = arith.index_cast %add3A_225 : i32 to index
        %get3A_227 = arith.constant 128 : index
        %get3A_228 = vector.load %arg3[%get3A_226, %get3A_227] : memref<10128x384xf32, #tpu.memory_space<vmem>>, vector<128x128xf32>
        %get3A_229 = arith.index_cast %add3A_225 : i32 to index
        %get3A_230 = arith.constant 256 : index
        %get3A_231 = vector.load %arg3[%get3A_229, %get3A_230] : memref<10128x384xf32, #tpu.memory_space<vmem>>, vector<128x128xf32>
        %mul3A_232 = arith.constant 128 : i32
        %mul3A_233 = arith.muli %while3A_219, %mul3A_232 : i32
        %iota3A_234 = tpu.iota {dimensions = array<i32: 1>} : vector<1x128xi32>
        %add3A_235 = vector.broadcast %mul3A_233 : i32 to vector<1x128xi32>
        %add3A_236 = arith.addi %add3A_235, %iota3A_234 : vector<1x128xi32>
        %ge3A_237 = vector.broadcast %sub3A_20 : i32 to vector<1x128xi32>
        %ge3A_238 = arith.cmpi sge, %add3A_236, %ge3A_237 : vector<1x128xi32>
        %add3A_239 = arith.addi %get3A_2, %sub3A_20 : i32
        %lt3A_240 = vector.broadcast %add3A_239 : i32 to vector<1x128xi32>
        %lt3A_241 = arith.cmpi slt, %add3A_236, %lt3A_240 : vector<1x128xi32>
        %and3A_242 = arith.andi %ge3A_238, %lt3A_241 : vector<1x128xi1>
        %slice3A_243 = vector.extract_strided_slice %mul3A_78 {offsets = [0, 0], sizes = [128, 16], strides = [1, 1]} : vector<128x128xf32> to vector<128x16xf32>
        %slice3A_244 = vector.extract_strided_slice %get3A_228 {offsets = [0, 0], sizes = [128, 16], strides = [1, 1]} : vector<128x128xf32> to vector<128x16xf32>
        %dot_general3A_245 = arith.constant dense<0.000000e+00> : vector<128x128xf32>
        %dot_general3A_246 = tpu.matmul %slice3A_243, %slice3A_244, %dot_general3A_245 {dimension_numbers = #tpu.dot_dimension_numbers<[1], [1], [0], [0], [0, 0, 1, 0], [], []>, transpose_lhs_hint = false} : vector<128x16xf32>, vector<128x16xf32>, vector<128x128xf32> -> vector<128x128xf32>
        %broadcast_in_dim3A_247 = vector.shape_cast %and3A_242 : vector<1x128xi1> to vector<1x128xi1>
        %broadcast_in_dim3A_248 = vector.broadcast %broadcast_in_dim3A_247 : vector<1x128xi1> to vector<128x128xi1>
        %broadcast_in_dim3A_249 = vector.broadcast %while3A_50 : f32 to vector<128x128xf32>
        %select_n3A_250 = arith.select %broadcast_in_dim3A_248, %dot_general3A_246, %broadcast_in_dim3A_249 : vector<128x128xi1>, vector<128x128xf32>
        %slice3A_251 = vector.extract_strided_slice %while3A_220 {offsets = [0, 0], sizes = [128, 1], strides = [1, 1]} : vector<128x8xf32> to vector<128x1xf32>
        %reduce_max3A_252 = arith.constant dense<0xFF800000> : vector<128xf32>
        %reduce_max3A_253 = vector.multi_reduction <maximumf>, %select_n3A_250, %reduce_max3A_252 [1] : vector<128x128xf32> to vector<128xf32>
        %broadcast_in_dim3A_254 = vector.shape_cast %reduce_max3A_253 : vector<128xf32> to vector<128x1xf32>
        %max3A_255 = arith.maximumf %slice3A_251, %broadcast_in_dim3A_254 : vector<128x1xf32>
        %sub3A_256 = vector.broadcast %max3A_255 : vector<128x1xf32> to vector<128x128xf32>
        %sub3A_257 = arith.subf %select_n3A_250, %sub3A_256 : vector<128x128xf32>
        %exp3A = math.exp %sub3A_257 : vector<128x128xf32>
        %sub3A_258 = arith.subf %slice3A_251, %max3A_255 : vector<128x1xf32>
        %exp3A_259 = math.exp %sub3A_258 : vector<128x1xf32>
        %slice3A_260 = vector.extract_strided_slice %while3A_221 {offsets = [0, 0], sizes = [128, 1], strides = [1, 1]} : vector<128x8xf32> to vector<128x1xf32>
        %mul3A_261 = arith.mulf %slice3A_260, %exp3A_259 : vector<128x1xf32>
        %reduce_sum3A_262 = arith.constant dense<0.000000e+00> : vector<128xf32>
        %reduce_sum3A_263 = vector.multi_reduction <add>, %exp3A, %reduce_sum3A_262 [1] : vector<128x128xf32> to vector<128xf32>
        %broadcast_in_dim3A_264 = vector.shape_cast %reduce_sum3A_263 : vector<128xf32> to vector<128x1xf32>
        %add3A_265 = arith.addf %mul3A_261, %broadcast_in_dim3A_264 : vector<128x1xf32>
        %slice3A_266 = vector.extract_strided_slice %while3A_222 {offsets = [0, 0], sizes = [128, 16], strides = [1, 1]} : vector<128x128xf32> to vector<128x16xf32>
        %mul3A_267 = vector.broadcast %exp3A_259 : vector<128x1xf32> to vector<128x16xf32>
        %mul3A_268 = arith.mulf %slice3A_266, %mul3A_267 : vector<128x16xf32>
        %slice3A_269 = vector.extract_strided_slice %get3A_231 {offsets = [0, 0], sizes = [128, 16], strides = [1, 1]} : vector<128x128xf32> to vector<128x16xf32>
        %dot_general3A_270 = arith.constant dense<0.000000e+00> : vector<128x16xf32>
        %dot_general3A_271 = tpu.matmul %exp3A, %slice3A_269, %dot_general3A_270 {dimension_numbers = #tpu.dot_dimension_numbers<[1], [0], [0], [1], [0, 0, 1, 1], [], []>, transpose_lhs_hint = false} : vector<128x128xf32>, vector<128x16xf32>, vector<128x16xf32> -> vector<128x16xf32>
        %add3A_272 = arith.addf %mul3A_268, %dot_general3A_271 : vector<128x16xf32>
        %slice3A_273 = vector.extract_strided_slice %mul3A_78 {offsets = [0, 16], sizes = [128, 16], strides = [1, 1]} : vector<128x128xf32> to vector<128x16xf32>
        %slice3A_274 = vector.extract_strided_slice %get3A_228 {offsets = [0, 16], sizes = [128, 16], strides = [1, 1]} : vector<128x128xf32> to vector<128x16xf32>
        %dot_general3A_275 = arith.constant dense<0.000000e+00> : vector<128x128xf32>
        %dot_general3A_276 = tpu.matmul %slice3A_273, %slice3A_274, %dot_general3A_275 {dimension_numbers = #tpu.dot_dimension_numbers<[1], [1], [0], [0], [0, 0, 1, 0], [], []>, transpose_lhs_hint = false} : vector<128x16xf32>, vector<128x16xf32>, vector<128x128xf32> -> vector<128x128xf32>
        %broadcast_in_dim3A_277 = vector.shape_cast %and3A_242 : vector<1x128xi1> to vector<1x128xi1>
        %broadcast_in_dim3A_278 = vector.broadcast %broadcast_in_dim3A_277 : vector<1x128xi1> to vector<128x128xi1>
        %broadcast_in_dim3A_279 = vector.broadcast %while3A_50 : f32 to vector<128x128xf32>
        %select_n3A_280 = arith.select %broadcast_in_dim3A_278, %dot_general3A_276, %broadcast_in_dim3A_279 : vector<128x128xi1>, vector<128x128xf32>
        %slice3A_281 = vector.extract_strided_slice %while3A_220 {offsets = [0, 1], sizes = [128, 1], strides = [1, 1]} : vector<128x8xf32> to vector<128x1xf32>
        %reduce_max3A_282 = arith.constant dense<0xFF800000> : vector<128xf32>
        %reduce_max3A_283 = vector.multi_reduction <maximumf>, %select_n3A_280, %reduce_max3A_282 [1] : vector<128x128xf32> to vector<128xf32>
        %broadcast_in_dim3A_284 = vector.shape_cast %reduce_max3A_283 : vector<128xf32> to vector<128x1xf32>
        %max3A_285 = arith.maximumf %slice3A_281, %broadcast_in_dim3A_284 : vector<128x1xf32>
        %sub3A_286 = vector.broadcast %max3A_285 : vector<128x1xf32> to vector<128x128xf32>
        %sub3A_287 = arith.subf %select_n3A_280, %sub3A_286 : vector<128x128xf32>
        %exp3A_288 = math.exp %sub3A_287 : vector<128x128xf32>
        %sub3A_289 = arith.subf %slice3A_281, %max3A_285 : vector<128x1xf32>
        %exp3A_290 = math.exp %sub3A_289 : vector<128x1xf32>
        %slice3A_291 = vector.extract_strided_slice %while3A_221 {offsets = [0, 1], sizes = [128, 1], strides = [1, 1]} : vector<128x8xf32> to vector<128x1xf32>
        %mul3A_292 = arith.mulf %slice3A_291, %exp3A_290 : vector<128x1xf32>
        %reduce_sum3A_293 = arith.constant dense<0.000000e+00> : vector<128xf32>
        %reduce_sum3A_294 = vector.multi_reduction <add>, %exp3A_288, %reduce_sum3A_293 [1] : vector<128x128xf32> to vector<128xf32>
        %broadcast_in_dim3A_295 = vector.shape_cast %reduce_sum3A_294 : vector<128xf32> to vector<128x1xf32>
        %add3A_296 = arith.addf %mul3A_292, %broadcast_in_dim3A_295 : vector<128x1xf32>
        %slice3A_297 = vector.extract_strided_slice %while3A_222 {offsets = [0, 16], sizes = [128, 16], strides = [1, 1]} : vector<128x128xf32> to vector<128x16xf32>
        %mul3A_298 = vector.broadcast %exp3A_290 : vector<128x1xf32> to vector<128x16xf32>
        %mul3A_299 = arith.mulf %slice3A_297, %mul3A_298 : vector<128x16xf32>
        %slice3A_300 = vector.extract_strided_slice %get3A_231 {offsets = [0, 16], sizes = [128, 16], strides = [1, 1]} : vector<128x128xf32> to vector<128x16xf32>
        %dot_general3A_301 = arith.constant dense<0.000000e+00> : vector<128x16xf32>
        %dot_general3A_302 = tpu.matmul %exp3A_288, %slice3A_300, %dot_general3A_301 {dimension_numbers = #tpu.dot_dimension_numbers<[1], [0], [0], [1], [0, 0, 1, 1], [], []>, transpose_lhs_hint = false} : vector<128x128xf32>, vector<128x16xf32>, vector<128x16xf32> -> vector<128x16xf32>
        %add3A_303 = arith.addf %mul3A_299, %dot_general3A_302 : vector<128x16xf32>
        %slice3A_304 = vector.extract_strided_slice %mul3A_78 {offsets = [0, 32], sizes = [128, 16], strides = [1, 1]} : vector<128x128xf32> to vector<128x16xf32>
        %slice3A_305 = vector.extract_strided_slice %get3A_228 {offsets = [0, 32], sizes = [128, 16], strides = [1, 1]} : vector<128x128xf32> to vector<128x16xf32>
        %dot_general3A_306 = arith.constant dense<0.000000e+00> : vector<128x128xf32>
        %dot_general3A_307 = tpu.matmul %slice3A_304, %slice3A_305, %dot_general3A_306 {dimension_numbers = #tpu.dot_dimension_numbers<[1], [1], [0], [0], [0, 0, 1, 0], [], []>, transpose_lhs_hint = false} : vector<128x16xf32>, vector<128x16xf32>, vector<128x128xf32> -> vector<128x128xf32>
        %broadcast_in_dim3A_308 = vector.shape_cast %and3A_242 : vector<1x128xi1> to vector<1x128xi1>
        %broadcast_in_dim3A_309 = vector.broadcast %broadcast_in_dim3A_308 : vector<1x128xi1> to vector<128x128xi1>
        %broadcast_in_dim3A_310 = vector.broadcast %while3A_50 : f32 to vector<128x128xf32>
        %select_n3A_311 = arith.select %broadcast_in_dim3A_309, %dot_general3A_307, %broadcast_in_dim3A_310 : vector<128x128xi1>, vector<128x128xf32>
        %slice3A_312 = vector.extract_strided_slice %while3A_220 {offsets = [0, 2], sizes = [128, 1], strides = [1, 1]} : vector<128x8xf32> to vector<128x1xf32>
        %reduce_max3A_313 = arith.constant dense<0xFF800000> : vector<128xf32>
        %reduce_max3A_314 = vector.multi_reduction <maximumf>, %select_n3A_311, %reduce_max3A_313 [1] : vector<128x128xf32> to vector<128xf32>
        %broadcast_in_dim3A_315 = vector.shape_cast %reduce_max3A_314 : vector<128xf32> to vector<128x1xf32>
        %max3A_316 = arith.maximumf %slice3A_312, %broadcast_in_dim3A_315 : vector<128x1xf32>
        %sub3A_317 = vector.broadcast %max3A_316 : vector<128x1xf32> to vector<128x128xf32>
        %sub3A_318 = arith.subf %select_n3A_311, %sub3A_317 : vector<128x128xf32>
        %exp3A_319 = math.exp %sub3A_318 : vector<128x128xf32>
        %sub3A_320 = arith.subf %slice3A_312, %max3A_316 : vector<128x1xf32>
        %exp3A_321 = math.exp %sub3A_320 : vector<128x1xf32>
        %slice3A_322 = vector.extract_strided_slice %while3A_221 {offsets = [0, 2], sizes = [128, 1], strides = [1, 1]} : vector<128x8xf32> to vector<128x1xf32>
        %mul3A_323 = arith.mulf %slice3A_322, %exp3A_321 : vector<128x1xf32>
        %reduce_sum3A_324 = arith.constant dense<0.000000e+00> : vector<128xf32>
        %reduce_sum3A_325 = vector.multi_reduction <add>, %exp3A_319, %reduce_sum3A_324 [1] : vector<128x128xf32> to vector<128xf32>
        %broadcast_in_dim3A_326 = vector.shape_cast %reduce_sum3A_325 : vector<128xf32> to vector<128x1xf32>
        %add3A_327 = arith.addf %mul3A_323, %broadcast_in_dim3A_326 : vector<128x1xf32>
        %slice3A_328 = vector.extract_strided_slice %while3A_222 {offsets = [0, 32], sizes = [128, 16], strides = [1, 1]} : vector<128x128xf32> to vector<128x16xf32>
        %mul3A_329 = vector.broadcast %exp3A_321 : vector<128x1xf32> to vector<128x16xf32>
        %mul3A_330 = arith.mulf %slice3A_328, %mul3A_329 : vector<128x16xf32>
        %slice3A_331 = vector.extract_strided_slice %get3A_231 {offsets = [0, 32], sizes = [128, 16], strides = [1, 1]} : vector<128x128xf32> to vector<128x16xf32>
        %dot_general3A_332 = arith.constant dense<0.000000e+00> : vector<128x16xf32>
        %dot_general3A_333 = tpu.matmul %exp3A_319, %slice3A_331, %dot_general3A_332 {dimension_numbers = #tpu.dot_dimension_numbers<[1], [0], [0], [1], [0, 0, 1, 1], [], []>, transpose_lhs_hint = false} : vector<128x128xf32>, vector<128x16xf32>, vector<128x16xf32> -> vector<128x16xf32>
        %add3A_334 = arith.addf %mul3A_330, %dot_general3A_333 : vector<128x16xf32>
        %slice3A_335 = vector.extract_strided_slice %mul3A_78 {offsets = [0, 48], sizes = [128, 16], strides = [1, 1]} : vector<128x128xf32> to vector<128x16xf32>
        %slice3A_336 = vector.extract_strided_slice %get3A_228 {offsets = [0, 48], sizes = [128, 16], strides = [1, 1]} : vector<128x128xf32> to vector<128x16xf32>
        %dot_general3A_337 = arith.constant dense<0.000000e+00> : vector<128x128xf32>
        %dot_general3A_338 = tpu.matmul %slice3A_335, %slice3A_336, %dot_general3A_337 {dimension_numbers = #tpu.dot_dimension_numbers<[1], [1], [0], [0], [0, 0, 1, 0], [], []>, transpose_lhs_hint = false} : vector<128x16xf32>, vector<128x16xf32>, vector<128x128xf32> -> vector<128x128xf32>
        %broadcast_in_dim3A_339 = vector.shape_cast %and3A_242 : vector<1x128xi1> to vector<1x128xi1>
        %broadcast_in_dim3A_340 = vector.broadcast %broadcast_in_dim3A_339 : vector<1x128xi1> to vector<128x128xi1>
        %broadcast_in_dim3A_341 = vector.broadcast %while3A_50 : f32 to vector<128x128xf32>
        %select_n3A_342 = arith.select %broadcast_in_dim3A_340, %dot_general3A_338, %broadcast_in_dim3A_341 : vector<128x128xi1>, vector<128x128xf32>
        %slice3A_343 = vector.extract_strided_slice %while3A_220 {offsets = [0, 3], sizes = [128, 1], strides = [1, 1]} : vector<128x8xf32> to vector<128x1xf32>
        %reduce_max3A_344 = arith.constant dense<0xFF800000> : vector<128xf32>
        %reduce_max3A_345 = vector.multi_reduction <maximumf>, %select_n3A_342, %reduce_max3A_344 [1] : vector<128x128xf32> to vector<128xf32>
        %broadcast_in_dim3A_346 = vector.shape_cast %reduce_max3A_345 : vector<128xf32> to vector<128x1xf32>
        %max3A_347 = arith.maximumf %slice3A_343, %broadcast_in_dim3A_346 : vector<128x1xf32>
        %sub3A_348 = vector.broadcast %max3A_347 : vector<128x1xf32> to vector<128x128xf32>
        %sub3A_349 = arith.subf %select_n3A_342, %sub3A_348 : vector<128x128xf32>
        %exp3A_350 = math.exp %sub3A_349 : vector<128x128xf32>
        %sub3A_351 = arith.subf %slice3A_343, %max3A_347 : vector<128x1xf32>
        %exp3A_352 = math.exp %sub3A_351 : vector<128x1xf32>
        %slice3A_353 = vector.extract_strided_slice %while3A_221 {offsets = [0, 3], sizes = [128, 1], strides = [1, 1]} : vector<128x8xf32> to vector<128x1xf32>
        %mul3A_354 = arith.mulf %slice3A_353, %exp3A_352 : vector<128x1xf32>
        %reduce_sum3A_355 = arith.constant dense<0.000000e+00> : vector<128xf32>
        %reduce_sum3A_356 = vector.multi_reduction <add>, %exp3A_350, %reduce_sum3A_355 [1] : vector<128x128xf32> to vector<128xf32>
        %broadcast_in_dim3A_357 = vector.shape_cast %reduce_sum3A_356 : vector<128xf32> to vector<128x1xf32>
        %add3A_358 = arith.addf %mul3A_354, %broadcast_in_dim3A_357 : vector<128x1xf32>
        %slice3A_359 = vector.extract_strided_slice %while3A_222 {offsets = [0, 48], sizes = [128, 16], strides = [1, 1]} : vector<128x128xf32> to vector<128x16xf32>
        %mul3A_360 = vector.broadcast %exp3A_352 : vector<128x1xf32> to vector<128x16xf32>
        %mul3A_361 = arith.mulf %slice3A_359, %mul3A_360 : vector<128x16xf32>
        %slice3A_362 = vector.extract_strided_slice %get3A_231 {offsets = [0, 48], sizes = [128, 16], strides = [1, 1]} : vector<128x128xf32> to vector<128x16xf32>
        %dot_general3A_363 = arith.constant dense<0.000000e+00> : vector<128x16xf32>
        %dot_general3A_364 = tpu.matmul %exp3A_350, %slice3A_362, %dot_general3A_363 {dimension_numbers = #tpu.dot_dimension_numbers<[1], [0], [0], [1], [0, 0, 1, 1], [], []>, transpose_lhs_hint = false} : vector<128x128xf32>, vector<128x16xf32>, vector<128x16xf32> -> vector<128x16xf32>
        %add3A_365 = arith.addf %mul3A_361, %dot_general3A_364 : vector<128x16xf32>
        %slice3A_366 = vector.extract_strided_slice %mul3A_78 {offsets = [0, 64], sizes = [128, 16], strides = [1, 1]} : vector<128x128xf32> to vector<128x16xf32>
        %slice3A_367 = vector.extract_strided_slice %get3A_228 {offsets = [0, 64], sizes = [128, 16], strides = [1, 1]} : vector<128x128xf32> to vector<128x16xf32>
        %dot_general3A_368 = arith.constant dense<0.000000e+00> : vector<128x128xf32>
        %dot_general3A_369 = tpu.matmul %slice3A_366, %slice3A_367, %dot_general3A_368 {dimension_numbers = #tpu.dot_dimension_numbers<[1], [1], [0], [0], [0, 0, 1, 0], [], []>, transpose_lhs_hint = false} : vector<128x16xf32>, vector<128x16xf32>, vector<128x128xf32> -> vector<128x128xf32>
        %broadcast_in_dim3A_370 = vector.shape_cast %and3A_242 : vector<1x128xi1> to vector<1x128xi1>
        %broadcast_in_dim3A_371 = vector.broadcast %broadcast_in_dim3A_370 : vector<1x128xi1> to vector<128x128xi1>
        %broadcast_in_dim3A_372 = vector.broadcast %while3A_50 : f32 to vector<128x128xf32>
        %select_n3A_373 = arith.select %broadcast_in_dim3A_371, %dot_general3A_369, %broadcast_in_dim3A_372 : vector<128x128xi1>, vector<128x128xf32>
        %slice3A_374 = vector.extract_strided_slice %while3A_220 {offsets = [0, 4], sizes = [128, 1], strides = [1, 1]} : vector<128x8xf32> to vector<128x1xf32>
        %reduce_max3A_375 = arith.constant dense<0xFF800000> : vector<128xf32>
        %reduce_max3A_376 = vector.multi_reduction <maximumf>, %select_n3A_373, %reduce_max3A_375 [1] : vector<128x128xf32> to vector<128xf32>
        %broadcast_in_dim3A_377 = vector.shape_cast %reduce_max3A_376 : vector<128xf32> to vector<128x1xf32>
        %max3A_378 = arith.maximumf %slice3A_374, %broadcast_in_dim3A_377 : vector<128x1xf32>
        %sub3A_379 = vector.broadcast %max3A_378 : vector<128x1xf32> to vector<128x128xf32>
        %sub3A_380 = arith.subf %select_n3A_373, %sub3A_379 : vector<128x128xf32>
        %exp3A_381 = math.exp %sub3A_380 : vector<128x128xf32>
        %sub3A_382 = arith.subf %slice3A_374, %max3A_378 : vector<128x1xf32>
        %exp3A_383 = math.exp %sub3A_382 : vector<128x1xf32>
        %slice3A_384 = vector.extract_strided_slice %while3A_221 {offsets = [0, 4], sizes = [128, 1], strides = [1, 1]} : vector<128x8xf32> to vector<128x1xf32>
        %mul3A_385 = arith.mulf %slice3A_384, %exp3A_383 : vector<128x1xf32>
        %reduce_sum3A_386 = arith.constant dense<0.000000e+00> : vector<128xf32>
        %reduce_sum3A_387 = vector.multi_reduction <add>, %exp3A_381, %reduce_sum3A_386 [1] : vector<128x128xf32> to vector<128xf32>
        %broadcast_in_dim3A_388 = vector.shape_cast %reduce_sum3A_387 : vector<128xf32> to vector<128x1xf32>
        %add3A_389 = arith.addf %mul3A_385, %broadcast_in_dim3A_388 : vector<128x1xf32>
        %slice3A_390 = vector.extract_strided_slice %while3A_222 {offsets = [0, 64], sizes = [128, 16], strides = [1, 1]} : vector<128x128xf32> to vector<128x16xf32>
        %mul3A_391 = vector.broadcast %exp3A_383 : vector<128x1xf32> to vector<128x16xf32>
        %mul3A_392 = arith.mulf %slice3A_390, %mul3A_391 : vector<128x16xf32>
        %slice3A_393 = vector.extract_strided_slice %get3A_231 {offsets = [0, 64], sizes = [128, 16], strides = [1, 1]} : vector<128x128xf32> to vector<128x16xf32>
        %dot_general3A_394 = arith.constant dense<0.000000e+00> : vector<128x16xf32>
        %dot_general3A_395 = tpu.matmul %exp3A_381, %slice3A_393, %dot_general3A_394 {dimension_numbers = #tpu.dot_dimension_numbers<[1], [0], [0], [1], [0, 0, 1, 1], [], []>, transpose_lhs_hint = false} : vector<128x128xf32>, vector<128x16xf32>, vector<128x16xf32> -> vector<128x16xf32>
        %add3A_396 = arith.addf %mul3A_392, %dot_general3A_395 : vector<128x16xf32>
        %slice3A_397 = vector.extract_strided_slice %mul3A_78 {offsets = [0, 80], sizes = [128, 16], strides = [1, 1]} : vector<128x128xf32> to vector<128x16xf32>
        %slice3A_398 = vector.extract_strided_slice %get3A_228 {offsets = [0, 80], sizes = [128, 16], strides = [1, 1]} : vector<128x128xf32> to vector<128x16xf32>
        %dot_general3A_399 = arith.constant dense<0.000000e+00> : vector<128x128xf32>
        %dot_general3A_400 = tpu.matmul %slice3A_397, %slice3A_398, %dot_general3A_399 {dimension_numbers = #tpu.dot_dimension_numbers<[1], [1], [0], [0], [0, 0, 1, 0], [], []>, transpose_lhs_hint = false} : vector<128x16xf32>, vector<128x16xf32>, vector<128x128xf32> -> vector<128x128xf32>
        %broadcast_in_dim3A_401 = vector.shape_cast %and3A_242 : vector<1x128xi1> to vector<1x128xi1>
        %broadcast_in_dim3A_402 = vector.broadcast %broadcast_in_dim3A_401 : vector<1x128xi1> to vector<128x128xi1>
        %broadcast_in_dim3A_403 = vector.broadcast %while3A_50 : f32 to vector<128x128xf32>
        %select_n3A_404 = arith.select %broadcast_in_dim3A_402, %dot_general3A_400, %broadcast_in_dim3A_403 : vector<128x128xi1>, vector<128x128xf32>
        %slice3A_405 = vector.extract_strided_slice %while3A_220 {offsets = [0, 5], sizes = [128, 1], strides = [1, 1]} : vector<128x8xf32> to vector<128x1xf32>
        %reduce_max3A_406 = arith.constant dense<0xFF800000> : vector<128xf32>
        %reduce_max3A_407 = vector.multi_reduction <maximumf>, %select_n3A_404, %reduce_max3A_406 [1] : vector<128x128xf32> to vector<128xf32>
        %broadcast_in_dim3A_408 = vector.shape_cast %reduce_max3A_407 : vector<128xf32> to vector<128x1xf32>
        %max3A_409 = arith.maximumf %slice3A_405, %broadcast_in_dim3A_408 : vector<128x1xf32>
        %sub3A_410 = vector.broadcast %max3A_409 : vector<128x1xf32> to vector<128x128xf32>
        %sub3A_411 = arith.subf %select_n3A_404, %sub3A_410 : vector<128x128xf32>
        %exp3A_412 = math.exp %sub3A_411 : vector<128x128xf32>
        %sub3A_413 = arith.subf %slice3A_405, %max3A_409 : vector<128x1xf32>
        %exp3A_414 = math.exp %sub3A_413 : vector<128x1xf32>
        %slice3A_415 = vector.extract_strided_slice %while3A_221 {offsets = [0, 5], sizes = [128, 1], strides = [1, 1]} : vector<128x8xf32> to vector<128x1xf32>
        %mul3A_416 = arith.mulf %slice3A_415, %exp3A_414 : vector<128x1xf32>
        %reduce_sum3A_417 = arith.constant dense<0.000000e+00> : vector<128xf32>
        %reduce_sum3A_418 = vector.multi_reduction <add>, %exp3A_412, %reduce_sum3A_417 [1] : vector<128x128xf32> to vector<128xf32>
        %broadcast_in_dim3A_419 = vector.shape_cast %reduce_sum3A_418 : vector<128xf32> to vector<128x1xf32>
        %add3A_420 = arith.addf %mul3A_416, %broadcast_in_dim3A_419 : vector<128x1xf32>
        %slice3A_421 = vector.extract_strided_slice %while3A_222 {offsets = [0, 80], sizes = [128, 16], strides = [1, 1]} : vector<128x128xf32> to vector<128x16xf32>
        %mul3A_422 = vector.broadcast %exp3A_414 : vector<128x1xf32> to vector<128x16xf32>
        %mul3A_423 = arith.mulf %slice3A_421, %mul3A_422 : vector<128x16xf32>
        %slice3A_424 = vector.extract_strided_slice %get3A_231 {offsets = [0, 80], sizes = [128, 16], strides = [1, 1]} : vector<128x128xf32> to vector<128x16xf32>
        %dot_general3A_425 = arith.constant dense<0.000000e+00> : vector<128x16xf32>
        %dot_general3A_426 = tpu.matmul %exp3A_412, %slice3A_424, %dot_general3A_425 {dimension_numbers = #tpu.dot_dimension_numbers<[1], [0], [0], [1], [0, 0, 1, 1], [], []>, transpose_lhs_hint = false} : vector<128x128xf32>, vector<128x16xf32>, vector<128x16xf32> -> vector<128x16xf32>
        %add3A_427 = arith.addf %mul3A_423, %dot_general3A_426 : vector<128x16xf32>
        %slice3A_428 = vector.extract_strided_slice %mul3A_78 {offsets = [0, 96], sizes = [128, 16], strides = [1, 1]} : vector<128x128xf32> to vector<128x16xf32>
        %slice3A_429 = vector.extract_strided_slice %get3A_228 {offsets = [0, 96], sizes = [128, 16], strides = [1, 1]} : vector<128x128xf32> to vector<128x16xf32>
        %dot_general3A_430 = arith.constant dense<0.000000e+00> : vector<128x128xf32>
        %dot_general3A_431 = tpu.matmul %slice3A_428, %slice3A_429, %dot_general3A_430 {dimension_numbers = #tpu.dot_dimension_numbers<[1], [1], [0], [0], [0, 0, 1, 0], [], []>, transpose_lhs_hint = false} : vector<128x16xf32>, vector<128x16xf32>, vector<128x128xf32> -> vector<128x128xf32>
        %broadcast_in_dim3A_432 = vector.shape_cast %and3A_242 : vector<1x128xi1> to vector<1x128xi1>
        %broadcast_in_dim3A_433 = vector.broadcast %broadcast_in_dim3A_432 : vector<1x128xi1> to vector<128x128xi1>
        %broadcast_in_dim3A_434 = vector.broadcast %while3A_50 : f32 to vector<128x128xf32>
        %select_n3A_435 = arith.select %broadcast_in_dim3A_433, %dot_general3A_431, %broadcast_in_dim3A_434 : vector<128x128xi1>, vector<128x128xf32>
        %slice3A_436 = vector.extract_strided_slice %while3A_220 {offsets = [0, 6], sizes = [128, 1], strides = [1, 1]} : vector<128x8xf32> to vector<128x1xf32>
        %reduce_max3A_437 = arith.constant dense<0xFF800000> : vector<128xf32>
        %reduce_max3A_438 = vector.multi_reduction <maximumf>, %select_n3A_435, %reduce_max3A_437 [1] : vector<128x128xf32> to vector<128xf32>
        %broadcast_in_dim3A_439 = vector.shape_cast %reduce_max3A_438 : vector<128xf32> to vector<128x1xf32>
        %max3A_440 = arith.maximumf %slice3A_436, %broadcast_in_dim3A_439 : vector<128x1xf32>
        %sub3A_441 = vector.broadcast %max3A_440 : vector<128x1xf32> to vector<128x128xf32>
        %sub3A_442 = arith.subf %select_n3A_435, %sub3A_441 : vector<128x128xf32>
        %exp3A_443 = math.exp %sub3A_442 : vector<128x128xf32>
        %sub3A_444 = arith.subf %slice3A_436, %max3A_440 : vector<128x1xf32>
        %exp3A_445 = math.exp %sub3A_444 : vector<128x1xf32>
        %slice3A_446 = vector.extract_strided_slice %while3A_221 {offsets = [0, 6], sizes = [128, 1], strides = [1, 1]} : vector<128x8xf32> to vector<128x1xf32>
        %mul3A_447 = arith.mulf %slice3A_446, %exp3A_445 : vector<128x1xf32>
        %reduce_sum3A_448 = arith.constant dense<0.000000e+00> : vector<128xf32>
        %reduce_sum3A_449 = vector.multi_reduction <add>, %exp3A_443, %reduce_sum3A_448 [1] : vector<128x128xf32> to vector<128xf32>
        %broadcast_in_dim3A_450 = vector.shape_cast %reduce_sum3A_449 : vector<128xf32> to vector<128x1xf32>
        %add3A_451 = arith.addf %mul3A_447, %broadcast_in_dim3A_450 : vector<128x1xf32>
        %slice3A_452 = vector.extract_strided_slice %while3A_222 {offsets = [0, 96], sizes = [128, 16], strides = [1, 1]} : vector<128x128xf32> to vector<128x16xf32>
        %mul3A_453 = vector.broadcast %exp3A_445 : vector<128x1xf32> to vector<128x16xf32>
        %mul3A_454 = arith.mulf %slice3A_452, %mul3A_453 : vector<128x16xf32>
        %slice3A_455 = vector.extract_strided_slice %get3A_231 {offsets = [0, 96], sizes = [128, 16], strides = [1, 1]} : vector<128x128xf32> to vector<128x16xf32>
        %dot_general3A_456 = arith.constant dense<0.000000e+00> : vector<128x16xf32>
        %dot_general3A_457 = tpu.matmul %exp3A_443, %slice3A_455, %dot_general3A_456 {dimension_numbers = #tpu.dot_dimension_numbers<[1], [0], [0], [1], [0, 0, 1, 1], [], []>, transpose_lhs_hint = false} : vector<128x128xf32>, vector<128x16xf32>, vector<128x16xf32> -> vector<128x16xf32>
        %add3A_458 = arith.addf %mul3A_454, %dot_general3A_457 : vector<128x16xf32>
        %slice3A_459 = vector.extract_strided_slice %mul3A_78 {offsets = [0, 112], sizes = [128, 16], strides = [1, 1]} : vector<128x128xf32> to vector<128x16xf32>
        %slice3A_460 = vector.extract_strided_slice %get3A_228 {offsets = [0, 112], sizes = [128, 16], strides = [1, 1]} : vector<128x128xf32> to vector<128x16xf32>
        %dot_general3A_461 = arith.constant dense<0.000000e+00> : vector<128x128xf32>
        %dot_general3A_462 = tpu.matmul %slice3A_459, %slice3A_460, %dot_general3A_461 {dimension_numbers = #tpu.dot_dimension_numbers<[1], [1], [0], [0], [0, 0, 1, 0], [], []>, transpose_lhs_hint = false} : vector<128x16xf32>, vector<128x16xf32>, vector<128x128xf32> -> vector<128x128xf32>
        %broadcast_in_dim3A_463 = vector.shape_cast %and3A_242 : vector<1x128xi1> to vector<1x128xi1>
        %broadcast_in_dim3A_464 = vector.broadcast %broadcast_in_dim3A_463 : vector<1x128xi1> to vector<128x128xi1>
        %broadcast_in_dim3A_465 = vector.broadcast %while3A_50 : f32 to vector<128x128xf32>
        %select_n3A_466 = arith.select %broadcast_in_dim3A_464, %dot_general3A_462, %broadcast_in_dim3A_465 : vector<128x128xi1>, vector<128x128xf32>
        %slice3A_467 = vector.extract_strided_slice %while3A_220 {offsets = [0, 7], sizes = [128, 1], strides = [1, 1]} : vector<128x8xf32> to vector<128x1xf32>
        %reduce_max3A_468 = arith.constant dense<0xFF800000> : vector<128xf32>
        %reduce_max3A_469 = vector.multi_reduction <maximumf>, %select_n3A_466, %reduce_max3A_468 [1] : vector<128x128xf32> to vector<128xf32>
        %broadcast_in_dim3A_470 = vector.shape_cast %reduce_max3A_469 : vector<128xf32> to vector<128x1xf32>
        %max3A_471 = arith.maximumf %slice3A_467, %broadcast_in_dim3A_470 : vector<128x1xf32>
        %sub3A_472 = vector.broadcast %max3A_471 : vector<128x1xf32> to vector<128x128xf32>
        %sub3A_473 = arith.subf %select_n3A_466, %sub3A_472 : vector<128x128xf32>
        %exp3A_474 = math.exp %sub3A_473 : vector<128x128xf32>
        %sub3A_475 = arith.subf %slice3A_467, %max3A_471 : vector<128x1xf32>
        %exp3A_476 = math.exp %sub3A_475 : vector<128x1xf32>
        %slice3A_477 = vector.extract_strided_slice %while3A_221 {offsets = [0, 7], sizes = [128, 1], strides = [1, 1]} : vector<128x8xf32> to vector<128x1xf32>
        %mul3A_478 = arith.mulf %slice3A_477, %exp3A_476 : vector<128x1xf32>
        %reduce_sum3A_479 = arith.constant dense<0.000000e+00> : vector<128xf32>
        %reduce_sum3A_480 = vector.multi_reduction <add>, %exp3A_474, %reduce_sum3A_479 [1] : vector<128x128xf32> to vector<128xf32>
        %broadcast_in_dim3A_481 = vector.shape_cast %reduce_sum3A_480 : vector<128xf32> to vector<128x1xf32>
        %add3A_482 = arith.addf %mul3A_478, %broadcast_in_dim3A_481 : vector<128x1xf32>
        %slice3A_483 = vector.extract_strided_slice %while3A_222 {offsets = [0, 112], sizes = [128, 16], strides = [1, 1]} : vector<128x128xf32> to vector<128x16xf32>
        %mul3A_484 = vector.broadcast %exp3A_476 : vector<128x1xf32> to vector<128x16xf32>
        %mul3A_485 = arith.mulf %slice3A_483, %mul3A_484 : vector<128x16xf32>
        %slice3A_486 = vector.extract_strided_slice %get3A_231 {offsets = [0, 112], sizes = [128, 16], strides = [1, 1]} : vector<128x128xf32> to vector<128x16xf32>
        %dot_general3A_487 = arith.constant dense<0.000000e+00> : vector<128x16xf32>
        %dot_general3A_488 = tpu.matmul %exp3A_474, %slice3A_486, %dot_general3A_487 {dimension_numbers = #tpu.dot_dimension_numbers<[1], [0], [0], [1], [0, 0, 1, 1], [], []>, transpose_lhs_hint = false} : vector<128x128xf32>, vector<128x16xf32>, vector<128x16xf32> -> vector<128x16xf32>
        %add3A_489 = arith.addf %mul3A_485, %dot_general3A_488 : vector<128x16xf32>
        %concatenate3A_490 = tpu.concatenate %max3A_255, %max3A_285, %max3A_316, %max3A_347, %max3A_378, %max3A_409, %max3A_440, %max3A_471 in 1 : vector<128x1xf32>, vector<128x1xf32>, vector<128x1xf32>, vector<128x1xf32>, vector<128x1xf32>, vector<128x1xf32>, vector<128x1xf32>, vector<128x1xf32> -> vector<128x8xf32>
        %concatenate3A_491 = tpu.concatenate %add3A_265, %add3A_296, %add3A_327, %add3A_358, %add3A_389, %add3A_420, %add3A_451, %add3A_482 in 1 : vector<128x1xf32>, vector<128x1xf32>, vector<128x1xf32>, vector<128x1xf32>, vector<128x1xf32>, vector<128x1xf32>, vector<128x1xf32>, vector<128x1xf32> -> vector<128x8xf32>
        %concatenate3A_492 = tpu.concatenate %add3A_272, %add3A_303, %add3A_334, %add3A_365, %add3A_396, %add3A_427, %add3A_458, %add3A_489 in 1 : vector<128x16xf32>, vector<128x16xf32>, vector<128x16xf32>, vector<128x16xf32>, vector<128x16xf32>, vector<128x16xf32>, vector<128x16xf32>, vector<128x16xf32> -> vector<128x128xf32>
        scf.yield %concatenate3A_490, %concatenate3A_491, %concatenate3A_492 : vector<128x8xf32>, vector<128x8xf32>, vector<128x128xf32>
      }
      %slice3A = vector.extract_strided_slice %while3A_94#2 {offsets = [0, 0], sizes = [128, 16], strides = [1, 1]} : vector<128x128xf32> to vector<128x16xf32>
      %slice3A_95 = vector.extract_strided_slice %while3A_94#1 {offsets = [0, 0], sizes = [128, 1], strides = [1, 1]} : vector<128x8xf32> to vector<128x1xf32>
      %max3A_96 = arith.constant 1.000000e-30 : f32
      %max3A_97 = vector.broadcast %max3A_96 : f32 to vector<128x1xf32>
      %max3A_98 = arith.maximumf %slice3A_95, %max3A_97 : vector<128x1xf32>
      %div3A_99 = vector.broadcast %max3A_98 : vector<128x1xf32> to vector<128x16xf32>
      %div3A_100 = arith.divf %slice3A, %div3A_99 : vector<128x16xf32>
      %slice3A_101 = vector.extract_strided_slice %while3A_94#2 {offsets = [0, 16], sizes = [128, 16], strides = [1, 1]} : vector<128x128xf32> to vector<128x16xf32>
      %slice3A_102 = vector.extract_strided_slice %while3A_94#1 {offsets = [0, 1], sizes = [128, 1], strides = [1, 1]} : vector<128x8xf32> to vector<128x1xf32>
      %max3A_103 = arith.constant 1.000000e-30 : f32
      %max3A_104 = vector.broadcast %max3A_103 : f32 to vector<128x1xf32>
      %max3A_105 = arith.maximumf %slice3A_102, %max3A_104 : vector<128x1xf32>
      %div3A_106 = vector.broadcast %max3A_105 : vector<128x1xf32> to vector<128x16xf32>
      %div3A_107 = arith.divf %slice3A_101, %div3A_106 : vector<128x16xf32>
      %slice3A_108 = vector.extract_strided_slice %while3A_94#2 {offsets = [0, 32], sizes = [128, 16], strides = [1, 1]} : vector<128x128xf32> to vector<128x16xf32>
      %slice3A_109 = vector.extract_strided_slice %while3A_94#1 {offsets = [0, 2], sizes = [128, 1], strides = [1, 1]} : vector<128x8xf32> to vector<128x1xf32>
      %max3A_110 = arith.constant 1.000000e-30 : f32
      %max3A_111 = vector.broadcast %max3A_110 : f32 to vector<128x1xf32>
      %max3A_112 = arith.maximumf %slice3A_109, %max3A_111 : vector<128x1xf32>
      %div3A_113 = vector.broadcast %max3A_112 : vector<128x1xf32> to vector<128x16xf32>
      %div3A_114 = arith.divf %slice3A_108, %div3A_113 : vector<128x16xf32>
      %slice3A_115 = vector.extract_strided_slice %while3A_94#2 {offsets = [0, 48], sizes = [128, 16], strides = [1, 1]} : vector<128x128xf32> to vector<128x16xf32>
      %slice3A_116 = vector.extract_strided_slice %while3A_94#1 {offsets = [0, 3], sizes = [128, 1], strides = [1, 1]} : vector<128x8xf32> to vector<128x1xf32>
      %max3A_117 = arith.constant 1.000000e-30 : f32
      %max3A_118 = vector.broadcast %max3A_117 : f32 to vector<128x1xf32>
      %max3A_119 = arith.maximumf %slice3A_116, %max3A_118 : vector<128x1xf32>
      %div3A_120 = vector.broadcast %max3A_119 : vector<128x1xf32> to vector<128x16xf32>
      %div3A_121 = arith.divf %slice3A_115, %div3A_120 : vector<128x16xf32>
      %slice3A_122 = vector.extract_strided_slice %while3A_94#2 {offsets = [0, 64], sizes = [128, 16], strides = [1, 1]} : vector<128x128xf32> to vector<128x16xf32>
      %slice3A_123 = vector.extract_strided_slice %while3A_94#1 {offsets = [0, 4], sizes = [128, 1], strides = [1, 1]} : vector<128x8xf32> to vector<128x1xf32>
      %max3A_124 = arith.constant 1.000000e-30 : f32
      %max3A_125 = vector.broadcast %max3A_124 : f32 to vector<128x1xf32>
      %max3A_126 = arith.maximumf %slice3A_123, %max3A_125 : vector<128x1xf32>
      %div3A_127 = vector.broadcast %max3A_126 : vector<128x1xf32> to vector<128x16xf32>
      %div3A_128 = arith.divf %slice3A_122, %div3A_127 : vector<128x16xf32>
      %slice3A_129 = vector.extract_strided_slice %while3A_94#2 {offsets = [0, 80], sizes = [128, 16], strides = [1, 1]} : vector<128x128xf32> to vector<128x16xf32>
      %slice3A_130 = vector.extract_strided_slice %while3A_94#1 {offsets = [0, 5], sizes = [128, 1], strides = [1, 1]} : vector<128x8xf32> to vector<128x1xf32>
      %max3A_131 = arith.constant 1.000000e-30 : f32
      %max3A_132 = vector.broadcast %max3A_131 : f32 to vector<128x1xf32>
      %max3A_133 = arith.maximumf %slice3A_130, %max3A_132 : vector<128x1xf32>
      %div3A_134 = vector.broadcast %max3A_133 : vector<128x1xf32> to vector<128x16xf32>
      %div3A_135 = arith.divf %slice3A_129, %div3A_134 : vector<128x16xf32>
      %slice3A_136 = vector.extract_strided_slice %while3A_94#2 {offsets = [0, 96], sizes = [128, 16], strides = [1, 1]} : vector<128x128xf32> to vector<128x16xf32>
      %slice3A_137 = vector.extract_strided_slice %while3A_94#1 {offsets = [0, 6], sizes = [128, 1], strides = [1, 1]} : vector<128x8xf32> to vector<128x1xf32>
      %max3A_138 = arith.constant 1.000000e-30 : f32
      %max3A_139 = vector.broadcast %max3A_138 : f32 to vector<128x1xf32>
      %max3A_140 = arith.maximumf %slice3A_137, %max3A_139 : vector<128x1xf32>
      %div3A_141 = vector.broadcast %max3A_140 : vector<128x1xf32> to vector<128x16xf32>
      %div3A_142 = arith.divf %slice3A_136, %div3A_141 : vector<128x16xf32>
      %slice3A_143 = vector.extract_strided_slice %while3A_94#2 {offsets = [0, 112], sizes = [128, 16], strides = [1, 1]} : vector<128x128xf32> to vector<128x16xf32>
      %slice3A_144 = vector.extract_strided_slice %while3A_94#1 {offsets = [0, 7], sizes = [128, 1], strides = [1, 1]} : vector<128x8xf32> to vector<128x1xf32>
      %max3A_145 = arith.constant 1.000000e-30 : f32
      %max3A_146 = vector.broadcast %max3A_145 : f32 to vector<128x1xf32>
      %max3A_147 = arith.maximumf %slice3A_144, %max3A_146 : vector<128x1xf32>
      %div3A_148 = vector.broadcast %max3A_147 : vector<128x1xf32> to vector<128x16xf32>
      %div3A_149 = arith.divf %slice3A_143, %div3A_148 : vector<128x16xf32>
      %concatenate3A_150 = tpu.concatenate %div3A_100, %div3A_107, %div3A_114, %div3A_121, %div3A_128, %div3A_135, %div3A_142, %div3A_149 in 1 : vector<128x16xf32>, vector<128x16xf32>, vector<128x16xf32>, vector<128x16xf32>, vector<128x16xf32>, vector<128x16xf32>, vector<128x16xf32>, vector<128x16xf32> -> vector<128x128xf32>
      %get3A_151 = arith.constant 0 : index
      %get3A_152 = arith.constant 0 : index
      %get3A_153 = vector.load %arg5[%get3A_151, %get3A_152] : memref<128x128xf32, #tpu.memory_space<vmem>>, vector<128x128xf32>
      %transpose3A = tpu.transpose %get3A_153, [1, 0] : vector<128x128xf32> -> vector<128x128xf32>
      %dot_general3A = arith.constant dense<0.000000e+00> : vector<128x128xf32>
      %dot_general3A_154 = tpu.matmul %concatenate3A_150, %transpose3A, %dot_general3A {dimension_numbers = #tpu.dot_dimension_numbers<[1], [0], [0], [1], [0, 0, 1, 1], [], []>, transpose_lhs_hint = false} : vector<128x128xf32>, vector<128x128xf32>, vector<128x128xf32> -> vector<128x128xf32>
      %get3A_155 = arith.constant 0 : index
      %get3A_156 = arith.constant 0 : index
      %get3A_157 = vector.load %arg6[%get3A_155, %get3A_156] : memref<1x128xf32, #tpu.memory_space<vmem>>, vector<1x128xf32>
      %add3A_158 = vector.broadcast %get3A_157 : vector<1x128xf32> to vector<128x128xf32>
      %add3A_159 = arith.addf %dot_general3A_154, %add3A_158 : vector<128x128xf32>
      %get3A_160 = arith.index_cast %add3A_73 : i32 to index
      %get3A_161 = arith.constant 0 : index
      %get3A_162 = vector.load %arg4[%get3A_160, %get3A_161] : memref<10128x128xf32, #tpu.memory_space<vmem>>, vector<128x128xf32>
      %add3A_163 = arith.addf %add3A_159, %get3A_162 : vector<128x128xf32>
      %get3A_164 = arith.constant 0 : index
      %get3A_165 = arith.constant 0 : index
      %get3A_166 = vector.load %arg7[%get3A_164, %get3A_165] : memref<1x128xf32, #tpu.memory_space<vmem>>, vector<1x128xf32>
      %get3A_167 = arith.constant 0 : index
      %get3A_168 = arith.constant 0 : index
      %get3A_169 = vector.load %arg8[%get3A_167, %get3A_168] : memref<1x128xf32, #tpu.memory_space<vmem>>, vector<1x128xf32>
      %reduce_sum3A = arith.constant dense<0.000000e+00> : vector<128xf32>
      %reduce_sum3A_170 = vector.multi_reduction <add>, %add3A_163, %reduce_sum3A [1] : vector<128x128xf32> to vector<128xf32>
      %broadcast_in_dim3A_171 = vector.shape_cast %reduce_sum3A_170 : vector<128xf32> to vector<128x1xf32>
      %div3A_172 = arith.constant 1.280000e+02 : f32
      %div3A_173 = vector.broadcast %div3A_172 : f32 to vector<128x1xf32>
      %div3A_174 = arith.divf %broadcast_in_dim3A_171, %div3A_173 : vector<128x1xf32>
      %sub3A_175 = vector.broadcast %div3A_174 : vector<128x1xf32> to vector<128x128xf32>
      %sub3A_176 = arith.subf %add3A_163, %sub3A_175 : vector<128x128xf32>
      %integer_pow3A = arith.mulf %sub3A_176, %sub3A_176 : vector<128x128xf32>
      %reduce_sum3A_177 = arith.constant dense<0.000000e+00> : vector<128xf32>
      %reduce_sum3A_178 = vector.multi_reduction <add>, %integer_pow3A, %reduce_sum3A_177 [1] : vector<128x128xf32> to vector<128xf32>
      %broadcast_in_dim3A_179 = vector.shape_cast %reduce_sum3A_178 : vector<128xf32> to vector<128x1xf32>
      %div3A_180 = arith.constant 1.280000e+02 : f32
      %div3A_181 = vector.broadcast %div3A_180 : f32 to vector<128x1xf32>
      %div3A_182 = arith.divf %broadcast_in_dim3A_179, %div3A_181 : vector<128x1xf32>
      %sub3A_183 = vector.broadcast %div3A_174 : vector<128x1xf32> to vector<128x128xf32>
      %sub3A_184 = arith.subf %add3A_163, %sub3A_183 : vector<128x128xf32>
      %add3A_185 = arith.constant 9.99999974E-6 : f32
      %add3A_186 = vector.broadcast %add3A_185 : f32 to vector<128x1xf32>
      %add3A_187 = arith.addf %div3A_182, %add3A_186 : vector<128x1xf32>
      %rsqrt3A = math.rsqrt %add3A_187 : vector<128x1xf32>
      %mul3A_188 = vector.broadcast %rsqrt3A : vector<128x1xf32> to vector<128x128xf32>
      %mul3A_189 = arith.mulf %sub3A_184, %mul3A_188 : vector<128x128xf32>
      %mul3A_190 = vector.broadcast %get3A_166 : vector<1x128xf32> to vector<128x128xf32>
      %mul3A_191 = arith.mulf %mul3A_189, %mul3A_190 : vector<128x128xf32>
      %add3A_192 = vector.broadcast %get3A_169 : vector<1x128xf32> to vector<128x128xf32>
      %add3A_193 = arith.addf %mul3A_191, %add3A_192 : vector<128x128xf32>
      %mul3A_194 = arith.constant 128 : i32
      %mul3A_195 = arith.muli %while3A_68, %mul3A_194 : i32
      %iota3A = tpu.iota {dimensions = array<i32: 0>} : vector<128x1xi32>
      %add3A_196 = vector.broadcast %mul3A_195 : i32 to vector<128x1xi32>
      %add3A_197 = arith.addi %add3A_196, %iota3A : vector<128x1xi32>
      %ge3A = vector.broadcast %sub3A_20 : i32 to vector<128x1xi32>
      %ge3A_198 = arith.cmpi sge, %add3A_197, %ge3A : vector<128x1xi32>
      %add3A_199 = arith.addi %get3A_2, %sub3A_20 : i32
      %lt3A = vector.broadcast %add3A_199 : i32 to vector<128x1xi32>
      %lt3A_200 = arith.cmpi slt, %add3A_197, %lt3A : vector<128x1xi32>
      %and3A_201 = arith.andi %ge3A_198, %lt3A_200 : vector<128x1xi1>
      %jit3A_202 = arith.constant 0.000000e+00 : f32
      %broadcast_in_dim3A_203 = vector.shape_cast %and3A_201 : vector<128x1xi1> to vector<128x1xi1>
      %broadcast_in_dim3A_204 = vector.broadcast %broadcast_in_dim3A_203 : vector<128x1xi1> to vector<128x128xi1>
      %broadcast_in_dim3A_205 = vector.broadcast %jit3A_202 : f32 to vector<128x128xf32>
      %select_n3A_206 = arith.select %broadcast_in_dim3A_204, %add3A_193, %broadcast_in_dim3A_205 : vector<128x128xi1>, vector<128x128xf32>
      %reduce_sum3A_207 = arith.constant dense<0.000000e+00> : vector<128xf32>
      %reduce_sum3A_208 = vector.multi_reduction <add>, %select_n3A_206, %reduce_sum3A_207 [0] : vector<128x128xf32> to vector<128xf32>
      %broadcast_in_dim3A_209 = vector.shape_cast %reduce_sum3A_208 : vector<128xf32> to vector<1x128xf32>
      %add3A_210 = arith.addf %while3A_69, %broadcast_in_dim3A_209 : vector<1x128xf32>
      %jit3A_211 = arith.constant 0xFF800000 : f32
      %broadcast_in_dim3A_212 = vector.shape_cast %and3A_201 : vector<128x1xi1> to vector<128x1xi1>
      %broadcast_in_dim3A_213 = vector.broadcast %broadcast_in_dim3A_212 : vector<128x1xi1> to vector<128x128xi1>
      %broadcast_in_dim3A_214 = vector.broadcast %jit3A_211 : f32 to vector<128x128xf32>
      %select_n3A_215 = arith.select %broadcast_in_dim3A_213, %add3A_193, %broadcast_in_dim3A_214 : vector<128x128xi1>, vector<128x128xf32>
      %reduce_max3A = arith.constant dense<0xFF800000> : vector<128xf32>
      %reduce_max3A_216 = vector.multi_reduction <maximumf>, %select_n3A_215, %reduce_max3A [0] : vector<128x128xf32> to vector<128xf32>
      %broadcast_in_dim3A_217 = vector.shape_cast %reduce_max3A_216 : vector<128xf32> to vector<1x128xf32>
      %max3A_218 = arith.maximumf %while3A_70, %broadcast_in_dim3A_217 : vector<1x128xf32>
      scf.yield %add3A_210, %max3A_218 : vector<1x128xf32>, vector<1x128xf32>
    }
    %while3A_60 = arith.constant 1 : i32
    %while3A_61:2 = scf.for %while3A_68 = %while3A_57 to %while3A_53 step %while3A_60 iter_args(%while3A_69 = %while3A_59#0, %while3A_70 = %while3A_59#1) -> (vector<1x128xf32>, vector<1x128xf32>)  : i32 {
      %mul3A_71 = arith.constant 128 : i32
      %mul3A_72 = arith.muli %while3A_68, %mul3A_71 : i32
      %add3A_73 = arith.addi %mul3A_19, %mul3A_72 : i32
      %get3A_74 = arith.index_cast %add3A_73 : i32 to index
      %get3A_75 = arith.constant 0 : index
      %get3A_76 = vector.load %arg3[%get3A_74, %get3A_75] : memref<10128x384xf32, #tpu.memory_space<vmem>>, vector<128x128xf32>
      %mul3A_77 = vector.broadcast %while3A : f32 to vector<128x128xf32>
      %mul3A_78 = arith.mulf %get3A_76, %mul3A_77 : vector<128x128xf32>
      %broadcast_in_dim3A_79 = vector.broadcast %while3A_50 : f32 to vector<128x8xf32>
      %broadcast_in_dim3A_80 = arith.constant 0.000000e+00 : f32
      %broadcast_in_dim3A_81 = vector.broadcast %broadcast_in_dim3A_80 : f32 to vector<128x8xf32>
      %broadcast_in_dim3A_82 = arith.constant 0.000000e+00 : f32
      %broadcast_in_dim3A_83 = vector.broadcast %broadcast_in_dim3A_82 : f32 to vector<128x128xf32>
      %while3A_84 = arith.constant 0 : i32
      %while3A_85 = arith.subi %select_n3A_46, %while3A_84 : i32
      %while3A_86 = arith.addi %while3A_84, %while3A_85 : i32
      %while3A_87 = arith.constant 1 : i32
      %while3A_88 = arith.divsi %while3A_85, %while3A_87 : i32
      %while3A_89 = arith.muli %while3A_88, %while3A_87 : i32
      %while3A_90 = arith.addi %while3A_84, %while3A_89 : i32
      %while3A_91 = arith.constant 1 : i32
      %while3A_92:3 = scf.for %while3A_219 = %while3A_84 to %while3A_90 step %while3A_91 iter_args(%while3A_220 = %broadcast_in_dim3A_79, %while3A_221 = %broadcast_in_dim3A_81, %while3A_222 = %broadcast_in_dim3A_83) -> (vector<128x8xf32>, vector<128x8xf32>, vector<128x128xf32>)  : i32 {
        %mul3A_223 = arith.constant 128 : i32
        %mul3A_224 = arith.muli %while3A_219, %mul3A_223 : i32
        %add3A_225 = arith.addi %mul3A_19, %mul3A_224 : i32
        %get3A_226 = arith.index_cast %add3A_225 : i32 to index
        %get3A_227 = arith.constant 128 : index
        %get3A_228 = vector.load %arg3[%get3A_226, %get3A_227] : memref<10128x384xf32, #tpu.memory_space<vmem>>, vector<128x128xf32>
        %get3A_229 = arith.index_cast %add3A_225 : i32 to index
        %get3A_230 = arith.constant 256 : index
        %get3A_231 = vector.load %arg3[%get3A_229, %get3A_230] : memref<10128x384xf32, #tpu.memory_space<vmem>>, vector<128x128xf32>
        %mul3A_232 = arith.constant 128 : i32
        %mul3A_233 = arith.muli %while3A_219, %mul3A_232 : i32
        %iota3A_234 = tpu.iota {dimensions = array<i32: 1>} : vector<1x128xi32>
        %add3A_235 = vector.broadcast %mul3A_233 : i32 to vector<1x128xi32>
        %add3A_236 = arith.addi %add3A_235, %iota3A_234 : vector<1x128xi32>
        %ge3A_237 = vector.broadcast %sub3A_20 : i32 to vector<1x128xi32>
        %ge3A_238 = arith.cmpi sge, %add3A_236, %ge3A_237 : vector<1x128xi32>
        %add3A_239 = arith.addi %get3A_2, %sub3A_20 : i32
        %lt3A_240 = vector.broadcast %add3A_239 : i32 to vector<1x128xi32>
        %lt3A_241 = arith.cmpi slt, %add3A_236, %lt3A_240 : vector<1x128xi32>
        %and3A_242 = arith.andi %ge3A_238, %lt3A_241 : vector<1x128xi1>
        %slice3A_243 = vector.extract_strided_slice %mul3A_78 {offsets = [0, 0], sizes = [128, 16], strides = [1, 1]} : vector<128x128xf32> to vector<128x16xf32>
        %slice3A_244 = vector.extract_strided_slice %get3A_228 {offsets = [0, 0], sizes = [128, 16], strides = [1, 1]} : vector<128x128xf32> to vector<128x16xf32>
        %dot_general3A_245 = arith.constant dense<0.000000e+00> : vector<128x128xf32>
        %dot_general3A_246 = tpu.matmul %slice3A_243, %slice3A_244, %dot_general3A_245 {dimension_numbers = #tpu.dot_dimension_numbers<[1], [1], [0], [0], [0, 0, 1, 0], [], []>, transpose_lhs_hint = false} : vector<128x16xf32>, vector<128x16xf32>, vector<128x128xf32> -> vector<128x128xf32>
        %broadcast_in_dim3A_247 = vector.shape_cast %and3A_242 : vector<1x128xi1> to vector<1x128xi1>
        %broadcast_in_dim3A_248 = vector.broadcast %broadcast_in_dim3A_247 : vector<1x128xi1> to vector<128x128xi1>
        %broadcast_in_dim3A_249 = vector.broadcast %while3A_50 : f32 to vector<128x128xf32>
        %select_n3A_250 = arith.select %broadcast_in_dim3A_248, %dot_general3A_246, %broadcast_in_dim3A_249 : vector<128x128xi1>, vector<128x128xf32>
        %slice3A_251 = vector.extract_strided_slice %while3A_220 {offsets = [0, 0], sizes = [128, 1], strides = [1, 1]} : vector<128x8xf32> to vector<128x1xf32>
        %reduce_max3A_252 = arith.constant dense<0xFF800000> : vector<128xf32>
        %reduce_max3A_253 = vector.multi_reduction <maximumf>, %select_n3A_250, %reduce_max3A_252 [1] : vector<128x128xf32> to vector<128xf32>
        %broadcast_in_dim3A_254 = vector.shape_cast %reduce_max3A_253 : vector<128xf32> to vector<128x1xf32>
        %max3A_255 = arith.maximumf %slice3A_251, %broadcast_in_dim3A_254 : vector<128x1xf32>
        %sub3A_256 = vector.broadcast %max3A_255 : vector<128x1xf32> to vector<128x128xf32>
        %sub3A_257 = arith.subf %select_n3A_250, %sub3A_256 : vector<128x128xf32>
        %exp3A = math.exp %sub3A_257 : vector<128x128xf32>
        %sub3A_258 = arith.subf %slice3A_251, %max3A_255 : vector<128x1xf32>
        %exp3A_259 = math.exp %sub3A_258 : vector<128x1xf32>
        %slice3A_260 = vector.extract_strided_slice %while3A_221 {offsets = [0, 0], sizes = [128, 1], strides = [1, 1]} : vector<128x8xf32> to vector<128x1xf32>
        %mul3A_261 = arith.mulf %slice3A_260, %exp3A_259 : vector<128x1xf32>
        %reduce_sum3A_262 = arith.constant dense<0.000000e+00> : vector<128xf32>
        %reduce_sum3A_263 = vector.multi_reduction <add>, %exp3A, %reduce_sum3A_262 [1] : vector<128x128xf32> to vector<128xf32>
        %broadcast_in_dim3A_264 = vector.shape_cast %reduce_sum3A_263 : vector<128xf32> to vector<128x1xf32>
        %add3A_265 = arith.addf %mul3A_261, %broadcast_in_dim3A_264 : vector<128x1xf32>
        %slice3A_266 = vector.extract_strided_slice %while3A_222 {offsets = [0, 0], sizes = [128, 16], strides = [1, 1]} : vector<128x128xf32> to vector<128x16xf32>
        %mul3A_267 = vector.broadcast %exp3A_259 : vector<128x1xf32> to vector<128x16xf32>
        %mul3A_268 = arith.mulf %slice3A_266, %mul3A_267 : vector<128x16xf32>
        %slice3A_269 = vector.extract_strided_slice %get3A_231 {offsets = [0, 0], sizes = [128, 16], strides = [1, 1]} : vector<128x128xf32> to vector<128x16xf32>
        %dot_general3A_270 = arith.constant dense<0.000000e+00> : vector<128x16xf32>
        %dot_general3A_271 = tpu.matmul %exp3A, %slice3A_269, %dot_general3A_270 {dimension_numbers = #tpu.dot_dimension_numbers<[1], [0], [0], [1], [0, 0, 1, 1], [], []>, transpose_lhs_hint = false} : vector<128x128xf32>, vector<128x16xf32>, vector<128x16xf32> -> vector<128x16xf32>
        %add3A_272 = arith.addf %mul3A_268, %dot_general3A_271 : vector<128x16xf32>
        %slice3A_273 = vector.extract_strided_slice %mul3A_78 {offsets = [0, 16], sizes = [128, 16], strides = [1, 1]} : vector<128x128xf32> to vector<128x16xf32>
        %slice3A_274 = vector.extract_strided_slice %get3A_228 {offsets = [0, 16], sizes = [128, 16], strides = [1, 1]} : vector<128x128xf32> to vector<128x16xf32>
        %dot_general3A_275 = arith.constant dense<0.000000e+00> : vector<128x128xf32>
        %dot_general3A_276 = tpu.matmul %slice3A_273, %slice3A_274, %dot_general3A_275 {dimension_numbers = #tpu.dot_dimension_numbers<[1], [1], [0], [0], [0, 0, 1, 0], [], []>, transpose_lhs_hint = false} : vector<128x16xf32>, vector<128x16xf32>, vector<128x128xf32> -> vector<128x128xf32>
        %broadcast_in_dim3A_277 = vector.shape_cast %and3A_242 : vector<1x128xi1> to vector<1x128xi1>
        %broadcast_in_dim3A_278 = vector.broadcast %broadcast_in_dim3A_277 : vector<1x128xi1> to vector<128x128xi1>
        %broadcast_in_dim3A_279 = vector.broadcast %while3A_50 : f32 to vector<128x128xf32>
        %select_n3A_280 = arith.select %broadcast_in_dim3A_278, %dot_general3A_276, %broadcast_in_dim3A_279 : vector<128x128xi1>, vector<128x128xf32>
        %slice3A_281 = vector.extract_strided_slice %while3A_220 {offsets = [0, 1], sizes = [128, 1], strides = [1, 1]} : vector<128x8xf32> to vector<128x1xf32>
        %reduce_max3A_282 = arith.constant dense<0xFF800000> : vector<128xf32>
        %reduce_max3A_283 = vector.multi_reduction <maximumf>, %select_n3A_280, %reduce_max3A_282 [1] : vector<128x128xf32> to vector<128xf32>
        %broadcast_in_dim3A_284 = vector.shape_cast %reduce_max3A_283 : vector<128xf32> to vector<128x1xf32>
        %max3A_285 = arith.maximumf %slice3A_281, %broadcast_in_dim3A_284 : vector<128x1xf32>
        %sub3A_286 = vector.broadcast %max3A_285 : vector<128x1xf32> to vector<128x128xf32>
        %sub3A_287 = arith.subf %select_n3A_280, %sub3A_286 : vector<128x128xf32>
        %exp3A_288 = math.exp %sub3A_287 : vector<128x128xf32>
        %sub3A_289 = arith.subf %slice3A_281, %max3A_285 : vector<128x1xf32>
        %exp3A_290 = math.exp %sub3A_289 : vector<128x1xf32>
        %slice3A_291 = vector.extract_strided_slice %while3A_221 {offsets = [0, 1], sizes = [128, 1], strides = [1, 1]} : vector<128x8xf32> to vector<128x1xf32>
        %mul3A_292 = arith.mulf %slice3A_291, %exp3A_290 : vector<128x1xf32>
        %reduce_sum3A_293 = arith.constant dense<0.000000e+00> : vector<128xf32>
        %reduce_sum3A_294 = vector.multi_reduction <add>, %exp3A_288, %reduce_sum3A_293 [1] : vector<128x128xf32> to vector<128xf32>
        %broadcast_in_dim3A_295 = vector.shape_cast %reduce_sum3A_294 : vector<128xf32> to vector<128x1xf32>
        %add3A_296 = arith.addf %mul3A_292, %broadcast_in_dim3A_295 : vector<128x1xf32>
        %slice3A_297 = vector.extract_strided_slice %while3A_222 {offsets = [0, 16], sizes = [128, 16], strides = [1, 1]} : vector<128x128xf32> to vector<128x16xf32>
        %mul3A_298 = vector.broadcast %exp3A_290 : vector<128x1xf32> to vector<128x16xf32>
        %mul3A_299 = arith.mulf %slice3A_297, %mul3A_298 : vector<128x16xf32>
        %slice3A_300 = vector.extract_strided_slice %get3A_231 {offsets = [0, 16], sizes = [128, 16], strides = [1, 1]} : vector<128x128xf32> to vector<128x16xf32>
        %dot_general3A_301 = arith.constant dense<0.000000e+00> : vector<128x16xf32>
        %dot_general3A_302 = tpu.matmul %exp3A_288, %slice3A_300, %dot_general3A_301 {dimension_numbers = #tpu.dot_dimension_numbers<[1], [0], [0], [1], [0, 0, 1, 1], [], []>, transpose_lhs_hint = false} : vector<128x128xf32>, vector<128x16xf32>, vector<128x16xf32> -> vector<128x16xf32>
        %add3A_303 = arith.addf %mul3A_299, %dot_general3A_302 : vector<128x16xf32>
        %slice3A_304 = vector.extract_strided_slice %mul3A_78 {offsets = [0, 32], sizes = [128, 16], strides = [1, 1]} : vector<128x128xf32> to vector<128x16xf32>
        %slice3A_305 = vector.extract_strided_slice %get3A_228 {offsets = [0, 32], sizes = [128, 16], strides = [1, 1]} : vector<128x128xf32> to vector<128x16xf32>
        %dot_general3A_306 = arith.constant dense<0.000000e+00> : vector<128x128xf32>
        %dot_general3A_307 = tpu.matmul %slice3A_304, %slice3A_305, %dot_general3A_306 {dimension_numbers = #tpu.dot_dimension_numbers<[1], [1], [0], [0], [0, 0, 1, 0], [], []>, transpose_lhs_hint = false} : vector<128x16xf32>, vector<128x16xf32>, vector<128x128xf32> -> vector<128x128xf32>
        %broadcast_in_dim3A_308 = vector.shape_cast %and3A_242 : vector<1x128xi1> to vector<1x128xi1>
        %broadcast_in_dim3A_309 = vector.broadcast %broadcast_in_dim3A_308 : vector<1x128xi1> to vector<128x128xi1>
        %broadcast_in_dim3A_310 = vector.broadcast %while3A_50 : f32 to vector<128x128xf32>
        %select_n3A_311 = arith.select %broadcast_in_dim3A_309, %dot_general3A_307, %broadcast_in_dim3A_310 : vector<128x128xi1>, vector<128x128xf32>
        %slice3A_312 = vector.extract_strided_slice %while3A_220 {offsets = [0, 2], sizes = [128, 1], strides = [1, 1]} : vector<128x8xf32> to vector<128x1xf32>
        %reduce_max3A_313 = arith.constant dense<0xFF800000> : vector<128xf32>
        %reduce_max3A_314 = vector.multi_reduction <maximumf>, %select_n3A_311, %reduce_max3A_313 [1] : vector<128x128xf32> to vector<128xf32>
        %broadcast_in_dim3A_315 = vector.shape_cast %reduce_max3A_314 : vector<128xf32> to vector<128x1xf32>
        %max3A_316 = arith.maximumf %slice3A_312, %broadcast_in_dim3A_315 : vector<128x1xf32>
        %sub3A_317 = vector.broadcast %max3A_316 : vector<128x1xf32> to vector<128x128xf32>
        %sub3A_318 = arith.subf %select_n3A_311, %sub3A_317 : vector<128x128xf32>
        %exp3A_319 = math.exp %sub3A_318 : vector<128x128xf32>
        %sub3A_320 = arith.subf %slice3A_312, %max3A_316 : vector<128x1xf32>
        %exp3A_321 = math.exp %sub3A_320 : vector<128x1xf32>
        %slice3A_322 = vector.extract_strided_slice %while3A_221 {offsets = [0, 2], sizes = [128, 1], strides = [1, 1]} : vector<128x8xf32> to vector<128x1xf32>
        %mul3A_323 = arith.mulf %slice3A_322, %exp3A_321 : vector<128x1xf32>
        %reduce_sum3A_324 = arith.constant dense<0.000000e+00> : vector<128xf32>
        %reduce_sum3A_325 = vector.multi_reduction <add>, %exp3A_319, %reduce_sum3A_324 [1] : vector<128x128xf32> to vector<128xf32>
        %broadcast_in_dim3A_326 = vector.shape_cast %reduce_sum3A_325 : vector<128xf32> to vector<128x1xf32>
        %add3A_327 = arith.addf %mul3A_323, %broadcast_in_dim3A_326 : vector<128x1xf32>
        %slice3A_328 = vector.extract_strided_slice %while3A_222 {offsets = [0, 32], sizes = [128, 16], strides = [1, 1]} : vector<128x128xf32> to vector<128x16xf32>
        %mul3A_329 = vector.broadcast %exp3A_321 : vector<128x1xf32> to vector<128x16xf32>
        %mul3A_330 = arith.mulf %slice3A_328, %mul3A_329 : vector<128x16xf32>
        %slice3A_331 = vector.extract_strided_slice %get3A_231 {offsets = [0, 32], sizes = [128, 16], strides = [1, 1]} : vector<128x128xf32> to vector<128x16xf32>
        %dot_general3A_332 = arith.constant dense<0.000000e+00> : vector<128x16xf32>
        %dot_general3A_333 = tpu.matmul %exp3A_319, %slice3A_331, %dot_general3A_332 {dimension_numbers = #tpu.dot_dimension_numbers<[1], [0], [0], [1], [0, 0, 1, 1], [], []>, transpose_lhs_hint = false} : vector<128x128xf32>, vector<128x16xf32>, vector<128x16xf32> -> vector<128x16xf32>
        %add3A_334 = arith.addf %mul3A_330, %dot_general3A_333 : vector<128x16xf32>
        %slice3A_335 = vector.extract_strided_slice %mul3A_78 {offsets = [0, 48], sizes = [128, 16], strides = [1, 1]} : vector<128x128xf32> to vector<128x16xf32>
        %slice3A_336 = vector.extract_strided_slice %get3A_228 {offsets = [0, 48], sizes = [128, 16], strides = [1, 1]} : vector<128x128xf32> to vector<128x16xf32>
        %dot_general3A_337 = arith.constant dense<0.000000e+00> : vector<128x128xf32>
        %dot_general3A_338 = tpu.matmul %slice3A_335, %slice3A_336, %dot_general3A_337 {dimension_numbers = #tpu.dot_dimension_numbers<[1], [1], [0], [0], [0, 0, 1, 0], [], []>, transpose_lhs_hint = false} : vector<128x16xf32>, vector<128x16xf32>, vector<128x128xf32> -> vector<128x128xf32>
        %broadcast_in_dim3A_339 = vector.shape_cast %and3A_242 : vector<1x128xi1> to vector<1x128xi1>
        %broadcast_in_dim3A_340 = vector.broadcast %broadcast_in_dim3A_339 : vector<1x128xi1> to vector<128x128xi1>
        %broadcast_in_dim3A_341 = vector.broadcast %while3A_50 : f32 to vector<128x128xf32>
        %select_n3A_342 = arith.select %broadcast_in_dim3A_340, %dot_general3A_338, %broadcast_in_dim3A_341 : vector<128x128xi1>, vector<128x128xf32>
        %slice3A_343 = vector.extract_strided_slice %while3A_220 {offsets = [0, 3], sizes = [128, 1], strides = [1, 1]} : vector<128x8xf32> to vector<128x1xf32>
        %reduce_max3A_344 = arith.constant dense<0xFF800000> : vector<128xf32>
        %reduce_max3A_345 = vector.multi_reduction <maximumf>, %select_n3A_342, %reduce_max3A_344 [1] : vector<128x128xf32> to vector<128xf32>
        %broadcast_in_dim3A_346 = vector.shape_cast %reduce_max3A_345 : vector<128xf32> to vector<128x1xf32>
        %max3A_347 = arith.maximumf %slice3A_343, %broadcast_in_dim3A_346 : vector<128x1xf32>
        %sub3A_348 = vector.broadcast %max3A_347 : vector<128x1xf32> to vector<128x128xf32>
        %sub3A_349 = arith.subf %select_n3A_342, %sub3A_348 : vector<128x128xf32>
        %exp3A_350 = math.exp %sub3A_349 : vector<128x128xf32>
        %sub3A_351 = arith.subf %slice3A_343, %max3A_347 : vector<128x1xf32>
        %exp3A_352 = math.exp %sub3A_351 : vector<128x1xf32>
        %slice3A_353 = vector.extract_strided_slice %while3A_221 {offsets = [0, 3], sizes = [128, 1], strides = [1, 1]} : vector<128x8xf32> to vector<128x1xf32>
        %mul3A_354 = arith.mulf %slice3A_353, %exp3A_352 : vector<128x1xf32>
        %reduce_sum3A_355 = arith.constant dense<0.000000e+00> : vector<128xf32>
        %reduce_sum3A_356 = vector.multi_reduction <add>, %exp3A_350, %reduce_sum3A_355 [1] : vector<128x128xf32> to vector<128xf32>
        %broadcast_in_dim3A_357 = vector.shape_cast %reduce_sum3A_356 : vector<128xf32> to vector<128x1xf32>
        %add3A_358 = arith.addf %mul3A_354, %broadcast_in_dim3A_357 : vector<128x1xf32>
        %slice3A_359 = vector.extract_strided_slice %while3A_222 {offsets = [0, 48], sizes = [128, 16], strides = [1, 1]} : vector<128x128xf32> to vector<128x16xf32>
        %mul3A_360 = vector.broadcast %exp3A_352 : vector<128x1xf32> to vector<128x16xf32>
        %mul3A_361 = arith.mulf %slice3A_359, %mul3A_360 : vector<128x16xf32>
        %slice3A_362 = vector.extract_strided_slice %get3A_231 {offsets = [0, 48], sizes = [128, 16], strides = [1, 1]} : vector<128x128xf32> to vector<128x16xf32>
        %dot_general3A_363 = arith.constant dense<0.000000e+00> : vector<128x16xf32>
        %dot_general3A_364 = tpu.matmul %exp3A_350, %slice3A_362, %dot_general3A_363 {dimension_numbers = #tpu.dot_dimension_numbers<[1], [0], [0], [1], [0, 0, 1, 1], [], []>, transpose_lhs_hint = false} : vector<128x128xf32>, vector<128x16xf32>, vector<128x16xf32> -> vector<128x16xf32>
        %add3A_365 = arith.addf %mul3A_361, %dot_general3A_364 : vector<128x16xf32>
        %slice3A_366 = vector.extract_strided_slice %mul3A_78 {offsets = [0, 64], sizes = [128, 16], strides = [1, 1]} : vector<128x128xf32> to vector<128x16xf32>
        %slice3A_367 = vector.extract_strided_slice %get3A_228 {offsets = [0, 64], sizes = [128, 16], strides = [1, 1]} : vector<128x128xf32> to vector<128x16xf32>
        %dot_general3A_368 = arith.constant dense<0.000000e+00> : vector<128x128xf32>
        %dot_general3A_369 = tpu.matmul %slice3A_366, %slice3A_367, %dot_general3A_368 {dimension_numbers = #tpu.dot_dimension_numbers<[1], [1], [0], [0], [0, 0, 1, 0], [], []>, transpose_lhs_hint = false} : vector<128x16xf32>, vector<128x16xf32>, vector<128x128xf32> -> vector<128x128xf32>
        %broadcast_in_dim3A_370 = vector.shape_cast %and3A_242 : vector<1x128xi1> to vector<1x128xi1>
        %broadcast_in_dim3A_371 = vector.broadcast %broadcast_in_dim3A_370 : vector<1x128xi1> to vector<128x128xi1>
        %broadcast_in_dim3A_372 = vector.broadcast %while3A_50 : f32 to vector<128x128xf32>
        %select_n3A_373 = arith.select %broadcast_in_dim3A_371, %dot_general3A_369, %broadcast_in_dim3A_372 : vector<128x128xi1>, vector<128x128xf32>
        %slice3A_374 = vector.extract_strided_slice %while3A_220 {offsets = [0, 4], sizes = [128, 1], strides = [1, 1]} : vector<128x8xf32> to vector<128x1xf32>
        %reduce_max3A_375 = arith.constant dense<0xFF800000> : vector<128xf32>
        %reduce_max3A_376 = vector.multi_reduction <maximumf>, %select_n3A_373, %reduce_max3A_375 [1] : vector<128x128xf32> to vector<128xf32>
        %broadcast_in_dim3A_377 = vector.shape_cast %reduce_max3A_376 : vector<128xf32> to vector<128x1xf32>
        %max3A_378 = arith.maximumf %slice3A_374, %broadcast_in_dim3A_377 : vector<128x1xf32>
        %sub3A_379 = vector.broadcast %max3A_378 : vector<128x1xf32> to vector<128x128xf32>
        %sub3A_380 = arith.subf %select_n3A_373, %sub3A_379 : vector<128x128xf32>
        %exp3A_381 = math.exp %sub3A_380 : vector<128x128xf32>
        %sub3A_382 = arith.subf %slice3A_374, %max3A_378 : vector<128x1xf32>
        %exp3A_383 = math.exp %sub3A_382 : vector<128x1xf32>
        %slice3A_384 = vector.extract_strided_slice %while3A_221 {offsets = [0, 4], sizes = [128, 1], strides = [1, 1]} : vector<128x8xf32> to vector<128x1xf32>
        %mul3A_385 = arith.mulf %slice3A_384, %exp3A_383 : vector<128x1xf32>
        %reduce_sum3A_386 = arith.constant dense<0.000000e+00> : vector<128xf32>
        %reduce_sum3A_387 = vector.multi_reduction <add>, %exp3A_381, %reduce_sum3A_386 [1] : vector<128x128xf32> to vector<128xf32>
        %broadcast_in_dim3A_388 = vector.shape_cast %reduce_sum3A_387 : vector<128xf32> to vector<128x1xf32>
        %add3A_389 = arith.addf %mul3A_385, %broadcast_in_dim3A_388 : vector<128x1xf32>
        %slice3A_390 = vector.extract_strided_slice %while3A_222 {offsets = [0, 64], sizes = [128, 16], strides = [1, 1]} : vector<128x128xf32> to vector<128x16xf32>
        %mul3A_391 = vector.broadcast %exp3A_383 : vector<128x1xf32> to vector<128x16xf32>
        %mul3A_392 = arith.mulf %slice3A_390, %mul3A_391 : vector<128x16xf32>
        %slice3A_393 = vector.extract_strided_slice %get3A_231 {offsets = [0, 64], sizes = [128, 16], strides = [1, 1]} : vector<128x128xf32> to vector<128x16xf32>
        %dot_general3A_394 = arith.constant dense<0.000000e+00> : vector<128x16xf32>
        %dot_general3A_395 = tpu.matmul %exp3A_381, %slice3A_393, %dot_general3A_394 {dimension_numbers = #tpu.dot_dimension_numbers<[1], [0], [0], [1], [0, 0, 1, 1], [], []>, transpose_lhs_hint = false} : vector<128x128xf32>, vector<128x16xf32>, vector<128x16xf32> -> vector<128x16xf32>
        %add3A_396 = arith.addf %mul3A_392, %dot_general3A_395 : vector<128x16xf32>
        %slice3A_397 = vector.extract_strided_slice %mul3A_78 {offsets = [0, 80], sizes = [128, 16], strides = [1, 1]} : vector<128x128xf32> to vector<128x16xf32>
        %slice3A_398 = vector.extract_strided_slice %get3A_228 {offsets = [0, 80], sizes = [128, 16], strides = [1, 1]} : vector<128x128xf32> to vector<128x16xf32>
        %dot_general3A_399 = arith.constant dense<0.000000e+00> : vector<128x128xf32>
        %dot_general3A_400 = tpu.matmul %slice3A_397, %slice3A_398, %dot_general3A_399 {dimension_numbers = #tpu.dot_dimension_numbers<[1], [1], [0], [0], [0, 0, 1, 0], [], []>, transpose_lhs_hint = false} : vector<128x16xf32>, vector<128x16xf32>, vector<128x128xf32> -> vector<128x128xf32>
        %broadcast_in_dim3A_401 = vector.shape_cast %and3A_242 : vector<1x128xi1> to vector<1x128xi1>
        %broadcast_in_dim3A_402 = vector.broadcast %broadcast_in_dim3A_401 : vector<1x128xi1> to vector<128x128xi1>
        %broadcast_in_dim3A_403 = vector.broadcast %while3A_50 : f32 to vector<128x128xf32>
        %select_n3A_404 = arith.select %broadcast_in_dim3A_402, %dot_general3A_400, %broadcast_in_dim3A_403 : vector<128x128xi1>, vector<128x128xf32>
        %slice3A_405 = vector.extract_strided_slice %while3A_220 {offsets = [0, 5], sizes = [128, 1], strides = [1, 1]} : vector<128x8xf32> to vector<128x1xf32>
        %reduce_max3A_406 = arith.constant dense<0xFF800000> : vector<128xf32>
        %reduce_max3A_407 = vector.multi_reduction <maximumf>, %select_n3A_404, %reduce_max3A_406 [1] : vector<128x128xf32> to vector<128xf32>
        %broadcast_in_dim3A_408 = vector.shape_cast %reduce_max3A_407 : vector<128xf32> to vector<128x1xf32>
        %max3A_409 = arith.maximumf %slice3A_405, %broadcast_in_dim3A_408 : vector<128x1xf32>
        %sub3A_410 = vector.broadcast %max3A_409 : vector<128x1xf32> to vector<128x128xf32>
        %sub3A_411 = arith.subf %select_n3A_404, %sub3A_410 : vector<128x128xf32>
        %exp3A_412 = math.exp %sub3A_411 : vector<128x128xf32>
        %sub3A_413 = arith.subf %slice3A_405, %max3A_409 : vector<128x1xf32>
        %exp3A_414 = math.exp %sub3A_413 : vector<128x1xf32>
        %slice3A_415 = vector.extract_strided_slice %while3A_221 {offsets = [0, 5], sizes = [128, 1], strides = [1, 1]} : vector<128x8xf32> to vector<128x1xf32>
        %mul3A_416 = arith.mulf %slice3A_415, %exp3A_414 : vector<128x1xf32>
        %reduce_sum3A_417 = arith.constant dense<0.000000e+00> : vector<128xf32>
        %reduce_sum3A_418 = vector.multi_reduction <add>, %exp3A_412, %reduce_sum3A_417 [1] : vector<128x128xf32> to vector<128xf32>
        %broadcast_in_dim3A_419 = vector.shape_cast %reduce_sum3A_418 : vector<128xf32> to vector<128x1xf32>
        %add3A_420 = arith.addf %mul3A_416, %broadcast_in_dim3A_419 : vector<128x1xf32>
        %slice3A_421 = vector.extract_strided_slice %while3A_222 {offsets = [0, 80], sizes = [128, 16], strides = [1, 1]} : vector<128x128xf32> to vector<128x16xf32>
        %mul3A_422 = vector.broadcast %exp3A_414 : vector<128x1xf32> to vector<128x16xf32>
        %mul3A_423 = arith.mulf %slice3A_421, %mul3A_422 : vector<128x16xf32>
        %slice3A_424 = vector.extract_strided_slice %get3A_231 {offsets = [0, 80], sizes = [128, 16], strides = [1, 1]} : vector<128x128xf32> to vector<128x16xf32>
        %dot_general3A_425 = arith.constant dense<0.000000e+00> : vector<128x16xf32>
        %dot_general3A_426 = tpu.matmul %exp3A_412, %slice3A_424, %dot_general3A_425 {dimension_numbers = #tpu.dot_dimension_numbers<[1], [0], [0], [1], [0, 0, 1, 1], [], []>, transpose_lhs_hint = false} : vector<128x128xf32>, vector<128x16xf32>, vector<128x16xf32> -> vector<128x16xf32>
        %add3A_427 = arith.addf %mul3A_423, %dot_general3A_426 : vector<128x16xf32>
        %slice3A_428 = vector.extract_strided_slice %mul3A_78 {offsets = [0, 96], sizes = [128, 16], strides = [1, 1]} : vector<128x128xf32> to vector<128x16xf32>
        %slice3A_429 = vector.extract_strided_slice %get3A_228 {offsets = [0, 96], sizes = [128, 16], strides = [1, 1]} : vector<128x128xf32> to vector<128x16xf32>
        %dot_general3A_430 = arith.constant dense<0.000000e+00> : vector<128x128xf32>
        %dot_general3A_431 = tpu.matmul %slice3A_428, %slice3A_429, %dot_general3A_430 {dimension_numbers = #tpu.dot_dimension_numbers<[1], [1], [0], [0], [0, 0, 1, 0], [], []>, transpose_lhs_hint = false} : vector<128x16xf32>, vector<128x16xf32>, vector<128x128xf32> -> vector<128x128xf32>
        %broadcast_in_dim3A_432 = vector.shape_cast %and3A_242 : vector<1x128xi1> to vector<1x128xi1>
        %broadcast_in_dim3A_433 = vector.broadcast %broadcast_in_dim3A_432 : vector<1x128xi1> to vector<128x128xi1>
        %broadcast_in_dim3A_434 = vector.broadcast %while3A_50 : f32 to vector<128x128xf32>
        %select_n3A_435 = arith.select %broadcast_in_dim3A_433, %dot_general3A_431, %broadcast_in_dim3A_434 : vector<128x128xi1>, vector<128x128xf32>
        %slice3A_436 = vector.extract_strided_slice %while3A_220 {offsets = [0, 6], sizes = [128, 1], strides = [1, 1]} : vector<128x8xf32> to vector<128x1xf32>
        %reduce_max3A_437 = arith.constant dense<0xFF800000> : vector<128xf32>
        %reduce_max3A_438 = vector.multi_reduction <maximumf>, %select_n3A_435, %reduce_max3A_437 [1] : vector<128x128xf32> to vector<128xf32>
        %broadcast_in_dim3A_439 = vector.shape_cast %reduce_max3A_438 : vector<128xf32> to vector<128x1xf32>
        %max3A_440 = arith.maximumf %slice3A_436, %broadcast_in_dim3A_439 : vector<128x1xf32>
        %sub3A_441 = vector.broadcast %max3A_440 : vector<128x1xf32> to vector<128x128xf32>
        %sub3A_442 = arith.subf %select_n3A_435, %sub3A_441 : vector<128x128xf32>
        %exp3A_443 = math.exp %sub3A_442 : vector<128x128xf32>
        %sub3A_444 = arith.subf %slice3A_436, %max3A_440 : vector<128x1xf32>
        %exp3A_445 = math.exp %sub3A_444 : vector<128x1xf32>
        %slice3A_446 = vector.extract_strided_slice %while3A_221 {offsets = [0, 6], sizes = [128, 1], strides = [1, 1]} : vector<128x8xf32> to vector<128x1xf32>
        %mul3A_447 = arith.mulf %slice3A_446, %exp3A_445 : vector<128x1xf32>
        %reduce_sum3A_448 = arith.constant dense<0.000000e+00> : vector<128xf32>
        %reduce_sum3A_449 = vector.multi_reduction <add>, %exp3A_443, %reduce_sum3A_448 [1] : vector<128x128xf32> to vector<128xf32>
        %broadcast_in_dim3A_450 = vector.shape_cast %reduce_sum3A_449 : vector<128xf32> to vector<128x1xf32>
        %add3A_451 = arith.addf %mul3A_447, %broadcast_in_dim3A_450 : vector<128x1xf32>
        %slice3A_452 = vector.extract_strided_slice %while3A_222 {offsets = [0, 96], sizes = [128, 16], strides = [1, 1]} : vector<128x128xf32> to vector<128x16xf32>
        %mul3A_453 = vector.broadcast %exp3A_445 : vector<128x1xf32> to vector<128x16xf32>
        %mul3A_454 = arith.mulf %slice3A_452, %mul3A_453 : vector<128x16xf32>
        %slice3A_455 = vector.extract_strided_slice %get3A_231 {offsets = [0, 96], sizes = [128, 16], strides = [1, 1]} : vector<128x128xf32> to vector<128x16xf32>
        %dot_general3A_456 = arith.constant dense<0.000000e+00> : vector<128x16xf32>
        %dot_general3A_457 = tpu.matmul %exp3A_443, %slice3A_455, %dot_general3A_456 {dimension_numbers = #tpu.dot_dimension_numbers<[1], [0], [0], [1], [0, 0, 1, 1], [], []>, transpose_lhs_hint = false} : vector<128x128xf32>, vector<128x16xf32>, vector<128x16xf32> -> vector<128x16xf32>
        %add3A_458 = arith.addf %mul3A_454, %dot_general3A_457 : vector<128x16xf32>
        %slice3A_459 = vector.extract_strided_slice %mul3A_78 {offsets = [0, 112], sizes = [128, 16], strides = [1, 1]} : vector<128x128xf32> to vector<128x16xf32>
        %slice3A_460 = vector.extract_strided_slice %get3A_228 {offsets = [0, 112], sizes = [128, 16], strides = [1, 1]} : vector<128x128xf32> to vector<128x16xf32>
        %dot_general3A_461 = arith.constant dense<0.000000e+00> : vector<128x128xf32>
        %dot_general3A_462 = tpu.matmul %slice3A_459, %slice3A_460, %dot_general3A_461 {dimension_numbers = #tpu.dot_dimension_numbers<[1], [1], [0], [0], [0, 0, 1, 0], [], []>, transpose_lhs_hint = false} : vector<128x16xf32>, vector<128x16xf32>, vector<128x128xf32> -> vector<128x128xf32>
        %broadcast_in_dim3A_463 = vector.shape_cast %and3A_242 : vector<1x128xi1> to vector<1x128xi1>
        %broadcast_in_dim3A_464 = vector.broadcast %broadcast_in_dim3A_463 : vector<1x128xi1> to vector<128x128xi1>
        %broadcast_in_dim3A_465 = vector.broadcast %while3A_50 : f32 to vector<128x128xf32>
        %select_n3A_466 = arith.select %broadcast_in_dim3A_464, %dot_general3A_462, %broadcast_in_dim3A_465 : vector<128x128xi1>, vector<128x128xf32>
        %slice3A_467 = vector.extract_strided_slice %while3A_220 {offsets = [0, 7], sizes = [128, 1], strides = [1, 1]} : vector<128x8xf32> to vector<128x1xf32>
        %reduce_max3A_468 = arith.constant dense<0xFF800000> : vector<128xf32>
        %reduce_max3A_469 = vector.multi_reduction <maximumf>, %select_n3A_466, %reduce_max3A_468 [1] : vector<128x128xf32> to vector<128xf32>
        %broadcast_in_dim3A_470 = vector.shape_cast %reduce_max3A_469 : vector<128xf32> to vector<128x1xf32>
        %max3A_471 = arith.maximumf %slice3A_467, %broadcast_in_dim3A_470 : vector<128x1xf32>
        %sub3A_472 = vector.broadcast %max3A_471 : vector<128x1xf32> to vector<128x128xf32>
        %sub3A_473 = arith.subf %select_n3A_466, %sub3A_472 : vector<128x128xf32>
        %exp3A_474 = math.exp %sub3A_473 : vector<128x128xf32>
        %sub3A_475 = arith.subf %slice3A_467, %max3A_471 : vector<128x1xf32>
        %exp3A_476 = math.exp %sub3A_475 : vector<128x1xf32>
        %slice3A_477 = vector.extract_strided_slice %while3A_221 {offsets = [0, 7], sizes = [128, 1], strides = [1, 1]} : vector<128x8xf32> to vector<128x1xf32>
        %mul3A_478 = arith.mulf %slice3A_477, %exp3A_476 : vector<128x1xf32>
        %reduce_sum3A_479 = arith.constant dense<0.000000e+00> : vector<128xf32>
        %reduce_sum3A_480 = vector.multi_reduction <add>, %exp3A_474, %reduce_sum3A_479 [1] : vector<128x128xf32> to vector<128xf32>
        %broadcast_in_dim3A_481 = vector.shape_cast %reduce_sum3A_480 : vector<128xf32> to vector<128x1xf32>
        %add3A_482 = arith.addf %mul3A_478, %broadcast_in_dim3A_481 : vector<128x1xf32>
        %slice3A_483 = vector.extract_strided_slice %while3A_222 {offsets = [0, 112], sizes = [128, 16], strides = [1, 1]} : vector<128x128xf32> to vector<128x16xf32>
        %mul3A_484 = vector.broadcast %exp3A_476 : vector<128x1xf32> to vector<128x16xf32>
        %mul3A_485 = arith.mulf %slice3A_483, %mul3A_484 : vector<128x16xf32>
        %slice3A_486 = vector.extract_strided_slice %get3A_231 {offsets = [0, 112], sizes = [128, 16], strides = [1, 1]} : vector<128x128xf32> to vector<128x16xf32>
        %dot_general3A_487 = arith.constant dense<0.000000e+00> : vector<128x16xf32>
        %dot_general3A_488 = tpu.matmul %exp3A_474, %slice3A_486, %dot_general3A_487 {dimension_numbers = #tpu.dot_dimension_numbers<[1], [0], [0], [1], [0, 0, 1, 1], [], []>, transpose_lhs_hint = false} : vector<128x128xf32>, vector<128x16xf32>, vector<128x16xf32> -> vector<128x16xf32>
        %add3A_489 = arith.addf %mul3A_485, %dot_general3A_488 : vector<128x16xf32>
        %concatenate3A_490 = tpu.concatenate %max3A_255, %max3A_285, %max3A_316, %max3A_347, %max3A_378, %max3A_409, %max3A_440, %max3A_471 in 1 : vector<128x1xf32>, vector<128x1xf32>, vector<128x1xf32>, vector<128x1xf32>, vector<128x1xf32>, vector<128x1xf32>, vector<128x1xf32>, vector<128x1xf32> -> vector<128x8xf32>
        %concatenate3A_491 = tpu.concatenate %add3A_265, %add3A_296, %add3A_327, %add3A_358, %add3A_389, %add3A_420, %add3A_451, %add3A_482 in 1 : vector<128x1xf32>, vector<128x1xf32>, vector<128x1xf32>, vector<128x1xf32>, vector<128x1xf32>, vector<128x1xf32>, vector<128x1xf32>, vector<128x1xf32> -> vector<128x8xf32>
        %concatenate3A_492 = tpu.concatenate %add3A_272, %add3A_303, %add3A_334, %add3A_365, %add3A_396, %add3A_427, %add3A_458, %add3A_489 in 1 : vector<128x16xf32>, vector<128x16xf32>, vector<128x16xf32>, vector<128x16xf32>, vector<128x16xf32>, vector<128x16xf32>, vector<128x16xf32>, vector<128x16xf32> -> vector<128x128xf32>
        scf.yield %concatenate3A_490, %concatenate3A_491, %concatenate3A_492 : vector<128x8xf32>, vector<128x8xf32>, vector<128x128xf32>
      }
      %while3A_93 = arith.constant 1 : i32
      %while3A_94:3 = scf.for %while3A_219 = %while3A_90 to %while3A_86 step %while3A_93 iter_args(%while3A_220 = %while3A_92#0, %while3A_221 = %while3A_92#1, %while3A_222 = %while3A_92#2) -> (vector<128x8xf32>, vector<128x8xf32>, vector<128x128xf32>)  : i32 {
        %mul3A_223 = arith.constant 128 : i32
        %mul3A_224 = arith.muli %while3A_219, %mul3A_223 : i32
        %add3A_225 = arith.addi %mul3A_19, %mul3A_224 : i32
        %get3A_226 = arith.index_cast %add3A_225 : i32 to index
        %get3A_227 = arith.constant 128 : index
        %get3A_228 = vector.load %arg3[%get3A_226, %get3A_227] : memref<10128x384xf32, #tpu.memory_space<vmem>>, vector<128x128xf32>
        %get3A_229 = arith.index_cast %add3A_225 : i32 to index
        %get3A_230 = arith.constant 256 : index
        %get3A_231 = vector.load %arg3[%get3A_229, %get3A_230] : memref<10128x384xf32, #tpu.memory_space<vmem>>, vector<128x128xf32>
        %mul3A_232 = arith.constant 128 : i32
        %mul3A_233 = arith.muli %while3A_219, %mul3A_232 : i32
        %iota3A_234 = tpu.iota {dimensions = array<i32: 1>} : vector<1x128xi32>
        %add3A_235 = vector.broadcast %mul3A_233 : i32 to vector<1x128xi32>
        %add3A_236 = arith.addi %add3A_235, %iota3A_234 : vector<1x128xi32>
        %ge3A_237 = vector.broadcast %sub3A_20 : i32 to vector<1x128xi32>
        %ge3A_238 = arith.cmpi sge, %add3A_236, %ge3A_237 : vector<1x128xi32>
        %add3A_239 = arith.addi %get3A_2, %sub3A_20 : i32
        %lt3A_240 = vector.broadcast %add3A_239 : i32 to vector<1x128xi32>
        %lt3A_241 = arith.cmpi slt, %add3A_236, %lt3A_240 : vector<1x128xi32>
        %and3A_242 = arith.andi %ge3A_238, %lt3A_241 : vector<1x128xi1>
        %slice3A_243 = vector.extract_strided_slice %mul3A_78 {offsets = [0, 0], sizes = [128, 16], strides = [1, 1]} : vector<128x128xf32> to vector<128x16xf32>
        %slice3A_244 = vector.extract_strided_slice %get3A_228 {offsets = [0, 0], sizes = [128, 16], strides = [1, 1]} : vector<128x128xf32> to vector<128x16xf32>
        %dot_general3A_245 = arith.constant dense<0.000000e+00> : vector<128x128xf32>
        %dot_general3A_246 = tpu.matmul %slice3A_243, %slice3A_244, %dot_general3A_245 {dimension_numbers = #tpu.dot_dimension_numbers<[1], [1], [0], [0], [0, 0, 1, 0], [], []>, transpose_lhs_hint = false} : vector<128x16xf32>, vector<128x16xf32>, vector<128x128xf32> -> vector<128x128xf32>
        %broadcast_in_dim3A_247 = vector.shape_cast %and3A_242 : vector<1x128xi1> to vector<1x128xi1>
        %broadcast_in_dim3A_248 = vector.broadcast %broadcast_in_dim3A_247 : vector<1x128xi1> to vector<128x128xi1>
        %broadcast_in_dim3A_249 = vector.broadcast %while3A_50 : f32 to vector<128x128xf32>
        %select_n3A_250 = arith.select %broadcast_in_dim3A_248, %dot_general3A_246, %broadcast_in_dim3A_249 : vector<128x128xi1>, vector<128x128xf32>
        %slice3A_251 = vector.extract_strided_slice %while3A_220 {offsets = [0, 0], sizes = [128, 1], strides = [1, 1]} : vector<128x8xf32> to vector<128x1xf32>
        %reduce_max3A_252 = arith.constant dense<0xFF800000> : vector<128xf32>
        %reduce_max3A_253 = vector.multi_reduction <maximumf>, %select_n3A_250, %reduce_max3A_252 [1] : vector<128x128xf32> to vector<128xf32>
        %broadcast_in_dim3A_254 = vector.shape_cast %reduce_max3A_253 : vector<128xf32> to vector<128x1xf32>
        %max3A_255 = arith.maximumf %slice3A_251, %broadcast_in_dim3A_254 : vector<128x1xf32>
        %sub3A_256 = vector.broadcast %max3A_255 : vector<128x1xf32> to vector<128x128xf32>
        %sub3A_257 = arith.subf %select_n3A_250, %sub3A_256 : vector<128x128xf32>
        %exp3A = math.exp %sub3A_257 : vector<128x128xf32>
        %sub3A_258 = arith.subf %slice3A_251, %max3A_255 : vector<128x1xf32>
        %exp3A_259 = math.exp %sub3A_258 : vector<128x1xf32>
        %slice3A_260 = vector.extract_strided_slice %while3A_221 {offsets = [0, 0], sizes = [128, 1], strides = [1, 1]} : vector<128x8xf32> to vector<128x1xf32>
        %mul3A_261 = arith.mulf %slice3A_260, %exp3A_259 : vector<128x1xf32>
        %reduce_sum3A_262 = arith.constant dense<0.000000e+00> : vector<128xf32>
        %reduce_sum3A_263 = vector.multi_reduction <add>, %exp3A, %reduce_sum3A_262 [1] : vector<128x128xf32> to vector<128xf32>
        %broadcast_in_dim3A_264 = vector.shape_cast %reduce_sum3A_263 : vector<128xf32> to vector<128x1xf32>
        %add3A_265 = arith.addf %mul3A_261, %broadcast_in_dim3A_264 : vector<128x1xf32>
        %slice3A_266 = vector.extract_strided_slice %while3A_222 {offsets = [0, 0], sizes = [128, 16], strides = [1, 1]} : vector<128x128xf32> to vector<128x16xf32>
        %mul3A_267 = vector.broadcast %exp3A_259 : vector<128x1xf32> to vector<128x16xf32>
        %mul3A_268 = arith.mulf %slice3A_266, %mul3A_267 : vector<128x16xf32>
        %slice3A_269 = vector.extract_strided_slice %get3A_231 {offsets = [0, 0], sizes = [128, 16], strides = [1, 1]} : vector<128x128xf32> to vector<128x16xf32>
        %dot_general3A_270 = arith.constant dense<0.000000e+00> : vector<128x16xf32>
        %dot_general3A_271 = tpu.matmul %exp3A, %slice3A_269, %dot_general3A_270 {dimension_numbers = #tpu.dot_dimension_numbers<[1], [0], [0], [1], [0, 0, 1, 1], [], []>, transpose_lhs_hint = false} : vector<128x128xf32>, vector<128x16xf32>, vector<128x16xf32> -> vector<128x16xf32>
        %add3A_272 = arith.addf %mul3A_268, %dot_general3A_271 : vector<128x16xf32>
        %slice3A_273 = vector.extract_strided_slice %mul3A_78 {offsets = [0, 16], sizes = [128, 16], strides = [1, 1]} : vector<128x128xf32> to vector<128x16xf32>
        %slice3A_274 = vector.extract_strided_slice %get3A_228 {offsets = [0, 16], sizes = [128, 16], strides = [1, 1]} : vector<128x128xf32> to vector<128x16xf32>
        %dot_general3A_275 = arith.constant dense<0.000000e+00> : vector<128x128xf32>
        %dot_general3A_276 = tpu.matmul %slice3A_273, %slice3A_274, %dot_general3A_275 {dimension_numbers = #tpu.dot_dimension_numbers<[1], [1], [0], [0], [0, 0, 1, 0], [], []>, transpose_lhs_hint = false} : vector<128x16xf32>, vector<128x16xf32>, vector<128x128xf32> -> vector<128x128xf32>
        %broadcast_in_dim3A_277 = vector.shape_cast %and3A_242 : vector<1x128xi1> to vector<1x128xi1>
        %broadcast_in_dim3A_278 = vector.broadcast %broadcast_in_dim3A_277 : vector<1x128xi1> to vector<128x128xi1>
        %broadcast_in_dim3A_279 = vector.broadcast %while3A_50 : f32 to vector<128x128xf32>
        %select_n3A_280 = arith.select %broadcast_in_dim3A_278, %dot_general3A_276, %broadcast_in_dim3A_279 : vector<128x128xi1>, vector<128x128xf32>
        %slice3A_281 = vector.extract_strided_slice %while3A_220 {offsets = [0, 1], sizes = [128, 1], strides = [1, 1]} : vector<128x8xf32> to vector<128x1xf32>
        %reduce_max3A_282 = arith.constant dense<0xFF800000> : vector<128xf32>
        %reduce_max3A_283 = vector.multi_reduction <maximumf>, %select_n3A_280, %reduce_max3A_282 [1] : vector<128x128xf32> to vector<128xf32>
        %broadcast_in_dim3A_284 = vector.shape_cast %reduce_max3A_283 : vector<128xf32> to vector<128x1xf32>
        %max3A_285 = arith.maximumf %slice3A_281, %broadcast_in_dim3A_284 : vector<128x1xf32>
        %sub3A_286 = vector.broadcast %max3A_285 : vector<128x1xf32> to vector<128x128xf32>
        %sub3A_287 = arith.subf %select_n3A_280, %sub3A_286 : vector<128x128xf32>
        %exp3A_288 = math.exp %sub3A_287 : vector<128x128xf32>
        %sub3A_289 = arith.subf %slice3A_281, %max3A_285 : vector<128x1xf32>
        %exp3A_290 = math.exp %sub3A_289 : vector<128x1xf32>
        %slice3A_291 = vector.extract_strided_slice %while3A_221 {offsets = [0, 1], sizes = [128, 1], strides = [1, 1]} : vector<128x8xf32> to vector<128x1xf32>
        %mul3A_292 = arith.mulf %slice3A_291, %exp3A_290 : vector<128x1xf32>
        %reduce_sum3A_293 = arith.constant dense<0.000000e+00> : vector<128xf32>
        %reduce_sum3A_294 = vector.multi_reduction <add>, %exp3A_288, %reduce_sum3A_293 [1] : vector<128x128xf32> to vector<128xf32>
        %broadcast_in_dim3A_295 = vector.shape_cast %reduce_sum3A_294 : vector<128xf32> to vector<128x1xf32>
        %add3A_296 = arith.addf %mul3A_292, %broadcast_in_dim3A_295 : vector<128x1xf32>
        %slice3A_297 = vector.extract_strided_slice %while3A_222 {offsets = [0, 16], sizes = [128, 16], strides = [1, 1]} : vector<128x128xf32> to vector<128x16xf32>
        %mul3A_298 = vector.broadcast %exp3A_290 : vector<128x1xf32> to vector<128x16xf32>
        %mul3A_299 = arith.mulf %slice3A_297, %mul3A_298 : vector<128x16xf32>
        %slice3A_300 = vector.extract_strided_slice %get3A_231 {offsets = [0, 16], sizes = [128, 16], strides = [1, 1]} : vector<128x128xf32> to vector<128x16xf32>
        %dot_general3A_301 = arith.constant dense<0.000000e+00> : vector<128x16xf32>
        %dot_general3A_302 = tpu.matmul %exp3A_288, %slice3A_300, %dot_general3A_301 {dimension_numbers = #tpu.dot_dimension_numbers<[1], [0], [0], [1], [0, 0, 1, 1], [], []>, transpose_lhs_hint = false} : vector<128x128xf32>, vector<128x16xf32>, vector<128x16xf32> -> vector<128x16xf32>
        %add3A_303 = arith.addf %mul3A_299, %dot_general3A_302 : vector<128x16xf32>
        %slice3A_304 = vector.extract_strided_slice %mul3A_78 {offsets = [0, 32], sizes = [128, 16], strides = [1, 1]} : vector<128x128xf32> to vector<128x16xf32>
        %slice3A_305 = vector.extract_strided_slice %get3A_228 {offsets = [0, 32], sizes = [128, 16], strides = [1, 1]} : vector<128x128xf32> to vector<128x16xf32>
        %dot_general3A_306 = arith.constant dense<0.000000e+00> : vector<128x128xf32>
        %dot_general3A_307 = tpu.matmul %slice3A_304, %slice3A_305, %dot_general3A_306 {dimension_numbers = #tpu.dot_dimension_numbers<[1], [1], [0], [0], [0, 0, 1, 0], [], []>, transpose_lhs_hint = false} : vector<128x16xf32>, vector<128x16xf32>, vector<128x128xf32> -> vector<128x128xf32>
        %broadcast_in_dim3A_308 = vector.shape_cast %and3A_242 : vector<1x128xi1> to vector<1x128xi1>
        %broadcast_in_dim3A_309 = vector.broadcast %broadcast_in_dim3A_308 : vector<1x128xi1> to vector<128x128xi1>
        %broadcast_in_dim3A_310 = vector.broadcast %while3A_50 : f32 to vector<128x128xf32>
        %select_n3A_311 = arith.select %broadcast_in_dim3A_309, %dot_general3A_307, %broadcast_in_dim3A_310 : vector<128x128xi1>, vector<128x128xf32>
        %slice3A_312 = vector.extract_strided_slice %while3A_220 {offsets = [0, 2], sizes = [128, 1], strides = [1, 1]} : vector<128x8xf32> to vector<128x1xf32>
        %reduce_max3A_313 = arith.constant dense<0xFF800000> : vector<128xf32>
        %reduce_max3A_314 = vector.multi_reduction <maximumf>, %select_n3A_311, %reduce_max3A_313 [1] : vector<128x128xf32> to vector<128xf32>
        %broadcast_in_dim3A_315 = vector.shape_cast %reduce_max3A_314 : vector<128xf32> to vector<128x1xf32>
        %max3A_316 = arith.maximumf %slice3A_312, %broadcast_in_dim3A_315 : vector<128x1xf32>
        %sub3A_317 = vector.broadcast %max3A_316 : vector<128x1xf32> to vector<128x128xf32>
        %sub3A_318 = arith.subf %select_n3A_311, %sub3A_317 : vector<128x128xf32>
        %exp3A_319 = math.exp %sub3A_318 : vector<128x128xf32>
        %sub3A_320 = arith.subf %slice3A_312, %max3A_316 : vector<128x1xf32>
        %exp3A_321 = math.exp %sub3A_320 : vector<128x1xf32>
        %slice3A_322 = vector.extract_strided_slice %while3A_221 {offsets = [0, 2], sizes = [128, 1], strides = [1, 1]} : vector<128x8xf32> to vector<128x1xf32>
        %mul3A_323 = arith.mulf %slice3A_322, %exp3A_321 : vector<128x1xf32>
        %reduce_sum3A_324 = arith.constant dense<0.000000e+00> : vector<128xf32>
        %reduce_sum3A_325 = vector.multi_reduction <add>, %exp3A_319, %reduce_sum3A_324 [1] : vector<128x128xf32> to vector<128xf32>
        %broadcast_in_dim3A_326 = vector.shape_cast %reduce_sum3A_325 : vector<128xf32> to vector<128x1xf32>
        %add3A_327 = arith.addf %mul3A_323, %broadcast_in_dim3A_326 : vector<128x1xf32>
        %slice3A_328 = vector.extract_strided_slice %while3A_222 {offsets = [0, 32], sizes = [128, 16], strides = [1, 1]} : vector<128x128xf32> to vector<128x16xf32>
        %mul3A_329 = vector.broadcast %exp3A_321 : vector<128x1xf32> to vector<128x16xf32>
        %mul3A_330 = arith.mulf %slice3A_328, %mul3A_329 : vector<128x16xf32>
        %slice3A_331 = vector.extract_strided_slice %get3A_231 {offsets = [0, 32], sizes = [128, 16], strides = [1, 1]} : vector<128x128xf32> to vector<128x16xf32>
        %dot_general3A_332 = arith.constant dense<0.000000e+00> : vector<128x16xf32>
        %dot_general3A_333 = tpu.matmul %exp3A_319, %slice3A_331, %dot_general3A_332 {dimension_numbers = #tpu.dot_dimension_numbers<[1], [0], [0], [1], [0, 0, 1, 1], [], []>, transpose_lhs_hint = false} : vector<128x128xf32>, vector<128x16xf32>, vector<128x16xf32> -> vector<128x16xf32>
        %add3A_334 = arith.addf %mul3A_330, %dot_general3A_333 : vector<128x16xf32>
        %slice3A_335 = vector.extract_strided_slice %mul3A_78 {offsets = [0, 48], sizes = [128, 16], strides = [1, 1]} : vector<128x128xf32> to vector<128x16xf32>
        %slice3A_336 = vector.extract_strided_slice %get3A_228 {offsets = [0, 48], sizes = [128, 16], strides = [1, 1]} : vector<128x128xf32> to vector<128x16xf32>
        %dot_general3A_337 = arith.constant dense<0.000000e+00> : vector<128x128xf32>
        %dot_general3A_338 = tpu.matmul %slice3A_335, %slice3A_336, %dot_general3A_337 {dimension_numbers = #tpu.dot_dimension_numbers<[1], [1], [0], [0], [0, 0, 1, 0], [], []>, transpose_lhs_hint = false} : vector<128x16xf32>, vector<128x16xf32>, vector<128x128xf32> -> vector<128x128xf32>
        %broadcast_in_dim3A_339 = vector.shape_cast %and3A_242 : vector<1x128xi1> to vector<1x128xi1>
        %broadcast_in_dim3A_340 = vector.broadcast %broadcast_in_dim3A_339 : vector<1x128xi1> to vector<128x128xi1>
        %broadcast_in_dim3A_341 = vector.broadcast %while3A_50 : f32 to vector<128x128xf32>
        %select_n3A_342 = arith.select %broadcast_in_dim3A_340, %dot_general3A_338, %broadcast_in_dim3A_341 : vector<128x128xi1>, vector<128x128xf32>
        %slice3A_343 = vector.extract_strided_slice %while3A_220 {offsets = [0, 3], sizes = [128, 1], strides = [1, 1]} : vector<128x8xf32> to vector<128x1xf32>
        %reduce_max3A_344 = arith.constant dense<0xFF800000> : vector<128xf32>
        %reduce_max3A_345 = vector.multi_reduction <maximumf>, %select_n3A_342, %reduce_max3A_344 [1] : vector<128x128xf32> to vector<128xf32>
        %broadcast_in_dim3A_346 = vector.shape_cast %reduce_max3A_345 : vector<128xf32> to vector<128x1xf32>
        %max3A_347 = arith.maximumf %slice3A_343, %broadcast_in_dim3A_346 : vector<128x1xf32>
        %sub3A_348 = vector.broadcast %max3A_347 : vector<128x1xf32> to vector<128x128xf32>
        %sub3A_349 = arith.subf %select_n3A_342, %sub3A_348 : vector<128x128xf32>
        %exp3A_350 = math.exp %sub3A_349 : vector<128x128xf32>
        %sub3A_351 = arith.subf %slice3A_343, %max3A_347 : vector<128x1xf32>
        %exp3A_352 = math.exp %sub3A_351 : vector<128x1xf32>
        %slice3A_353 = vector.extract_strided_slice %while3A_221 {offsets = [0, 3], sizes = [128, 1], strides = [1, 1]} : vector<128x8xf32> to vector<128x1xf32>
        %mul3A_354 = arith.mulf %slice3A_353, %exp3A_352 : vector<128x1xf32>
        %reduce_sum3A_355 = arith.constant dense<0.000000e+00> : vector<128xf32>
        %reduce_sum3A_356 = vector.multi_reduction <add>, %exp3A_350, %reduce_sum3A_355 [1] : vector<128x128xf32> to vector<128xf32>
        %broadcast_in_dim3A_357 = vector.shape_cast %reduce_sum3A_356 : vector<128xf32> to vector<128x1xf32>
        %add3A_358 = arith.addf %mul3A_354, %broadcast_in_dim3A_357 : vector<128x1xf32>
        %slice3A_359 = vector.extract_strided_slice %while3A_222 {offsets = [0, 48], sizes = [128, 16], strides = [1, 1]} : vector<128x128xf32> to vector<128x16xf32>
        %mul3A_360 = vector.broadcast %exp3A_352 : vector<128x1xf32> to vector<128x16xf32>
        %mul3A_361 = arith.mulf %slice3A_359, %mul3A_360 : vector<128x16xf32>
        %slice3A_362 = vector.extract_strided_slice %get3A_231 {offsets = [0, 48], sizes = [128, 16], strides = [1, 1]} : vector<128x128xf32> to vector<128x16xf32>
        %dot_general3A_363 = arith.constant dense<0.000000e+00> : vector<128x16xf32>
        %dot_general3A_364 = tpu.matmul %exp3A_350, %slice3A_362, %dot_general3A_363 {dimension_numbers = #tpu.dot_dimension_numbers<[1], [0], [0], [1], [0, 0, 1, 1], [], []>, transpose_lhs_hint = false} : vector<128x128xf32>, vector<128x16xf32>, vector<128x16xf32> -> vector<128x16xf32>
        %add3A_365 = arith.addf %mul3A_361, %dot_general3A_364 : vector<128x16xf32>
        %slice3A_366 = vector.extract_strided_slice %mul3A_78 {offsets = [0, 64], sizes = [128, 16], strides = [1, 1]} : vector<128x128xf32> to vector<128x16xf32>
        %slice3A_367 = vector.extract_strided_slice %get3A_228 {offsets = [0, 64], sizes = [128, 16], strides = [1, 1]} : vector<128x128xf32> to vector<128x16xf32>
        %dot_general3A_368 = arith.constant dense<0.000000e+00> : vector<128x128xf32>
        %dot_general3A_369 = tpu.matmul %slice3A_366, %slice3A_367, %dot_general3A_368 {dimension_numbers = #tpu.dot_dimension_numbers<[1], [1], [0], [0], [0, 0, 1, 0], [], []>, transpose_lhs_hint = false} : vector<128x16xf32>, vector<128x16xf32>, vector<128x128xf32> -> vector<128x128xf32>
        %broadcast_in_dim3A_370 = vector.shape_cast %and3A_242 : vector<1x128xi1> to vector<1x128xi1>
        %broadcast_in_dim3A_371 = vector.broadcast %broadcast_in_dim3A_370 : vector<1x128xi1> to vector<128x128xi1>
        %broadcast_in_dim3A_372 = vector.broadcast %while3A_50 : f32 to vector<128x128xf32>
        %select_n3A_373 = arith.select %broadcast_in_dim3A_371, %dot_general3A_369, %broadcast_in_dim3A_372 : vector<128x128xi1>, vector<128x128xf32>
        %slice3A_374 = vector.extract_strided_slice %while3A_220 {offsets = [0, 4], sizes = [128, 1], strides = [1, 1]} : vector<128x8xf32> to vector<128x1xf32>
        %reduce_max3A_375 = arith.constant dense<0xFF800000> : vector<128xf32>
        %reduce_max3A_376 = vector.multi_reduction <maximumf>, %select_n3A_373, %reduce_max3A_375 [1] : vector<128x128xf32> to vector<128xf32>
        %broadcast_in_dim3A_377 = vector.shape_cast %reduce_max3A_376 : vector<128xf32> to vector<128x1xf32>
        %max3A_378 = arith.maximumf %slice3A_374, %broadcast_in_dim3A_377 : vector<128x1xf32>
        %sub3A_379 = vector.broadcast %max3A_378 : vector<128x1xf32> to vector<128x128xf32>
        %sub3A_380 = arith.subf %select_n3A_373, %sub3A_379 : vector<128x128xf32>
        %exp3A_381 = math.exp %sub3A_380 : vector<128x128xf32>
        %sub3A_382 = arith.subf %slice3A_374, %max3A_378 : vector<128x1xf32>
        %exp3A_383 = math.exp %sub3A_382 : vector<128x1xf32>
        %slice3A_384 = vector.extract_strided_slice %while3A_221 {offsets = [0, 4], sizes = [128, 1], strides = [1, 1]} : vector<128x8xf32> to vector<128x1xf32>
        %mul3A_385 = arith.mulf %slice3A_384, %exp3A_383 : vector<128x1xf32>
        %reduce_sum3A_386 = arith.constant dense<0.000000e+00> : vector<128xf32>
        %reduce_sum3A_387 = vector.multi_reduction <add>, %exp3A_381, %reduce_sum3A_386 [1] : vector<128x128xf32> to vector<128xf32>
        %broadcast_in_dim3A_388 = vector.shape_cast %reduce_sum3A_387 : vector<128xf32> to vector<128x1xf32>
        %add3A_389 = arith.addf %mul3A_385, %broadcast_in_dim3A_388 : vector<128x1xf32>
        %slice3A_390 = vector.extract_strided_slice %while3A_222 {offsets = [0, 64], sizes = [128, 16], strides = [1, 1]} : vector<128x128xf32> to vector<128x16xf32>
        %mul3A_391 = vector.broadcast %exp3A_383 : vector<128x1xf32> to vector<128x16xf32>
        %mul3A_392 = arith.mulf %slice3A_390, %mul3A_391 : vector<128x16xf32>
        %slice3A_393 = vector.extract_strided_slice %get3A_231 {offsets = [0, 64], sizes = [128, 16], strides = [1, 1]} : vector<128x128xf32> to vector<128x16xf32>
        %dot_general3A_394 = arith.constant dense<0.000000e+00> : vector<128x16xf32>
        %dot_general3A_395 = tpu.matmul %exp3A_381, %slice3A_393, %dot_general3A_394 {dimension_numbers = #tpu.dot_dimension_numbers<[1], [0], [0], [1], [0, 0, 1, 1], [], []>, transpose_lhs_hint = false} : vector<128x128xf32>, vector<128x16xf32>, vector<128x16xf32> -> vector<128x16xf32>
        %add3A_396 = arith.addf %mul3A_392, %dot_general3A_395 : vector<128x16xf32>
        %slice3A_397 = vector.extract_strided_slice %mul3A_78 {offsets = [0, 80], sizes = [128, 16], strides = [1, 1]} : vector<128x128xf32> to vector<128x16xf32>
        %slice3A_398 = vector.extract_strided_slice %get3A_228 {offsets = [0, 80], sizes = [128, 16], strides = [1, 1]} : vector<128x128xf32> to vector<128x16xf32>
        %dot_general3A_399 = arith.constant dense<0.000000e+00> : vector<128x128xf32>
        %dot_general3A_400 = tpu.matmul %slice3A_397, %slice3A_398, %dot_general3A_399 {dimension_numbers = #tpu.dot_dimension_numbers<[1], [1], [0], [0], [0, 0, 1, 0], [], []>, transpose_lhs_hint = false} : vector<128x16xf32>, vector<128x16xf32>, vector<128x128xf32> -> vector<128x128xf32>
        %broadcast_in_dim3A_401 = vector.shape_cast %and3A_242 : vector<1x128xi1> to vector<1x128xi1>
        %broadcast_in_dim3A_402 = vector.broadcast %broadcast_in_dim3A_401 : vector<1x128xi1> to vector<128x128xi1>
        %broadcast_in_dim3A_403 = vector.broadcast %while3A_50 : f32 to vector<128x128xf32>
        %select_n3A_404 = arith.select %broadcast_in_dim3A_402, %dot_general3A_400, %broadcast_in_dim3A_403 : vector<128x128xi1>, vector<128x128xf32>
        %slice3A_405 = vector.extract_strided_slice %while3A_220 {offsets = [0, 5], sizes = [128, 1], strides = [1, 1]} : vector<128x8xf32> to vector<128x1xf32>
        %reduce_max3A_406 = arith.constant dense<0xFF800000> : vector<128xf32>
        %reduce_max3A_407 = vector.multi_reduction <maximumf>, %select_n3A_404, %reduce_max3A_406 [1] : vector<128x128xf32> to vector<128xf32>
        %broadcast_in_dim3A_408 = vector.shape_cast %reduce_max3A_407 : vector<128xf32> to vector<128x1xf32>
        %max3A_409 = arith.maximumf %slice3A_405, %broadcast_in_dim3A_408 : vector<128x1xf32>
        %sub3A_410 = vector.broadcast %max3A_409 : vector<128x1xf32> to vector<128x128xf32>
        %sub3A_411 = arith.subf %select_n3A_404, %sub3A_410 : vector<128x128xf32>
        %exp3A_412 = math.exp %sub3A_411 : vector<128x128xf32>
        %sub3A_413 = arith.subf %slice3A_405, %max3A_409 : vector<128x1xf32>
        %exp3A_414 = math.exp %sub3A_413 : vector<128x1xf32>
        %slice3A_415 = vector.extract_strided_slice %while3A_221 {offsets = [0, 5], sizes = [128, 1], strides = [1, 1]} : vector<128x8xf32> to vector<128x1xf32>
        %mul3A_416 = arith.mulf %slice3A_415, %exp3A_414 : vector<128x1xf32>
        %reduce_sum3A_417 = arith.constant dense<0.000000e+00> : vector<128xf32>
        %reduce_sum3A_418 = vector.multi_reduction <add>, %exp3A_412, %reduce_sum3A_417 [1] : vector<128x128xf32> to vector<128xf32>
        %broadcast_in_dim3A_419 = vector.shape_cast %reduce_sum3A_418 : vector<128xf32> to vector<128x1xf32>
        %add3A_420 = arith.addf %mul3A_416, %broadcast_in_dim3A_419 : vector<128x1xf32>
        %slice3A_421 = vector.extract_strided_slice %while3A_222 {offsets = [0, 80], sizes = [128, 16], strides = [1, 1]} : vector<128x128xf32> to vector<128x16xf32>
        %mul3A_422 = vector.broadcast %exp3A_414 : vector<128x1xf32> to vector<128x16xf32>
        %mul3A_423 = arith.mulf %slice3A_421, %mul3A_422 : vector<128x16xf32>
        %slice3A_424 = vector.extract_strided_slice %get3A_231 {offsets = [0, 80], sizes = [128, 16], strides = [1, 1]} : vector<128x128xf32> to vector<128x16xf32>
        %dot_general3A_425 = arith.constant dense<0.000000e+00> : vector<128x16xf32>
        %dot_general3A_426 = tpu.matmul %exp3A_412, %slice3A_424, %dot_general3A_425 {dimension_numbers = #tpu.dot_dimension_numbers<[1], [0], [0], [1], [0, 0, 1, 1], [], []>, transpose_lhs_hint = false} : vector<128x128xf32>, vector<128x16xf32>, vector<128x16xf32> -> vector<128x16xf32>
        %add3A_427 = arith.addf %mul3A_423, %dot_general3A_426 : vector<128x16xf32>
        %slice3A_428 = vector.extract_strided_slice %mul3A_78 {offsets = [0, 96], sizes = [128, 16], strides = [1, 1]} : vector<128x128xf32> to vector<128x16xf32>
        %slice3A_429 = vector.extract_strided_slice %get3A_228 {offsets = [0, 96], sizes = [128, 16], strides = [1, 1]} : vector<128x128xf32> to vector<128x16xf32>
        %dot_general3A_430 = arith.constant dense<0.000000e+00> : vector<128x128xf32>
        %dot_general3A_431 = tpu.matmul %slice3A_428, %slice3A_429, %dot_general3A_430 {dimension_numbers = #tpu.dot_dimension_numbers<[1], [1], [0], [0], [0, 0, 1, 0], [], []>, transpose_lhs_hint = false} : vector<128x16xf32>, vector<128x16xf32>, vector<128x128xf32> -> vector<128x128xf32>
        %broadcast_in_dim3A_432 = vector.shape_cast %and3A_242 : vector<1x128xi1> to vector<1x128xi1>
        %broadcast_in_dim3A_433 = vector.broadcast %broadcast_in_dim3A_432 : vector<1x128xi1> to vector<128x128xi1>
        %broadcast_in_dim3A_434 = vector.broadcast %while3A_50 : f32 to vector<128x128xf32>
        %select_n3A_435 = arith.select %broadcast_in_dim3A_433, %dot_general3A_431, %broadcast_in_dim3A_434 : vector<128x128xi1>, vector<128x128xf32>
        %slice3A_436 = vector.extract_strided_slice %while3A_220 {offsets = [0, 6], sizes = [128, 1], strides = [1, 1]} : vector<128x8xf32> to vector<128x1xf32>
        %reduce_max3A_437 = arith.constant dense<0xFF800000> : vector<128xf32>
        %reduce_max3A_438 = vector.multi_reduction <maximumf>, %select_n3A_435, %reduce_max3A_437 [1] : vector<128x128xf32> to vector<128xf32>
        %broadcast_in_dim3A_439 = vector.shape_cast %reduce_max3A_438 : vector<128xf32> to vector<128x1xf32>
        %max3A_440 = arith.maximumf %slice3A_436, %broadcast_in_dim3A_439 : vector<128x1xf32>
        %sub3A_441 = vector.broadcast %max3A_440 : vector<128x1xf32> to vector<128x128xf32>
        %sub3A_442 = arith.subf %select_n3A_435, %sub3A_441 : vector<128x128xf32>
        %exp3A_443 = math.exp %sub3A_442 : vector<128x128xf32>
        %sub3A_444 = arith.subf %slice3A_436, %max3A_440 : vector<128x1xf32>
        %exp3A_445 = math.exp %sub3A_444 : vector<128x1xf32>
        %slice3A_446 = vector.extract_strided_slice %while3A_221 {offsets = [0, 6], sizes = [128, 1], strides = [1, 1]} : vector<128x8xf32> to vector<128x1xf32>
        %mul3A_447 = arith.mulf %slice3A_446, %exp3A_445 : vector<128x1xf32>
        %reduce_sum3A_448 = arith.constant dense<0.000000e+00> : vector<128xf32>
        %reduce_sum3A_449 = vector.multi_reduction <add>, %exp3A_443, %reduce_sum3A_448 [1] : vector<128x128xf32> to vector<128xf32>
        %broadcast_in_dim3A_450 = vector.shape_cast %reduce_sum3A_449 : vector<128xf32> to vector<128x1xf32>
        %add3A_451 = arith.addf %mul3A_447, %broadcast_in_dim3A_450 : vector<128x1xf32>
        %slice3A_452 = vector.extract_strided_slice %while3A_222 {offsets = [0, 96], sizes = [128, 16], strides = [1, 1]} : vector<128x128xf32> to vector<128x16xf32>
        %mul3A_453 = vector.broadcast %exp3A_445 : vector<128x1xf32> to vector<128x16xf32>
        %mul3A_454 = arith.mulf %slice3A_452, %mul3A_453 : vector<128x16xf32>
        %slice3A_455 = vector.extract_strided_slice %get3A_231 {offsets = [0, 96], sizes = [128, 16], strides = [1, 1]} : vector<128x128xf32> to vector<128x16xf32>
        %dot_general3A_456 = arith.constant dense<0.000000e+00> : vector<128x16xf32>
        %dot_general3A_457 = tpu.matmul %exp3A_443, %slice3A_455, %dot_general3A_456 {dimension_numbers = #tpu.dot_dimension_numbers<[1], [0], [0], [1], [0, 0, 1, 1], [], []>, transpose_lhs_hint = false} : vector<128x128xf32>, vector<128x16xf32>, vector<128x16xf32> -> vector<128x16xf32>
        %add3A_458 = arith.addf %mul3A_454, %dot_general3A_457 : vector<128x16xf32>
        %slice3A_459 = vector.extract_strided_slice %mul3A_78 {offsets = [0, 112], sizes = [128, 16], strides = [1, 1]} : vector<128x128xf32> to vector<128x16xf32>
        %slice3A_460 = vector.extract_strided_slice %get3A_228 {offsets = [0, 112], sizes = [128, 16], strides = [1, 1]} : vector<128x128xf32> to vector<128x16xf32>
        %dot_general3A_461 = arith.constant dense<0.000000e+00> : vector<128x128xf32>
        %dot_general3A_462 = tpu.matmul %slice3A_459, %slice3A_460, %dot_general3A_461 {dimension_numbers = #tpu.dot_dimension_numbers<[1], [1], [0], [0], [0, 0, 1, 0], [], []>, transpose_lhs_hint = false} : vector<128x16xf32>, vector<128x16xf32>, vector<128x128xf32> -> vector<128x128xf32>
        %broadcast_in_dim3A_463 = vector.shape_cast %and3A_242 : vector<1x128xi1> to vector<1x128xi1>
        %broadcast_in_dim3A_464 = vector.broadcast %broadcast_in_dim3A_463 : vector<1x128xi1> to vector<128x128xi1>
        %broadcast_in_dim3A_465 = vector.broadcast %while3A_50 : f32 to vector<128x128xf32>
        %select_n3A_466 = arith.select %broadcast_in_dim3A_464, %dot_general3A_462, %broadcast_in_dim3A_465 : vector<128x128xi1>, vector<128x128xf32>
        %slice3A_467 = vector.extract_strided_slice %while3A_220 {offsets = [0, 7], sizes = [128, 1], strides = [1, 1]} : vector<128x8xf32> to vector<128x1xf32>
        %reduce_max3A_468 = arith.constant dense<0xFF800000> : vector<128xf32>
        %reduce_max3A_469 = vector.multi_reduction <maximumf>, %select_n3A_466, %reduce_max3A_468 [1] : vector<128x128xf32> to vector<128xf32>
        %broadcast_in_dim3A_470 = vector.shape_cast %reduce_max3A_469 : vector<128xf32> to vector<128x1xf32>
        %max3A_471 = arith.maximumf %slice3A_467, %broadcast_in_dim3A_470 : vector<128x1xf32>
        %sub3A_472 = vector.broadcast %max3A_471 : vector<128x1xf32> to vector<128x128xf32>
        %sub3A_473 = arith.subf %select_n3A_466, %sub3A_472 : vector<128x128xf32>
        %exp3A_474 = math.exp %sub3A_473 : vector<128x128xf32>
        %sub3A_475 = arith.subf %slice3A_467, %max3A_471 : vector<128x1xf32>
        %exp3A_476 = math.exp %sub3A_475 : vector<128x1xf32>
        %slice3A_477 = vector.extract_strided_slice %while3A_221 {offsets = [0, 7], sizes = [128, 1], strides = [1, 1]} : vector<128x8xf32> to vector<128x1xf32>
        %mul3A_478 = arith.mulf %slice3A_477, %exp3A_476 : vector<128x1xf32>
        %reduce_sum3A_479 = arith.constant dense<0.000000e+00> : vector<128xf32>
        %reduce_sum3A_480 = vector.multi_reduction <add>, %exp3A_474, %reduce_sum3A_479 [1] : vector<128x128xf32> to vector<128xf32>
        %broadcast_in_dim3A_481 = vector.shape_cast %reduce_sum3A_480 : vector<128xf32> to vector<128x1xf32>
        %add3A_482 = arith.addf %mul3A_478, %broadcast_in_dim3A_481 : vector<128x1xf32>
        %slice3A_483 = vector.extract_strided_slice %while3A_222 {offsets = [0, 112], sizes = [128, 16], strides = [1, 1]} : vector<128x128xf32> to vector<128x16xf32>
        %mul3A_484 = vector.broadcast %exp3A_476 : vector<128x1xf32> to vector<128x16xf32>
        %mul3A_485 = arith.mulf %slice3A_483, %mul3A_484 : vector<128x16xf32>
        %slice3A_486 = vector.extract_strided_slice %get3A_231 {offsets = [0, 112], sizes = [128, 16], strides = [1, 1]} : vector<128x128xf32> to vector<128x16xf32>
        %dot_general3A_487 = arith.constant dense<0.000000e+00> : vector<128x16xf32>
        %dot_general3A_488 = tpu.matmul %exp3A_474, %slice3A_486, %dot_general3A_487 {dimension_numbers = #tpu.dot_dimension_numbers<[1], [0], [0], [1], [0, 0, 1, 1], [], []>, transpose_lhs_hint = false} : vector<128x128xf32>, vector<128x16xf32>, vector<128x16xf32> -> vector<128x16xf32>
        %add3A_489 = arith.addf %mul3A_485, %dot_general3A_488 : vector<128x16xf32>
        %concatenate3A_490 = tpu.concatenate %max3A_255, %max3A_285, %max3A_316, %max3A_347, %max3A_378, %max3A_409, %max3A_440, %max3A_471 in 1 : vector<128x1xf32>, vector<128x1xf32>, vector<128x1xf32>, vector<128x1xf32>, vector<128x1xf32>, vector<128x1xf32>, vector<128x1xf32>, vector<128x1xf32> -> vector<128x8xf32>
        %concatenate3A_491 = tpu.concatenate %add3A_265, %add3A_296, %add3A_327, %add3A_358, %add3A_389, %add3A_420, %add3A_451, %add3A_482 in 1 : vector<128x1xf32>, vector<128x1xf32>, vector<128x1xf32>, vector<128x1xf32>, vector<128x1xf32>, vector<128x1xf32>, vector<128x1xf32>, vector<128x1xf32> -> vector<128x8xf32>
        %concatenate3A_492 = tpu.concatenate %add3A_272, %add3A_303, %add3A_334, %add3A_365, %add3A_396, %add3A_427, %add3A_458, %add3A_489 in 1 : vector<128x16xf32>, vector<128x16xf32>, vector<128x16xf32>, vector<128x16xf32>, vector<128x16xf32>, vector<128x16xf32>, vector<128x16xf32>, vector<128x16xf32> -> vector<128x128xf32>
        scf.yield %concatenate3A_490, %concatenate3A_491, %concatenate3A_492 : vector<128x8xf32>, vector<128x8xf32>, vector<128x128xf32>
      }
      %slice3A = vector.extract_strided_slice %while3A_94#2 {offsets = [0, 0], sizes = [128, 16], strides = [1, 1]} : vector<128x128xf32> to vector<128x16xf32>
      %slice3A_95 = vector.extract_strided_slice %while3A_94#1 {offsets = [0, 0], sizes = [128, 1], strides = [1, 1]} : vector<128x8xf32> to vector<128x1xf32>
      %max3A_96 = arith.constant 1.000000e-30 : f32
      %max3A_97 = vector.broadcast %max3A_96 : f32 to vector<128x1xf32>
      %max3A_98 = arith.maximumf %slice3A_95, %max3A_97 : vector<128x1xf32>
      %div3A_99 = vector.broadcast %max3A_98 : vector<128x1xf32> to vector<128x16xf32>
      %div3A_100 = arith.divf %slice3A, %div3A_99 : vector<128x16xf32>
      %slice3A_101 = vector.extract_strided_slice %while3A_94#2 {offsets = [0, 16], sizes = [128, 16], strides = [1, 1]} : vector<128x128xf32> to vector<128x16xf32>
      %slice3A_102 = vector.extract_strided_slice %while3A_94#1 {offsets = [0, 1], sizes = [128, 1], strides = [1, 1]} : vector<128x8xf32> to vector<128x1xf32>
      %max3A_103 = arith.constant 1.000000e-30 : f32
      %max3A_104 = vector.broadcast %max3A_103 : f32 to vector<128x1xf32>
      %max3A_105 = arith.maximumf %slice3A_102, %max3A_104 : vector<128x1xf32>
      %div3A_106 = vector.broadcast %max3A_105 : vector<128x1xf32> to vector<128x16xf32>
      %div3A_107 = arith.divf %slice3A_101, %div3A_106 : vector<128x16xf32>
      %slice3A_108 = vector.extract_strided_slice %while3A_94#2 {offsets = [0, 32], sizes = [128, 16], strides = [1, 1]} : vector<128x128xf32> to vector<128x16xf32>
      %slice3A_109 = vector.extract_strided_slice %while3A_94#1 {offsets = [0, 2], sizes = [128, 1], strides = [1, 1]} : vector<128x8xf32> to vector<128x1xf32>
      %max3A_110 = arith.constant 1.000000e-30 : f32
      %max3A_111 = vector.broadcast %max3A_110 : f32 to vector<128x1xf32>
      %max3A_112 = arith.maximumf %slice3A_109, %max3A_111 : vector<128x1xf32>
      %div3A_113 = vector.broadcast %max3A_112 : vector<128x1xf32> to vector<128x16xf32>
      %div3A_114 = arith.divf %slice3A_108, %div3A_113 : vector<128x16xf32>
      %slice3A_115 = vector.extract_strided_slice %while3A_94#2 {offsets = [0, 48], sizes = [128, 16], strides = [1, 1]} : vector<128x128xf32> to vector<128x16xf32>
      %slice3A_116 = vector.extract_strided_slice %while3A_94#1 {offsets = [0, 3], sizes = [128, 1], strides = [1, 1]} : vector<128x8xf32> to vector<128x1xf32>
      %max3A_117 = arith.constant 1.000000e-30 : f32
      %max3A_118 = vector.broadcast %max3A_117 : f32 to vector<128x1xf32>
      %max3A_119 = arith.maximumf %slice3A_116, %max3A_118 : vector<128x1xf32>
      %div3A_120 = vector.broadcast %max3A_119 : vector<128x1xf32> to vector<128x16xf32>
      %div3A_121 = arith.divf %slice3A_115, %div3A_120 : vector<128x16xf32>
      %slice3A_122 = vector.extract_strided_slice %while3A_94#2 {offsets = [0, 64], sizes = [128, 16], strides = [1, 1]} : vector<128x128xf32> to vector<128x16xf32>
      %slice3A_123 = vector.extract_strided_slice %while3A_94#1 {offsets = [0, 4], sizes = [128, 1], strides = [1, 1]} : vector<128x8xf32> to vector<128x1xf32>
      %max3A_124 = arith.constant 1.000000e-30 : f32
      %max3A_125 = vector.broadcast %max3A_124 : f32 to vector<128x1xf32>
      %max3A_126 = arith.maximumf %slice3A_123, %max3A_125 : vector<128x1xf32>
      %div3A_127 = vector.broadcast %max3A_126 : vector<128x1xf32> to vector<128x16xf32>
      %div3A_128 = arith.divf %slice3A_122, %div3A_127 : vector<128x16xf32>
      %slice3A_129 = vector.extract_strided_slice %while3A_94#2 {offsets = [0, 80], sizes = [128, 16], strides = [1, 1]} : vector<128x128xf32> to vector<128x16xf32>
      %slice3A_130 = vector.extract_strided_slice %while3A_94#1 {offsets = [0, 5], sizes = [128, 1], strides = [1, 1]} : vector<128x8xf32> to vector<128x1xf32>
      %max3A_131 = arith.constant 1.000000e-30 : f32
      %max3A_132 = vector.broadcast %max3A_131 : f32 to vector<128x1xf32>
      %max3A_133 = arith.maximumf %slice3A_130, %max3A_132 : vector<128x1xf32>
      %div3A_134 = vector.broadcast %max3A_133 : vector<128x1xf32> to vector<128x16xf32>
      %div3A_135 = arith.divf %slice3A_129, %div3A_134 : vector<128x16xf32>
      %slice3A_136 = vector.extract_strided_slice %while3A_94#2 {offsets = [0, 96], sizes = [128, 16], strides = [1, 1]} : vector<128x128xf32> to vector<128x16xf32>
      %slice3A_137 = vector.extract_strided_slice %while3A_94#1 {offsets = [0, 6], sizes = [128, 1], strides = [1, 1]} : vector<128x8xf32> to vector<128x1xf32>
      %max3A_138 = arith.constant 1.000000e-30 : f32
      %max3A_139 = vector.broadcast %max3A_138 : f32 to vector<128x1xf32>
      %max3A_140 = arith.maximumf %slice3A_137, %max3A_139 : vector<128x1xf32>
      %div3A_141 = vector.broadcast %max3A_140 : vector<128x1xf32> to vector<128x16xf32>
      %div3A_142 = arith.divf %slice3A_136, %div3A_141 : vector<128x16xf32>
      %slice3A_143 = vector.extract_strided_slice %while3A_94#2 {offsets = [0, 112], sizes = [128, 16], strides = [1, 1]} : vector<128x128xf32> to vector<128x16xf32>
      %slice3A_144 = vector.extract_strided_slice %while3A_94#1 {offsets = [0, 7], sizes = [128, 1], strides = [1, 1]} : vector<128x8xf32> to vector<128x1xf32>
      %max3A_145 = arith.constant 1.000000e-30 : f32
      %max3A_146 = vector.broadcast %max3A_145 : f32 to vector<128x1xf32>
      %max3A_147 = arith.maximumf %slice3A_144, %max3A_146 : vector<128x1xf32>
      %div3A_148 = vector.broadcast %max3A_147 : vector<128x1xf32> to vector<128x16xf32>
      %div3A_149 = arith.divf %slice3A_143, %div3A_148 : vector<128x16xf32>
      %concatenate3A_150 = tpu.concatenate %div3A_100, %div3A_107, %div3A_114, %div3A_121, %div3A_128, %div3A_135, %div3A_142, %div3A_149 in 1 : vector<128x16xf32>, vector<128x16xf32>, vector<128x16xf32>, vector<128x16xf32>, vector<128x16xf32>, vector<128x16xf32>, vector<128x16xf32>, vector<128x16xf32> -> vector<128x128xf32>
      %get3A_151 = arith.constant 0 : index
      %get3A_152 = arith.constant 0 : index
      %get3A_153 = vector.load %arg5[%get3A_151, %get3A_152] : memref<128x128xf32, #tpu.memory_space<vmem>>, vector<128x128xf32>
      %transpose3A = tpu.transpose %get3A_153, [1, 0] : vector<128x128xf32> -> vector<128x128xf32>
      %dot_general3A = arith.constant dense<0.000000e+00> : vector<128x128xf32>
      %dot_general3A_154 = tpu.matmul %concatenate3A_150, %transpose3A, %dot_general3A {dimension_numbers = #tpu.dot_dimension_numbers<[1], [0], [0], [1], [0, 0, 1, 1], [], []>, transpose_lhs_hint = false} : vector<128x128xf32>, vector<128x128xf32>, vector<128x128xf32> -> vector<128x128xf32>
      %get3A_155 = arith.constant 0 : index
      %get3A_156 = arith.constant 0 : index
      %get3A_157 = vector.load %arg6[%get3A_155, %get3A_156] : memref<1x128xf32, #tpu.memory_space<vmem>>, vector<1x128xf32>
      %add3A_158 = vector.broadcast %get3A_157 : vector<1x128xf32> to vector<128x128xf32>
      %add3A_159 = arith.addf %dot_general3A_154, %add3A_158 : vector<128x128xf32>
      %get3A_160 = arith.index_cast %add3A_73 : i32 to index
      %get3A_161 = arith.constant 0 : index
      %get3A_162 = vector.load %arg4[%get3A_160, %get3A_161] : memref<10128x128xf32, #tpu.memory_space<vmem>>, vector<128x128xf32>
      %add3A_163 = arith.addf %add3A_159, %get3A_162 : vector<128x128xf32>
      %get3A_164 = arith.constant 0 : index
      %get3A_165 = arith.constant 0 : index
      %get3A_166 = vector.load %arg7[%get3A_164, %get3A_165] : memref<1x128xf32, #tpu.memory_space<vmem>>, vector<1x128xf32>
      %get3A_167 = arith.constant 0 : index
      %get3A_168 = arith.constant 0 : index
      %get3A_169 = vector.load %arg8[%get3A_167, %get3A_168] : memref<1x128xf32, #tpu.memory_space<vmem>>, vector<1x128xf32>
      %reduce_sum3A = arith.constant dense<0.000000e+00> : vector<128xf32>
      %reduce_sum3A_170 = vector.multi_reduction <add>, %add3A_163, %reduce_sum3A [1] : vector<128x128xf32> to vector<128xf32>
      %broadcast_in_dim3A_171 = vector.shape_cast %reduce_sum3A_170 : vector<128xf32> to vector<128x1xf32>
      %div3A_172 = arith.constant 1.280000e+02 : f32
      %div3A_173 = vector.broadcast %div3A_172 : f32 to vector<128x1xf32>
      %div3A_174 = arith.divf %broadcast_in_dim3A_171, %div3A_173 : vector<128x1xf32>
      %sub3A_175 = vector.broadcast %div3A_174 : vector<128x1xf32> to vector<128x128xf32>
      %sub3A_176 = arith.subf %add3A_163, %sub3A_175 : vector<128x128xf32>
      %integer_pow3A = arith.mulf %sub3A_176, %sub3A_176 : vector<128x128xf32>
      %reduce_sum3A_177 = arith.constant dense<0.000000e+00> : vector<128xf32>
      %reduce_sum3A_178 = vector.multi_reduction <add>, %integer_pow3A, %reduce_sum3A_177 [1] : vector<128x128xf32> to vector<128xf32>
      %broadcast_in_dim3A_179 = vector.shape_cast %reduce_sum3A_178 : vector<128xf32> to vector<128x1xf32>
      %div3A_180 = arith.constant 1.280000e+02 : f32
      %div3A_181 = vector.broadcast %div3A_180 : f32 to vector<128x1xf32>
      %div3A_182 = arith.divf %broadcast_in_dim3A_179, %div3A_181 : vector<128x1xf32>
      %sub3A_183 = vector.broadcast %div3A_174 : vector<128x1xf32> to vector<128x128xf32>
      %sub3A_184 = arith.subf %add3A_163, %sub3A_183 : vector<128x128xf32>
      %add3A_185 = arith.constant 9.99999974E-6 : f32
      %add3A_186 = vector.broadcast %add3A_185 : f32 to vector<128x1xf32>
      %add3A_187 = arith.addf %div3A_182, %add3A_186 : vector<128x1xf32>
      %rsqrt3A = math.rsqrt %add3A_187 : vector<128x1xf32>
      %mul3A_188 = vector.broadcast %rsqrt3A : vector<128x1xf32> to vector<128x128xf32>
      %mul3A_189 = arith.mulf %sub3A_184, %mul3A_188 : vector<128x128xf32>
      %mul3A_190 = vector.broadcast %get3A_166 : vector<1x128xf32> to vector<128x128xf32>
      %mul3A_191 = arith.mulf %mul3A_189, %mul3A_190 : vector<128x128xf32>
      %add3A_192 = vector.broadcast %get3A_169 : vector<1x128xf32> to vector<128x128xf32>
      %add3A_193 = arith.addf %mul3A_191, %add3A_192 : vector<128x128xf32>
      %mul3A_194 = arith.constant 128 : i32
      %mul3A_195 = arith.muli %while3A_68, %mul3A_194 : i32
      %iota3A = tpu.iota {dimensions = array<i32: 0>} : vector<128x1xi32>
      %add3A_196 = vector.broadcast %mul3A_195 : i32 to vector<128x1xi32>
      %add3A_197 = arith.addi %add3A_196, %iota3A : vector<128x1xi32>
      %ge3A = vector.broadcast %sub3A_20 : i32 to vector<128x1xi32>
      %ge3A_198 = arith.cmpi sge, %add3A_197, %ge3A : vector<128x1xi32>
      %add3A_199 = arith.addi %get3A_2, %sub3A_20 : i32
      %lt3A = vector.broadcast %add3A_199 : i32 to vector<128x1xi32>
      %lt3A_200 = arith.cmpi slt, %add3A_197, %lt3A : vector<128x1xi32>
      %and3A_201 = arith.andi %ge3A_198, %lt3A_200 : vector<128x1xi1>
      %jit3A_202 = arith.constant 0.000000e+00 : f32
      %broadcast_in_dim3A_203 = vector.shape_cast %and3A_201 : vector<128x1xi1> to vector<128x1xi1>
      %broadcast_in_dim3A_204 = vector.broadcast %broadcast_in_dim3A_203 : vector<128x1xi1> to vector<128x128xi1>
      %broadcast_in_dim3A_205 = vector.broadcast %jit3A_202 : f32 to vector<128x128xf32>
      %select_n3A_206 = arith.select %broadcast_in_dim3A_204, %add3A_193, %broadcast_in_dim3A_205 : vector<128x128xi1>, vector<128x128xf32>
      %reduce_sum3A_207 = arith.constant dense<0.000000e+00> : vector<128xf32>
      %reduce_sum3A_208 = vector.multi_reduction <add>, %select_n3A_206, %reduce_sum3A_207 [0] : vector<128x128xf32> to vector<128xf32>
      %broadcast_in_dim3A_209 = vector.shape_cast %reduce_sum3A_208 : vector<128xf32> to vector<1x128xf32>
      %add3A_210 = arith.addf %while3A_69, %broadcast_in_dim3A_209 : vector<1x128xf32>
      %jit3A_211 = arith.constant 0xFF800000 : f32
      %broadcast_in_dim3A_212 = vector.shape_cast %and3A_201 : vector<128x1xi1> to vector<128x1xi1>
      %broadcast_in_dim3A_213 = vector.broadcast %broadcast_in_dim3A_212 : vector<128x1xi1> to vector<128x128xi1>
      %broadcast_in_dim3A_214 = vector.broadcast %jit3A_211 : f32 to vector<128x128xf32>
      %select_n3A_215 = arith.select %broadcast_in_dim3A_213, %add3A_193, %broadcast_in_dim3A_214 : vector<128x128xi1>, vector<128x128xf32>
      %reduce_max3A = arith.constant dense<0xFF800000> : vector<128xf32>
      %reduce_max3A_216 = vector.multi_reduction <maximumf>, %select_n3A_215, %reduce_max3A [0] : vector<128x128xf32> to vector<128xf32>
      %broadcast_in_dim3A_217 = vector.shape_cast %reduce_max3A_216 : vector<128xf32> to vector<1x128xf32>
      %max3A_218 = arith.maximumf %while3A_70, %broadcast_in_dim3A_217 : vector<1x128xf32>
      scf.yield %add3A_210, %max3A_218 : vector<1x128xf32>, vector<1x128xf32>
    }
    %convert_element_type3A = arith.sitofp %get3A_2 : i32 to f32
    %max3A = arith.constant 1.000000e+00 : f32
    %max3A_62 = arith.maximumf %convert_element_type3A, %max3A : f32
    %div3A_63 = vector.broadcast %max3A_62 : f32 to vector<1x128xf32>
    %div3A_64 = arith.divf %while3A_61#0, %div3A_63 : vector<1x128xf32>
    %concatenate3A = tpu.concatenate %div3A_64, %while3A_61#1, %while3A_61#0 in 1 : vector<1x128xf32>, vector<1x128xf32>, vector<1x128xf32> -> vector<1x384xf32>
    %reshape3A = vector.shape_cast %concatenate3A : vector<1x384xf32> to vector<1x1x384xf32>
    %swap3A = arith.constant 0 : index
    %swap3A_65 = arith.constant 0 : index
    %swap3A_66 = arith.constant 0 : index
    %swap3A_67 = vector.load %arg9[%swap3A, %swap3A_65, %swap3A_66] : memref<1x1x384xf32, #tpu.memory_space<vmem>>, vector<1x1x384xf32>
    tpu.vector_store %arg9[%swap3A, %swap3A_65, %swap3A_66], %reshape3A {strides = array<i32>} : memref<1x1x384xf32, #tpu.memory_space<vmem>>, vector<1x1x384xf32>,
    return
  }
  func.func @transform_0(%arg0: i32) -> i32 {
    %c0_i32 = arith.constant 0 : i32
    %c0_i32_0 = arith.constant 0 : i32
    return %c0_i32 : i32
  }
  func.func @transform_1(%arg0: i32) -> i32 {
    %c0_i32 = arith.constant 0 : i32
    %c0_i32_0 = arith.constant 0 : i32
    return %c0_i32 : i32
  }
  func.func @transform_2(%arg0: i32) -> (i32, i32) {
    %c0_i32 = arith.constant 0 : i32
    %c0_i32_0 = arith.constant 0 : i32
    %c0_i32_1 = arith.constant 0 : i32
    return %c0_i32, %c0_i32_0 : i32, i32
  }
  func.func @transform_3(%arg0: i32) -> (i32, i32) {
    %c0_i32 = arith.constant 0 : i32
    %c0_i32_0 = arith.constant 0 : i32
    %c0_i32_1 = arith.constant 0 : i32
    return %c0_i32, %c0_i32_0 : i32, i32
  }
  func.func @transform_4(%arg0: i32) -> (i32, i32) {
    %c0_i32 = arith.constant 0 : i32
    %c0_i32_0 = arith.constant 0 : i32
    %c0_i32_1 = arith.constant 0 : i32
    return %c0_i32, %c0_i32_0 : i32, i32
  }
  func.func @transform_5(%arg0: i32) -> (i32, i32) {
    %c0_i32 = arith.constant 0 : i32
    %c0_i32_0 = arith.constant 0 : i32
    %c0_i32_1 = arith.constant 0 : i32
    return %c0_i32, %c0_i32_0 : i32, i32
  }
  func.func @transform_6(%arg0: i32) -> (i32, i32) {
    %c0_i32 = arith.constant 0 : i32
    %c0_i32_0 = arith.constant 0 : i32
    %c0_i32_1 = arith.constant 0 : i32
    return %c0_i32, %c0_i32_0 : i32, i32
  }
  func.func @transform_7(%arg0: i32) -> (i32, i32) {
    %c0_i32 = arith.constant 0 : i32
    %c0_i32_0 = arith.constant 0 : i32
    %c0_i32_1 = arith.constant 0 : i32
    return %c0_i32, %c0_i32_0 : i32, i32
  }
  func.func @transform_8(%arg0: i32) -> (i32, i32, i32) {
    %c0_i32 = arith.constant 0 : i32
    %c0_i32_0 = arith.constant 0 : i32
    %c0_i32_1 = arith.constant 0 : i32
    return %arg0, %c0_i32, %c0_i32_0 : i32, i32, i32
  }
}

</mosaic_0001>

<sc_bundles>
// kernel: kernel.12.cloned.1.call-start
scs
__scs_entry_jumppad:
0x0: {  	(pc) =	sbr.rel $0x88, $3  }
0x1: {  	(tag) =	ssettag $0x0;
	lr =	simm.s32 $0x1  }
0x2: {  	[smem:$0x3F88] =	sst lr;
	_ =	strace $0xD0000000  }
0x3: {  	_ = 	snop  }
0x4: {  	_ = 	snop  }
0x5: {  	_ = 	snop  }
0x6: {  	_ = 	snop  }
0x7: {  	_ = 	snop  }
__scs_overlays_trampoline_lowered:
0x8: {  	[smem:$0x3F97] =	sst s0  }
0x9: {  	[smem:$0x3F98] =	sst s1  }
0xa: {  	[smem:$0x3F99] =	sst s2  }
0xb: {  	[smem:$0x3F9A] =	sst s3  }
0xc: {  	[smem:$0x3F9B] =	sst s4  }
0xd: {  	[smem:$0x3F9C] =	sst s5  }
0xe: {  	[smem:$0x3F9D] =	sst s6  }
0xf: {  	[smem:$0x3F9E] =	sst s7  }
0x10: {  	[smem:$0x3F9F] =	sst s8  }
0x11: {  	[smem:$0x3FA0] =	sst s9;
	s0 =	simm.s32 @!p0 $0x0  }
0x12: {  	s1 =	sld [smem:$0x3F86];
	s0 =	simm.s32 @p0 $0x1  }
0x13: {  	[smem:$0x3FA1] =	sst s0;
	s0 =	simm.s32 @!p1 $0x0  }
0x14: {  	s2 =	sld [smem:$0x3F85];
	s0 =	simm.s32 @p1 $0x1  }
0x15: {  	[smem:$0x3FA2] =	sst s0;
	s0 =	simm.s32 @!p2 $0x0  }
0x16: {  	s3 =	sld [smem:$0x3FDB];
	s0 =	simm.s32 @p2 $0x1  }
0x17: {  	s4 =	simm.s32 $0x1BF5;
	[smem:$0x3FA4] =	sst s0  }
0x18: {  	s0 =	sld [smem:$0x3F87];
	_ =	swait.ge [sflag:s4], $0x0  }
0x19: {  	s7 =	sld [smem:$0x3F88]  }
0x1a: {  	s8 =	sadd.s32 $0xFFFFE003, lr  }
0x1b: {  	s9 =	sadd.s32 $0xFFFFFEF7, lr;
	s5 =	simm.s32 $0xFFFFFFFF;
	p2 =	slt.u32 s8, $0xFFFFF086  }
0x1c: {  	p1 =	slt.u32 s9, $0xF7A;
	s5 =	simm.s32 @!p2 $0x0  }
0x1d: {  	s5 =	simm.s32 @p1 $0x1;
	p0 =	seq.s32 s7, s2  }
0x1e: {  	s7 =	smul.u32 @!p0 $0xF7A, s2;
	p2 =	seq.s32 @!p0 s5, $0x0  }
0x1f: {  	s9 =	smul.u32 $0xF7A, s1;
	s8 =	simm.s32 @!p0 $0x1BF5;
	p2 =	por !p2, p0  }
0x20: {  	[sflag:s8] =	ssyncset.s32 @!p0 $0xFFFFF086;
	s6 =	sadd.s32 @!p0 s3, s7;
	s7 =	simm.s32 @!p0 $0x108  }
0x21: {  	s3 =	sadd.s32 s3, s9;
	s6 =	sadd.s32 @!p0 $0x88, s6;
	s7 =	simm.s32 @p2 $0x1082  }
0x22: {  	[simem:s7], [sflag:s8] =	dma.local @!p0 [hbm:s6], $0xF7A  }
0x23: {  	s9 =	sor.u32 $0xD0000000, s2;
	s6 =	simm.s32 $0x108;
	_ =	swait.ge @!p0 [sflag:s8], $0x0  }
0x24: {  	s3 =	sadd.s32 $0x88, s3;
	s6 =	simm.s32 @!p1 $0x1082;
	[sflag:s4] =	ssyncset.s32 $0xFFFFF086  }
0x25: {  	[simem:s6], [sflag:s4] =	dma.local [hbm:s3], $0xF7A  }
0x26: {  	[smem:$0x3F88] =	sst s1;
	(tag) =	ssettag s2;
	_ =	strace s9  }
0x27: {  	s1 =	sld [smem:$0x3F98]  }
0x28: {  	s2 =	sld [smem:$0x3F99]  }
0x29: {  	s4 =	sld [smem:$0x3F9B]  }
0x2a: {  	p0 =	seq.s32 s5, $0x0;
	s5 =	sld [smem:$0x3F9C]  }
0x2b: {  	s6 =	sld [smem:$0x3F9D]  }
0x2c: {  	s7 =	sld [smem:$0x3F9E]  }
0x2d: {  	s3 =	simm.s32 $0x108;
	s8 =	sld [smem:$0x3F9F]  }
0x2e: {  	s3 =	simm.s32 @!p0 $0x1082;
	s9 =	sld [smem:$0x3FA0]  }
0x2f: {  	lr =	sadd.s32 s0, s3;
	s0 =	sld [smem:$0x3F97]  }
0x30: {  	s3 =	sld [smem:$0x3F9A]  }
0x31: {  	[smem:$0x3FA3] =	sst s10  }
0x32: {  	s10 =	sld [smem:$0x3FA1];
	_ =	sdelay $0x3  }
0x33: {  	p0 =	seq.s32 s10, $0x1;
	s10 =	sld [smem:$0x3FA3];
	_ =	sdelay $0x3  }
0x34: {  	[smem:$0x3FA3] =	sst s10  }
0x35: {  	s10 =	sld [smem:$0x3FA2];
	_ =	sdelay $0x3  }
0x36: {  	p1 =	seq.s32 s10, $0x1;
	s10 =	sld [smem:$0x3FA3];
	_ =	sdelay $0x3  }
0x37: {  	[smem:$0x3FA3] =	sst s10  }
0x38: {  	s10 =	sld [smem:$0x3FA4]  }
0x39: {  	_ = 	snop;
	(pc) =	sbr.ind lr, $3  }
0x3a: {  	_ = 	snop  }
0x3b: {  	_ = 	snop  }
0x3c: {  	p2 =	seq.s32 s10, $0x1;
	s10 =	sld [smem:$0x3FA3]  }
0x3d: {  	_ =	shalt  }
0x3e: {  	_ =	shalt  }
0x3f: {  	_ =	shalt  }
0x40: {  	_ =	shalt  }
0x41: {  	_ =	shalt  }
0x42: {  	_ =	shalt  }
0x43: {  	_ =	shalt  }
0x44: {  	_ =	shalt  }
0x45: {  	_ =	shalt  }
0x46: {  	_ =	shalt  }
0x47: {  	_ =	shalt  }
0x48: {  	_ =	shalt  }
0x49: {  	_ =	shalt  }
0x4a: {  	_ =	shalt  }
0x4b: {  	_ =	shalt  }
0x4c: {  	_ =	shalt  }
0x4d: {  	_ =	shalt  }
0x4e: {  	_ =	shalt  }
0x4f: {  	_ =	shalt  }
0x50: {  	_ =	shalt  }
0x51: {  	_ =	shalt  }
0x52: {  	_ =	shalt  }
0x53: {  	_ =	shalt  }
0x54: {  	_ =	shalt  }
0x55: {  	_ =	shalt  }
0x56: {  	_ =	shalt  }
0x57: {  	_ =	shalt  }
0x58: {  	_ =	shalt  }
0x59: {  	_ =	shalt  }
0x5a: {  	_ =	shalt  }
0x5b: {  	_ =	shalt  }
0x5c: {  	_ =	shalt  }
0x5d: {  	_ =	shalt  }
0x5e: {  	_ =	shalt  }
0x5f: {  	_ =	shalt  }
0x60: {  	_ =	shalt  }
0x61: {  	_ =	shalt  }
0x62: {  	_ =	shalt  }
0x63: {  	_ =	shalt  }
0x64: {  	_ =	shalt  }
0x65: {  	_ =	shalt  }
0x66: {  	_ =	shalt  }
0x67: {  	_ =	shalt  }
0x68: {  	_ =	shalt  }
0x69: {  	_ =	shalt  }
0x6a: {  	_ =	shalt  }
0x6b: {  	_ =	shalt  }
0x6c: {  	_ =	shalt  }
0x6d: {  	_ =	shalt  }
0x6e: {  	_ =	shalt  }
0x6f: {  	_ =	shalt  }
0x70: {  	_ =	shalt  }
0x71: {  	_ =	shalt  }
0x72: {  	_ =	shalt  }
0x73: {  	_ =	shalt  }
0x74: {  	_ =	shalt  }
0x75: {  	_ =	shalt  }
0x76: {  	_ =	shalt  }
0x77: {  	_ =	shalt  }
0x78: {  	_ =	shalt  }
0x79: {  	_ =	shalt  }
0x7a: {  	_ =	shalt  }
0x7b: {  	_ =	shalt  }
0x7c: {  	_ =	shalt  }
0x7d: {  	_ =	shalt  }
0x7e: {  	_ =	shalt  }
0x7f: {  	_ =	shalt  }
0x80: {  	_ =	shalt  }
0x81: {  	_ =	shalt  }
0x82: {  	_ =	shalt  }
0x83: {  	_ =	shalt  }
0x84: {  	_ =	shalt  }
0x85: {  	_ =	shalt  }
0x86: {  	_ =	shalt  }
0x87: {  	_ =	shalt  }
.Lfunc_end0:
.L_simem_size_0:
called_computation_lowered:
.L_overlay_start_0:
0x88: {  	s2 =	sld [smem:$0x3FD9]  }
0x89: {  	s3 =	sld [smem:$0x3FFE];
	_ =	sdelay $0x1  }
0x8a: {  	s1 =	srdreg.scid  }
0x8b: {  	s0 =	sand.u32 $0x1, s1  }
0x8c: {  	s16 =	sshll.u32 s0, $0xA;
	s2 =	sadd.s32 s3, s2  }
0x8d: {  	s2 =	sadd.s32 s2, s16  }
0x8e: {  	[smem:$0x3FAF] =	sst s2  }
0x8f: {  	_ = 	snop  }
0x90: {  	(tm) =	ssettm $0x1  }
0x91: {  	s17 =	sld [smem:$0x3FFB];
	_ =	sdelay $0x3  }
0x92: {  	_ =	strace s17  }
0x93: {  	s2 =	sld [smem:$0x3FFC];
	_ =	sdelay $0x3  }
0x94: {  	_ =	strace s2  }
0x95: {  	s2 =	sld [smem:$0x3FFD];
	_ =	sdelay $0x3  }
0x96: {  	_ =	strace s2  }
0x97: {  	_ =	strace $0x8FFFFFFF  }
0x98: {  	s18 =	sld [smem:$0x3FDB];
	_ =	sdelay $0x1  }
0x99: {  	s19 =	simm.s32 $_scs_section_size  }
0x9a: {  	s4 =	simm.s32 $_size__tile_overlayer_lowered;
	s5 =	simm.s32 $_tile_overlayer_lowered  }
0x9b: {  	s22 =	simm.s32 $0x1BFF;
	s21 =	sshll.u32 s5, $0x1;
	s2 =	sadd.s32 s19, s18  }
0x9c: {  	s6 =	simm.s32 $0x0;
	s20 =	sshll.u32 s4, $0x1;
	s4 =	sadd.s32 s21, s2  }
0x9d: {  	[timem:s6], [sflag:s22] =	dma.local [hbm:s4], s20  }
0x9e: {  	_ =	swait.ge [sflag:s22], s20  }
0x9f: {  	s3 =	ssub.s32 $0x0, s20;
	[sflag:s22] =	ssyncset.done $0x0  }
0xa0: {  	[sflag:s22] =	ssyncadd.s32 s3;
	_ =	sdelay $0x1  }
0xa1: {  	s23 =	simm.s32 $0x1B8B  }
0xa2: {  	_ =	swait.ge [sflag:s23], $0x1  }
0xa3: {  	[sflag:s23] =	ssyncset.done $0x0  }
0xa4: {  	s25 =	simm.s32 $0x1B8E;
	s24 =	sld [smem:$0x3FFE];
	[sflag:s23] =	ssyncadd.s32 $0xFFFFFFFF  }
0xa5: {  	s26 =	simm.s32 $execute0_lowered;
	[smem:$0x3FD2] =	sst s25  }
0xa6: {  	s4 =	sshll.u32 s26, $0x1;
	_ =	strace $0x80000046;
	[dreg:$0x1] =	wrdreg $0xFFFFFFFF  }
0xa7: {  	s28 =	simm.s32 $_size_execute0_lowered;
	s2 =	sadd.s32 s2, s4;
	[dreg:$0x0] =	wrdreg $0x0  }
0xa8: {  	s4 =	sshll.u32 s28, $0x1;
	[dreg:$0x2] =	wrdreg s2  }
0xa9: {  	[dreg:$0x3] =	wrdreg s4  }
0xaa: {  	[dreg:$0x4] =	wrdreg $0xC0  }
0xab: {  	_ =	task [dreg:s6], $0x5FFFF  }
0xac: {  	[dreg:$0x1] =	wrdreg $0xFFFFFFFF  }
0xad: {  	[dreg:$0x0] =	wrdreg $0x60  }
0xae: {  	[dreg:$0x2] =	wrdreg s24  }
0xaf: {  	[dreg:$0x3] =	wrdreg $0x41000  }
0xb0: {  	[dreg:$0x4] =	wrdreg $0x68800  }
0xb1: {  	[dreg:$0x5] =	wrdreg $0x9  }
0xb2: {  	_ =	task.clear_ibuf [dreg:s6], $0x6FFFF;
	_ =	strace $0x90000046  }
0xb3: {  	s29 =	simm.s32 $0x9;
	_ =	strace $0x80000048  }
0xb4: {  	_ =	swait.ge [sflag:s29], $0x1  }
0xb5: {  	[sflag:s29] =	ssyncadd.s32 $0xFFFFFFFF  }
0xb6: {  	_ =	strace $0x90000048  }
0xb7: {  	_ =	sfence  }
0xb8: {  	s30 =	sld [smem:$0x0];
	_ =	sdelay $0x2  }
0xb9: {  	s31 =	sshll.u32 s1, $0xD;
	s1 =	sshrl.u32 s1, $0x2  }
0xba: {  	s3 =	sand.u32 $0x4000, s31;
	s1 =	sadd.s32 s1, s30  }
0xbb: {  	s0 =	sor.u32 s3, s0;
	s1 =	sshll.u32 s1, $0x11  }
0xbc: {  	s0 =	sor.u32 s1, s0  }
0xbd: {  	s0 =	sadd.s32 $0x8F2B, s0  }
0xbe: {  	[sflag:s0] =	ssyncadd.remote.s32 $0x1  }
0xbf: {  	_ =	sfence.sel $0xFFFF  }
0xc0: {  	[dreg:$0x0] =	wrdreg $0xFFFFFFFF;
	(pc) =	sbr.abs _section_cstart, $3  }
0xc1: {  	[dreg:$0x1] =	wrdreg $0xFFFFFFFF  }
0xc2: {  	_ =	task.clear_ibuf [dreg:s6], $0x2FFFF;
	_ =	strace $0x9FFFFFFF  }
0xc3: {  	(tm) =	ssettm $0x7FFFFFFF  }
tec
execute0_lowered:
.L_overlay_start_1:
0x0: {  	(tag) =	ssettag $0x1  }
0x1: {  	s0 =	srdreg.scid;
	s6 =	rddreg [dreg:$0x0]  }
0x2: {  	s17 =	stileid.u32;
	s2 =	rddreg [dreg:$0x2];
	s3 =	simm.s32 $0x0  }
0x3: {  	s20 =	simm.s32 $0x100;
	s21 =	simm.s32 $0x80;
	s8 =	smul.u32 $0x13C00, s17  }
0x4: {  	s22 =	simm.s32 $0x40;
	s23 =	simm.s32 $0x0;
	s11 =	smul.u32 $0x4F000, s17  }
0x5: {  	s7 =	sand.u32 $0x1, s0;
	s0 =	rddreg [dreg:$0x1];
	s19 =	smul.u32 $0x500, s17  }
0x6: {  	[smem:$0x7FF] =	sst s3;
	s31 =	sshll.u32 s17, $0x6;
	s4 =	smul.u32 $0x5000, s7  }
0x7: {  	p0 =	sne.s32 s17, $0x0;
	s1 =	sshll.u32 s7, $0x4;
	s9 =	smul.u32 $0x13C000, s7  }
0x8: {  	s29 =	smul.u32 $0x500, s7;
	s7 =	ssub.s32 $0x2, s7;
	s5 =	sor.u32 s17, s1  }
0x9: {  	s1 =	rddreg [dreg:$0x3];
	_ =	strace $0x80000047;
	s28 =	sshrl.u32 s8, $0x3  }
0xa: {  	s30 =	sshrl.u32 s7, $0x1;
	s11 =	sshrl.u32 s11, $0x2;
	s5 =	smul.u32 $0x140, s5  }
0xb: {  	s16 =	sadd.s32 s4, s6;
	s4 =	sadd.s32 $0xF800, s6;
	s8 =	sadd.s32 s8, s9  }
0xc: {  	s10 =	sadd.s32 s28, s6;
	s9 =	sadd.s32 s29, s6;
	s12 =	ssub.s32 s7, s30  }
0xd: {  	s18 =	sadd.s32 s11, s0;
	s7 =	sor.u32 $0x1C01, s31;
	s8 =	sshrl.u32 s8, $0x3  }
0xe: {  	s9 =	sadd.s32 $0x37E00, s9;
	s16 =	sadd.s32 s19, s16;
	s17 =	sshrl.u32 s18, $0x3  }
0xf: {  	s18 =	simm.s32 $0x1;
	s19 =	sshrl.u32 @!p0 s2, $0x3;
	s5 =	sshrl.u32 s5, $0x3  }
0x10: {  	s8 =	sadd.s32 s8, s6;
	s16 =	sadd.s32 $0x5200, s16;
	s15 =	sadd.s32 s5, s6  }
0x11: {  	s5 =	sadd.s32 $0x37800, s6;
	s6 =	sadd.s32 $0x10000, s10;
	s8 =	sadd.s32 $0x38800, s8  }
0x12: {  	s10 =	smax.u32 s12, $0x1;
	s11 =	sadd.s32 $0xF200, s15;
	s12 =	sadd.s32 $0xF208, s15  }
0x13: {  	s13 =	sadd.s32 $0xF210, s15;
	s14 =	sadd.s32 $0xF218, s15;
	s15 =	sadd.s32 $0xF220, s15  }
.LBB2_1:
0x14: {  	[spmem:s17], [sflag:s7] =	dma.local [hbm:s6], $0x2780  }
0x15: {  	_ =	swait.ge [sflag:s18], $0x2780  }
0x16: {  	[sflag:s18] =	ssyncset.done $0x0  }
0x17: {  	s24 =	simm.s32 @!p0 $0x1;
	[sflag:s18] =	ssyncadd.s32 $0xFFFFD880  }
0x18: {  	[spmem:s19], [sflag:s7] =	dma.local @!p0 [hbm:s5], $0x500  }
0x19: {  	_ =	swait.ge @!p0 [sflag:s24], $0x500  }
0x1a: {  	[sflag:s24] =	ssyncset.done @!p0 $0x0  }
0x1b: {  	[sflag:s24] =	ssyncadd.s32 @!p0 $0xFFFFFB00  }
0x1c: {  	[tilespmem:s20], [sflag:$0x1] =	stream.linear.gather [hbm4b:s4+s3], $0x4000, $0x38;
	[tilespmem:$0x68D0] =	vst v63  }
0x1d: {  	_ =	swait.ge [sflag:s18], $0x4000  }
0x1e: {  	[sflag:s18] =	ssyncset.done $0x0  }
0x1f: {  	[sflag:s18] =	ssyncadd.s32 $0xFFFFC000  }
0x20: {  	s31 =	sadd.s32 $0x0, s16;
	[bflag:$0x0] =	sbarrier.arrive $0xFFFF  }
0x21: {  	[tilespmem:s3], [sflag:$0x1] =	stream.linear.gather [hbm4b:s31+s3], $0x80, $0x38;
	[tilespmem:$0x68D0] =	vst v63  }
0x22: {  	_ =	swait.ge [sflag:s18], $0x80  }
0x23: {  	[sflag:s18] =	ssyncset.done $0x0  }
0x24: {  	[sflag:s18] =	ssyncadd.s32 $0xFFFFFF80  }
0x25: {  	[spmem:s0] =	stream.indirect.scatter.add.f32 [tilespmem:s20], [sflag:$0x1], $0x10, s3, s21, $0xb8;
	[tilespmem:$0x68D0] =	vst v63  }
0x26: {  	_ =	swait.ge [sflag:s18], $0x800  }
0x27: {  	s25 =	simm.s32 $0x20;
	s24 =	simm.s32 $0x10;
	[sflag:s18] =	ssyncset.done $0x0  }
.LBB2_2:
0x28: {  	s26 =	sadd.s32 s24, s16  }
0x29: {  	[sflag:s18] =	ssyncadd.s32 $0xFFFFF800;
	s24 =	smov.u32 s25;
	s28 =	sadd.s32 $0x10, s25  }
0x2a: {  	[tilespmem:s3], [sflag:$0x1] =	stream.linear.gather [hbm4b:s26+s3], $0x80, $0x38;
	[tilespmem:$0x68D0] =	vst v63  }
0x2b: {  	p1 =	sne.s32 s25, $0x4F0;
	_ =	swait.ge [sflag:s18], $0x80  }
.Ltmp0:
0x2c: {  	[sflag:s18] =	ssyncset.done $0x0;
	(pc) =	sbr.rel @p1 .LBB2_2-.Ltmp0, $4  }
0x2d: {  	[sflag:s18] =	ssyncadd.s32 $0xFFFFFF80  }
0x2e: {  	[spmem:s0] =	stream.indirect.scatter.add.f32 [tilespmem:s20], [sflag:$0x1], $0x10, s3, s21, $0xb8;
	[tilespmem:$0x68D0] =	vst v63  }
0x2f: {  	_ =	swait.ge [sflag:s18], $0x800  }
0x30: {  	s25 =	smov.u32 s28;
	[sflag:s18] =	ssyncset.done $0x0  }
0x31: {  	s24 =	sadd.s32 s24, s16;
	[sflag:s18] =	ssyncadd.s32 $0xFFFFF800  }
0x32: {  	[tilespmem:s3], [sflag:$0x1] =	stream.linear.gather [hbm4b:s24+s3], $0x80, $0x38;
	[tilespmem:$0x68D0] =	vst v63  }
0x33: {  	_ =	swait.ge [sflag:s18], $0x80  }
0x34: {  	[sflag:s18] =	ssyncset.done $0x0  }
0x35: {  	[sflag:s18] =	ssyncadd.s32 $0xFFFFFF80  }
0x36: {  	[spmem:s0] =	stream.indirect.scatter.add.f32 [tilespmem:s20], [sflag:$0x1], $0x10, s3, s21, $0xb8;
	[tilespmem:$0x68D0] =	vst v63  }
0x37: {  	_ =	swait.ge [sflag:s18], $0x800  }
0x38: {  	[sflag:s18] =	ssyncset.done $0x0  }
0x39: {  	[sflag:s18] =	ssyncadd.s32 $0xFFFFF800  }
0x3a: {  	[tilespmem:s21], [sflag:$0x1] =	stream.linear.gather [hbm4b:s11+s3], $0x40, $0x38;
	[tilespmem:$0x68D0] =	vst v63  }
0x3b: {  	_ =	swait.ge [sflag:s18], $0x40  }
0x3c: {  	[sflag:s18] =	ssyncset.done $0x0  }
0x3d: {  	[sflag:s18] =	ssyncadd.s32 $0xFFFFFFC0  }
0x3e: {  	[spmem:s2] =	stream.indirect.scatter.add.f32 [tilespmem:s20], [sflag:$0x1], $0x10, s21, s22, $0xb8;
	[tilespmem:$0x68D0] =	vst v63  }
0x3f: {  	_ =	swait.ge [sflag:s18], $0x400  }
0x40: {  	[sflag:s18] =	ssyncset.done $0x0  }
0x41: {  	[sflag:s18] =	ssyncadd.s32 $0xFFFFFC00  }
0x42: {  	[tilespmem:s21], [sflag:$0x1] =	stream.linear.gather [hbm4b:s12+s3], $0x40, $0x38;
	[tilespmem:$0x68D0] =	vst v63  }
0x43: {  	_ =	swait.ge [sflag:s18], $0x40  }
0x44: {  	[sflag:s18] =	ssyncset.done $0x0  }
0x45: {  	[sflag:s18] =	ssyncadd.s32 $0xFFFFFFC0  }
0x46: {  	[spmem:s2] =	stream.indirect.scatter.add.f32 [tilespmem:s20], [sflag:$0x1], $0x10, s21, s22, $0xb8;
	[tilespmem:$0x68D0] =	vst v63  }
0x47: {  	_ =	swait.ge [sflag:s18], $0x400  }
0x48: {  	[sflag:s18] =	ssyncset.done $0x0  }
0x49: {  	[sflag:s18] =	ssyncadd.s32 $0xFFFFFC00  }
0x4a: {  	[tilespmem:s21], [sflag:$0x1] =	stream.linear.gather [hbm4b:s13+s3], $0x40, $0x38;
	[tilespmem:$0x68D0] =	vst v63  }
0x4b: {  	_ =	swait.ge [sflag:s18], $0x40  }
0x4c: {  	[sflag:s18] =	ssyncset.done $0x0  }
0x4d: {  	[sflag:s18] =	ssyncadd.s32 $0xFFFFFFC0  }
0x4e: {  	[spmem:s2] =	stream.indirect.scatter.add.f32 [tilespmem:s20], [sflag:$0x1], $0x10, s21, s22, $0xb8;
	[tilespmem:$0x68D0] =	vst v63  }
0x4f: {  	_ =	swait.ge [sflag:s18], $0x400  }
0x50: {  	[sflag:s18] =	ssyncset.done $0x0  }
0x51: {  	[sflag:s18] =	ssyncadd.s32 $0xFFFFFC00  }
0x52: {  	[tilespmem:s21], [sflag:$0x1] =	stream.linear.gather [hbm4b:s14+s3], $0x40, $0x38;
	[tilespmem:$0x68D0] =	vst v63  }
0x53: {  	_ =	swait.ge [sflag:s18], $0x40  }
0x54: {  	[sflag:s18] =	ssyncset.done $0x0  }
0x55: {  	[sflag:s18] =	ssyncadd.s32 $0xFFFFFFC0  }
0x56: {  	[spmem:s2] =	stream.indirect.scatter.add.f32 [tilespmem:s20], [sflag:$0x1], $0x10, s21, s22, $0xb8;
	[tilespmem:$0x68D0] =	vst v63  }
0x57: {  	_ =	swait.ge [sflag:s18], $0x400  }
0x58: {  	[sflag:s18] =	ssyncset.done $0x0  }
0x59: {  	[sflag:s18] =	ssyncadd.s32 $0xFFFFFC00  }
0x5a: {  	[tilespmem:s21], [sflag:$0x1] =	stream.linear.gather [hbm4b:s15+s3], $0x40, $0x38;
	[tilespmem:$0x68D0] =	vst v63  }
0x5b: {  	_ =	swait.ge [sflag:s18], $0x40  }
0x5c: {  	[sflag:s18] =	ssyncset.done $0x0  }
0x5d: {  	[sflag:s18] =	ssyncadd.s32 $0xFFFFFFC0  }
0x5e: {  	[spmem:s2] =	stream.indirect.scatter.add.f32 [tilespmem:s20], [sflag:$0x1], $0x10, s21, s22, $0xb8;
	[tilespmem:$0x68D0] =	vst v63  }
0x5f: {  	_ =	swait.ge [sflag:s18], $0x400  }
0x60: {  	[sflag:s18] =	ssyncset.done $0x0  }
0x61: {  	[sflag:s18] =	ssyncadd.s32 $0xFFFFFC00  }
0x62: {  	[bflag:$0x0] =	sbarrier.arrive $0xFFFF  }
0x63: {  	[hbm:s8], [sflag:s7] =	dma.local [spmem:s17], $0x2780  }
0x64: {  	s23 =	sadd.s32 $0x1, s23;
	_ =	swait.ge [sflag:s18], $0x2780  }
0x65: {  	p1 =	sne.s32 s23, s10;
	[sflag:s18] =	ssyncset.done $0x0  }
.Ltmp1:
0x66: {  	s24 =	simm.s32 @!p0 $0x1;
	[sflag:s18] =	ssyncadd.s32 $0xFFFFD880;
	(pc) =	sbr.rel @p1 .LBB2_1-.Ltmp1, $4  }
0x67: {  	[hbm:s9], [sflag:s7] =	dma.local @!p0 [spmem:s19], $0x500  }
0x68: {  	_ =	swait.ge @!p0 [sflag:s24], $0x500  }
0x69: {  	[sflag:s24] =	ssyncset.done @!p0 $0x0  }
0x6a: {  	[sflag:s24] =	ssyncadd.s32 @!p0 $0xFFFFFB00  }
0x6b: {  	_ =	sfence.sel $0x180000  }
0x6c: {  	[bflag:$0x0] =	sbarrier.arrive $0xFFFF  }
0x6d: {  	_ =	strace $0x90000047  }
0x6e: {  	s0 =	sadd.s32 @!p0 $0x100000, s1;
	[bflag:$0x2] =	sbarrier.arrive $0xFFFF  }
0x6f: {  	[sflag:s0] =	ssyncadd.tile.s32 @!p0 $0x1;
	_ =	shalt  }
.Lfunc_end2:
_tile_overlayer_lowered:
.L_overlay_start_2:
0x70: {  	(tag) =	ssettag $0x2  }
0x71: {  	s0 =	rddreg [dreg:$0x0];
	s2 =	stileid.u32  }
0x72: {  	s1 =	rddreg [dreg:$0x1];
	p0 =	sne.s32 s2, $0x0  }
0x73: {  	s3 =	rddreg [dreg:$0x2];
	[bflag:$0x3] =	sbarrier.arrive $0xFFFF;
	s2 =	simm.s32 @!p0 $0x1C01  }
0x74: {  	[timem:s3], [sflag:s2] =	dma.local @!p0 [hbm:s0], s1  }
0x75: {  	s0 =	simm.s32 @!p0 $0x1  }
0x76: {  	_ =	swait.ge @!p0 [sflag:s0], s1  }
0x77: {  	s1 =	ssub.s32 @!p0 $0x0, s1;
	[sflag:s0] =	ssyncset.done @!p0 $0x0  }
0x78: {  	[sflag:s0] =	ssyncadd.s32 @!p0 s1  }
0x79: {  	[bflag:$0x3] =	sbarrier.arrive $0xFFFF  }
0x7a: {  	_ =	shalt  }

// kernel: kernel.15.cloned.1.call-start
scs
__scs_entry_jumppad:
0x0: {  	(pc) =	sbr.rel $0x88, $3  }
0x1: {  	(tag) =	ssettag $0x0;
	lr =	simm.s32 $0x1  }
0x2: {  	[smem:$0x3F88] =	sst lr;
	_ =	strace $0xD0000000  }
0x3: {  	_ = 	snop  }
0x4: {  	_ = 	snop  }
0x5: {  	_ = 	snop  }
0x6: {  	_ = 	snop  }
0x7: {  	_ = 	snop  }
__scs_overlays_trampoline_lowered:
0x8: {  	[smem:$0x3F97] =	sst s0  }
0x9: {  	[smem:$0x3F98] =	sst s1  }
0xa: {  	[smem:$0x3F99] =	sst s2  }
0xb: {  	[smem:$0x3F9A] =	sst s3  }
0xc: {  	[smem:$0x3F9B] =	sst s4  }
0xd: {  	[smem:$0x3F9C] =	sst s5  }
0xe: {  	[smem:$0x3F9D] =	sst s6  }
0xf: {  	[smem:$0x3F9E] =	sst s7  }
0x10: {  	[smem:$0x3F9F] =	sst s8  }
0x11: {  	[smem:$0x3FA0] =	sst s9;
	s0 =	simm.s32 @!p0 $0x0  }
0x12: {  	s1 =	sld [smem:$0x3F86];
	s0 =	simm.s32 @p0 $0x1  }
0x13: {  	[smem:$0x3FA1] =	sst s0;
	s0 =	simm.s32 @!p1 $0x0  }
0x14: {  	s2 =	sld [smem:$0x3F85];
	s0 =	simm.s32 @p1 $0x1  }
0x15: {  	[smem:$0x3FA2] =	sst s0;
	s0 =	simm.s32 @!p2 $0x0  }
0x16: {  	s3 =	sld [smem:$0x3FDB];
	s0 =	simm.s32 @p2 $0x1  }
0x17: {  	s4 =	simm.s32 $0x1BF5;
	[smem:$0x3FA4] =	sst s0  }
0x18: {  	s0 =	sld [smem:$0x3F87];
	_ =	swait.ge [sflag:s4], $0x0  }
0x19: {  	s7 =	sld [smem:$0x3F88]  }
0x1a: {  	s8 =	sadd.s32 $0xFFFFE003, lr  }
0x1b: {  	s9 =	sadd.s32 $0xFFFFFEF7, lr;
	s5 =	simm.s32 $0xFFFFFFFF;
	p2 =	slt.u32 s8, $0xFFFFF086  }
0x1c: {  	p1 =	slt.u32 s9, $0xF7A;
	s5 =	simm.s32 @!p2 $0x0  }
0x1d: {  	s5 =	simm.s32 @p1 $0x1;
	p0 =	seq.s32 s7, s2  }
0x1e: {  	s7 =	smul.u32 @!p0 $0xF7A, s2;
	p2 =	seq.s32 @!p0 s5, $0x0  }
0x1f: {  	s9 =	smul.u32 $0xF7A, s1;
	s8 =	simm.s32 @!p0 $0x1BF5;
	p2 =	por !p2, p0  }
0x20: {  	[sflag:s8] =	ssyncset.s32 @!p0 $0xFFFFF086;
	s6 =	sadd.s32 @!p0 s3, s7;
	s7 =	simm.s32 @!p0 $0x108  }
0x21: {  	s3 =	sadd.s32 s3, s9;
	s6 =	sadd.s32 @!p0 $0x88, s6;
	s7 =	simm.s32 @p2 $0x1082  }
0x22: {  	[simem:s7], [sflag:s8] =	dma.local @!p0 [hbm:s6], $0xF7A  }
0x23: {  	s9 =	sor.u32 $0xD0000000, s2;
	s6 =	simm.s32 $0x108;
	_ =	swait.ge @!p0 [sflag:s8], $0x0  }
0x24: {  	s3 =	sadd.s32 $0x88, s3;
	s6 =	simm.s32 @!p1 $0x1082;
	[sflag:s4] =	ssyncset.s32 $0xFFFFF086  }
0x25: {  	[simem:s6], [sflag:s4] =	dma.local [hbm:s3], $0xF7A  }
0x26: {  	[smem:$0x3F88] =	sst s1;
	(tag) =	ssettag s2;
	_ =	strace s9  }
0x27: {  	s1 =	sld [smem:$0x3F98]  }
0x28: {  	s2 =	sld [smem:$0x3F99]  }
0x29: {  	s4 =	sld [smem:$0x3F9B]  }
0x2a: {  	p0 =	seq.s32 s5, $0x0;
	s5 =	sld [smem:$0x3F9C]  }
0x2b: {  	s6 =	sld [smem:$0x3F9D]  }
0x2c: {  	s7 =	sld [smem:$0x3F9E]  }
0x2d: {  	s3 =	simm.s32 $0x108;
	s8 =	sld [smem:$0x3F9F]  }
0x2e: {  	s3 =	simm.s32 @!p0 $0x1082;
	s9 =	sld [smem:$0x3FA0]  }
0x2f: {  	lr =	sadd.s32 s0, s3;
	s0 =	sld [smem:$0x3F97]  }
0x30: {  	s3 =	sld [smem:$0x3F9A]  }
0x31: {  	[smem:$0x3FA3] =	sst s10  }
0x32: {  	s10 =	sld [smem:$0x3FA1];
	_ =	sdelay $0x3  }
0x33: {  	p0 =	seq.s32 s10, $0x1;
	s10 =	sld [smem:$0x3FA3];
	_ =	sdelay $0x3  }
0x34: {  	[smem:$0x3FA3] =	sst s10  }
0x35: {  	s10 =	sld [smem:$0x3FA2];
	_ =	sdelay $0x3  }
0x36: {  	p1 =	seq.s32 s10, $0x1;
	s10 =	sld [smem:$0x3FA3];
	_ =	sdelay $0x3  }
0x37: {  	[smem:$0x3FA3] =	sst s10  }
0x38: {  	s10 =	sld [smem:$0x3FA4]  }
0x39: {  	_ = 	snop;
	(pc) =	sbr.ind lr, $3  }
0x3a: {  	_ = 	snop  }
0x3b: {  	_ = 	snop  }
0x3c: {  	p2 =	seq.s32 s10, $0x1;
	s10 =	sld [smem:$0x3FA3]  }
0x3d: {  	_ =	shalt  }
0x3e: {  	_ =	shalt  }
0x3f: {  	_ =	shalt  }
0x40: {  	_ =	shalt  }
0x41: {  	_ =	shalt  }
0x42: {  	_ =	shalt  }
0x43: {  	_ =	shalt  }
0x44: {  	_ =	shalt  }
0x45: {  	_ =	shalt  }
0x46: {  	_ =	shalt  }
0x47: {  	_ =	shalt  }
0x48: {  	_ =	shalt  }
0x49: {  	_ =	shalt  }
0x4a: {  	_ =	shalt  }
0x4b: {  	_ =	shalt  }
0x4c: {  	_ =	shalt  }
0x4d: {  	_ =	shalt  }
0x4e: {  	_ =	shalt  }
0x4f: {  	_ =	shalt  }
0x50: {  	_ =	shalt  }
0x51: {  	_ =	shalt  }
0x52: {  	_ =	shalt  }
0x53: {  	_ =	shalt  }
0x54: {  	_ =	shalt  }
0x55: {  	_ =	shalt  }
0x56: {  	_ =	shalt  }
0x57: {  	_ =	shalt  }
0x58: {  	_ =	shalt  }
0x59: {  	_ =	shalt  }
0x5a: {  	_ =	shalt  }
0x5b: {  	_ =	shalt  }
0x5c: {  	_ =	shalt  }
0x5d: {  	_ =	shalt  }
0x5e: {  	_ =	shalt  }
0x5f: {  	_ =	shalt  }
0x60: {  	_ =	shalt  }
0x61: {  	_ =	shalt  }
0x62: {  	_ =	shalt  }
0x63: {  	_ =	shalt  }
0x64: {  	_ =	shalt  }
0x65: {  	_ =	shalt  }
0x66: {  	_ =	shalt  }
0x67: {  	_ =	shalt  }
0x68: {  	_ =	shalt  }
0x69: {  	_ =	shalt  }
0x6a: {  	_ =	shalt  }
0x6b: {  	_ =	shalt  }
0x6c: {  	_ =	shalt  }
0x6d: {  	_ =	shalt  }
0x6e: {  	_ =	shalt  }
0x6f: {  	_ =	shalt  }
0x70: {  	_ =	shalt  }
0x71: {  	_ =	shalt  }
0x72: {  	_ =	shalt  }
0x73: {  	_ =	shalt  }
0x74: {  	_ =	shalt  }
0x75: {  	_ =	shalt  }
0x76: {  	_ =	shalt  }
0x77: {  	_ =	shalt  }
0x78: {  	_ =	shalt  }
0x79: {  	_ =	shalt  }
0x7a: {  	_ =	shalt  }
0x7b: {  	_ =	shalt  }
0x7c: {  	_ =	shalt  }
0x7d: {  	_ =	shalt  }
0x7e: {  	_ =	shalt  }
0x7f: {  	_ =	shalt  }
0x80: {  	_ =	shalt  }
0x81: {  	_ =	shalt  }
0x82: {  	_ =	shalt  }
0x83: {  	_ =	shalt  }
0x84: {  	_ =	shalt  }
0x85: {  	_ =	shalt  }
0x86: {  	_ =	shalt  }
0x87: {  	_ =	shalt  }
.Lfunc_end0:
.L_simem_size_0:
called_computation.1_lowered:
.L_overlay_start_0:
0x88: {  	s2 =	sld [smem:$0x3FD9]  }
0x89: {  	s3 =	sld [smem:$0x3FFE];
	_ =	sdelay $0x1  }
0x8a: {  	s1 =	srdreg.scid  }
0x8b: {  	s0 =	sand.u32 $0x1, s1  }
0x8c: {  	s16 =	sshll.u32 s0, $0xA;
	s2 =	sadd.s32 s3, s2  }
0x8d: {  	s2 =	sadd.s32 s2, s16  }
0x8e: {  	[smem:$0x3FAF] =	sst s2  }
0x8f: {  	_ = 	snop  }
0x90: {  	(tm) =	ssettm $0x1  }
0x91: {  	s17 =	sld [smem:$0x3FFB];
	_ =	sdelay $0x3  }
0x92: {  	_ =	strace s17  }
0x93: {  	s2 =	sld [smem:$0x3FFC];
	_ =	sdelay $0x3  }
0x94: {  	_ =	strace s2  }
0x95: {  	s2 =	sld [smem:$0x3FFD];
	_ =	sdelay $0x3  }
0x96: {  	_ =	strace s2  }
0x97: {  	_ =	strace $0x8FFFFFFF  }
0x98: {  	s18 =	sld [smem:$0x3FDB];
	_ =	sdelay $0x1  }
0x99: {  	s19 =	simm.s32 $_scs_section_size  }
0x9a: {  	s4 =	simm.s32 $_size__tile_overlayer_lowered;
	s5 =	simm.s32 $_tile_overlayer_lowered  }
0x9b: {  	s22 =	simm.s32 $0x1BFF;
	s21 =	sshll.u32 s5, $0x1;
	s2 =	sadd.s32 s19, s18  }
0x9c: {  	s6 =	simm.s32 $0x0;
	s20 =	sshll.u32 s4, $0x1;
	s4 =	sadd.s32 s21, s2  }
0x9d: {  	[timem:s6], [sflag:s22] =	dma.local [hbm:s4], s20  }
0x9e: {  	_ =	swait.ge [sflag:s22], s20  }
0x9f: {  	s3 =	ssub.s32 $0x0, s20;
	[sflag:s22] =	ssyncset.done $0x0  }
0xa0: {  	[sflag:s22] =	ssyncadd.s32 s3;
	_ =	sdelay $0x1  }
0xa1: {  	s23 =	simm.s32 $0x1B8B  }
0xa2: {  	_ =	swait.ge [sflag:s23], $0x1  }
0xa3: {  	[sflag:s23] =	ssyncset.done $0x0  }
0xa4: {  	s25 =	simm.s32 $0x1B8E;
	s24 =	sld [smem:$0x3FFE];
	[sflag:s23] =	ssyncadd.s32 $0xFFFFFFFF  }
0xa5: {  	s26 =	simm.s32 $execute0_lowered;
	[smem:$0x3FD2] =	sst s25  }
0xa6: {  	s4 =	sshll.u32 s26, $0x1;
	_ =	strace $0x80000049;
	[dreg:$0x1] =	wrdreg $0xFFFFFFFF  }
0xa7: {  	s28 =	simm.s32 $_size_execute0_lowered;
	s2 =	sadd.s32 s2, s4;
	[dreg:$0x0] =	wrdreg $0x0  }
0xa8: {  	s4 =	sshll.u32 s28, $0x1;
	[dreg:$0x2] =	wrdreg s2  }
0xa9: {  	[dreg:$0x3] =	wrdreg s4  }
0xaa: {  	[dreg:$0x4] =	wrdreg $0xC0  }
0xab: {  	_ =	task [dreg:s6], $0x5FFFF  }
0xac: {  	[dreg:$0x1] =	wrdreg $0xFFFFFFFF  }
0xad: {  	[dreg:$0x0] =	wrdreg $0x60  }
0xae: {  	[dreg:$0x2] =	wrdreg s24  }
0xaf: {  	[dreg:$0x3] =	wrdreg $0x41000  }
0xb0: {  	[dreg:$0x4] =	wrdreg $0x9  }
0xb1: {  	_ =	task.clear_ibuf [dreg:s6], $0x5FFFF;
	_ =	strace $0x90000049  }
0xb2: {  	s29 =	simm.s32 $0x9;
	_ =	strace $0x8000004B  }
0xb3: {  	_ =	swait.ge [sflag:s29], $0x1  }
0xb4: {  	[sflag:s29] =	ssyncadd.s32 $0xFFFFFFFF  }
0xb5: {  	_ =	strace $0x9000004B  }
0xb6: {  	_ =	sfence  }
0xb7: {  	s30 =	sld [smem:$0x0];
	_ =	sdelay $0x2  }
0xb8: {  	s31 =	sshll.u32 s1, $0xD;
	s1 =	sshrl.u32 s1, $0x2  }
0xb9: {  	s3 =	sand.u32 $0x4000, s31;
	s1 =	sadd.s32 s1, s30  }
0xba: {  	s0 =	sor.u32 s3, s0;
	s1 =	sshll.u32 s1, $0x11  }
0xbb: {  	s0 =	sor.u32 s1, s0  }
0xbc: {  	s0 =	sadd.s32 $0x8F2B, s0  }
0xbd: {  	[sflag:s0] =	ssyncadd.remote.s32 $0x1  }
0xbe: {  	_ =	sfence.sel $0xFFFF  }
0xbf: {  	[dreg:$0x0] =	wrdreg $0xFFFFFFFF;
	(pc) =	sbr.abs _section_cstart, $3  }
0xc0: {  	[dreg:$0x1] =	wrdreg $0xFFFFFFFF  }
0xc1: {  	_ =	task.clear_ibuf [dreg:s6], $0x2FFFF;
	_ =	strace $0x9FFFFFFF  }
0xc2: {  	(tm) =	ssettm $0x7FFFFFFF  }
0xc3: {  	_ =	shalt  }
tec
execute0_lowered:
.L_overlay_start_1:
0x0: {  	(tag) =	ssettag $0x1  }
0x1: {  	s0 =	srdreg.scid  }
0x2: {  	s4 =	rddreg [dreg:$0x0];
	s1 =	stileid.u32  }
0x3: {  	s2 =	rddreg [dreg:$0x1];
	s3 =	simm.s32 $0x0;
	s8 =	smul.u32 $0x13C00, s1  }
0x4: {  	s13 =	simm.s32 $0x80;
	s14 =	simm.s32 $0x100;
	s11 =	smul.u32 $0x4F000, s1  }
0x5: {  	s15 =	simm.s32 $0x1;
	s5 =	sand.u32 $0x1, s0;
	s31 =	smul.u32 $0x500, s1  }
0x6: {  	s16 =	simm.s32 $0x0;
	s0 =	rddreg [dreg:$0x2];
	s6 =	smul.u32 $0x27100, s5  }
0x7: {  	[smem:$0x7FF] =	sst s3;
	s30 =	sshll.u32 s1, $0x6;
	s7 =	smul.u32 $0x5000, s5  }
0x8: {  	s9 =	smul.u32 $0x13C000, s5;
	_ =	strace $0x8000004A;
	s5 =	ssub.s32 $0x2, s5  }
0x9: {  	s26 =	sshrl.u32 s8, $0x3;
	s28 =	sshrl.u32 s5, $0x1;
	s29 =	sshrl.u32 s11, $0x2  }
0xa: {  	s6 =	sadd.s32 s6, s4;
	s10 =	sadd.s32 s7, s4;
	s8 =	sadd.s32 s8, s9  }
0xb: {  	s7 =	sadd.s32 s26, s4;
	s9 =	ssub.s32 s5, s28;
	s12 =	sadd.s32 s29, s2  }
0xc: {  	s5 =	sor.u32 $0x1C02, s30;
	s8 =	sshrl.u32 s8, $0x3;
	s6 =	sadd.s32 $0x91800, s6  }
0xd: {  	s10 =	sadd.s32 s31, s10;
	s11 =	sshrl.u32 s12, $0x3;
	s8 =	sadd.s32 s8, s4  }
0xe: {  	s12 =	simm.s32 $0x2;
	s4 =	sadd.s32 $0xF200, s7;
	s7 =	sadd.s32 $0xDFA00, s8  }
0xf: {  	s8 =	smax.u32 s9, $0x1;
	s9 =	sadd.s32 $0x5200, s10;
	s10 =	sadd.s32 $0x87800, s10  }
.LBB2_1:
0x10: {  	[spmem:s11], [sflag:s5] =	dma.local [hbm:s4], $0x2780  }
0x11: {  	_ =	swait.ge [sflag:s12], $0x2780  }
0x12: {  	[sflag:s12] =	ssyncset.done $0x0  }
0x13: {  	[sflag:s12] =	ssyncadd.s32 $0xFFFFD880  }
0x14: {  	s17 =	sadd.s32 $0x0, s10;
	[bflag:$0x0] =	sbarrier.arrive $0xFFFF  }
0x15: {  	[tilespmem:s3], [sflag:$0x2] =	stream.linear.gather [hbm4b:s17+s3], $0x80, $0x38;
	[tilespmem:$0x17D00] =	vst v63  }
0x16: {  	_ =	swait.ge [sflag:s12], $0x80  }
0x17: {  	[sflag:s12] =	ssyncset.done $0x0  }
0x18: {  	s31 =	sadd.s32 $0x0, s9;
	[sflag:s12] =	ssyncadd.s32 $0xFFFFFF80  }
0x19: {  	[tilespmem:s13], [sflag:$0x2] =	stream.linear.gather [hbm4b:s31+s3], $0x80, $0x38;
	[tilespmem:$0x17D00] =	vst v63  }
0x1a: {  	_ =	swait.ge [sflag:s12], $0x80  }
0x1b: {  	[sflag:s12] =	ssyncset.done $0x0  }
0x1c: {  	[sflag:s12] =	ssyncadd.s32 $0xFFFFFF80  }
0x1d: {  	[tilespmem:s14], [sflag:$0x1] =	stream.indirect.gather [hbm4b:s6+s13], $0x80, s3, s13, $0xb8;
	[tilespmem:$0x17D00] =	vst v63  }
0x1e: {  	_ =	swait.ge [sflag:s15], $0x4000  }
0x1f: {  	[sflag:s15] =	ssyncset.done $0x0  }
0x20: {  	[sflag:s15] =	ssyncadd.s32 $0xFFFFC000  }
0x21: {  	[spmem:s2] =	stream.indirect.scatter.add.f32 [tilespmem:s14], [sflag:$0x2], $0x80, s13, s13, $0xb8;
	[tilespmem:$0x17D00] =	vst v63  }
0x22: {  	_ =	swait.ge [sflag:s12], $0x4000  }
0x23: {  	s18 =	simm.s32 $0x20;
	s17 =	simm.s32 $0x10;
	[sflag:s12] =	ssyncset.done $0x0  }
.LBB2_2:
0x24: {  	s19 =	sadd.s32 s17, s10  }
0x25: {  	[sflag:s12] =	ssyncadd.s32 $0xFFFFC000;
	s20 =	smov.u32 s18;
	s21 =	sadd.s32 $0x10, s18  }
0x26: {  	[tilespmem:s3], [sflag:$0x2] =	stream.linear.gather [hbm4b:s19+s3], $0x80, $0x38;
	[tilespmem:$0x17D00] =	vst v63  }
0x27: {  	p0 =	sne.s32 s18, $0x4F0;
	_ =	swait.ge [sflag:s12], $0x80  }
0x28: {  	[sflag:s12] =	ssyncset.done $0x0  }
0x29: {  	s18 =	sadd.s32 s17, s9;
	s17 =	smov.u32 s20;
	[sflag:s12] =	ssyncadd.s32 $0xFFFFFF80  }
0x2a: {  	[tilespmem:s13], [sflag:$0x2] =	stream.linear.gather [hbm4b:s18+s3], $0x80, $0x38;
	[tilespmem:$0x17D00] =	vst v63  }
0x2b: {  	_ =	swait.ge [sflag:s12], $0x80  }
0x2c: {  	[sflag:s12] =	ssyncset.done $0x0  }
0x2d: {  	[sflag:s12] =	ssyncadd.s32 $0xFFFFFF80  }
0x2e: {  	[tilespmem:s14], [sflag:$0x1] =	stream.indirect.gather [hbm4b:s6+s13], $0x80, s3, s13, $0xb8;
	[tilespmem:$0x17D00] =	vst v63  }
0x2f: {  	_ =	swait.ge [sflag:s15], $0x4000  }
.Ltmp0:
0x30: {  	[sflag:s15] =	ssyncset.done $0x0;
	(pc) =	sbr.rel @p0 .LBB2_2-.Ltmp0, $4  }
0x31: {  	[sflag:s15] =	ssyncadd.s32 $0xFFFFC000  }
0x32: {  	[spmem:s2] =	stream.indirect.scatter.add.f32 [tilespmem:s14], [sflag:$0x2], $0x80, s13, s13, $0xb8;
	[tilespmem:$0x17D00] =	vst v63  }
0x33: {  	_ =	swait.ge [sflag:s12], $0x4000  }
0x34: {  	s18 =	smov.u32 s21;
	[sflag:s12] =	ssyncset.done $0x0  }
0x35: {  	s18 =	sadd.s32 s17, s10;
	[sflag:s12] =	ssyncadd.s32 $0xFFFFC000  }
0x36: {  	[tilespmem:s3], [sflag:$0x2] =	stream.linear.gather [hbm4b:s18+s3], $0x80, $0x38;
	[tilespmem:$0x17D00] =	vst v63  }
0x37: {  	_ =	swait.ge [sflag:s12], $0x80  }
0x38: {  	[sflag:s12] =	ssyncset.done $0x0  }
0x39: {  	s31 =	sadd.s32 s17, s9;
	[sflag:s12] =	ssyncadd.s32 $0xFFFFFF80  }
0x3a: {  	[tilespmem:s13], [sflag:$0x2] =	stream.linear.gather [hbm4b:s31+s3], $0x80, $0x38;
	[tilespmem:$0x17D00] =	vst v63  }
0x3b: {  	_ =	swait.ge [sflag:s12], $0x80  }
0x3c: {  	[sflag:s12] =	ssyncset.done $0x0  }
0x3d: {  	[sflag:s12] =	ssyncadd.s32 $0xFFFFFF80  }
0x3e: {  	[tilespmem:s14], [sflag:$0x1] =	stream.indirect.gather [hbm4b:s6+s13], $0x80, s3, s13, $0xb8;
	[tilespmem:$0x17D00] =	vst v63  }
0x3f: {  	_ =	swait.ge [sflag:s15], $0x4000  }
0x40: {  	[sflag:s15] =	ssyncset.done $0x0  }
0x41: {  	[sflag:s15] =	ssyncadd.s32 $0xFFFFC000  }
0x42: {  	[spmem:s2] =	stream.indirect.scatter.add.f32 [tilespmem:s14], [sflag:$0x2], $0x80, s13, s13, $0xb8;
	[tilespmem:$0x17D00] =	vst v63  }
0x43: {  	_ =	swait.ge [sflag:s12], $0x4000  }
0x44: {  	s16 =	sadd.s32 $0x1, s16;
	[sflag:s12] =	ssyncset.done $0x0  }
0x45: {  	p0 =	sne.s32 s16, s8;
	[sflag:s12] =	ssyncadd.s32 $0xFFFFC000  }
.Ltmp1:
0x46: {  	[bflag:$0x0] =	sbarrier.arrive $0xFFFF;
	(pc) =	sbr.rel @p0 .LBB2_1-.Ltmp1, $4  }
0x47: {  	[hbm:s7], [sflag:s5] =	dma.local [spmem:s11], $0x2780  }
0x48: {  	_ =	swait.ge [sflag:s12], $0x2780  }
0x49: {  	[sflag:s12] =	ssyncset.done $0x0  }
0x4a: {  	[sflag:s12] =	ssyncadd.s32 $0xFFFFD880  }
0x4b: {  	_ =	sfence.sel $0x180000  }
0x4c: {  	[bflag:$0x0] =	sbarrier.arrive $0xFFFF  }
0x4d: {  	p0 =	sne.s32 s1, $0x0;
	_ =	strace $0x9000004A  }
0x4e: {  	s0 =	sadd.s32 @!p0 $0x100000, s0;
	[bflag:$0x2] =	sbarrier.arrive $0xFFFF  }
0x4f: {  	[sflag:s0] =	ssyncadd.tile.s32 @!p0 $0x1;
	_ =	shalt  }
.Lfunc_end2:
_tile_overlayer_lowered:
.L_overlay_start_2:
0x50: {  	(tag) =	ssettag $0x2  }
0x51: {  	s0 =	rddreg [dreg:$0x0];
	s2 =	stileid.u32  }
0x52: {  	s1 =	rddreg [dreg:$0x1];
	p0 =	sne.s32 s2, $0x0  }
0x53: {  	s3 =	rddreg [dreg:$0x2];
	[bflag:$0x3] =	sbarrier.arrive $0xFFFF;
	s2 =	simm.s32 @!p0 $0x1C02  }
0x54: {  	[timem:s3], [sflag:s2] =	dma.local @!p0 [hbm:s0], s1  }
0x55: {  	s0 =	simm.s32 @!p0 $0x2  }
0x56: {  	_ =	swait.ge @!p0 [sflag:s0], s1  }
0x57: {  	s1 =	ssub.s32 @!p0 $0x0, s1;
	[sflag:s0] =	ssyncset.done @!p0 $0x0  }
0x58: {  	[sflag:s0] =	ssyncadd.s32 @!p0 s1  }
0x59: {  	[bflag:$0x3] =	sbarrier.arrive $0xFFFF  }
0x5a: {  	_ =	shalt  }

// kernel: kernel.18.cloned.1.call-start
scs
__scs_entry_jumppad:
0x0: {  	(pc) =	sbr.rel $0x88, $3  }
0x1: {  	(tag) =	ssettag $0x0;
	lr =	simm.s32 $0x1  }
0x2: {  	[smem:$0x3F88] =	sst lr;
	_ =	strace $0xD0000000  }
0x3: {  	_ = 	snop  }
0x4: {  	_ = 	snop  }
0x5: {  	_ = 	snop  }
0x6: {  	_ = 	snop  }
0x7: {  	_ = 	snop  }
__scs_overlays_trampoline_lowered:
0x8: {  	[smem:$0x3F97] =	sst s0  }
0x9: {  	[smem:$0x3F98] =	sst s1  }
0xa: {  	[smem:$0x3F99] =	sst s2  }
0xb: {  	[smem:$0x3F9A] =	sst s3  }
0xc: {  	[smem:$0x3F9B] =	sst s4  }
0xd: {  	[smem:$0x3F9C] =	sst s5  }
0xe: {  	[smem:$0x3F9D] =	sst s6  }
0xf: {  	[smem:$0x3F9E] =	sst s7  }
0x10: {  	[smem:$0x3F9F] =	sst s8  }
0x11: {  	[smem:$0x3FA0] =	sst s9;
	s0 =	simm.s32 @!p0 $0x0  }
0x12: {  	s1 =	sld [smem:$0x3F86];
	s0 =	simm.s32 @p0 $0x1  }
0x13: {  	[smem:$0x3FA1] =	sst s0;
	s0 =	simm.s32 @!p1 $0x0  }
0x14: {  	s2 =	sld [smem:$0x3F85];
	s0 =	simm.s32 @p1 $0x1  }
0x15: {  	[smem:$0x3FA2] =	sst s0;
	s0 =	simm.s32 @!p2 $0x0  }
0x16: {  	s3 =	sld [smem:$0x3FDB];
	s0 =	simm.s32 @p2 $0x1  }
0x17: {  	s4 =	simm.s32 $0x1BF5;
	[smem:$0x3FA4] =	sst s0  }
0x18: {  	s0 =	sld [smem:$0x3F87];
	_ =	swait.ge [sflag:s4], $0x0  }
0x19: {  	s7 =	sld [smem:$0x3F88]  }
0x1a: {  	s8 =	sadd.s32 $0xFFFFE003, lr  }
0x1b: {  	s9 =	sadd.s32 $0xFFFFFEF7, lr;
	s5 =	simm.s32 $0xFFFFFFFF;
	p2 =	slt.u32 s8, $0xFFFFF086  }
0x1c: {  	p1 =	slt.u32 s9, $0xF7A;
	s5 =	simm.s32 @!p2 $0x0  }
0x1d: {  	s5 =	simm.s32 @p1 $0x1;
	p0 =	seq.s32 s7, s2  }
0x1e: {  	s7 =	smul.u32 @!p0 $0xF7A, s2;
	p2 =	seq.s32 @!p0 s5, $0x0  }
0x1f: {  	s9 =	smul.u32 $0xF7A, s1;
	s8 =	simm.s32 @!p0 $0x1BF5;
	p2 =	por !p2, p0  }
0x20: {  	[sflag:s8] =	ssyncset.s32 @!p0 $0xFFFFF086;
	s6 =	sadd.s32 @!p0 s3, s7;
	s7 =	simm.s32 @!p0 $0x108  }
0x21: {  	s3 =	sadd.s32 s3, s9;
	s6 =	sadd.s32 @!p0 $0x88, s6;
	s7 =	simm.s32 @p2 $0x1082  }
0x22: {  	[simem:s7], [sflag:s8] =	dma.local @!p0 [hbm:s6], $0xF7A  }
0x23: {  	s9 =	sor.u32 $0xD0000000, s2;
	s6 =	simm.s32 $0x108;
	_ =	swait.ge @!p0 [sflag:s8], $0x0  }
0x24: {  	s3 =	sadd.s32 $0x88, s3;
	s6 =	simm.s32 @!p1 $0x1082;
	[sflag:s4] =	ssyncset.s32 $0xFFFFF086  }
0x25: {  	[simem:s6], [sflag:s4] =	dma.local [hbm:s3], $0xF7A  }
0x26: {  	[smem:$0x3F88] =	sst s1;
	(tag) =	ssettag s2;
	_ =	strace s9  }
0x27: {  	s1 =	sld [smem:$0x3F98]  }
0x28: {  	s2 =	sld [smem:$0x3F99]  }
0x29: {  	s4 =	sld [smem:$0x3F9B]  }
0x2a: {  	p0 =	seq.s32 s5, $0x0;
	s5 =	sld [smem:$0x3F9C]  }
0x2b: {  	s6 =	sld [smem:$0x3F9D]  }
0x2c: {  	s7 =	sld [smem:$0x3F9E]  }
0x2d: {  	s3 =	simm.s32 $0x108;
	s8 =	sld [smem:$0x3F9F]  }
0x2e: {  	s3 =	simm.s32 @!p0 $0x1082;
	s9 =	sld [smem:$0x3FA0]  }
0x2f: {  	lr =	sadd.s32 s0, s3;
	s0 =	sld [smem:$0x3F97]  }
0x30: {  	s3 =	sld [smem:$0x3F9A]  }
0x31: {  	[smem:$0x3FA3] =	sst s10  }
0x32: {  	s10 =	sld [smem:$0x3FA1];
	_ =	sdelay $0x3  }
0x33: {  	p0 =	seq.s32 s10, $0x1;
	s10 =	sld [smem:$0x3FA3];
	_ =	sdelay $0x3  }
0x34: {  	[smem:$0x3FA3] =	sst s10  }
0x35: {  	s10 =	sld [smem:$0x3FA2];
	_ =	sdelay $0x3  }
0x36: {  	p1 =	seq.s32 s10, $0x1;
	s10 =	sld [smem:$0x3FA3];
	_ =	sdelay $0x3  }
0x37: {  	[smem:$0x3FA3] =	sst s10  }
0x38: {  	s10 =	sld [smem:$0x3FA4]  }
0x39: {  	_ = 	snop;
	(pc) =	sbr.ind lr, $3  }
0x3a: {  	_ = 	snop  }
0x3b: {  	_ = 	snop  }
0x3c: {  	p2 =	seq.s32 s10, $0x1;
	s10 =	sld [smem:$0x3FA3]  }
0x3d: {  	_ =	shalt  }
0x3e: {  	_ =	shalt  }
0x3f: {  	_ =	shalt  }
0x40: {  	_ =	shalt  }
0x41: {  	_ =	shalt  }
0x42: {  	_ =	shalt  }
0x43: {  	_ =	shalt  }
0x44: {  	_ =	shalt  }
0x45: {  	_ =	shalt  }
0x46: {  	_ =	shalt  }
0x47: {  	_ =	shalt  }
0x48: {  	_ =	shalt  }
0x49: {  	_ =	shalt  }
0x4a: {  	_ =	shalt  }
0x4b: {  	_ =	shalt  }
0x4c: {  	_ =	shalt  }
0x4d: {  	_ =	shalt  }
0x4e: {  	_ =	shalt  }
0x4f: {  	_ =	shalt  }
0x50: {  	_ =	shalt  }
0x51: {  	_ =	shalt  }
0x52: {  	_ =	shalt  }
0x53: {  	_ =	shalt  }
0x54: {  	_ =	shalt  }
0x55: {  	_ =	shalt  }
0x56: {  	_ =	shalt  }
0x57: {  	_ =	shalt  }
0x58: {  	_ =	shalt  }
0x59: {  	_ =	shalt  }
0x5a: {  	_ =	shalt  }
0x5b: {  	_ =	shalt  }
0x5c: {  	_ =	shalt  }
0x5d: {  	_ =	shalt  }
0x5e: {  	_ =	shalt  }
0x5f: {  	_ =	shalt  }
0x60: {  	_ =	shalt  }
0x61: {  	_ =	shalt  }
0x62: {  	_ =	shalt  }
0x63: {  	_ =	shalt  }
0x64: {  	_ =	shalt  }
0x65: {  	_ =	shalt  }
0x66: {  	_ =	shalt  }
0x67: {  	_ =	shalt  }
0x68: {  	_ =	shalt  }
0x69: {  	_ =	shalt  }
0x6a: {  	_ =	shalt  }
0x6b: {  	_ =	shalt  }
0x6c: {  	_ =	shalt  }
0x6d: {  	_ =	shalt  }
0x6e: {  	_ =	shalt  }
0x6f: {  	_ =	shalt  }
0x70: {  	_ =	shalt  }
0x71: {  	_ =	shalt  }
0x72: {  	_ =	shalt  }
0x73: {  	_ =	shalt  }
0x74: {  	_ =	shalt  }
0x75: {  	_ =	shalt  }
0x76: {  	_ =	shalt  }
0x77: {  	_ =	shalt  }
0x78: {  	_ =	shalt  }
0x79: {  	_ =	shalt  }
0x7a: {  	_ =	shalt  }
0x7b: {  	_ =	shalt  }
0x7c: {  	_ =	shalt  }
0x7d: {  	_ =	shalt  }
0x7e: {  	_ =	shalt  }
0x7f: {  	_ =	shalt  }
0x80: {  	_ =	shalt  }
0x81: {  	_ =	shalt  }
0x82: {  	_ =	shalt  }
0x83: {  	_ =	shalt  }
0x84: {  	_ =	shalt  }
0x85: {  	_ =	shalt  }
0x86: {  	_ =	shalt  }
0x87: {  	_ =	shalt  }
.Lfunc_end0:
.L_simem_size_0:
called_computation.2_lowered:
.L_overlay_start_0:
0x88: {  	s2 =	sld [smem:$0x3FD9]  }
0x89: {  	s3 =	sld [smem:$0x3FFE];
	_ =	sdelay $0x1  }
0x8a: {  	s1 =	srdreg.scid  }
0x8b: {  	s0 =	sand.u32 $0x1, s1  }
0x8c: {  	s16 =	sshll.u32 s0, $0xA;
	s2 =	sadd.s32 s3, s2  }
0x8d: {  	s2 =	sadd.s32 s2, s16  }
0x8e: {  	[smem:$0x3FAF] =	sst s2  }
0x8f: {  	_ = 	snop  }
0x90: {  	(tm) =	ssettm $0x1  }
0x91: {  	s17 =	sld [smem:$0x3FFB];
	_ =	sdelay $0x3  }
0x92: {  	_ =	strace s17  }
0x93: {  	s2 =	sld [smem:$0x3FFC];
	_ =	sdelay $0x3  }
0x94: {  	_ =	strace s2  }
0x95: {  	s2 =	sld [smem:$0x3FFD];
	_ =	sdelay $0x3  }
0x96: {  	_ =	strace s2  }
0x97: {  	_ =	strace $0x8FFFFFFF  }
0x98: {  	s18 =	sld [smem:$0x3FDB];
	_ =	sdelay $0x1  }
0x99: {  	s19 =	simm.s32 $_scs_section_size  }
0x9a: {  	s4 =	simm.s32 $_size__tile_overlayer_lowered;
	s5 =	simm.s32 $_tile_overlayer_lowered  }
0x9b: {  	s22 =	simm.s32 $0x1BFF;
	s21 =	sshll.u32 s5, $0x1;
	s2 =	sadd.s32 s19, s18  }
0x9c: {  	s6 =	simm.s32 $0x0;
	s20 =	sshll.u32 s4, $0x1;
	s4 =	sadd.s32 s21, s2  }
0x9d: {  	[timem:s6], [sflag:s22] =	dma.local [hbm:s4], s20  }
0x9e: {  	_ =	swait.ge [sflag:s22], s20  }
0x9f: {  	s3 =	ssub.s32 $0x0, s20;
	[sflag:s22] =	ssyncset.done $0x0  }
0xa0: {  	[sflag:s22] =	ssyncadd.s32 s3;
	_ =	sdelay $0x1  }
0xa1: {  	s23 =	simm.s32 $0x1B8B  }
0xa2: {  	_ =	swait.ge [sflag:s23], $0x1  }
0xa3: {  	[sflag:s23] =	ssyncset.done $0x0  }
0xa4: {  	s25 =	simm.s32 $0x1B8E;
	s24 =	sld [smem:$0x3FFE];
	[sflag:s23] =	ssyncadd.s32 $0xFFFFFFFF  }
0xa5: {  	s26 =	simm.s32 $execute0_lowered;
	[smem:$0x3FD2] =	sst s25  }
0xa6: {  	s4 =	sshll.u32 s26, $0x1;
	_ =	strace $0x8000004C;
	[dreg:$0x1] =	wrdreg $0xFFFFFFFF  }
0xa7: {  	s28 =	simm.s32 $_size_execute0_lowered;
	s2 =	sadd.s32 s2, s4;
	[dreg:$0x0] =	wrdreg $0x0  }
0xa8: {  	s4 =	sshll.u32 s28, $0x1;
	[dreg:$0x2] =	wrdreg s2  }
0xa9: {  	[dreg:$0x3] =	wrdreg s4  }
0xaa: {  	[dreg:$0x4] =	wrdreg $0xC0  }
0xab: {  	_ =	task [dreg:s6], $0x5FFFF  }
0xac: {  	[dreg:$0x1] =	wrdreg $0xFFFFFFFF  }
0xad: {  	[dreg:$0x0] =	wrdreg $0x60  }
0xae: {  	[dreg:$0x2] =	wrdreg s24  }
0xaf: {  	[dreg:$0x3] =	wrdreg $0x41000  }
0xb0: {  	[dreg:$0x4] =	wrdreg $0x9  }
0xb1: {  	_ =	task.clear_ibuf [dreg:s6], $0x5FFFF;
	_ =	strace $0x9000004C  }
0xb2: {  	s29 =	simm.s32 $0x9;
	_ =	strace $0x8000004E  }
0xb3: {  	_ =	swait.ge [sflag:s29], $0x1  }
0xb4: {  	[sflag:s29] =	ssyncadd.s32 $0xFFFFFFFF  }
0xb5: {  	_ =	strace $0x9000004E  }
0xb6: {  	_ =	sfence  }
0xb7: {  	s30 =	sld [smem:$0x0];
	_ =	sdelay $0x2  }
0xb8: {  	s31 =	sshll.u32 s1, $0xD;
	s1 =	sshrl.u32 s1, $0x2  }
0xb9: {  	s3 =	sand.u32 $0x4000, s31;
	s1 =	sadd.s32 s1, s30  }
0xba: {  	s0 =	sor.u32 s3, s0;
	s1 =	sshll.u32 s1, $0x11  }
0xbb: {  	s0 =	sor.u32 s1, s0  }
0xbc: {  	s0 =	sadd.s32 $0x8F2B, s0  }
0xbd: {  	[sflag:s0] =	ssyncadd.remote.s32 $0x1  }
0xbe: {  	_ =	sfence.sel $0xFFFF  }
0xbf: {  	[dreg:$0x0] =	wrdreg $0xFFFFFFFF;
	(pc) =	sbr.abs _section_cstart, $3  }
0xc0: {  	[dreg:$0x1] =	wrdreg $0xFFFFFFFF  }
0xc1: {  	_ =	task.clear_ibuf [dreg:s6], $0x2FFFF;
	_ =	strace $0x9FFFFFFF  }
0xc2: {  	(tm) =	ssettm $0x7FFFFFFF  }
0xc3: {  	_ =	shalt  }
tec
execute0_lowered:
.L_overlay_start_1:
0x0: {  	(tag) =	ssettag $0x1  }
0x1: {  	s0 =	srdreg.scid  }
0x2: {  	s4 =	rddreg [dreg:$0x0];
	s1 =	stileid.u32  }
0x3: {  	s2 =	rddreg [dreg:$0x1];
	s3 =	simm.s32 $0x0;
	s8 =	smul.u32 $0x13C00, s1  }
0x4: {  	s13 =	simm.s32 $0x80;
	s14 =	simm.s32 $0x100;
	s11 =	smul.u32 $0x4F000, s1  }
0x5: {  	s15 =	simm.s32 $0x1;
	s5 =	sand.u32 $0x1, s0;
	s31 =	smul.u32 $0x500, s1  }
0x6: {  	s16 =	simm.s32 $0x0;
	s0 =	rddreg [dreg:$0x2];
	s6 =	smul.u32 $0x27100, s5  }
0x7: {  	[smem:$0x7FF] =	sst s3;
	s30 =	sshll.u32 s1, $0x6;
	s7 =	smul.u32 $0x5000, s5  }
0x8: {  	s9 =	smul.u32 $0x13C000, s5;
	_ =	strace $0x8000004D;
	s5 =	ssub.s32 $0x2, s5  }
0x9: {  	s26 =	sshrl.u32 s8, $0x3;
	s28 =	sshrl.u32 s5, $0x1;
	s29 =	sshrl.u32 s11, $0x2  }
0xa: {  	s6 =	sadd.s32 s6, s4;
	s10 =	sadd.s32 s7, s4;
	s8 =	sadd.s32 s8, s9  }
0xb: {  	s7 =	sadd.s32 s26, s4;
	s9 =	ssub.s32 s5, s28;
	s12 =	sadd.s32 s29, s2  }
0xc: {  	s5 =	sor.u32 $0x1C02, s30;
	s8 =	sshrl.u32 s8, $0x3;
	s6 =	sadd.s32 $0x91800, s6  }
0xd: {  	s10 =	sadd.s32 s31, s10;
	s11 =	sshrl.u32 s12, $0x3;
	s8 =	sadd.s32 s8, s4  }
0xe: {  	s12 =	simm.s32 $0x2;
	s4 =	sadd.s32 $0xF200, s7;
	s7 =	sadd.s32 $0xDFA00, s8  }
0xf: {  	s8 =	smax.u32 s9, $0x1;
	s9 =	sadd.s32 $0x5200, s10;
	s10 =	sadd.s32 $0x87800, s10  }
.LBB2_1:
0x10: {  	[spmem:s11], [sflag:s5] =	dma.local [hbm:s4], $0x2780  }
0x11: {  	_ =	swait.ge [sflag:s12], $0x2780  }
0x12: {  	[sflag:s12] =	ssyncset.done $0x0  }
0x13: {  	[sflag:s12] =	ssyncadd.s32 $0xFFFFD880  }
0x14: {  	s17 =	sadd.s32 $0x0, s10;
	[bflag:$0x0] =	sbarrier.arrive $0xFFFF  }
0x15: {  	[tilespmem:s3], [sflag:$0x2] =	stream.linear.gather [hbm4b:s17+s3], $0x80, $0x38;
	[tilespmem:$0x17D00] =	vst v63  }
0x16: {  	_ =	swait.ge [sflag:s12], $0x80  }
0x17: {  	[sflag:s12] =	ssyncset.done $0x0  }
0x18: {  	s31 =	sadd.s32 $0x0, s9;
	[sflag:s12] =	ssyncadd.s32 $0xFFFFFF80  }
0x19: {  	[tilespmem:s13], [sflag:$0x2] =	stream.linear.gather [hbm4b:s31+s3], $0x80, $0x38;
	[tilespmem:$0x17D00] =	vst v63  }
0x1a: {  	_ =	swait.ge [sflag:s12], $0x80  }
0x1b: {  	[sflag:s12] =	ssyncset.done $0x0  }
0x1c: {  	[sflag:s12] =	ssyncadd.s32 $0xFFFFFF80  }
0x1d: {  	[tilespmem:s14], [sflag:$0x1] =	stream.indirect.gather [hbm4b:s6+s13], $0x80, s3, s13, $0xb8;
	[tilespmem:$0x17D00] =	vst v63  }
0x1e: {  	_ =	swait.ge [sflag:s15], $0x4000  }
0x1f: {  	[sflag:s15] =	ssyncset.done $0x0  }
0x20: {  	[sflag:s15] =	ssyncadd.s32 $0xFFFFC000  }
0x21: {  	[spmem:s2] =	stream.indirect.scatter.add.f32 [tilespmem:s14], [sflag:$0x2], $0x80, s13, s13, $0xb8;
	[tilespmem:$0x17D00] =	vst v63  }
0x22: {  	_ =	swait.ge [sflag:s12], $0x4000  }
0x23: {  	s18 =	simm.s32 $0x20;
	s17 =	simm.s32 $0x10;
	[sflag:s12] =	ssyncset.done $0x0  }
.LBB2_2:
0x24: {  	s19 =	sadd.s32 s17, s10  }
0x25: {  	[sflag:s12] =	ssyncadd.s32 $0xFFFFC000;
	s20 =	smov.u32 s18;
	s21 =	sadd.s32 $0x10, s18  }
0x26: {  	[tilespmem:s3], [sflag:$0x2] =	stream.linear.gather [hbm4b:s19+s3], $0x80, $0x38;
	[tilespmem:$0x17D00] =	vst v63  }
0x27: {  	p0 =	sne.s32 s18, $0x4F0;
	_ =	swait.ge [sflag:s12], $0x80  }
0x28: {  	[sflag:s12] =	ssyncset.done $0x0  }
0x29: {  	s18 =	sadd.s32 s17, s9;
	s17 =	smov.u32 s20;
	[sflag:s12] =	ssyncadd.s32 $0xFFFFFF80  }
0x2a: {  	[tilespmem:s13], [sflag:$0x2] =	stream.linear.gather [hbm4b:s18+s3], $0x80, $0x38;
	[tilespmem:$0x17D00] =	vst v63  }
0x2b: {  	_ =	swait.ge [sflag:s12], $0x80  }
0x2c: {  	[sflag:s12] =	ssyncset.done $0x0  }
0x2d: {  	[sflag:s12] =	ssyncadd.s32 $0xFFFFFF80  }
0x2e: {  	[tilespmem:s14], [sflag:$0x1] =	stream.indirect.gather [hbm4b:s6+s13], $0x80, s3, s13, $0xb8;
	[tilespmem:$0x17D00] =	vst v63  }
0x2f: {  	_ =	swait.ge [sflag:s15], $0x4000  }
.Ltmp0:
0x30: {  	[sflag:s15] =	ssyncset.done $0x0;
	(pc) =	sbr.rel @p0 .LBB2_2-.Ltmp0, $4  }
0x31: {  	[sflag:s15] =	ssyncadd.s32 $0xFFFFC000  }
0x32: {  	[spmem:s2] =	stream.indirect.scatter.add.f32 [tilespmem:s14], [sflag:$0x2], $0x80, s13, s13, $0xb8;
	[tilespmem:$0x17D00] =	vst v63  }
0x33: {  	_ =	swait.ge [sflag:s12], $0x4000  }
0x34: {  	s18 =	smov.u32 s21;
	[sflag:s12] =	ssyncset.done $0x0  }
0x35: {  	s18 =	sadd.s32 s17, s10;
	[sflag:s12] =	ssyncadd.s32 $0xFFFFC000  }
0x36: {  	[tilespmem:s3], [sflag:$0x2] =	stream.linear.gather [hbm4b:s18+s3], $0x80, $0x38;
	[tilespmem:$0x17D00] =	vst v63  }
0x37: {  	_ =	swait.ge [sflag:s12], $0x80  }
0x38: {  	[sflag:s12] =	ssyncset.done $0x0  }
0x39: {  	s31 =	sadd.s32 s17, s9;
	[sflag:s12] =	ssyncadd.s32 $0xFFFFFF80  }
0x3a: {  	[tilespmem:s13], [sflag:$0x2] =	stream.linear.gather [hbm4b:s31+s3], $0x80, $0x38;
	[tilespmem:$0x17D00] =	vst v63  }
0x3b: {  	_ =	swait.ge [sflag:s12], $0x80  }
0x3c: {  	[sflag:s12] =	ssyncset.done $0x0  }
0x3d: {  	[sflag:s12] =	ssyncadd.s32 $0xFFFFFF80  }
0x3e: {  	[tilespmem:s14], [sflag:$0x1] =	stream.indirect.gather [hbm4b:s6+s13], $0x80, s3, s13, $0xb8;
	[tilespmem:$0x17D00] =	vst v63  }
0x3f: {  	_ =	swait.ge [sflag:s15], $0x4000  }
0x40: {  	[sflag:s15] =	ssyncset.done $0x0  }
0x41: {  	[sflag:s15] =	ssyncadd.s32 $0xFFFFC000  }
0x42: {  	[spmem:s2] =	stream.indirect.scatter.add.f32 [tilespmem:s14], [sflag:$0x2], $0x80, s13, s13, $0xb8;
	[tilespmem:$0x17D00] =	vst v63  }
0x43: {  	_ =	swait.ge [sflag:s12], $0x4000  }
0x44: {  	s16 =	sadd.s32 $0x1, s16;
	[sflag:s12] =	ssyncset.done $0x0  }
0x45: {  	p0 =	sne.s32 s16, s8;
	[sflag:s12] =	ssyncadd.s32 $0xFFFFC000  }
.Ltmp1:
0x46: {  	[bflag:$0x0] =	sbarrier.arrive $0xFFFF;
	(pc) =	sbr.rel @p0 .LBB2_1-.Ltmp1, $4  }
0x47: {  	[hbm:s7], [sflag:s5] =	dma.local [spmem:s11], $0x2780  }
0x48: {  	_ =	swait.ge [sflag:s12], $0x2780  }
0x49: {  	[sflag:s12] =	ssyncset.done $0x0  }
0x4a: {  	[sflag:s12] =	ssyncadd.s32 $0xFFFFD880  }
0x4b: {  	_ =	sfence.sel $0x180000  }
0x4c: {  	[bflag:$0x0] =	sbarrier.arrive $0xFFFF  }
0x4d: {  	p0 =	sne.s32 s1, $0x0;
	_ =	strace $0x9000004D  }
0x4e: {  	s0 =	sadd.s32 @!p0 $0x100000, s0;
	[bflag:$0x2] =	sbarrier.arrive $0xFFFF  }
0x4f: {  	[sflag:s0] =	ssyncadd.tile.s32 @!p0 $0x1;
	_ =	shalt  }
.Lfunc_end2:
_tile_overlayer_lowered:
.L_overlay_start_2:
0x50: {  	(tag) =	ssettag $0x2  }
0x51: {  	s0 =	rddreg [dreg:$0x0];
	s2 =	stileid.u32  }
0x52: {  	s1 =	rddreg [dreg:$0x1];
	p0 =	sne.s32 s2, $0x0  }
0x53: {  	s3 =	rddreg [dreg:$0x2];
	[bflag:$0x3] =	sbarrier.arrive $0xFFFF;
	s2 =	simm.s32 @!p0 $0x1C02  }
0x54: {  	[timem:s3], [sflag:s2] =	dma.local @!p0 [hbm:s0], s1  }
0x55: {  	s0 =	simm.s32 @!p0 $0x2  }
0x56: {  	_ =	swait.ge @!p0 [sflag:s0], s1  }
0x57: {  	s1 =	ssub.s32 @!p0 $0x0, s1;
	[sflag:s0] =	ssyncset.done @!p0 $0x0  }
0x58: {  	[sflag:s0] =	ssyncadd.s32 @!p0 s1  }
0x59: {  	[bflag:$0x3] =	sbarrier.arrive $0xFFFF  }
0x5a: {  	_ =	shalt  }

// kernel: kernel.21.cloned.1.call-start
scs
__scs_entry_jumppad:
0x0: {  	(pc) =	sbr.rel $0x88, $3  }
0x1: {  	(tag) =	ssettag $0x0;
	lr =	simm.s32 $0x1  }
0x2: {  	[smem:$0x3F88] =	sst lr;
	_ =	strace $0xD0000000  }
0x3: {  	_ = 	snop  }
0x4: {  	_ = 	snop  }
0x5: {  	_ = 	snop  }
0x6: {  	_ = 	snop  }
0x7: {  	_ = 	snop  }
__scs_overlays_trampoline_lowered:
0x8: {  	[smem:$0x3F97] =	sst s0  }
0x9: {  	[smem:$0x3F98] =	sst s1  }
0xa: {  	[smem:$0x3F99] =	sst s2  }
0xb: {  	[smem:$0x3F9A] =	sst s3  }
0xc: {  	[smem:$0x3F9B] =	sst s4  }
0xd: {  	[smem:$0x3F9C] =	sst s5  }
0xe: {  	[smem:$0x3F9D] =	sst s6  }
0xf: {  	[smem:$0x3F9E] =	sst s7  }
0x10: {  	[smem:$0x3F9F] =	sst s8  }
0x11: {  	[smem:$0x3FA0] =	sst s9;
	s0 =	simm.s32 @!p0 $0x0  }
0x12: {  	s1 =	sld [smem:$0x3F86];
	s0 =	simm.s32 @p0 $0x1  }
0x13: {  	[smem:$0x3FA1] =	sst s0;
	s0 =	simm.s32 @!p1 $0x0  }
0x14: {  	s2 =	sld [smem:$0x3F85];
	s0 =	simm.s32 @p1 $0x1  }
0x15: {  	[smem:$0x3FA2] =	sst s0;
	s0 =	simm.s32 @!p2 $0x0  }
0x16: {  	s3 =	sld [smem:$0x3FDB];
	s0 =	simm.s32 @p2 $0x1  }
0x17: {  	s4 =	simm.s32 $0x1BF5;
	[smem:$0x3FA4] =	sst s0  }
0x18: {  	s0 =	sld [smem:$0x3F87];
	_ =	swait.ge [sflag:s4], $0x0  }
0x19: {  	s7 =	sld [smem:$0x3F88]  }
0x1a: {  	s8 =	sadd.s32 $0xFFFFE003, lr  }
0x1b: {  	s9 =	sadd.s32 $0xFFFFFEF7, lr;
	s5 =	simm.s32 $0xFFFFFFFF;
	p2 =	slt.u32 s8, $0xFFFFF086  }
0x1c: {  	p1 =	slt.u32 s9, $0xF7A;
	s5 =	simm.s32 @!p2 $0x0  }
0x1d: {  	s5 =	simm.s32 @p1 $0x1;
	p0 =	seq.s32 s7, s2  }
0x1e: {  	s7 =	smul.u32 @!p0 $0xF7A, s2;
	p2 =	seq.s32 @!p0 s5, $0x0  }
0x1f: {  	s9 =	smul.u32 $0xF7A, s1;
	s8 =	simm.s32 @!p0 $0x1BF5;
	p2 =	por !p2, p0  }
0x20: {  	[sflag:s8] =	ssyncset.s32 @!p0 $0xFFFFF086;
	s6 =	sadd.s32 @!p0 s3, s7;
	s7 =	simm.s32 @!p0 $0x108  }
0x21: {  	s3 =	sadd.s32 s3, s9;
	s6 =	sadd.s32 @!p0 $0x88, s6;
	s7 =	simm.s32 @p2 $0x1082  }
0x22: {  	[simem:s7], [sflag:s8] =	dma.local @!p0 [hbm:s6], $0xF7A  }
0x23: {  	s9 =	sor.u32 $0xD0000000, s2;
	s6 =	simm.s32 $0x108;
	_ =	swait.ge @!p0 [sflag:s8], $0x0  }
0x24: {  	s3 =	sadd.s32 $0x88, s3;
	s6 =	simm.s32 @!p1 $0x1082;
	[sflag:s4] =	ssyncset.s32 $0xFFFFF086  }
0x25: {  	[simem:s6], [sflag:s4] =	dma.local [hbm:s3], $0xF7A  }
0x26: {  	[smem:$0x3F88] =	sst s1;
	(tag) =	ssettag s2;
	_ =	strace s9  }
0x27: {  	s1 =	sld [smem:$0x3F98]  }
0x28: {  	s2 =	sld [smem:$0x3F99]  }
0x29: {  	s4 =	sld [smem:$0x3F9B]  }
0x2a: {  	p0 =	seq.s32 s5, $0x0;
	s5 =	sld [smem:$0x3F9C]  }
0x2b: {  	s6 =	sld [smem:$0x3F9D]  }
0x2c: {  	s7 =	sld [smem:$0x3F9E]  }
0x2d: {  	s3 =	simm.s32 $0x108;
	s8 =	sld [smem:$0x3F9F]  }
0x2e: {  	s3 =	simm.s32 @!p0 $0x1082;
	s9 =	sld [smem:$0x3FA0]  }
0x2f: {  	lr =	sadd.s32 s0, s3;
	s0 =	sld [smem:$0x3F97]  }
0x30: {  	s3 =	sld [smem:$0x3F9A]  }
0x31: {  	[smem:$0x3FA3] =	sst s10  }
0x32: {  	s10 =	sld [smem:$0x3FA1];
	_ =	sdelay $0x3  }
0x33: {  	p0 =	seq.s32 s10, $0x1;
	s10 =	sld [smem:$0x3FA3];
	_ =	sdelay $0x3  }
0x34: {  	[smem:$0x3FA3] =	sst s10  }
0x35: {  	s10 =	sld [smem:$0x3FA2];
	_ =	sdelay $0x3  }
0x36: {  	p1 =	seq.s32 s10, $0x1;
	s10 =	sld [smem:$0x3FA3];
	_ =	sdelay $0x3  }
0x37: {  	[smem:$0x3FA3] =	sst s10  }
0x38: {  	s10 =	sld [smem:$0x3FA4]  }
0x39: {  	_ = 	snop;
	(pc) =	sbr.ind lr, $3  }
0x3a: {  	_ = 	snop  }
0x3b: {  	_ = 	snop  }
0x3c: {  	p2 =	seq.s32 s10, $0x1;
	s10 =	sld [smem:$0x3FA3]  }
0x3d: {  	_ =	shalt  }
0x3e: {  	_ =	shalt  }
0x3f: {  	_ =	shalt  }
0x40: {  	_ =	shalt  }
0x41: {  	_ =	shalt  }
0x42: {  	_ =	shalt  }
0x43: {  	_ =	shalt  }
0x44: {  	_ =	shalt  }
0x45: {  	_ =	shalt  }
0x46: {  	_ =	shalt  }
0x47: {  	_ =	shalt  }
0x48: {  	_ =	shalt  }
0x49: {  	_ =	shalt  }
0x4a: {  	_ =	shalt  }
0x4b: {  	_ =	shalt  }
0x4c: {  	_ =	shalt  }
0x4d: {  	_ =	shalt  }
0x4e: {  	_ =	shalt  }
0x4f: {  	_ =	shalt  }
0x50: {  	_ =	shalt  }
0x51: {  	_ =	shalt  }
0x52: {  	_ =	shalt  }
0x53: {  	_ =	shalt  }
0x54: {  	_ =	shalt  }
0x55: {  	_ =	shalt  }
0x56: {  	_ =	shalt  }
0x57: {  	_ =	shalt  }
0x58: {  	_ =	shalt  }
0x59: {  	_ =	shalt  }
0x5a: {  	_ =	shalt  }
0x5b: {  	_ =	shalt  }
0x5c: {  	_ =	shalt  }
0x5d: {  	_ =	shalt  }
0x5e: {  	_ =	shalt  }
0x5f: {  	_ =	shalt  }
0x60: {  	_ =	shalt  }
0x61: {  	_ =	shalt  }
0x62: {  	_ =	shalt  }
0x63: {  	_ =	shalt  }
0x64: {  	_ =	shalt  }
0x65: {  	_ =	shalt  }
0x66: {  	_ =	shalt  }
0x67: {  	_ =	shalt  }
0x68: {  	_ =	shalt  }
0x69: {  	_ =	shalt  }
0x6a: {  	_ =	shalt  }
0x6b: {  	_ =	shalt  }
0x6c: {  	_ =	shalt  }
0x6d: {  	_ =	shalt  }
0x6e: {  	_ =	shalt  }
0x6f: {  	_ =	shalt  }
0x70: {  	_ =	shalt  }
0x71: {  	_ =	shalt  }
0x72: {  	_ =	shalt  }
0x73: {  	_ =	shalt  }
0x74: {  	_ =	shalt  }
0x75: {  	_ =	shalt  }
0x76: {  	_ =	shalt  }
0x77: {  	_ =	shalt  }
0x78: {  	_ =	shalt  }
0x79: {  	_ =	shalt  }
0x7a: {  	_ =	shalt  }
0x7b: {  	_ =	shalt  }
0x7c: {  	_ =	shalt  }
0x7d: {  	_ =	shalt  }
0x7e: {  	_ =	shalt  }
0x7f: {  	_ =	shalt  }
0x80: {  	_ =	shalt  }
0x81: {  	_ =	shalt  }
0x82: {  	_ =	shalt  }
0x83: {  	_ =	shalt  }
0x84: {  	_ =	shalt  }
0x85: {  	_ =	shalt  }
0x86: {  	_ =	shalt  }
0x87: {  	_ =	shalt  }
.Lfunc_end0:
.L_simem_size_0:
called_computation.3_lowered:
.L_overlay_start_0:
0x88: {  	s2 =	sld [smem:$0x3FD9]  }
0x89: {  	s3 =	sld [smem:$0x3FFE];
	_ =	sdelay $0x1  }
0x8a: {  	s1 =	srdreg.scid  }
0x8b: {  	s0 =	sand.u32 $0x1, s1  }
0x8c: {  	s16 =	sshll.u32 s0, $0xA;
	s2 =	sadd.s32 s3, s2  }
0x8d: {  	s2 =	sadd.s32 s2, s16  }
0x8e: {  	[smem:$0x3FAF] =	sst s2  }
0x8f: {  	_ = 	snop  }
0x90: {  	(tm) =	ssettm $0x1  }
0x91: {  	s17 =	sld [smem:$0x3FFB];
	_ =	sdelay $0x3  }
0x92: {  	_ =	strace s17  }
0x93: {  	s2 =	sld [smem:$0x3FFC];
	_ =	sdelay $0x3  }
0x94: {  	_ =	strace s2  }
0x95: {  	s2 =	sld [smem:$0x3FFD];
	_ =	sdelay $0x3  }
0x96: {  	_ =	strace s2  }
0x97: {  	_ =	strace $0x8FFFFFFF  }
0x98: {  	s18 =	sld [smem:$0x3FDB];
	_ =	sdelay $0x1  }
0x99: {  	s19 =	simm.s32 $_scs_section_size  }
0x9a: {  	s4 =	simm.s32 $_size__tile_overlayer_lowered;
	s5 =	simm.s32 $_tile_overlayer_lowered  }
0x9b: {  	s22 =	simm.s32 $0x1BFF;
	s21 =	sshll.u32 s5, $0x1;
	s2 =	sadd.s32 s19, s18  }
0x9c: {  	s6 =	simm.s32 $0x0;
	s20 =	sshll.u32 s4, $0x1;
	s4 =	sadd.s32 s21, s2  }
0x9d: {  	[timem:s6], [sflag:s22] =	dma.local [hbm:s4], s20  }
0x9e: {  	_ =	swait.ge [sflag:s22], s20  }
0x9f: {  	s3 =	ssub.s32 $0x0, s20;
	[sflag:s22] =	ssyncset.done $0x0  }
0xa0: {  	[sflag:s22] =	ssyncadd.s32 s3;
	_ =	sdelay $0x1  }
0xa1: {  	s23 =	simm.s32 $0x1B8B  }
0xa2: {  	_ =	swait.ge [sflag:s23], $0x1  }
0xa3: {  	[sflag:s23] =	ssyncset.done $0x0  }
0xa4: {  	s25 =	simm.s32 $0x1B8E;
	s24 =	sld [smem:$0x3FFE];
	[sflag:s23] =	ssyncadd.s32 $0xFFFFFFFF  }
0xa5: {  	s26 =	simm.s32 $execute0_lowered;
	[smem:$0x3FD2] =	sst s25  }
0xa6: {  	s4 =	sshll.u32 s26, $0x1;
	_ =	strace $0x8000004F;
	[dreg:$0x1] =	wrdreg $0xFFFFFFFF  }
0xa7: {  	s28 =	simm.s32 $_size_execute0_lowered;
	s2 =	sadd.s32 s2, s4;
	[dreg:$0x0] =	wrdreg $0x0  }
0xa8: {  	s4 =	sshll.u32 s28, $0x1;
	[dreg:$0x2] =	wrdreg s2  }
0xa9: {  	[dreg:$0x3] =	wrdreg s4  }
0xaa: {  	[dreg:$0x4] =	wrdreg $0xC0  }
0xab: {  	_ =	task [dreg:s6], $0x5FFFF  }
0xac: {  	[dreg:$0x1] =	wrdreg $0xFFFFFFFF  }
0xad: {  	[dreg:$0x0] =	wrdreg $0x60  }
0xae: {  	[dreg:$0x2] =	wrdreg s24  }
0xaf: {  	[dreg:$0x3] =	wrdreg $0x41000  }
0xb0: {  	[dreg:$0x4] =	wrdreg $0x9  }
0xb1: {  	_ =	task.clear_ibuf [dreg:s6], $0x5FFFF;
	_ =	strace $0x9000004F  }
0xb2: {  	s29 =	simm.s32 $0x9;
	_ =	strace $0x80000051  }
0xb3: {  	_ =	swait.ge [sflag:s29], $0x1  }
0xb4: {  	[sflag:s29] =	ssyncadd.s32 $0xFFFFFFFF  }
0xb5: {  	_ =	strace $0x90000051  }
0xb6: {  	_ =	sfence  }
0xb7: {  	s30 =	sld [smem:$0x0];
	_ =	sdelay $0x2  }
0xb8: {  	s31 =	sshll.u32 s1, $0xD;
	s1 =	sshrl.u32 s1, $0x2  }
0xb9: {  	s3 =	sand.u32 $0x4000, s31;
	s1 =	sadd.s32 s1, s30  }
0xba: {  	s0 =	sor.u32 s3, s0;
	s1 =	sshll.u32 s1, $0x11  }
0xbb: {  	s0 =	sor.u32 s1, s0  }
0xbc: {  	s0 =	sadd.s32 $0x8F2B, s0  }
0xbd: {  	[sflag:s0] =	ssyncadd.remote.s32 $0x1  }
0xbe: {  	_ =	sfence.sel $0xFFFF  }
0xbf: {  	[dreg:$0x0] =	wrdreg $0xFFFFFFFF;
	(pc) =	sbr.abs _section_cstart, $3  }
0xc0: {  	[dreg:$0x1] =	wrdreg $0xFFFFFFFF  }
0xc1: {  	_ =	task.clear_ibuf [dreg:s6], $0x2FFFF;
	_ =	strace $0x9FFFFFFF  }
0xc2: {  	(tm) =	ssettm $0x7FFFFFFF  }
0xc3: {  	_ =	shalt  }
tec
execute0_lowered:
.L_overlay_start_1:
0x0: {  	(tag) =	ssettag $0x1  }
0x1: {  	s0 =	srdreg.scid  }
0x2: {  	s4 =	rddreg [dreg:$0x0];
	s1 =	stileid.u32  }
0x3: {  	s2 =	rddreg [dreg:$0x1];
	s3 =	simm.s32 $0x0;
	s8 =	smul.u32 $0x13C00, s1  }
0x4: {  	s13 =	simm.s32 $0x80;
	s14 =	simm.s32 $0x100;
	s11 =	smul.u32 $0x4F000, s1  }
0x5: {  	s15 =	simm.s32 $0x1;
	s5 =	sand.u32 $0x1, s0;
	s31 =	smul.u32 $0x500, s1  }
0x6: {  	s16 =	simm.s32 $0x0;
	s0 =	rddreg [dreg:$0x2];
	s6 =	smul.u32 $0x27100, s5  }
0x7: {  	[smem:$0x7FF] =	sst s3;
	s30 =	sshll.u32 s1, $0x6;
	s7 =	smul.u32 $0x5000, s5  }
0x8: {  	s9 =	smul.u32 $0x13C000, s5;
	_ =	strace $0x80000050;
	s5 =	ssub.s32 $0x2, s5  }
0x9: {  	s26 =	sshrl.u32 s8, $0x3;
	s28 =	sshrl.u32 s5, $0x1;
	s29 =	sshrl.u32 s11, $0x2  }
0xa: {  	s6 =	sadd.s32 s6, s4;
	s10 =	sadd.s32 s7, s4;
	s8 =	sadd.s32 s8, s9  }
0xb: {  	s7 =	sadd.s32 s26, s4;
	s9 =	ssub.s32 s5, s28;
	s12 =	sadd.s32 s29, s2  }
0xc: {  	s5 =	sor.u32 $0x1C02, s30;
	s8 =	sshrl.u32 s8, $0x3;
	s6 =	sadd.s32 $0x91800, s6  }
0xd: {  	s10 =	sadd.s32 s31, s10;
	s11 =	sshrl.u32 s12, $0x3;
	s8 =	sadd.s32 s8, s4  }
0xe: {  	s12 =	simm.s32 $0x2;
	s4 =	sadd.s32 $0xF200, s7;
	s7 =	sadd.s32 $0xDFA00, s8  }
0xf: {  	s8 =	smax.u32 s9, $0x1;
	s9 =	sadd.s32 $0x5200, s10;
	s10 =	sadd.s32 $0x87800, s10  }
.LBB2_1:
0x10: {  	[spmem:s11], [sflag:s5] =	dma.local [hbm:s4], $0x2780  }
0x11: {  	_ =	swait.ge [sflag:s12], $0x2780  }
0x12: {  	[sflag:s12] =	ssyncset.done $0x0  }
0x13: {  	[sflag:s12] =	ssyncadd.s32 $0xFFFFD880  }
0x14: {  	s17 =	sadd.s32 $0x0, s10;
	[bflag:$0x0] =	sbarrier.arrive $0xFFFF  }
0x15: {  	[tilespmem:s3], [sflag:$0x2] =	stream.linear.gather [hbm4b:s17+s3], $0x80, $0x38;
	[tilespmem:$0x17D00] =	vst v63  }
0x16: {  	_ =	swait.ge [sflag:s12], $0x80  }
0x17: {  	[sflag:s12] =	ssyncset.done $0x0  }
0x18: {  	s31 =	sadd.s32 $0x0, s9;
	[sflag:s12] =	ssyncadd.s32 $0xFFFFFF80  }
0x19: {  	[tilespmem:s13], [sflag:$0x2] =	stream.linear.gather [hbm4b:s31+s3], $0x80, $0x38;
	[tilespmem:$0x17D00] =	vst v63  }
0x1a: {  	_ =	swait.ge [sflag:s12], $0x80  }
0x1b: {  	[sflag:s12] =	ssyncset.done $0x0  }
0x1c: {  	[sflag:s12] =	ssyncadd.s32 $0xFFFFFF80  }
0x1d: {  	[tilespmem:s14], [sflag:$0x1] =	stream.indirect.gather [hbm4b:s6+s13], $0x80, s3, s13, $0xb8;
	[tilespmem:$0x17D00] =	vst v63  }
0x1e: {  	_ =	swait.ge [sflag:s15], $0x4000  }
0x1f: {  	[sflag:s15] =	ssyncset.done $0x0  }
0x20: {  	[sflag:s15] =	ssyncadd.s32 $0xFFFFC000  }
0x21: {  	[spmem:s2] =	stream.indirect.scatter.add.f32 [tilespmem:s14], [sflag:$0x2], $0x80, s13, s13, $0xb8;
	[tilespmem:$0x17D00] =	vst v63  }
0x22: {  	_ =	swait.ge [sflag:s12], $0x4000  }
0x23: {  	s18 =	simm.s32 $0x20;
	s17 =	simm.s32 $0x10;
	[sflag:s12] =	ssyncset.done $0x0  }
.LBB2_2:
0x24: {  	s19 =	sadd.s32 s17, s10  }
0x25: {  	[sflag:s12] =	ssyncadd.s32 $0xFFFFC000;
	s20 =	smov.u32 s18;
	s21 =	sadd.s32 $0x10, s18  }
0x26: {  	[tilespmem:s3], [sflag:$0x2] =	stream.linear.gather [hbm4b:s19+s3], $0x80, $0x38;
	[tilespmem:$0x17D00] =	vst v63  }
0x27: {  	p0 =	sne.s32 s18, $0x4F0;
	_ =	swait.ge [sflag:s12], $0x80  }
0x28: {  	[sflag:s12] =	ssyncset.done $0x0  }
0x29: {  	s18 =	sadd.s32 s17, s9;
	s17 =	smov.u32 s20;
	[sflag:s12] =	ssyncadd.s32 $0xFFFFFF80  }
0x2a: {  	[tilespmem:s13], [sflag:$0x2] =	stream.linear.gather [hbm4b:s18+s3], $0x80, $0x38;
	[tilespmem:$0x17D00] =	vst v63  }
0x2b: {  	_ =	swait.ge [sflag:s12], $0x80  }
0x2c: {  	[sflag:s12] =	ssyncset.done $0x0  }
0x2d: {  	[sflag:s12] =	ssyncadd.s32 $0xFFFFFF80  }
0x2e: {  	[tilespmem:s14], [sflag:$0x1] =	stream.indirect.gather [hbm4b:s6+s13], $0x80, s3, s13, $0xb8;
	[tilespmem:$0x17D00] =	vst v63  }
0x2f: {  	_ =	swait.ge [sflag:s15], $0x4000  }
.Ltmp0:
0x30: {  	[sflag:s15] =	ssyncset.done $0x0;
	(pc) =	sbr.rel @p0 .LBB2_2-.Ltmp0, $4  }
0x31: {  	[sflag:s15] =	ssyncadd.s32 $0xFFFFC000  }
0x32: {  	[spmem:s2] =	stream.indirect.scatter.add.f32 [tilespmem:s14], [sflag:$0x2], $0x80, s13, s13, $0xb8;
	[tilespmem:$0x17D00] =	vst v63  }
0x33: {  	_ =	swait.ge [sflag:s12], $0x4000  }
0x34: {  	s18 =	smov.u32 s21;
	[sflag:s12] =	ssyncset.done $0x0  }
0x35: {  	s18 =	sadd.s32 s17, s10;
	[sflag:s12] =	ssyncadd.s32 $0xFFFFC000  }
0x36: {  	[tilespmem:s3], [sflag:$0x2] =	stream.linear.gather [hbm4b:s18+s3], $0x80, $0x38;
	[tilespmem:$0x17D00] =	vst v63  }
0x37: {  	_ =	swait.ge [sflag:s12], $0x80  }
0x38: {  	[sflag:s12] =	ssyncset.done $0x0  }
0x39: {  	s31 =	sadd.s32 s17, s9;
	[sflag:s12] =	ssyncadd.s32 $0xFFFFFF80  }
0x3a: {  	[tilespmem:s13], [sflag:$0x2] =	stream.linear.gather [hbm4b:s31+s3], $0x80, $0x38;
	[tilespmem:$0x17D00] =	vst v63  }
0x3b: {  	_ =	swait.ge [sflag:s12], $0x80  }
0x3c: {  	[sflag:s12] =	ssyncset.done $0x0  }
0x3d: {  	[sflag:s12] =	ssyncadd.s32 $0xFFFFFF80  }
0x3e: {  	[tilespmem:s14], [sflag:$0x1] =	stream.indirect.gather [hbm4b:s6+s13], $0x80, s3, s13, $0xb8;
	[tilespmem:$0x17D00] =	vst v63  }
0x3f: {  	_ =	swait.ge [sflag:s15], $0x4000  }
0x40: {  	[sflag:s15] =	ssyncset.done $0x0  }
0x41: {  	[sflag:s15] =	ssyncadd.s32 $0xFFFFC000  }
0x42: {  	[spmem:s2] =	stream.indirect.scatter.add.f32 [tilespmem:s14], [sflag:$0x2], $0x80, s13, s13, $0xb8;
	[tilespmem:$0x17D00] =	vst v63  }
0x43: {  	_ =	swait.ge [sflag:s12], $0x4000  }
0x44: {  	s16 =	sadd.s32 $0x1, s16;
	[sflag:s12] =	ssyncset.done $0x0  }
0x45: {  	p0 =	sne.s32 s16, s8;
	[sflag:s12] =	ssyncadd.s32 $0xFFFFC000  }
.Ltmp1:
0x46: {  	[bflag:$0x0] =	sbarrier.arrive $0xFFFF;
	(pc) =	sbr.rel @p0 .LBB2_1-.Ltmp1, $4  }
0x47: {  	[hbm:s7], [sflag:s5] =	dma.local [spmem:s11], $0x2780  }
0x48: {  	_ =	swait.ge [sflag:s12], $0x2780  }
0x49: {  	[sflag:s12] =	ssyncset.done $0x0  }
0x4a: {  	[sflag:s12] =	ssyncadd.s32 $0xFFFFD880  }
0x4b: {  	_ =	sfence.sel $0x180000  }
0x4c: {  	[bflag:$0x0] =	sbarrier.arrive $0xFFFF  }
0x4d: {  	p0 =	sne.s32 s1, $0x0;
	_ =	strace $0x90000050  }
0x4e: {  	s0 =	sadd.s32 @!p0 $0x100000, s0;
	[bflag:$0x2] =	sbarrier.arrive $0xFFFF  }
0x4f: {  	[sflag:s0] =	ssyncadd.tile.s32 @!p0 $0x1;
	_ =	shalt  }
.Lfunc_end2:
_tile_overlayer_lowered:
.L_overlay_start_2:
0x50: {  	(tag) =	ssettag $0x2  }
0x51: {  	s0 =	rddreg [dreg:$0x0];
	s2 =	stileid.u32  }
0x52: {  	s1 =	rddreg [dreg:$0x1];
	p0 =	sne.s32 s2, $0x0  }
0x53: {  	s3 =	rddreg [dreg:$0x2];
	[bflag:$0x3] =	sbarrier.arrive $0xFFFF;
	s2 =	simm.s32 @!p0 $0x1C02  }
0x54: {  	[timem:s3], [sflag:s2] =	dma.local @!p0 [hbm:s0], s1  }
0x55: {  	s0 =	simm.s32 @!p0 $0x2  }
0x56: {  	_ =	swait.ge @!p0 [sflag:s0], s1  }
0x57: {  	s1 =	ssub.s32 @!p0 $0x0, s1;
	[sflag:s0] =	ssyncset.done @!p0 $0x0  }
0x58: {  	[sflag:s0] =	ssyncadd.s32 @!p0 s1  }
0x59: {  	[bflag:$0x3] =	sbarrier.arrive $0xFFFF  }
0x5a: {  	_ =	shalt  }

</sc_bundles>
